<compile_context>
chip_gen: v7x
topology: tpu7x:2x2x1
jax: 0.10.2.dev20260603
libtpu: 0.0.44.dev20260713+nightly
codegen_flags: <defaults>
</compile_context>

<pallas_src>
import functools

import jax
import jax.numpy as jnp
from jax import lax
from jax.experimental import pallas as pl
from jax.experimental.pallas import tpu as pltpu
from jax.experimental.pallas import tpu_sc as plsc

N_NODES = 10000
N_EDGES = 320000
D = 128

NC = 2
NS = 16
NW = NC * NS
GROUP = 80
NG = N_EDGES // GROUP
TRIPS = NG // NW
PAIRS = (TRIPS - 1) // 2
NPAD = 10240
NPT = NPAD // NS


def _sc_body(eC, dC, eD, dD, eM, dM,
             sC, hC, sD, hD, sM, hM,
             acc, eb0, eb1, eb2, ib0, ib1, ib2, hist,
             semE0, semE1, semE2, semI0, semI1, semI2,
             semS0, semS1, semS2):
    c = lax.axis_index("c")
    s = lax.axis_index("s")
    wid = s * NC + c
    row0 = s * NPT

    for (E, Dst, S_out, H_out) in ((eC, dC, sC, hC),
                                   (eD, dD, sD, hD),
                                   (eM, dM, sM, hM)):
        def _zero_row(i, carry):
            for j in range(D // 16):
                eb2[i, pl.ds(j * 16, 16)] = jnp.zeros((16,), jnp.float32)
                hist[i, pl.ds(j * 16, 16)] = jnp.zeros((16,), jnp.float32)
            return carry
        lax.fori_loop(0, GROUP, _zero_row, 0)
        for z in range(NPT // GROUP):
            sem = semS0 if z % 2 == 0 else semS1
            pltpu.async_copy(eb2, acc.at[pl.ds(row0 + z * GROUP, GROUP)],
                             sem)
        for z in range(NPT // GROUP):
            sem = semS0 if z % 2 == 0 else semS1
            pltpu.make_async_copy(
                eb2, acc.at[pl.ds(row0 + z * GROUP, GROUP)], sem).wait()
        plsc.subcore_barrier()

        slots = ((eb0, ib0, semE0, semI0, semS0),
                 (eb1, ib1, semE1, semI1, semS1),
                 (eb2, ib2, semE2, semI2, semS2))

        def _g_start(t, sl):
            g = wid + NW * t
            pltpu.async_copy(E.at[pl.ds(g * GROUP, GROUP)], sl[0], sl[2])
            pltpu.async_copy(Dst.at[pl.ds(g * GROUP, GROUP)], sl[1], sl[3])

        def _g_wait(t, sl):
            g = wid + NW * t
            pltpu.make_async_copy(E.at[pl.ds(g * GROUP, GROUP)], sl[0],
                                  sl[2]).wait()
            pltpu.make_async_copy(Dst.at[pl.ds(g * GROUP, GROUP)], sl[1],
                                  sl[3]).wait()

        def _s_start(sl):
            pltpu.async_copy(sl[0], acc.at[sl[1]], sl[4], add=True)

        def _s_wait(sl):
            pltpu.make_async_copy(sl[0], acc.at[sl[1]], sl[4]).wait()

        def _hist(sl):
            for j in range(GROUP // 16):
                idx = sl[1][pl.ds(j * 16, 16)]
                plsc.addupdate_scatter(
                    hist,
                    [jax.lax.shift_right_logical(idx, 7),
                     jax.lax.bitwise_and(idx, 127)],
                    jnp.ones((16,), jnp.float32))

        _g_start(0, slots[0])
        _g_start(1, slots[1])
        _g_wait(0, slots[0])
        _s_start(slots[0])
        _hist(slots[0])
        _g_start(2, slots[2])
        _g_wait(1, slots[1])
        _s_start(slots[1])
        _hist(slots[1])
        _s_wait(slots[0])
        _g_start(3, slots[0])
        _g_wait(2, slots[2])
        _s_start(slots[2])
        _hist(slots[2])
        _s_wait(slots[1])
        _g_start(4, slots[1])

        def _trip(p, carry):
            for k in range(3):
                t = 3 * p + k
                sl = slots[k]
                nxt = slots[(k + 2) % 3]
                _g_wait(t, sl)
                _s_start(sl)
                _hist(sl)
                _s_wait(nxt)
                _g_start(t + 2, nxt)
            return carry
        lax.fori_loop(1, (TRIPS - 2) // 3, _trip, 0)
        t = TRIPS - 2
        sl = slots[t % 3]
        nxt = slots[(t + 2) % 3]
        _g_wait(t, sl)
        _s_start(sl)
        _hist(sl)
        _s_wait(nxt)
        t = TRIPS - 1
        sl = slots[t % 3]
        nxt = slots[(t + 2) % 3]
        _g_wait(t, sl)
        _s_start(sl)
        _hist(sl)
        _s_wait(nxt)
        _s_wait(slots[(TRIPS - 1) % 3])
        plsc.subcore_barrier()

        nz = NPT // GROUP
        for z in range(nz):
            r0 = row0 + z * GROUP
            ebuf, semE = (eb0, semE0) if z % 2 == 0 else (eb1, semE1)
            if z >= 2:
                rp = row0 + (z - 2) * GROUP
                pltpu.make_async_copy(
                    ebuf, S_out.at[c, pl.ds(rp, GROUP)], semE).wait()
            pltpu.sync_copy(acc.at[pl.ds(r0, GROUP)], ebuf)
            pltpu.async_copy(ebuf, S_out.at[c, pl.ds(r0, GROUP)], semE)
        for z in (nz - 2, nz - 1):
            r0 = row0 + z * GROUP
            ebuf, semE = (eb0, semE0) if z % 2 == 0 else (eb1, semE1)
            pltpu.make_async_copy(
                ebuf, S_out.at[c, pl.ds(r0, GROUP)], semE).wait()
        pltpu.sync_copy(hist, H_out.at[wid])


@jax.jit
def _sc_segment_sums(eC, dC, eD, dD, eM, dM):
    out_type = [
        jax.ShapeDtypeStruct((NC, NPAD, D), jnp.float32),
        jax.ShapeDtypeStruct((NW, GROUP, D), jnp.float32),
    ] * 3
    scratch = [
        pltpu.VMEM_SHARED((NPAD, D), jnp.float32),
        pltpu.VMEM((GROUP, D), jnp.float32),
        pltpu.VMEM((GROUP, D), jnp.float32),
        pltpu.VMEM((GROUP, D), jnp.float32),
        pltpu.VMEM((GROUP,), jnp.int32),
        pltpu.VMEM((GROUP,), jnp.int32),
        pltpu.VMEM((GROUP,), jnp.int32),
        pltpu.VMEM((GROUP, D), jnp.float32),
    ] + [pltpu.SemaphoreType.DMA] * 9
    mesh = plsc.VectorSubcoreMesh(core_axis_name="c", subcore_axis_name="s")
    f = pl.kernel(_sc_body, out_type=out_type, mesh=mesh,
                  scratch_types=scratch,
                  compiler_params=pltpu.CompilerParams(
                      needs_layout_passes=False))
    return f(eC, dC, eD, dD, eM, dM)


def _tc_body(sC, kC, sD, kD, sM, kM, w1, w2, w3, out):
    w1v = w1[...]
    w2v = w2[...]
    w3v = w3[...]

    def seg_mean(sref, kref):
        ssum = sref[0] + sref[1]
        return ssum / jnp.maximum(kref[...], 1.0)

    yC = seg_mean(sC, kC)
    yD = seg_mean(sD, kD)
    yM = seg_mean(sM, kM)

    def att(y):
        return jnp.dot(jnp.tanh(jnp.dot(y, w1v, preferred_element_type=jnp.float32)),
                       w2v, preferred_element_type=jnp.float32)

    eC = att(yC)
    eD = att(yD)
    eM = att(yM)
    m = jnp.maximum(jnp.maximum(eC, eD), eM)
    xC = jnp.exp(eC - m)
    xD = jnp.exp(eD - m)
    xM = jnp.exp(eM - m)
    den = xC + xD + xM
    oy = (xC * yC + xD * yD + xM * yM) / den
    out[...] = jnp.dot(oy, w3v, preferred_element_type=jnp.float32)


@jax.jit
def _tc_epilogue(sC, kC, sD, kD, sM, kM, w1, w2, w3):
    R = 640
    grid = (NPAD // R,)
    s_spec = pl.BlockSpec((NC, R, D), lambda i: (0, i, 0))
    k_spec = pl.BlockSpec((R, 1), lambda i: (i, 0))
    w_spec = pl.BlockSpec((D, D), lambda i: (0, 0))
    w2_spec = pl.BlockSpec((D, 1), lambda i: (0, 0))
    return pl.pallas_call(
        _tc_body,
        grid=grid,
        in_specs=[s_spec, k_spec, s_spec, k_spec, s_spec, k_spec,
                  w_spec, w2_spec, w_spec],
        out_specs=pl.BlockSpec((R, D), lambda i: (i, 0)),
        out_shape=jax.ShapeDtypeStruct((NPAD, D), jnp.float32),
    )(sC, kC, sD, kD, sM, kM, w1, w2, w3)


def kernel(E_C, E_D, E_M, dst_C, dst_D, dst_M, W1, W2, W3):
    sC, hC, sD, hD, sM, hM = _sc_segment_sums(
        E_C, dst_C, E_D, dst_D, E_M, dst_M)
    kC = hC.sum(axis=0).reshape(NPAD, 1)
    kD = hD.sum(axis=0).reshape(NPAD, 1)
    kM = hM.sum(axis=0).reshape(NPAD, 1)
    return _tc_epilogue(sC, kC, sD, kD, sM, kM, W1, W2, W3)[:N_NODES]

# --- scband reference (transcript-rebuilt; emitter-appended) ---
"""Pipeline reference for scband-edge-gatlayer-57140244906497 (READ-ONLY COPY).

The authoritative reference and input builder live on the scoring server;
editing this copy changes nothing except your own understanding.
"""

import jax, jax.numpy as jnp
import numpy as np

N_NODES = 10000
N_EDGES = 320000
D_EDGE = 128
D_NODE = 128


def _segment_mean(vals, idx, num_segments):
    s = jax.ops.segment_sum(vals, idx, num_segments=num_segments)
    c = jax.ops.segment_sum(jnp.ones((vals.shape[0],), vals.dtype), idx, num_segments=num_segments)
    return s / jnp.maximum(c, 1.0)[:, None]


def setup_inputs(seed: int = 0) -> dict:
    key = jax.random.key(seed)
    ks = jax.random.split(key, 9)
    E_C = jax.random.normal(ks[0], (N_EDGES, D_EDGE), dtype=jnp.float32)
    E_D = jax.random.normal(ks[1], (N_EDGES, D_EDGE), dtype=jnp.float32)
    E_M = jax.random.normal(ks[2], (N_EDGES, D_EDGE), dtype=jnp.float32)
    dst_C = jax.random.randint(ks[3], (N_EDGES,), 0, N_NODES, dtype=jnp.int32)
    dst_D = jax.random.randint(ks[4], (N_EDGES,), 0, N_NODES, dtype=jnp.int32)
    dst_M = jax.random.randint(ks[5], (N_EDGES,), 0, N_NODES, dtype=jnp.int32)
    # learned params (nn.Linear, bias=False); stored as [in, out]
    W1 = jax.random.normal(ks[6], (D_EDGE, D_EDGE), dtype=jnp.float32) / np.sqrt(D_EDGE)
    W2 = jax.random.normal(ks[7], (D_EDGE, 1), dtype=jnp.float32) / np.sqrt(D_EDGE)
    W3 = jax.random.normal(ks[8], (D_EDGE, D_NODE), dtype=jnp.float32) / np.sqrt(D_EDGE)
    return {"E_C": E_C, "E_D": E_D, "E_M": E_M,
            "dst_C": dst_C, "dst_D": dst_D, "dst_M": dst_M,
            "W1": W1, "W2": W2, "W3": W3}


def reference(E_C, E_D, E_M, dst_C, dst_D, dst_M, W1, W2, W3):
    # multi_update_all: per relation, copy_e -> mean onto dst nodes
    YC = _segment_mean(E_C, dst_C, N_NODES)
    YD = _segment_mean(E_D, dst_D, N_NODES)
    YM = _segment_mean(E_M, dst_M, N_NODES)
    eC = jnp.tanh(YC @ W1) @ W2  # [N, 1]
    eD = jnp.tanh(YD @ W1) @ W2
    eM = jnp.tanh(YM @ W1) @ W2
    a = jax.nn.softmax(jnp.concatenate((eC, eD, eM), axis=1), axis=1).reshape(-1, 3, 1)
    OY = (a * jnp.stack((YC, YD, YM), axis=1)).sum(axis=1)  # [N, D_EDGE]
    return OY @ W3  # [N, D_NODE]

if __name__ == "__main__":
    import jax
    _d = setup_inputs()
    print(jax.jit(kernel)(*tuple(_d.values())))

</pallas_src>

<mosaic_0001>
#map = affine_map<(d0, d1) -> (0, 0)>
#map1 = affine_map<(d0, d1) -> (0)>
#map2 = affine_map<(d0, d1) -> (0, 0, 0)>
module attributes {stable_mosaic.version = 14 : i64} {
  func.func @_sc_body(%arg0: i32, %arg1: i32, %arg2: memref<320000x128xf32, #tpu.memory_space<hbm>>, %arg3: memref<320000xi32, #tpu.memory_space<hbm>>, %arg4: memref<320000x128xf32, #tpu.memory_space<hbm>>, %arg5: memref<320000xi32, #tpu.memory_space<hbm>>, %arg6: memref<320000x128xf32, #tpu.memory_space<hbm>>, %arg7: memref<320000xi32, #tpu.memory_space<hbm>>, %arg8: memref<2x10240x128xf32, #tpu.memory_space<hbm>>, %arg9: memref<32x80x128xf32, #tpu.memory_space<hbm>>, %arg10: memref<2x10240x128xf32, #tpu.memory_space<hbm>>, %arg11: memref<32x80x128xf32, #tpu.memory_space<hbm>>, %arg12: memref<2x10240x128xf32, #tpu.memory_space<hbm>>, %arg13: memref<32x80x128xf32, #tpu.memory_space<hbm>>, %arg14: memref<10240x128xf32, #tpu.memory_space<vmem_shared>>, %arg15: memref<80x128xf32, #tpu.memory_space<vmem>>, %arg16: memref<80x128xf32, #tpu.memory_space<vmem>>, %arg17: memref<80x128xf32, #tpu.memory_space<vmem>>, %arg18: memref<80xi32, #tpu.memory_space<vmem>>, %arg19: memref<80xi32, #tpu.memory_space<vmem>>, %arg20: memref<80xi32, #tpu.memory_space<vmem>>, %arg21: memref<80x128xf32, #tpu.memory_space<vmem>>, %arg22: memref<!tpu.dma_semaphore, #tpu.memory_space<semaphore_mem>>, %arg23: memref<!tpu.dma_semaphore, #tpu.memory_space<semaphore_mem>>, %arg24: memref<!tpu.dma_semaphore, #tpu.memory_space<semaphore_mem>>, %arg25: memref<!tpu.dma_semaphore, #tpu.memory_space<semaphore_mem>>, %arg26: memref<!tpu.dma_semaphore, #tpu.memory_space<semaphore_mem>>, %arg27: memref<!tpu.dma_semaphore, #tpu.memory_space<semaphore_mem>>, %arg28: memref<!tpu.dma_semaphore, #tpu.memory_space<semaphore_mem>>, %arg29: memref<!tpu.dma_semaphore, #tpu.memory_space<semaphore_mem>>, %arg30: memref<!tpu.dma_semaphore, #tpu.memory_space<semaphore_mem>>) attributes {dimension_semantics = [#tpu.dimension_semantics<core_parallel>, #tpu.dimension_semantics<subcore_parallel>], iteration_bounds = array<i64: 2, 16>, scalar_prefetch = 0 : i64, scratch_operands = 17 : i64, tpu.core_type = #tpu.core_type<sc_vector_subcore>, window_params = [{transform_indices = #map}, {transform_indices = #map1}, {transform_indices = #map}, {transform_indices = #map1}, {transform_indices = #map}, {transform_indices = #map1}, {transform_indices = #map2}, {transform_indices = #map2}, {transform_indices = #map2}, {transform_indices = #map2}, {transform_indices = #map2}, {transform_indices = #map2}]} {
    %mul3A = arith.constant 2 : i32
    %mul3A_0 = arith.muli %arg1, %mul3A : i32
    %add3A = arith.addi %mul3A_0, %arg0 : i32
    %mul3A_1 = arith.constant 640 : i32
    %mul3A_2 = arith.muli %arg1, %mul3A_1 : i32
    %scan3A = arith.constant 0 : i32
    %scan3A_3 = arith.constant 0 : i32
    %scan3A_4 = arith.constant 80 : i32
    %scan3A_5 = arith.addi %scan3A_3, %scan3A_4 : i32
    %scan3A_6 = arith.constant 1 : i32
    scf.for %scan3A_1909 = %scan3A_3 to %scan3A_5 step %scan3A_6  : i32 {
      %broadcast_in_dim3A_1910 = arith.constant 0.000000e+00 : f32
      %broadcast_in_dim3A_1911 = vector.broadcast %broadcast_in_dim3A_1910 : f32 to vector<16xf32>
      %swap3A = arith.index_cast %scan3A_1909 : i32 to index
      %swap3A_1912 = arith.constant 0 : index
      %swap3A_1913 = tpu.vector_load %arg17[%swap3A, %swap3A_1912] {strides = array<i32>} : memref<80x128xf32, #tpu.memory_space<vmem>>, vector<16xf32>,
      tpu.vector_store %arg17[%swap3A, %swap3A_1912], %broadcast_in_dim3A_1911 {strides = array<i32>} : memref<80x128xf32, #tpu.memory_space<vmem>>, vector<16xf32>,
      %broadcast_in_dim3A_1914 = arith.constant 0.000000e+00 : f32
      %broadcast_in_dim3A_1915 = vector.broadcast %broadcast_in_dim3A_1914 : f32 to vector<16xf32>
      %swap3A_1916 = arith.index_cast %scan3A_1909 : i32 to index
      %swap3A_1917 = arith.constant 0 : index
      %swap3A_1918 = tpu.vector_load %arg21[%swap3A_1916, %swap3A_1917] {strides = array<i32>} : memref<80x128xf32, #tpu.memory_space<vmem>>, vector<16xf32>,
      tpu.vector_store %arg21[%swap3A_1916, %swap3A_1917], %broadcast_in_dim3A_1915 {strides = array<i32>} : memref<80x128xf32, #tpu.memory_space<vmem>>, vector<16xf32>,
      %broadcast_in_dim3A_1919 = arith.constant 0.000000e+00 : f32
      %broadcast_in_dim3A_1920 = vector.broadcast %broadcast_in_dim3A_1919 : f32 to vector<16xf32>
      %swap3A_1921 = arith.index_cast %scan3A_1909 : i32 to index
      %swap3A_1922 = arith.constant 16 : index
      %swap3A_1923 = tpu.vector_load %arg17[%swap3A_1921, %swap3A_1922] {strides = array<i32>} : memref<80x128xf32, #tpu.memory_space<vmem>>, vector<16xf32>,
      tpu.vector_store %arg17[%swap3A_1921, %swap3A_1922], %broadcast_in_dim3A_1920 {strides = array<i32>} : memref<80x128xf32, #tpu.memory_space<vmem>>, vector<16xf32>,
      %broadcast_in_dim3A_1924 = arith.constant 0.000000e+00 : f32
      %broadcast_in_dim3A_1925 = vector.broadcast %broadcast_in_dim3A_1924 : f32 to vector<16xf32>
      %swap3A_1926 = arith.index_cast %scan3A_1909 : i32 to index
      %swap3A_1927 = arith.constant 16 : index
      %swap3A_1928 = tpu.vector_load %arg21[%swap3A_1926, %swap3A_1927] {strides = array<i32>} : memref<80x128xf32, #tpu.memory_space<vmem>>, vector<16xf32>,
      tpu.vector_store %arg21[%swap3A_1926, %swap3A_1927], %broadcast_in_dim3A_1925 {strides = array<i32>} : memref<80x128xf32, #tpu.memory_space<vmem>>, vector<16xf32>,
      %broadcast_in_dim3A_1929 = arith.constant 0.000000e+00 : f32
      %broadcast_in_dim3A_1930 = vector.broadcast %broadcast_in_dim3A_1929 : f32 to vector<16xf32>
      %swap3A_1931 = arith.index_cast %scan3A_1909 : i32 to index
      %swap3A_1932 = arith.constant 32 : index
      %swap3A_1933 = tpu.vector_load %arg17[%swap3A_1931, %swap3A_1932] {strides = array<i32>} : memref<80x128xf32, #tpu.memory_space<vmem>>, vector<16xf32>,
      tpu.vector_store %arg17[%swap3A_1931, %swap3A_1932], %broadcast_in_dim3A_1930 {strides = array<i32>} : memref<80x128xf32, #tpu.memory_space<vmem>>, vector<16xf32>,
      %broadcast_in_dim3A_1934 = arith.constant 0.000000e+00 : f32
      %broadcast_in_dim3A_1935 = vector.broadcast %broadcast_in_dim3A_1934 : f32 to vector<16xf32>
      %swap3A_1936 = arith.index_cast %scan3A_1909 : i32 to index
      %swap3A_1937 = arith.constant 32 : index
      %swap3A_1938 = tpu.vector_load %arg21[%swap3A_1936, %swap3A_1937] {strides = array<i32>} : memref<80x128xf32, #tpu.memory_space<vmem>>, vector<16xf32>,
      tpu.vector_store %arg21[%swap3A_1936, %swap3A_1937], %broadcast_in_dim3A_1935 {strides = array<i32>} : memref<80x128xf32, #tpu.memory_space<vmem>>, vector<16xf32>,
      %broadcast_in_dim3A_1939 = arith.constant 0.000000e+00 : f32
      %broadcast_in_dim3A_1940 = vector.broadcast %broadcast_in_dim3A_1939 : f32 to vector<16xf32>
      %swap3A_1941 = arith.index_cast %scan3A_1909 : i32 to index
      %swap3A_1942 = arith.constant 48 : index
      %swap3A_1943 = tpu.vector_load %arg17[%swap3A_1941, %swap3A_1942] {strides = array<i32>} : memref<80x128xf32, #tpu.memory_space<vmem>>, vector<16xf32>,
      tpu.vector_store %arg17[%swap3A_1941, %swap3A_1942], %broadcast_in_dim3A_1940 {strides = array<i32>} : memref<80x128xf32, #tpu.memory_space<vmem>>, vector<16xf32>,
      %broadcast_in_dim3A_1944 = arith.constant 0.000000e+00 : f32
      %broadcast_in_dim3A_1945 = vector.broadcast %broadcast_in_dim3A_1944 : f32 to vector<16xf32>
      %swap3A_1946 = arith.index_cast %scan3A_1909 : i32 to index
      %swap3A_1947 = arith.constant 48 : index
      %swap3A_1948 = tpu.vector_load %arg21[%swap3A_1946, %swap3A_1947] {strides = array<i32>} : memref<80x128xf32, #tpu.memory_space<vmem>>, vector<16xf32>,
      tpu.vector_store %arg21[%swap3A_1946, %swap3A_1947], %broadcast_in_dim3A_1945 {strides = array<i32>} : memref<80x128xf32, #tpu.memory_space<vmem>>, vector<16xf32>,
      %broadcast_in_dim3A_1949 = arith.constant 0.000000e+00 : f32
      %broadcast_in_dim3A_1950 = vector.broadcast %broadcast_in_dim3A_1949 : f32 to vector<16xf32>
      %swap3A_1951 = arith.index_cast %scan3A_1909 : i32 to index
      %swap3A_1952 = arith.constant 64 : index
      %swap3A_1953 = tpu.vector_load %arg17[%swap3A_1951, %swap3A_1952] {strides = array<i32>} : memref<80x128xf32, #tpu.memory_space<vmem>>, vector<16xf32>,
      tpu.vector_store %arg17[%swap3A_1951, %swap3A_1952], %broadcast_in_dim3A_1950 {strides = array<i32>} : memref<80x128xf32, #tpu.memory_space<vmem>>, vector<16xf32>,
      %broadcast_in_dim3A_1954 = arith.constant 0.000000e+00 : f32
      %broadcast_in_dim3A_1955 = vector.broadcast %broadcast_in_dim3A_1954 : f32 to vector<16xf32>
      %swap3A_1956 = arith.index_cast %scan3A_1909 : i32 to index
      %swap3A_1957 = arith.constant 64 : index
      %swap3A_1958 = tpu.vector_load %arg21[%swap3A_1956, %swap3A_1957] {strides = array<i32>} : memref<80x128xf32, #tpu.memory_space<vmem>>, vector<16xf32>,
      tpu.vector_store %arg21[%swap3A_1956, %swap3A_1957], %broadcast_in_dim3A_1955 {strides = array<i32>} : memref<80x128xf32, #tpu.memory_space<vmem>>, vector<16xf32>,
      %broadcast_in_dim3A_1959 = arith.constant 0.000000e+00 : f32
      %broadcast_in_dim3A_1960 = vector.broadcast %broadcast_in_dim3A_1959 : f32 to vector<16xf32>
      %swap3A_1961 = arith.index_cast %scan3A_1909 : i32 to index
      %swap3A_1962 = arith.constant 80 : index
      %swap3A_1963 = tpu.vector_load %arg17[%swap3A_1961, %swap3A_1962] {strides = array<i32>} : memref<80x128xf32, #tpu.memory_space<vmem>>, vector<16xf32>,
      tpu.vector_store %arg17[%swap3A_1961, %swap3A_1962], %broadcast_in_dim3A_1960 {strides = array<i32>} : memref<80x128xf32, #tpu.memory_space<vmem>>, vector<16xf32>,
      %broadcast_in_dim3A_1964 = arith.constant 0.000000e+00 : f32
      %broadcast_in_dim3A_1965 = vector.broadcast %broadcast_in_dim3A_1964 : f32 to vector<16xf32>
      %swap3A_1966 = arith.index_cast %scan3A_1909 : i32 to index
      %swap3A_1967 = arith.constant 80 : index
      %swap3A_1968 = tpu.vector_load %arg21[%swap3A_1966, %swap3A_1967] {strides = array<i32>} : memref<80x128xf32, #tpu.memory_space<vmem>>, vector<16xf32>,
      tpu.vector_store %arg21[%swap3A_1966, %swap3A_1967], %broadcast_in_dim3A_1965 {strides = array<i32>} : memref<80x128xf32, #tpu.memory_space<vmem>>, vector<16xf32>,
      %broadcast_in_dim3A_1969 = arith.constant 0.000000e+00 : f32
      %broadcast_in_dim3A_1970 = vector.broadcast %broadcast_in_dim3A_1969 : f32 to vector<16xf32>
      %swap3A_1971 = arith.index_cast %scan3A_1909 : i32 to index
      %swap3A_1972 = arith.constant 96 : index
      %swap3A_1973 = tpu.vector_load %arg17[%swap3A_1971, %swap3A_1972] {strides = array<i32>} : memref<80x128xf32, #tpu.memory_space<vmem>>, vector<16xf32>,
      tpu.vector_store %arg17[%swap3A_1971, %swap3A_1972], %broadcast_in_dim3A_1970 {strides = array<i32>} : memref<80x128xf32, #tpu.memory_space<vmem>>, vector<16xf32>,
      %broadcast_in_dim3A_1974 = arith.constant 0.000000e+00 : f32
      %broadcast_in_dim3A_1975 = vector.broadcast %broadcast_in_dim3A_1974 : f32 to vector<16xf32>
      %swap3A_1976 = arith.index_cast %scan3A_1909 : i32 to index
      %swap3A_1977 = arith.constant 96 : index
      %swap3A_1978 = tpu.vector_load %arg21[%swap3A_1976, %swap3A_1977] {strides = array<i32>} : memref<80x128xf32, #tpu.memory_space<vmem>>, vector<16xf32>,
      tpu.vector_store %arg21[%swap3A_1976, %swap3A_1977], %broadcast_in_dim3A_1975 {strides = array<i32>} : memref<80x128xf32, #tpu.memory_space<vmem>>, vector<16xf32>,
      %broadcast_in_dim3A_1979 = arith.constant 0.000000e+00 : f32
      %broadcast_in_dim3A_1980 = vector.broadcast %broadcast_in_dim3A_1979 : f32 to vector<16xf32>
      %swap3A_1981 = arith.index_cast %scan3A_1909 : i32 to index
      %swap3A_1982 = arith.constant 112 : index
      %swap3A_1983 = tpu.vector_load %arg17[%swap3A_1981, %swap3A_1982] {strides = array<i32>} : memref<80x128xf32, #tpu.memory_space<vmem>>, vector<16xf32>,
      tpu.vector_store %arg17[%swap3A_1981, %swap3A_1982], %broadcast_in_dim3A_1980 {strides = array<i32>} : memref<80x128xf32, #tpu.memory_space<vmem>>, vector<16xf32>,
      %broadcast_in_dim3A_1984 = arith.constant 0.000000e+00 : f32
      %broadcast_in_dim3A_1985 = vector.broadcast %broadcast_in_dim3A_1984 : f32 to vector<16xf32>
      %swap3A_1986 = arith.index_cast %scan3A_1909 : i32 to index
      %swap3A_1987 = arith.constant 112 : index
      %swap3A_1988 = tpu.vector_load %arg21[%swap3A_1986, %swap3A_1987] {strides = array<i32>} : memref<80x128xf32, #tpu.memory_space<vmem>>, vector<16xf32>,
      tpu.vector_store %arg21[%swap3A_1986, %swap3A_1987], %broadcast_in_dim3A_1985 {strides = array<i32>} : memref<80x128xf32, #tpu.memory_space<vmem>>, vector<16xf32>,
    }
    %scan3A_7 = arith.constant 80 : i32
    %add3A_8 = arith.constant 0 : i32
    %add3A_9 = arith.addi %mul3A_2, %add3A_8 : i32
    %dma_start3A = arith.constant 0 : i32
    %dma_start3A_10 = tpu.memref_slice %arg14[%add3A_9, %dma_start3A] : memref<10240x128xf32, #tpu.memory_space<vmem_shared>> -> memref<80x128xf32, #tpu.memory_space<vmem_shared>>
    %dma_start3A_11 = arith.constant 0 : i32
    %dma_start3A_12 = tpu.memref_slice %arg14[%add3A_9, %dma_start3A_11] : memref<10240x128xf32, #tpu.memory_space<vmem_shared>> -> memref<80x128xf32, #tpu.memory_space<vmem_shared>>
    tpu.enqueue_dma source(%arg17 : memref<80x128xf32, #tpu.memory_space<vmem>>) target(%dma_start3A_12 : memref<80x128xf32, #tpu.memory_space<vmem_shared>>) target_semaphore(%arg28 : memref<!tpu.dma_semaphore, #tpu.memory_space<semaphore_mem>>)
    %add3A_13 = arith.constant 80 : i32
    %add3A_14 = arith.addi %mul3A_2, %add3A_13 : i32
    %dma_start3A_15 = arith.constant 0 : i32
    %dma_start3A_16 = tpu.memref_slice %arg14[%add3A_14, %dma_start3A_15] : memref<10240x128xf32, #tpu.memory_space<vmem_shared>> -> memref<80x128xf32, #tpu.memory_space<vmem_shared>>
    %dma_start3A_17 = arith.constant 0 : i32
    %dma_start3A_18 = tpu.memref_slice %arg14[%add3A_14, %dma_start3A_17] : memref<10240x128xf32, #tpu.memory_space<vmem_shared>> -> memref<80x128xf32, #tpu.memory_space<vmem_shared>>
    tpu.enqueue_dma source(%arg17 : memref<80x128xf32, #tpu.memory_space<vmem>>) target(%dma_start3A_18 : memref<80x128xf32, #tpu.memory_space<vmem_shared>>) target_semaphore(%arg29 : memref<!tpu.dma_semaphore, #tpu.memory_space<semaphore_mem>>)
    %add3A_19 = arith.constant 160 : i32
    %add3A_20 = arith.addi %mul3A_2, %add3A_19 : i32
    %dma_start3A_21 = arith.constant 0 : i32
    %dma_start3A_22 = tpu.memref_slice %arg14[%add3A_20, %dma_start3A_21] : memref<10240x128xf32, #tpu.memory_space<vmem_shared>> -> memref<80x128xf32, #tpu.memory_space<vmem_shared>>
    %dma_start3A_23 = arith.constant 0 : i32
    %dma_start3A_24 = tpu.memref_slice %arg14[%add3A_20, %dma_start3A_23] : memref<10240x128xf32, #tpu.memory_space<vmem_shared>> -> memref<80x128xf32, #tpu.memory_space<vmem_shared>>
    tpu.enqueue_dma source(%arg17 : memref<80x128xf32, #tpu.memory_space<vmem>>) target(%dma_start3A_24 : memref<80x128xf32, #tpu.memory_space<vmem_shared>>) target_semaphore(%arg28 : memref<!tpu.dma_semaphore, #tpu.memory_space<semaphore_mem>>)
    %add3A_25 = arith.constant 240 : i32
    %add3A_26 = arith.addi %mul3A_2, %add3A_25 : i32
    %dma_start3A_27 = arith.constant 0 : i32
    %dma_start3A_28 = tpu.memref_slice %arg14[%add3A_26, %dma_start3A_27] : memref<10240x128xf32, #tpu.memory_space<vmem_shared>> -> memref<80x128xf32, #tpu.memory_space<vmem_shared>>
    %dma_start3A_29 = arith.constant 0 : i32
    %dma_start3A_30 = tpu.memref_slice %arg14[%add3A_26, %dma_start3A_29] : memref<10240x128xf32, #tpu.memory_space<vmem_shared>> -> memref<80x128xf32, #tpu.memory_space<vmem_shared>>
    tpu.enqueue_dma source(%arg17 : memref<80x128xf32, #tpu.memory_space<vmem>>) target(%dma_start3A_30 : memref<80x128xf32, #tpu.memory_space<vmem_shared>>) target_semaphore(%arg29 : memref<!tpu.dma_semaphore, #tpu.memory_space<semaphore_mem>>)
    %add3A_31 = arith.constant 320 : i32
    %add3A_32 = arith.addi %mul3A_2, %add3A_31 : i32
    %dma_start3A_33 = arith.constant 0 : i32
    %dma_start3A_34 = tpu.memref_slice %arg14[%add3A_32, %dma_start3A_33] : memref<10240x128xf32, #tpu.memory_space<vmem_shared>> -> memref<80x128xf32, #tpu.memory_space<vmem_shared>>
    %dma_start3A_35 = arith.constant 0 : i32
    %dma_start3A_36 = tpu.memref_slice %arg14[%add3A_32, %dma_start3A_35] : memref<10240x128xf32, #tpu.memory_space<vmem_shared>> -> memref<80x128xf32, #tpu.memory_space<vmem_shared>>
    tpu.enqueue_dma source(%arg17 : memref<80x128xf32, #tpu.memory_space<vmem>>) target(%dma_start3A_36 : memref<80x128xf32, #tpu.memory_space<vmem_shared>>) target_semaphore(%arg28 : memref<!tpu.dma_semaphore, #tpu.memory_space<semaphore_mem>>)
    %add3A_37 = arith.constant 400 : i32
    %add3A_38 = arith.addi %mul3A_2, %add3A_37 : i32
    %dma_start3A_39 = arith.constant 0 : i32
    %dma_start3A_40 = tpu.memref_slice %arg14[%add3A_38, %dma_start3A_39] : memref<10240x128xf32, #tpu.memory_space<vmem_shared>> -> memref<80x128xf32, #tpu.memory_space<vmem_shared>>
    %dma_start3A_41 = arith.constant 0 : i32
    %dma_start3A_42 = tpu.memref_slice %arg14[%add3A_38, %dma_start3A_41] : memref<10240x128xf32, #tpu.memory_space<vmem_shared>> -> memref<80x128xf32, #tpu.memory_space<vmem_shared>>
    tpu.enqueue_dma source(%arg17 : memref<80x128xf32, #tpu.memory_space<vmem>>) target(%dma_start3A_42 : memref<80x128xf32, #tpu.memory_space<vmem_shared>>) target_semaphore(%arg29 : memref<!tpu.dma_semaphore, #tpu.memory_space<semaphore_mem>>)
    %add3A_43 = arith.constant 480 : i32
    %add3A_44 = arith.addi %mul3A_2, %add3A_43 : i32
    %dma_start3A_45 = arith.constant 0 : i32
    %dma_start3A_46 = tpu.memref_slice %arg14[%add3A_44, %dma_start3A_45] : memref<10240x128xf32, #tpu.memory_space<vmem_shared>> -> memref<80x128xf32, #tpu.memory_space<vmem_shared>>
    %dma_start3A_47 = arith.constant 0 : i32
    %dma_start3A_48 = tpu.memref_slice %arg14[%add3A_44, %dma_start3A_47] : memref<10240x128xf32, #tpu.memory_space<vmem_shared>> -> memref<80x128xf32, #tpu.memory_space<vmem_shared>>
    tpu.enqueue_dma source(%arg17 : memref<80x128xf32, #tpu.memory_space<vmem>>) target(%dma_start3A_48 : memref<80x128xf32, #tpu.memory_space<vmem_shared>>) target_semaphore(%arg28 : memref<!tpu.dma_semaphore, #tpu.memory_space<semaphore_mem>>)
    %add3A_49 = arith.constant 560 : i32
    %add3A_50 = arith.addi %mul3A_2, %add3A_49 : i32
    %dma_start3A_51 = arith.constant 0 : i32
    %dma_start3A_52 = tpu.memref_slice %arg14[%add3A_50, %dma_start3A_51] : memref<10240x128xf32, #tpu.memory_space<vmem_shared>> -> memref<80x128xf32, #tpu.memory_space<vmem_shared>>
    %dma_start3A_53 = arith.constant 0 : i32
    %dma_start3A_54 = tpu.memref_slice %arg14[%add3A_50, %dma_start3A_53] : memref<10240x128xf32, #tpu.memory_space<vmem_shared>> -> memref<80x128xf32, #tpu.memory_space<vmem_shared>>
    tpu.enqueue_dma source(%arg17 : memref<80x128xf32, #tpu.memory_space<vmem>>) target(%dma_start3A_54 : memref<80x128xf32, #tpu.memory_space<vmem_shared>>) target_semaphore(%arg29 : memref<!tpu.dma_semaphore, #tpu.memory_space<semaphore_mem>>)
    %add3A_55 = arith.constant 0 : i32
    %add3A_56 = arith.addi %mul3A_2, %add3A_55 : i32
    %dma_wait3A = arith.constant 0 : i32
    %dma_wait3A_57 = tpu.memref_slice %arg14[%add3A_56, %dma_wait3A] : memref<10240x128xf32, #tpu.memory_space<vmem_shared>> -> memref<80x128xf32, #tpu.memory_space<vmem_shared>>
    %dma_wait3A_58 = arith.constant 0 : i32
    %dma_wait3A_59 = tpu.memref_slice %arg14[%add3A_56, %dma_wait3A_58] : memref<10240x128xf32, #tpu.memory_space<vmem_shared>> -> memref<80x128xf32, #tpu.memory_space<vmem_shared>>
    tpu.wait_dma2 semaphore(%arg28 : memref<!tpu.dma_semaphore, #tpu.memory_space<semaphore_mem>>) src(%arg17 : memref<80x128xf32, #tpu.memory_space<vmem>>) dst(%dma_wait3A_59 : memref<80x128xf32, #tpu.memory_space<vmem_shared>>)
    %add3A_60 = arith.constant 80 : i32
    %add3A_61 = arith.addi %mul3A_2, %add3A_60 : i32
    %dma_wait3A_62 = arith.constant 0 : i32
    %dma_wait3A_63 = tpu.memref_slice %arg14[%add3A_61, %dma_wait3A_62] : memref<10240x128xf32, #tpu.memory_space<vmem_shared>> -> memref<80x128xf32, #tpu.memory_space<vmem_shared>>
    %dma_wait3A_64 = arith.constant 0 : i32
    %dma_wait3A_65 = tpu.memref_slice %arg14[%add3A_61, %dma_wait3A_64] : memref<10240x128xf32, #tpu.memory_space<vmem_shared>> -> memref<80x128xf32, #tpu.memory_space<vmem_shared>>
    tpu.wait_dma2 semaphore(%arg29 : memref<!tpu.dma_semaphore, #tpu.memory_space<semaphore_mem>>) src(%arg17 : memref<80x128xf32, #tpu.memory_space<vmem>>) dst(%dma_wait3A_65 : memref<80x128xf32, #tpu.memory_space<vmem_shared>>)
    %add3A_66 = arith.constant 160 : i32
    %add3A_67 = arith.addi %mul3A_2, %add3A_66 : i32
    %dma_wait3A_68 = arith.constant 0 : i32
    %dma_wait3A_69 = tpu.memref_slice %arg14[%add3A_67, %dma_wait3A_68] : memref<10240x128xf32, #tpu.memory_space<vmem_shared>> -> memref<80x128xf32, #tpu.memory_space<vmem_shared>>
    %dma_wait3A_70 = arith.constant 0 : i32
    %dma_wait3A_71 = tpu.memref_slice %arg14[%add3A_67, %dma_wait3A_70] : memref<10240x128xf32, #tpu.memory_space<vmem_shared>> -> memref<80x128xf32, #tpu.memory_space<vmem_shared>>
    tpu.wait_dma2 semaphore(%arg28 : memref<!tpu.dma_semaphore, #tpu.memory_space<semaphore_mem>>) src(%arg17 : memref<80x128xf32, #tpu.memory_space<vmem>>) dst(%dma_wait3A_71 : memref<80x128xf32, #tpu.memory_space<vmem_shared>>)
    %add3A_72 = arith.constant 240 : i32
    %add3A_73 = arith.addi %mul3A_2, %add3A_72 : i32
    %dma_wait3A_74 = arith.constant 0 : i32
    %dma_wait3A_75 = tpu.memref_slice %arg14[%add3A_73, %dma_wait3A_74] : memref<10240x128xf32, #tpu.memory_space<vmem_shared>> -> memref<80x128xf32, #tpu.memory_space<vmem_shared>>
    %dma_wait3A_76 = arith.constant 0 : i32
    %dma_wait3A_77 = tpu.memref_slice %arg14[%add3A_73, %dma_wait3A_76] : memref<10240x128xf32, #tpu.memory_space<vmem_shared>> -> memref<80x128xf32, #tpu.memory_space<vmem_shared>>
    tpu.wait_dma2 semaphore(%arg29 : memref<!tpu.dma_semaphore, #tpu.memory_space<semaphore_mem>>) src(%arg17 : memref<80x128xf32, #tpu.memory_space<vmem>>) dst(%dma_wait3A_77 : memref<80x128xf32, #tpu.memory_space<vmem_shared>>)
    %add3A_78 = arith.constant 320 : i32
    %add3A_79 = arith.addi %mul3A_2, %add3A_78 : i32
    %dma_wait3A_80 = arith.constant 0 : i32
    %dma_wait3A_81 = tpu.memref_slice %arg14[%add3A_79, %dma_wait3A_80] : memref<10240x128xf32, #tpu.memory_space<vmem_shared>> -> memref<80x128xf32, #tpu.memory_space<vmem_shared>>
    %dma_wait3A_82 = arith.constant 0 : i32
    %dma_wait3A_83 = tpu.memref_slice %arg14[%add3A_79, %dma_wait3A_82] : memref<10240x128xf32, #tpu.memory_space<vmem_shared>> -> memref<80x128xf32, #tpu.memory_space<vmem_shared>>
    tpu.wait_dma2 semaphore(%arg28 : memref<!tpu.dma_semaphore, #tpu.memory_space<semaphore_mem>>) src(%arg17 : memref<80x128xf32, #tpu.memory_space<vmem>>) dst(%dma_wait3A_83 : memref<80x128xf32, #tpu.memory_space<vmem_shared>>)
    %add3A_84 = arith.constant 400 : i32
    %add3A_85 = arith.addi %mul3A_2, %add3A_84 : i32
    %dma_wait3A_86 = arith.constant 0 : i32
    %dma_wait3A_87 = tpu.memref_slice %arg14[%add3A_85, %dma_wait3A_86] : memref<10240x128xf32, #tpu.memory_space<vmem_shared>> -> memref<80x128xf32, #tpu.memory_space<vmem_shared>>
    %dma_wait3A_88 = arith.constant 0 : i32
    %dma_wait3A_89 = tpu.memref_slice %arg14[%add3A_85, %dma_wait3A_88] : memref<10240x128xf32, #tpu.memory_space<vmem_shared>> -> memref<80x128xf32, #tpu.memory_space<vmem_shared>>
    tpu.wait_dma2 semaphore(%arg29 : memref<!tpu.dma_semaphore, #tpu.memory_space<semaphore_mem>>) src(%arg17 : memref<80x128xf32, #tpu.memory_space<vmem>>) dst(%dma_wait3A_89 : memref<80x128xf32, #tpu.memory_space<vmem_shared>>)
    %add3A_90 = arith.constant 480 : i32
    %add3A_91 = arith.addi %mul3A_2, %add3A_90 : i32
    %dma_wait3A_92 = arith.constant 0 : i32
    %dma_wait3A_93 = tpu.memref_slice %arg14[%add3A_91, %dma_wait3A_92] : memref<10240x128xf32, #tpu.memory_space<vmem_shared>> -> memref<80x128xf32, #tpu.memory_space<vmem_shared>>
    %dma_wait3A_94 = arith.constant 0 : i32
    %dma_wait3A_95 = tpu.memref_slice %arg14[%add3A_91, %dma_wait3A_94] : memref<10240x128xf32, #tpu.memory_space<vmem_shared>> -> memref<80x128xf32, #tpu.memory_space<vmem_shared>>
    tpu.wait_dma2 semaphore(%arg28 : memref<!tpu.dma_semaphore, #tpu.memory_space<semaphore_mem>>) src(%arg17 : memref<80x128xf32, #tpu.memory_space<vmem>>) dst(%dma_wait3A_95 : memref<80x128xf32, #tpu.memory_space<vmem_shared>>)
    %add3A_96 = arith.constant 560 : i32
    %add3A_97 = arith.addi %mul3A_2, %add3A_96 : i32
    %dma_wait3A_98 = arith.constant 0 : i32
    %dma_wait3A_99 = tpu.memref_slice %arg14[%add3A_97, %dma_wait3A_98] : memref<10240x128xf32, #tpu.memory_space<vmem_shared>> -> memref<80x128xf32, #tpu.memory_space<vmem_shared>>
    %dma_wait3A_100 = arith.constant 0 : i32
    %dma_wait3A_101 = tpu.memref_slice %arg14[%add3A_97, %dma_wait3A_100] : memref<10240x128xf32, #tpu.memory_space<vmem_shared>> -> memref<80x128xf32, #tpu.memory_space<vmem_shared>>
    tpu.wait_dma2 semaphore(%arg29 : memref<!tpu.dma_semaphore, #tpu.memory_space<semaphore_mem>>) src(%arg17 : memref<80x128xf32, #tpu.memory_space<vmem>>) dst(%dma_wait3A_101 : memref<80x128xf32, #tpu.memory_space<vmem_shared>>)
    %barrier3A = arith.constant 0 : index
    tpu.barrier barrier_id(%barrier3A)
    %add3A_102 = arith.constant 0 : i32
    %add3A_103 = arith.addi %add3A, %add3A_102 : i32
    %mul3A_104 = arith.constant 80 : i32
    %mul3A_105 = arith.muli %add3A_103, %mul3A_104 : i32
    %dma_start3A_106 = arith.constant 0 : i32
    %dma_start3A_107 = tpu.memref_slice %arg2[%mul3A_105, %dma_start3A_106] : memref<320000x128xf32, #tpu.memory_space<hbm>> -> memref<80x128xf32, #tpu.memory_space<hbm>>
    %dma_start3A_108 = arith.constant 0 : i32
    %dma_start3A_109 = tpu.memref_slice %arg2[%mul3A_105, %dma_start3A_108] : memref<320000x128xf32, #tpu.memory_space<hbm>> -> memref<80x128xf32, #tpu.memory_space<hbm>>
    tpu.enqueue_dma source(%dma_start3A_109 : memref<80x128xf32, #tpu.memory_space<hbm>>) target(%arg15 : memref<80x128xf32, #tpu.memory_space<vmem>>) target_semaphore(%arg22 : memref<!tpu.dma_semaphore, #tpu.memory_space<semaphore_mem>>)
    %mul3A_110 = arith.constant 80 : i32
    %mul3A_111 = arith.muli %add3A_103, %mul3A_110 : i32
    %dma_start3A_112 = tpu.memref_slice %arg3[%mul3A_111] : memref<320000xi32, #tpu.memory_space<hbm>> -> memref<80xi32, #tpu.memory_space<hbm>>
    %dma_start3A_113 = tpu.memref_slice %arg3[%mul3A_111] : memref<320000xi32, #tpu.memory_space<hbm>> -> memref<80xi32, #tpu.memory_space<hbm>>
    tpu.enqueue_dma source(%dma_start3A_113 : memref<80xi32, #tpu.memory_space<hbm>>) target(%arg18 : memref<80xi32, #tpu.memory_space<vmem>>) target_semaphore(%arg25 : memref<!tpu.dma_semaphore, #tpu.memory_space<semaphore_mem>>)
    %add3A_114 = arith.constant 32 : i32
    %add3A_115 = arith.addi %add3A, %add3A_114 : i32
    %mul3A_116 = arith.constant 80 : i32
    %mul3A_117 = arith.muli %add3A_115, %mul3A_116 : i32
    %dma_start3A_118 = arith.constant 0 : i32
    %dma_start3A_119 = tpu.memref_slice %arg2[%mul3A_117, %dma_start3A_118] : memref<320000x128xf32, #tpu.memory_space<hbm>> -> memref<80x128xf32, #tpu.memory_space<hbm>>
    %dma_start3A_120 = arith.constant 0 : i32
    %dma_start3A_121 = tpu.memref_slice %arg2[%mul3A_117, %dma_start3A_120] : memref<320000x128xf32, #tpu.memory_space<hbm>> -> memref<80x128xf32, #tpu.memory_space<hbm>>
    tpu.enqueue_dma source(%dma_start3A_121 : memref<80x128xf32, #tpu.memory_space<hbm>>) target(%arg16 : memref<80x128xf32, #tpu.memory_space<vmem>>) target_semaphore(%arg23 : memref<!tpu.dma_semaphore, #tpu.memory_space<semaphore_mem>>)
    %mul3A_122 = arith.constant 80 : i32
    %mul3A_123 = arith.muli %add3A_115, %mul3A_122 : i32
    %dma_start3A_124 = tpu.memref_slice %arg3[%mul3A_123] : memref<320000xi32, #tpu.memory_space<hbm>> -> memref<80xi32, #tpu.memory_space<hbm>>
    %dma_start3A_125 = tpu.memref_slice %arg3[%mul3A_123] : memref<320000xi32, #tpu.memory_space<hbm>> -> memref<80xi32, #tpu.memory_space<hbm>>
    tpu.enqueue_dma source(%dma_start3A_125 : memref<80xi32, #tpu.memory_space<hbm>>) target(%arg19 : memref<80xi32, #tpu.memory_space<vmem>>) target_semaphore(%arg26 : memref<!tpu.dma_semaphore, #tpu.memory_space<semaphore_mem>>)
    %add3A_126 = arith.constant 0 : i32
    %add3A_127 = arith.addi %add3A, %add3A_126 : i32
    %mul3A_128 = arith.constant 80 : i32
    %mul3A_129 = arith.muli %add3A_127, %mul3A_128 : i32
    %dma_wait3A_130 = arith.constant 0 : i32
    %dma_wait3A_131 = tpu.memref_slice %arg2[%mul3A_129, %dma_wait3A_130] : memref<320000x128xf32, #tpu.memory_space<hbm>> -> memref<80x128xf32, #tpu.memory_space<hbm>>
    %dma_wait3A_132 = arith.constant 0 : i32
    %dma_wait3A_133 = tpu.memref_slice %arg2[%mul3A_129, %dma_wait3A_132] : memref<320000x128xf32, #tpu.memory_space<hbm>> -> memref<80x128xf32, #tpu.memory_space<hbm>>
    tpu.wait_dma2 semaphore(%arg22 : memref<!tpu.dma_semaphore, #tpu.memory_space<semaphore_mem>>) src(%dma_wait3A_133 : memref<80x128xf32, #tpu.memory_space<hbm>>) dst(%arg15 : memref<80x128xf32, #tpu.memory_space<vmem>>)
    %mul3A_134 = arith.constant 80 : i32
    %mul3A_135 = arith.muli %add3A_127, %mul3A_134 : i32
    %dma_wait3A_136 = tpu.memref_slice %arg3[%mul3A_135] : memref<320000xi32, #tpu.memory_space<hbm>> -> memref<80xi32, #tpu.memory_space<hbm>>
    %dma_wait3A_137 = tpu.memref_slice %arg3[%mul3A_135] : memref<320000xi32, #tpu.memory_space<hbm>> -> memref<80xi32, #tpu.memory_space<hbm>>
    tpu.wait_dma2 semaphore(%arg25 : memref<!tpu.dma_semaphore, #tpu.memory_space<semaphore_mem>>) src(%dma_wait3A_137 : memref<80xi32, #tpu.memory_space<hbm>>) dst(%arg18 : memref<80xi32, #tpu.memory_space<vmem>>)
    %dma_start3A_138 = arith.constant 0 : i32
    %dma_start3A_139 = arith.constant 0 : i32
    %dma_start3A_140 = tpu.memref_slice %arg14[%dma_start3A_138, %dma_start3A_139] : memref<10240x128xf32, #tpu.memory_space<vmem_shared>> -> memref<10240x128xf32, #tpu.memory_space<vmem_shared>>
    tpu.enqueue_indirect_dma source(%arg15 : memref<80x128xf32, #tpu.memory_space<vmem>>) target(%dma_start3A_140 : memref<10240x128xf32, #tpu.memory_space<vmem_shared>>) offsets(%arg18 : memref<80xi32, #tpu.memory_space<vmem>>) semaphore(%arg28 : memref<!tpu.dma_semaphore, #tpu.memory_space<semaphore_mem>>) {add = true}
    %get3A = arith.constant 0 : index
    %get3A_141 = tpu.vector_load %arg18[%get3A] {strides = array<i32>} : memref<80xi32, #tpu.memory_space<vmem>>, vector<16xi32>,
    %shift_right_logical3A = arith.constant 7 : i32
    %shift_right_logical3A_142 = vector.broadcast %shift_right_logical3A : i32 to vector<16xi32>
    %shift_right_logical3A_143 = arith.shrui %get3A_141, %shift_right_logical3A_142 : vector<16xi32>
    %and3A = arith.constant 127 : i32
    %and3A_144 = vector.broadcast %and3A : i32 to vector<16xi32>
    %and3A_145 = arith.andi %get3A_141, %and3A_144 : vector<16xi32>
    %broadcast_in_dim3A = arith.constant 1.000000e+00 : f32
    %broadcast_in_dim3A_146 = vector.broadcast %broadcast_in_dim3A : f32 to vector<16xf32>
    tpu.vector_store_idx %arg21[%shift_right_logical3A_143, %and3A_145], %broadcast_in_dim3A_146 {add = true} : memref<80x128xf32, #tpu.memory_space<vmem>>[vector<16xi32>, vector<16xi32>], vector<16xf32>,
    %get3A_147 = arith.constant 16 : index
    %get3A_148 = tpu.vector_load %arg18[%get3A_147] {strides = array<i32>} : memref<80xi32, #tpu.memory_space<vmem>>, vector<16xi32>,
    %shift_right_logical3A_149 = arith.constant 7 : i32
    %shift_right_logical3A_150 = vector.broadcast %shift_right_logical3A_149 : i32 to vector<16xi32>
    %shift_right_logical3A_151 = arith.shrui %get3A_148, %shift_right_logical3A_150 : vector<16xi32>
    %and3A_152 = arith.constant 127 : i32
    %and3A_153 = vector.broadcast %and3A_152 : i32 to vector<16xi32>
    %and3A_154 = arith.andi %get3A_148, %and3A_153 : vector<16xi32>
    %broadcast_in_dim3A_155 = arith.constant 1.000000e+00 : f32
    %broadcast_in_dim3A_156 = vector.broadcast %broadcast_in_dim3A_155 : f32 to vector<16xf32>
    tpu.vector_store_idx %arg21[%shift_right_logical3A_151, %and3A_154], %broadcast_in_dim3A_156 {add = true} : memref<80x128xf32, #tpu.memory_space<vmem>>[vector<16xi32>, vector<16xi32>], vector<16xf32>,
    %get3A_157 = arith.constant 32 : index
    %get3A_158 = tpu.vector_load %arg18[%get3A_157] {strides = array<i32>} : memref<80xi32, #tpu.memory_space<vmem>>, vector<16xi32>,
    %shift_right_logical3A_159 = arith.constant 7 : i32
    %shift_right_logical3A_160 = vector.broadcast %shift_right_logical3A_159 : i32 to vector<16xi32>
    %shift_right_logical3A_161 = arith.shrui %get3A_158, %shift_right_logical3A_160 : vector<16xi32>
    %and3A_162 = arith.constant 127 : i32
    %and3A_163 = vector.broadcast %and3A_162 : i32 to vector<16xi32>
    %and3A_164 = arith.andi %get3A_158, %and3A_163 : vector<16xi32>
    %broadcast_in_dim3A_165 = arith.constant 1.000000e+00 : f32
    %broadcast_in_dim3A_166 = vector.broadcast %broadcast_in_dim3A_165 : f32 to vector<16xf32>
    tpu.vector_store_idx %arg21[%shift_right_logical3A_161, %and3A_164], %broadcast_in_dim3A_166 {add = true} : memref<80x128xf32, #tpu.memory_space<vmem>>[vector<16xi32>, vector<16xi32>], vector<16xf32>,
    %get3A_167 = arith.constant 48 : index
    %get3A_168 = tpu.vector_load %arg18[%get3A_167] {strides = array<i32>} : memref<80xi32, #tpu.memory_space<vmem>>, vector<16xi32>,
    %shift_right_logical3A_169 = arith.constant 7 : i32
    %shift_right_logical3A_170 = vector.broadcast %shift_right_logical3A_169 : i32 to vector<16xi32>
    %shift_right_logical3A_171 = arith.shrui %get3A_168, %shift_right_logical3A_170 : vector<16xi32>
    %and3A_172 = arith.constant 127 : i32
    %and3A_173 = vector.broadcast %and3A_172 : i32 to vector<16xi32>
    %and3A_174 = arith.andi %get3A_168, %and3A_173 : vector<16xi32>
    %broadcast_in_dim3A_175 = arith.constant 1.000000e+00 : f32
    %broadcast_in_dim3A_176 = vector.broadcast %broadcast_in_dim3A_175 : f32 to vector<16xf32>
    tpu.vector_store_idx %arg21[%shift_right_logical3A_171, %and3A_174], %broadcast_in_dim3A_176 {add = true} : memref<80x128xf32, #tpu.memory_space<vmem>>[vector<16xi32>, vector<16xi32>], vector<16xf32>,
    %get3A_177 = arith.constant 64 : index
    %get3A_178 = tpu.vector_load %arg18[%get3A_177] {strides = array<i32>} : memref<80xi32, #tpu.memory_space<vmem>>, vector<16xi32>,
    %shift_right_logical3A_179 = arith.constant 7 : i32
    %shift_right_logical3A_180 = vector.broadcast %shift_right_logical3A_179 : i32 to vector<16xi32>
    %shift_right_logical3A_181 = arith.shrui %get3A_178, %shift_right_logical3A_180 : vector<16xi32>
    %and3A_182 = arith.constant 127 : i32
    %and3A_183 = vector.broadcast %and3A_182 : i32 to vector<16xi32>
    %and3A_184 = arith.andi %get3A_178, %and3A_183 : vector<16xi32>
    %broadcast_in_dim3A_185 = arith.constant 1.000000e+00 : f32
    %broadcast_in_dim3A_186 = vector.broadcast %broadcast_in_dim3A_185 : f32 to vector<16xf32>
    tpu.vector_store_idx %arg21[%shift_right_logical3A_181, %and3A_184], %broadcast_in_dim3A_186 {add = true} : memref<80x128xf32, #tpu.memory_space<vmem>>[vector<16xi32>, vector<16xi32>], vector<16xf32>,
    %add3A_187 = arith.constant 64 : i32
    %add3A_188 = arith.addi %add3A, %add3A_187 : i32
    %mul3A_189 = arith.constant 80 : i32
    %mul3A_190 = arith.muli %add3A_188, %mul3A_189 : i32
    %dma_start3A_191 = arith.constant 0 : i32
    %dma_start3A_192 = tpu.memref_slice %arg2[%mul3A_190, %dma_start3A_191] : memref<320000x128xf32, #tpu.memory_space<hbm>> -> memref<80x128xf32, #tpu.memory_space<hbm>>
    %dma_start3A_193 = arith.constant 0 : i32
    %dma_start3A_194 = tpu.memref_slice %arg2[%mul3A_190, %dma_start3A_193] : memref<320000x128xf32, #tpu.memory_space<hbm>> -> memref<80x128xf32, #tpu.memory_space<hbm>>
    tpu.enqueue_dma source(%dma_start3A_194 : memref<80x128xf32, #tpu.memory_space<hbm>>) target(%arg17 : memref<80x128xf32, #tpu.memory_space<vmem>>) target_semaphore(%arg24 : memref<!tpu.dma_semaphore, #tpu.memory_space<semaphore_mem>>)
    %mul3A_195 = arith.constant 80 : i32
    %mul3A_196 = arith.muli %add3A_188, %mul3A_195 : i32
    %dma_start3A_197 = tpu.memref_slice %arg3[%mul3A_196] : memref<320000xi32, #tpu.memory_space<hbm>> -> memref<80xi32, #tpu.memory_space<hbm>>
    %dma_start3A_198 = tpu.memref_slice %arg3[%mul3A_196] : memref<320000xi32, #tpu.memory_space<hbm>> -> memref<80xi32, #tpu.memory_space<hbm>>
    tpu.enqueue_dma source(%dma_start3A_198 : memref<80xi32, #tpu.memory_space<hbm>>) target(%arg20 : memref<80xi32, #tpu.memory_space<vmem>>) target_semaphore(%arg27 : memref<!tpu.dma_semaphore, #tpu.memory_space<semaphore_mem>>)
    %add3A_199 = arith.constant 32 : i32
    %add3A_200 = arith.addi %add3A, %add3A_199 : i32
    %mul3A_201 = arith.constant 80 : i32
    %mul3A_202 = arith.muli %add3A_200, %mul3A_201 : i32
    %dma_wait3A_203 = arith.constant 0 : i32
    %dma_wait3A_204 = tpu.memref_slice %arg2[%mul3A_202, %dma_wait3A_203] : memref<320000x128xf32, #tpu.memory_space<hbm>> -> memref<80x128xf32, #tpu.memory_space<hbm>>
    %dma_wait3A_205 = arith.constant 0 : i32
    %dma_wait3A_206 = tpu.memref_slice %arg2[%mul3A_202, %dma_wait3A_205] : memref<320000x128xf32, #tpu.memory_space<hbm>> -> memref<80x128xf32, #tpu.memory_space<hbm>>
    tpu.wait_dma2 semaphore(%arg23 : memref<!tpu.dma_semaphore, #tpu.memory_space<semaphore_mem>>) src(%dma_wait3A_206 : memref<80x128xf32, #tpu.memory_space<hbm>>) dst(%arg16 : memref<80x128xf32, #tpu.memory_space<vmem>>)
    %mul3A_207 = arith.constant 80 : i32
    %mul3A_208 = arith.muli %add3A_200, %mul3A_207 : i32
    %dma_wait3A_209 = tpu.memref_slice %arg3[%mul3A_208] : memref<320000xi32, #tpu.memory_space<hbm>> -> memref<80xi32, #tpu.memory_space<hbm>>
    %dma_wait3A_210 = tpu.memref_slice %arg3[%mul3A_208] : memref<320000xi32, #tpu.memory_space<hbm>> -> memref<80xi32, #tpu.memory_space<hbm>>
    tpu.wait_dma2 semaphore(%arg26 : memref<!tpu.dma_semaphore, #tpu.memory_space<semaphore_mem>>) src(%dma_wait3A_210 : memref<80xi32, #tpu.memory_space<hbm>>) dst(%arg19 : memref<80xi32, #tpu.memory_space<vmem>>)
    %dma_start3A_211 = arith.constant 0 : i32
    %dma_start3A_212 = arith.constant 0 : i32
    %dma_start3A_213 = tpu.memref_slice %arg14[%dma_start3A_211, %dma_start3A_212] : memref<10240x128xf32, #tpu.memory_space<vmem_shared>> -> memref<10240x128xf32, #tpu.memory_space<vmem_shared>>
    tpu.enqueue_indirect_dma source(%arg16 : memref<80x128xf32, #tpu.memory_space<vmem>>) target(%dma_start3A_213 : memref<10240x128xf32, #tpu.memory_space<vmem_shared>>) offsets(%arg19 : memref<80xi32, #tpu.memory_space<vmem>>) semaphore(%arg29 : memref<!tpu.dma_semaphore, #tpu.memory_space<semaphore_mem>>) {add = true}
    %get3A_214 = arith.constant 0 : index
    %get3A_215 = tpu.vector_load %arg19[%get3A_214] {strides = array<i32>} : memref<80xi32, #tpu.memory_space<vmem>>, vector<16xi32>,
    %shift_right_logical3A_216 = arith.constant 7 : i32
    %shift_right_logical3A_217 = vector.broadcast %shift_right_logical3A_216 : i32 to vector<16xi32>
    %shift_right_logical3A_218 = arith.shrui %get3A_215, %shift_right_logical3A_217 : vector<16xi32>
    %and3A_219 = arith.constant 127 : i32
    %and3A_220 = vector.broadcast %and3A_219 : i32 to vector<16xi32>
    %and3A_221 = arith.andi %get3A_215, %and3A_220 : vector<16xi32>
    %broadcast_in_dim3A_222 = arith.constant 1.000000e+00 : f32
    %broadcast_in_dim3A_223 = vector.broadcast %broadcast_in_dim3A_222 : f32 to vector<16xf32>
    tpu.vector_store_idx %arg21[%shift_right_logical3A_218, %and3A_221], %broadcast_in_dim3A_223 {add = true} : memref<80x128xf32, #tpu.memory_space<vmem>>[vector<16xi32>, vector<16xi32>], vector<16xf32>,
    %get3A_224 = arith.constant 16 : index
    %get3A_225 = tpu.vector_load %arg19[%get3A_224] {strides = array<i32>} : memref<80xi32, #tpu.memory_space<vmem>>, vector<16xi32>,
    %shift_right_logical3A_226 = arith.constant 7 : i32
    %shift_right_logical3A_227 = vector.broadcast %shift_right_logical3A_226 : i32 to vector<16xi32>
    %shift_right_logical3A_228 = arith.shrui %get3A_225, %shift_right_logical3A_227 : vector<16xi32>
    %and3A_229 = arith.constant 127 : i32
    %and3A_230 = vector.broadcast %and3A_229 : i32 to vector<16xi32>
    %and3A_231 = arith.andi %get3A_225, %and3A_230 : vector<16xi32>
    %broadcast_in_dim3A_232 = arith.constant 1.000000e+00 : f32
    %broadcast_in_dim3A_233 = vector.broadcast %broadcast_in_dim3A_232 : f32 to vector<16xf32>
    tpu.vector_store_idx %arg21[%shift_right_logical3A_228, %and3A_231], %broadcast_in_dim3A_233 {add = true} : memref<80x128xf32, #tpu.memory_space<vmem>>[vector<16xi32>, vector<16xi32>], vector<16xf32>,
    %get3A_234 = arith.constant 32 : index
    %get3A_235 = tpu.vector_load %arg19[%get3A_234] {strides = array<i32>} : memref<80xi32, #tpu.memory_space<vmem>>, vector<16xi32>,
    %shift_right_logical3A_236 = arith.constant 7 : i32
    %shift_right_logical3A_237 = vector.broadcast %shift_right_logical3A_236 : i32 to vector<16xi32>
    %shift_right_logical3A_238 = arith.shrui %get3A_235, %shift_right_logical3A_237 : vector<16xi32>
    %and3A_239 = arith.constant 127 : i32
    %and3A_240 = vector.broadcast %and3A_239 : i32 to vector<16xi32>
    %and3A_241 = arith.andi %get3A_235, %and3A_240 : vector<16xi32>
    %broadcast_in_dim3A_242 = arith.constant 1.000000e+00 : f32
    %broadcast_in_dim3A_243 = vector.broadcast %broadcast_in_dim3A_242 : f32 to vector<16xf32>
    tpu.vector_store_idx %arg21[%shift_right_logical3A_238, %and3A_241], %broadcast_in_dim3A_243 {add = true} : memref<80x128xf32, #tpu.memory_space<vmem>>[vector<16xi32>, vector<16xi32>], vector<16xf32>,
    %get3A_244 = arith.constant 48 : index
    %get3A_245 = tpu.vector_load %arg19[%get3A_244] {strides = array<i32>} : memref<80xi32, #tpu.memory_space<vmem>>, vector<16xi32>,
    %shift_right_logical3A_246 = arith.constant 7 : i32
    %shift_right_logical3A_247 = vector.broadcast %shift_right_logical3A_246 : i32 to vector<16xi32>
    %shift_right_logical3A_248 = arith.shrui %get3A_245, %shift_right_logical3A_247 : vector<16xi32>
    %and3A_249 = arith.constant 127 : i32
    %and3A_250 = vector.broadcast %and3A_249 : i32 to vector<16xi32>
    %and3A_251 = arith.andi %get3A_245, %and3A_250 : vector<16xi32>
    %broadcast_in_dim3A_252 = arith.constant 1.000000e+00 : f32
    %broadcast_in_dim3A_253 = vector.broadcast %broadcast_in_dim3A_252 : f32 to vector<16xf32>
    tpu.vector_store_idx %arg21[%shift_right_logical3A_248, %and3A_251], %broadcast_in_dim3A_253 {add = true} : memref<80x128xf32, #tpu.memory_space<vmem>>[vector<16xi32>, vector<16xi32>], vector<16xf32>,
    %get3A_254 = arith.constant 64 : index
    %get3A_255 = tpu.vector_load %arg19[%get3A_254] {strides = array<i32>} : memref<80xi32, #tpu.memory_space<vmem>>, vector<16xi32>,
    %shift_right_logical3A_256 = arith.constant 7 : i32
    %shift_right_logical3A_257 = vector.broadcast %shift_right_logical3A_256 : i32 to vector<16xi32>
    %shift_right_logical3A_258 = arith.shrui %get3A_255, %shift_right_logical3A_257 : vector<16xi32>
    %and3A_259 = arith.constant 127 : i32
    %and3A_260 = vector.broadcast %and3A_259 : i32 to vector<16xi32>
    %and3A_261 = arith.andi %get3A_255, %and3A_260 : vector<16xi32>
    %broadcast_in_dim3A_262 = arith.constant 1.000000e+00 : f32
    %broadcast_in_dim3A_263 = vector.broadcast %broadcast_in_dim3A_262 : f32 to vector<16xf32>
    tpu.vector_store_idx %arg21[%shift_right_logical3A_258, %and3A_261], %broadcast_in_dim3A_263 {add = true} : memref<80x128xf32, #tpu.memory_space<vmem>>[vector<16xi32>, vector<16xi32>], vector<16xf32>,
    %dma_wait3A_264 = arith.constant 0 : i32
    %dma_wait3A_265 = arith.constant 0 : i32
    %dma_wait3A_266 = tpu.memref_slice %arg14[%dma_wait3A_264, %dma_wait3A_265] : memref<10240x128xf32, #tpu.memory_space<vmem_shared>> -> memref<10240x128xf32, #tpu.memory_space<vmem_shared>>
    tpu.wait_indirect_dma semaphore(%arg28 : memref<!tpu.dma_semaphore, #tpu.memory_space<semaphore_mem>>) src(%arg15 : memref<80x128xf32, #tpu.memory_space<vmem>>) dst(%dma_wait3A_266 : memref<10240x128xf32, #tpu.memory_space<vmem_shared>>)
    %add3A_267 = arith.constant 96 : i32
    %add3A_268 = arith.addi %add3A, %add3A_267 : i32
    %mul3A_269 = arith.constant 80 : i32
    %mul3A_270 = arith.muli %add3A_268, %mul3A_269 : i32
    %dma_start3A_271 = arith.constant 0 : i32
    %dma_start3A_272 = tpu.memref_slice %arg2[%mul3A_270, %dma_start3A_271] : memref<320000x128xf32, #tpu.memory_space<hbm>> -> memref<80x128xf32, #tpu.memory_space<hbm>>
    %dma_start3A_273 = arith.constant 0 : i32
    %dma_start3A_274 = tpu.memref_slice %arg2[%mul3A_270, %dma_start3A_273] : memref<320000x128xf32, #tpu.memory_space<hbm>> -> memref<80x128xf32, #tpu.memory_space<hbm>>
    tpu.enqueue_dma source(%dma_start3A_274 : memref<80x128xf32, #tpu.memory_space<hbm>>) target(%arg15 : memref<80x128xf32, #tpu.memory_space<vmem>>) target_semaphore(%arg22 : memref<!tpu.dma_semaphore, #tpu.memory_space<semaphore_mem>>)
    %mul3A_275 = arith.constant 80 : i32
    %mul3A_276 = arith.muli %add3A_268, %mul3A_275 : i32
    %dma_start3A_277 = tpu.memref_slice %arg3[%mul3A_276] : memref<320000xi32, #tpu.memory_space<hbm>> -> memref<80xi32, #tpu.memory_space<hbm>>
    %dma_start3A_278 = tpu.memref_slice %arg3[%mul3A_276] : memref<320000xi32, #tpu.memory_space<hbm>> -> memref<80xi32, #tpu.memory_space<hbm>>
    tpu.enqueue_dma source(%dma_start3A_278 : memref<80xi32, #tpu.memory_space<hbm>>) target(%arg18 : memref<80xi32, #tpu.memory_space<vmem>>) target_semaphore(%arg25 : memref<!tpu.dma_semaphore, #tpu.memory_space<semaphore_mem>>)
    %add3A_279 = arith.constant 64 : i32
    %add3A_280 = arith.addi %add3A, %add3A_279 : i32
    %mul3A_281 = arith.constant 80 : i32
    %mul3A_282 = arith.muli %add3A_280, %mul3A_281 : i32
    %dma_wait3A_283 = arith.constant 0 : i32
    %dma_wait3A_284 = tpu.memref_slice %arg2[%mul3A_282, %dma_wait3A_283] : memref<320000x128xf32, #tpu.memory_space<hbm>> -> memref<80x128xf32, #tpu.memory_space<hbm>>
    %dma_wait3A_285 = arith.constant 0 : i32
    %dma_wait3A_286 = tpu.memref_slice %arg2[%mul3A_282, %dma_wait3A_285] : memref<320000x128xf32, #tpu.memory_space<hbm>> -> memref<80x128xf32, #tpu.memory_space<hbm>>
    tpu.wait_dma2 semaphore(%arg24 : memref<!tpu.dma_semaphore, #tpu.memory_space<semaphore_mem>>) src(%dma_wait3A_286 : memref<80x128xf32, #tpu.memory_space<hbm>>) dst(%arg17 : memref<80x128xf32, #tpu.memory_space<vmem>>)
    %mul3A_287 = arith.constant 80 : i32
    %mul3A_288 = arith.muli %add3A_280, %mul3A_287 : i32
    %dma_wait3A_289 = tpu.memref_slice %arg3[%mul3A_288] : memref<320000xi32, #tpu.memory_space<hbm>> -> memref<80xi32, #tpu.memory_space<hbm>>
    %dma_wait3A_290 = tpu.memref_slice %arg3[%mul3A_288] : memref<320000xi32, #tpu.memory_space<hbm>> -> memref<80xi32, #tpu.memory_space<hbm>>
    tpu.wait_dma2 semaphore(%arg27 : memref<!tpu.dma_semaphore, #tpu.memory_space<semaphore_mem>>) src(%dma_wait3A_290 : memref<80xi32, #tpu.memory_space<hbm>>) dst(%arg20 : memref<80xi32, #tpu.memory_space<vmem>>)
    %dma_start3A_291 = arith.constant 0 : i32
    %dma_start3A_292 = arith.constant 0 : i32
    %dma_start3A_293 = tpu.memref_slice %arg14[%dma_start3A_291, %dma_start3A_292] : memref<10240x128xf32, #tpu.memory_space<vmem_shared>> -> memref<10240x128xf32, #tpu.memory_space<vmem_shared>>
    tpu.enqueue_indirect_dma source(%arg17 : memref<80x128xf32, #tpu.memory_space<vmem>>) target(%dma_start3A_293 : memref<10240x128xf32, #tpu.memory_space<vmem_shared>>) offsets(%arg20 : memref<80xi32, #tpu.memory_space<vmem>>) semaphore(%arg30 : memref<!tpu.dma_semaphore, #tpu.memory_space<semaphore_mem>>) {add = true}
    %get3A_294 = arith.constant 0 : index
    %get3A_295 = tpu.vector_load %arg20[%get3A_294] {strides = array<i32>} : memref<80xi32, #tpu.memory_space<vmem>>, vector<16xi32>,
    %shift_right_logical3A_296 = arith.constant 7 : i32
    %shift_right_logical3A_297 = vector.broadcast %shift_right_logical3A_296 : i32 to vector<16xi32>
    %shift_right_logical3A_298 = arith.shrui %get3A_295, %shift_right_logical3A_297 : vector<16xi32>
    %and3A_299 = arith.constant 127 : i32
    %and3A_300 = vector.broadcast %and3A_299 : i32 to vector<16xi32>
    %and3A_301 = arith.andi %get3A_295, %and3A_300 : vector<16xi32>
    %broadcast_in_dim3A_302 = arith.constant 1.000000e+00 : f32
    %broadcast_in_dim3A_303 = vector.broadcast %broadcast_in_dim3A_302 : f32 to vector<16xf32>
    tpu.vector_store_idx %arg21[%shift_right_logical3A_298, %and3A_301], %broadcast_in_dim3A_303 {add = true} : memref<80x128xf32, #tpu.memory_space<vmem>>[vector<16xi32>, vector<16xi32>], vector<16xf32>,
    %get3A_304 = arith.constant 16 : index
    %get3A_305 = tpu.vector_load %arg20[%get3A_304] {strides = array<i32>} : memref<80xi32, #tpu.memory_space<vmem>>, vector<16xi32>,
    %shift_right_logical3A_306 = arith.constant 7 : i32
    %shift_right_logical3A_307 = vector.broadcast %shift_right_logical3A_306 : i32 to vector<16xi32>
    %shift_right_logical3A_308 = arith.shrui %get3A_305, %shift_right_logical3A_307 : vector<16xi32>
    %and3A_309 = arith.constant 127 : i32
    %and3A_310 = vector.broadcast %and3A_309 : i32 to vector<16xi32>
    %and3A_311 = arith.andi %get3A_305, %and3A_310 : vector<16xi32>
    %broadcast_in_dim3A_312 = arith.constant 1.000000e+00 : f32
    %broadcast_in_dim3A_313 = vector.broadcast %broadcast_in_dim3A_312 : f32 to vector<16xf32>
    tpu.vector_store_idx %arg21[%shift_right_logical3A_308, %and3A_311], %broadcast_in_dim3A_313 {add = true} : memref<80x128xf32, #tpu.memory_space<vmem>>[vector<16xi32>, vector<16xi32>], vector<16xf32>,
    %get3A_314 = arith.constant 32 : index
    %get3A_315 = tpu.vector_load %arg20[%get3A_314] {strides = array<i32>} : memref<80xi32, #tpu.memory_space<vmem>>, vector<16xi32>,
    %shift_right_logical3A_316 = arith.constant 7 : i32
    %shift_right_logical3A_317 = vector.broadcast %shift_right_logical3A_316 : i32 to vector<16xi32>
    %shift_right_logical3A_318 = arith.shrui %get3A_315, %shift_right_logical3A_317 : vector<16xi32>
    %and3A_319 = arith.constant 127 : i32
    %and3A_320 = vector.broadcast %and3A_319 : i32 to vector<16xi32>
    %and3A_321 = arith.andi %get3A_315, %and3A_320 : vector<16xi32>
    %broadcast_in_dim3A_322 = arith.constant 1.000000e+00 : f32
    %broadcast_in_dim3A_323 = vector.broadcast %broadcast_in_dim3A_322 : f32 to vector<16xf32>
    tpu.vector_store_idx %arg21[%shift_right_logical3A_318, %and3A_321], %broadcast_in_dim3A_323 {add = true} : memref<80x128xf32, #tpu.memory_space<vmem>>[vector<16xi32>, vector<16xi32>], vector<16xf32>,
    %get3A_324 = arith.constant 48 : index
    %get3A_325 = tpu.vector_load %arg20[%get3A_324] {strides = array<i32>} : memref<80xi32, #tpu.memory_space<vmem>>, vector<16xi32>,
    %shift_right_logical3A_326 = arith.constant 7 : i32
    %shift_right_logical3A_327 = vector.broadcast %shift_right_logical3A_326 : i32 to vector<16xi32>
    %shift_right_logical3A_328 = arith.shrui %get3A_325, %shift_right_logical3A_327 : vector<16xi32>
    %and3A_329 = arith.constant 127 : i32
    %and3A_330 = vector.broadcast %and3A_329 : i32 to vector<16xi32>
    %and3A_331 = arith.andi %get3A_325, %and3A_330 : vector<16xi32>
    %broadcast_in_dim3A_332 = arith.constant 1.000000e+00 : f32
    %broadcast_in_dim3A_333 = vector.broadcast %broadcast_in_dim3A_332 : f32 to vector<16xf32>
    tpu.vector_store_idx %arg21[%shift_right_logical3A_328, %and3A_331], %broadcast_in_dim3A_333 {add = true} : memref<80x128xf32, #tpu.memory_space<vmem>>[vector<16xi32>, vector<16xi32>], vector<16xf32>,
    %get3A_334 = arith.constant 64 : index
    %get3A_335 = tpu.vector_load %arg20[%get3A_334] {strides = array<i32>} : memref<80xi32, #tpu.memory_space<vmem>>, vector<16xi32>,
    %shift_right_logical3A_336 = arith.constant 7 : i32
    %shift_right_logical3A_337 = vector.broadcast %shift_right_logical3A_336 : i32 to vector<16xi32>
    %shift_right_logical3A_338 = arith.shrui %get3A_335, %shift_right_logical3A_337 : vector<16xi32>
    %and3A_339 = arith.constant 127 : i32
    %and3A_340 = vector.broadcast %and3A_339 : i32 to vector<16xi32>
    %and3A_341 = arith.andi %get3A_335, %and3A_340 : vector<16xi32>
    %broadcast_in_dim3A_342 = arith.constant 1.000000e+00 : f32
    %broadcast_in_dim3A_343 = vector.broadcast %broadcast_in_dim3A_342 : f32 to vector<16xf32>
    tpu.vector_store_idx %arg21[%shift_right_logical3A_338, %and3A_341], %broadcast_in_dim3A_343 {add = true} : memref<80x128xf32, #tpu.memory_space<vmem>>[vector<16xi32>, vector<16xi32>], vector<16xf32>,
    %dma_wait3A_344 = arith.constant 0 : i32
    %dma_wait3A_345 = arith.constant 0 : i32
    %dma_wait3A_346 = tpu.memref_slice %arg14[%dma_wait3A_344, %dma_wait3A_345] : memref<10240x128xf32, #tpu.memory_space<vmem_shared>> -> memref<10240x128xf32, #tpu.memory_space<vmem_shared>>
    tpu.wait_indirect_dma semaphore(%arg29 : memref<!tpu.dma_semaphore, #tpu.memory_space<semaphore_mem>>) src(%arg16 : memref<80x128xf32, #tpu.memory_space<vmem>>) dst(%dma_wait3A_346 : memref<10240x128xf32, #tpu.memory_space<vmem_shared>>)
    %add3A_347 = arith.constant 128 : i32
    %add3A_348 = arith.addi %add3A, %add3A_347 : i32
    %mul3A_349 = arith.constant 80 : i32
    %mul3A_350 = arith.muli %add3A_348, %mul3A_349 : i32
    %dma_start3A_351 = arith.constant 0 : i32
    %dma_start3A_352 = tpu.memref_slice %arg2[%mul3A_350, %dma_start3A_351] : memref<320000x128xf32, #tpu.memory_space<hbm>> -> memref<80x128xf32, #tpu.memory_space<hbm>>
    %dma_start3A_353 = arith.constant 0 : i32
    %dma_start3A_354 = tpu.memref_slice %arg2[%mul3A_350, %dma_start3A_353] : memref<320000x128xf32, #tpu.memory_space<hbm>> -> memref<80x128xf32, #tpu.memory_space<hbm>>
    tpu.enqueue_dma source(%dma_start3A_354 : memref<80x128xf32, #tpu.memory_space<hbm>>) target(%arg16 : memref<80x128xf32, #tpu.memory_space<vmem>>) target_semaphore(%arg23 : memref<!tpu.dma_semaphore, #tpu.memory_space<semaphore_mem>>)
    %mul3A_355 = arith.constant 80 : i32
    %mul3A_356 = arith.muli %add3A_348, %mul3A_355 : i32
    %dma_start3A_357 = tpu.memref_slice %arg3[%mul3A_356] : memref<320000xi32, #tpu.memory_space<hbm>> -> memref<80xi32, #tpu.memory_space<hbm>>
    %dma_start3A_358 = tpu.memref_slice %arg3[%mul3A_356] : memref<320000xi32, #tpu.memory_space<hbm>> -> memref<80xi32, #tpu.memory_space<hbm>>
    tpu.enqueue_dma source(%dma_start3A_358 : memref<80xi32, #tpu.memory_space<hbm>>) target(%arg19 : memref<80xi32, #tpu.memory_space<vmem>>) target_semaphore(%arg26 : memref<!tpu.dma_semaphore, #tpu.memory_space<semaphore_mem>>)
    %scan3A_359 = arith.constant 0 : i32
    %scan3A_360 = arith.constant 1 : i32
    %scan3A_361 = arith.constant 40 : i32
    %scan3A_362 = arith.addi %scan3A_360, %scan3A_361 : i32
    %scan3A_363 = arith.constant 1 : i32
    scf.for %scan3A_1909 = %scan3A_360 to %scan3A_362 step %scan3A_363  : i32 {
      %mul3A_1910 = arith.constant 3 : i32
      %mul3A_1911 = arith.muli %mul3A_1910, %scan3A_1909 : i32
      %add3A_1912 = arith.constant 0 : i32
      %add3A_1913 = arith.addi %mul3A_1911, %add3A_1912 : i32
      %mul3A_1914 = arith.constant 32 : i32
      %mul3A_1915 = arith.muli %mul3A_1914, %add3A_1913 : i32
      %add3A_1916 = arith.addi %add3A, %mul3A_1915 : i32
      %mul3A_1917 = arith.constant 80 : i32
      %mul3A_1918 = arith.muli %add3A_1916, %mul3A_1917 : i32
      %dma_wait3A_1919 = arith.constant 0 : i32
      %dma_wait3A_1920 = tpu.memref_slice %arg2[%mul3A_1918, %dma_wait3A_1919] : memref<320000x128xf32, #tpu.memory_space<hbm>> -> memref<80x128xf32, #tpu.memory_space<hbm>>
      %dma_wait3A_1921 = arith.constant 0 : i32
      %dma_wait3A_1922 = tpu.memref_slice %arg2[%mul3A_1918, %dma_wait3A_1921] : memref<320000x128xf32, #tpu.memory_space<hbm>> -> memref<80x128xf32, #tpu.memory_space<hbm>>
      tpu.wait_dma2 semaphore(%arg22 : memref<!tpu.dma_semaphore, #tpu.memory_space<semaphore_mem>>) src(%dma_wait3A_1922 : memref<80x128xf32, #tpu.memory_space<hbm>>) dst(%arg15 : memref<80x128xf32, #tpu.memory_space<vmem>>)
      %mul3A_1923 = arith.constant 80 : i32
      %mul3A_1924 = arith.muli %add3A_1916, %mul3A_1923 : i32
      %dma_wait3A_1925 = tpu.memref_slice %arg3[%mul3A_1924] : memref<320000xi32, #tpu.memory_space<hbm>> -> memref<80xi32, #tpu.memory_space<hbm>>
      %dma_wait3A_1926 = tpu.memref_slice %arg3[%mul3A_1924] : memref<320000xi32, #tpu.memory_space<hbm>> -> memref<80xi32, #tpu.memory_space<hbm>>
      tpu.wait_dma2 semaphore(%arg25 : memref<!tpu.dma_semaphore, #tpu.memory_space<semaphore_mem>>) src(%dma_wait3A_1926 : memref<80xi32, #tpu.memory_space<hbm>>) dst(%arg18 : memref<80xi32, #tpu.memory_space<vmem>>)
      %dma_start3A_1927 = arith.constant 0 : i32
      %dma_start3A_1928 = arith.constant 0 : i32
      %dma_start3A_1929 = tpu.memref_slice %arg14[%dma_start3A_1927, %dma_start3A_1928] : memref<10240x128xf32, #tpu.memory_space<vmem_shared>> -> memref<10240x128xf32, #tpu.memory_space<vmem_shared>>
      tpu.enqueue_indirect_dma source(%arg15 : memref<80x128xf32, #tpu.memory_space<vmem>>) target(%dma_start3A_1929 : memref<10240x128xf32, #tpu.memory_space<vmem_shared>>) offsets(%arg18 : memref<80xi32, #tpu.memory_space<vmem>>) semaphore(%arg28 : memref<!tpu.dma_semaphore, #tpu.memory_space<semaphore_mem>>) {add = true}
      %get3A_1930 = arith.constant 0 : index
      %get3A_1931 = tpu.vector_load %arg18[%get3A_1930] {strides = array<i32>} : memref<80xi32, #tpu.memory_space<vmem>>, vector<16xi32>,
      %shift_right_logical3A_1932 = arith.constant 7 : i32
      %shift_right_logical3A_1933 = vector.broadcast %shift_right_logical3A_1932 : i32 to vector<16xi32>
      %shift_right_logical3A_1934 = arith.shrui %get3A_1931, %shift_right_logical3A_1933 : vector<16xi32>
      %and3A_1935 = arith.constant 127 : i32
      %and3A_1936 = vector.broadcast %and3A_1935 : i32 to vector<16xi32>
      %and3A_1937 = arith.andi %get3A_1931, %and3A_1936 : vector<16xi32>
      %broadcast_in_dim3A_1938 = arith.constant 1.000000e+00 : f32
      %broadcast_in_dim3A_1939 = vector.broadcast %broadcast_in_dim3A_1938 : f32 to vector<16xf32>
      tpu.vector_store_idx %arg21[%shift_right_logical3A_1934, %and3A_1937], %broadcast_in_dim3A_1939 {add = true} : memref<80x128xf32, #tpu.memory_space<vmem>>[vector<16xi32>, vector<16xi32>], vector<16xf32>,
      %get3A_1940 = arith.constant 16 : index
      %get3A_1941 = tpu.vector_load %arg18[%get3A_1940] {strides = array<i32>} : memref<80xi32, #tpu.memory_space<vmem>>, vector<16xi32>,
      %shift_right_logical3A_1942 = arith.constant 7 : i32
      %shift_right_logical3A_1943 = vector.broadcast %shift_right_logical3A_1942 : i32 to vector<16xi32>
      %shift_right_logical3A_1944 = arith.shrui %get3A_1941, %shift_right_logical3A_1943 : vector<16xi32>
      %and3A_1945 = arith.constant 127 : i32
      %and3A_1946 = vector.broadcast %and3A_1945 : i32 to vector<16xi32>
      %and3A_1947 = arith.andi %get3A_1941, %and3A_1946 : vector<16xi32>
      %broadcast_in_dim3A_1948 = arith.constant 1.000000e+00 : f32
      %broadcast_in_dim3A_1949 = vector.broadcast %broadcast_in_dim3A_1948 : f32 to vector<16xf32>
      tpu.vector_store_idx %arg21[%shift_right_logical3A_1944, %and3A_1947], %broadcast_in_dim3A_1949 {add = true} : memref<80x128xf32, #tpu.memory_space<vmem>>[vector<16xi32>, vector<16xi32>], vector<16xf32>,
      %get3A_1950 = arith.constant 32 : index
      %get3A_1951 = tpu.vector_load %arg18[%get3A_1950] {strides = array<i32>} : memref<80xi32, #tpu.memory_space<vmem>>, vector<16xi32>,
      %shift_right_logical3A_1952 = arith.constant 7 : i32
      %shift_right_logical3A_1953 = vector.broadcast %shift_right_logical3A_1952 : i32 to vector<16xi32>
      %shift_right_logical3A_1954 = arith.shrui %get3A_1951, %shift_right_logical3A_1953 : vector<16xi32>
      %and3A_1955 = arith.constant 127 : i32
      %and3A_1956 = vector.broadcast %and3A_1955 : i32 to vector<16xi32>
      %and3A_1957 = arith.andi %get3A_1951, %and3A_1956 : vector<16xi32>
      %broadcast_in_dim3A_1958 = arith.constant 1.000000e+00 : f32
      %broadcast_in_dim3A_1959 = vector.broadcast %broadcast_in_dim3A_1958 : f32 to vector<16xf32>
      tpu.vector_store_idx %arg21[%shift_right_logical3A_1954, %and3A_1957], %broadcast_in_dim3A_1959 {add = true} : memref<80x128xf32, #tpu.memory_space<vmem>>[vector<16xi32>, vector<16xi32>], vector<16xf32>,
      %get3A_1960 = arith.constant 48 : index
      %get3A_1961 = tpu.vector_load %arg18[%get3A_1960] {strides = array<i32>} : memref<80xi32, #tpu.memory_space<vmem>>, vector<16xi32>,
      %shift_right_logical3A_1962 = arith.constant 7 : i32
      %shift_right_logical3A_1963 = vector.broadcast %shift_right_logical3A_1962 : i32 to vector<16xi32>
      %shift_right_logical3A_1964 = arith.shrui %get3A_1961, %shift_right_logical3A_1963 : vector<16xi32>
      %and3A_1965 = arith.constant 127 : i32
      %and3A_1966 = vector.broadcast %and3A_1965 : i32 to vector<16xi32>
      %and3A_1967 = arith.andi %get3A_1961, %and3A_1966 : vector<16xi32>
      %broadcast_in_dim3A_1968 = arith.constant 1.000000e+00 : f32
      %broadcast_in_dim3A_1969 = vector.broadcast %broadcast_in_dim3A_1968 : f32 to vector<16xf32>
      tpu.vector_store_idx %arg21[%shift_right_logical3A_1964, %and3A_1967], %broadcast_in_dim3A_1969 {add = true} : memref<80x128xf32, #tpu.memory_space<vmem>>[vector<16xi32>, vector<16xi32>], vector<16xf32>,
      %get3A_1970 = arith.constant 64 : index
      %get3A_1971 = tpu.vector_load %arg18[%get3A_1970] {strides = array<i32>} : memref<80xi32, #tpu.memory_space<vmem>>, vector<16xi32>,
      %shift_right_logical3A_1972 = arith.constant 7 : i32
      %shift_right_logical3A_1973 = vector.broadcast %shift_right_logical3A_1972 : i32 to vector<16xi32>
      %shift_right_logical3A_1974 = arith.shrui %get3A_1971, %shift_right_logical3A_1973 : vector<16xi32>
      %and3A_1975 = arith.constant 127 : i32
      %and3A_1976 = vector.broadcast %and3A_1975 : i32 to vector<16xi32>
      %and3A_1977 = arith.andi %get3A_1971, %and3A_1976 : vector<16xi32>
      %broadcast_in_dim3A_1978 = arith.constant 1.000000e+00 : f32
      %broadcast_in_dim3A_1979 = vector.broadcast %broadcast_in_dim3A_1978 : f32 to vector<16xf32>
      tpu.vector_store_idx %arg21[%shift_right_logical3A_1974, %and3A_1977], %broadcast_in_dim3A_1979 {add = true} : memref<80x128xf32, #tpu.memory_space<vmem>>[vector<16xi32>, vector<16xi32>], vector<16xf32>,
      %dma_wait3A_1980 = arith.constant 0 : i32
      %dma_wait3A_1981 = arith.constant 0 : i32
      %dma_wait3A_1982 = tpu.memref_slice %arg14[%dma_wait3A_1980, %dma_wait3A_1981] : memref<10240x128xf32, #tpu.memory_space<vmem_shared>> -> memref<10240x128xf32, #tpu.memory_space<vmem_shared>>
      tpu.wait_indirect_dma semaphore(%arg30 : memref<!tpu.dma_semaphore, #tpu.memory_space<semaphore_mem>>) src(%arg17 : memref<80x128xf32, #tpu.memory_space<vmem>>) dst(%dma_wait3A_1982 : memref<10240x128xf32, #tpu.memory_space<vmem_shared>>)
      %add3A_1983 = arith.constant 2 : i32
      %add3A_1984 = arith.addi %add3A_1913, %add3A_1983 : i32
      %mul3A_1985 = arith.constant 32 : i32
      %mul3A_1986 = arith.muli %mul3A_1985, %add3A_1984 : i32
      %add3A_1987 = arith.addi %add3A, %mul3A_1986 : i32
      %mul3A_1988 = arith.constant 80 : i32
      %mul3A_1989 = arith.muli %add3A_1987, %mul3A_1988 : i32
      %dma_start3A_1990 = arith.constant 0 : i32
      %dma_start3A_1991 = tpu.memref_slice %arg2[%mul3A_1989, %dma_start3A_1990] : memref<320000x128xf32, #tpu.memory_space<hbm>> -> memref<80x128xf32, #tpu.memory_space<hbm>>
      %dma_start3A_1992 = arith.constant 0 : i32
      %dma_start3A_1993 = tpu.memref_slice %arg2[%mul3A_1989, %dma_start3A_1992] : memref<320000x128xf32, #tpu.memory_space<hbm>> -> memref<80x128xf32, #tpu.memory_space<hbm>>
      tpu.enqueue_dma source(%dma_start3A_1993 : memref<80x128xf32, #tpu.memory_space<hbm>>) target(%arg17 : memref<80x128xf32, #tpu.memory_space<vmem>>) target_semaphore(%arg24 : memref<!tpu.dma_semaphore, #tpu.memory_space<semaphore_mem>>)
      %mul3A_1994 = arith.constant 80 : i32
      %mul3A_1995 = arith.muli %add3A_1987, %mul3A_1994 : i32
      %dma_start3A_1996 = tpu.memref_slice %arg3[%mul3A_1995] : memref<320000xi32, #tpu.memory_space<hbm>> -> memref<80xi32, #tpu.memory_space<hbm>>
      %dma_start3A_1997 = tpu.memref_slice %arg3[%mul3A_1995] : memref<320000xi32, #tpu.memory_space<hbm>> -> memref<80xi32, #tpu.memory_space<hbm>>
      tpu.enqueue_dma source(%dma_start3A_1997 : memref<80xi32, #tpu.memory_space<hbm>>) target(%arg20 : memref<80xi32, #tpu.memory_space<vmem>>) target_semaphore(%arg27 : memref<!tpu.dma_semaphore, #tpu.memory_space<semaphore_mem>>)
      %mul3A_1998 = arith.constant 3 : i32
      %mul3A_1999 = arith.muli %mul3A_1998, %scan3A_1909 : i32
      %add3A_2000 = arith.constant 1 : i32
      %add3A_2001 = arith.addi %mul3A_1999, %add3A_2000 : i32
      %mul3A_2002 = arith.constant 32 : i32
      %mul3A_2003 = arith.muli %mul3A_2002, %add3A_2001 : i32
      %add3A_2004 = arith.addi %add3A, %mul3A_2003 : i32
      %mul3A_2005 = arith.constant 80 : i32
      %mul3A_2006 = arith.muli %add3A_2004, %mul3A_2005 : i32
      %dma_wait3A_2007 = arith.constant 0 : i32
      %dma_wait3A_2008 = tpu.memref_slice %arg2[%mul3A_2006, %dma_wait3A_2007] : memref<320000x128xf32, #tpu.memory_space<hbm>> -> memref<80x128xf32, #tpu.memory_space<hbm>>
      %dma_wait3A_2009 = arith.constant 0 : i32
      %dma_wait3A_2010 = tpu.memref_slice %arg2[%mul3A_2006, %dma_wait3A_2009] : memref<320000x128xf32, #tpu.memory_space<hbm>> -> memref<80x128xf32, #tpu.memory_space<hbm>>
      tpu.wait_dma2 semaphore(%arg23 : memref<!tpu.dma_semaphore, #tpu.memory_space<semaphore_mem>>) src(%dma_wait3A_2010 : memref<80x128xf32, #tpu.memory_space<hbm>>) dst(%arg16 : memref<80x128xf32, #tpu.memory_space<vmem>>)
      %mul3A_2011 = arith.constant 80 : i32
      %mul3A_2012 = arith.muli %add3A_2004, %mul3A_2011 : i32
      %dma_wait3A_2013 = tpu.memref_slice %arg3[%mul3A_2012] : memref<320000xi32, #tpu.memory_space<hbm>> -> memref<80xi32, #tpu.memory_space<hbm>>
      %dma_wait3A_2014 = tpu.memref_slice %arg3[%mul3A_2012] : memref<320000xi32, #tpu.memory_space<hbm>> -> memref<80xi32, #tpu.memory_space<hbm>>
      tpu.wait_dma2 semaphore(%arg26 : memref<!tpu.dma_semaphore, #tpu.memory_space<semaphore_mem>>) src(%dma_wait3A_2014 : memref<80xi32, #tpu.memory_space<hbm>>) dst(%arg19 : memref<80xi32, #tpu.memory_space<vmem>>)
      %dma_start3A_2015 = arith.constant 0 : i32
      %dma_start3A_2016 = arith.constant 0 : i32
      %dma_start3A_2017 = tpu.memref_slice %arg14[%dma_start3A_2015, %dma_start3A_2016] : memref<10240x128xf32, #tpu.memory_space<vmem_shared>> -> memref<10240x128xf32, #tpu.memory_space<vmem_shared>>
      tpu.enqueue_indirect_dma source(%arg16 : memref<80x128xf32, #tpu.memory_space<vmem>>) target(%dma_start3A_2017 : memref<10240x128xf32, #tpu.memory_space<vmem_shared>>) offsets(%arg19 : memref<80xi32, #tpu.memory_space<vmem>>) semaphore(%arg29 : memref<!tpu.dma_semaphore, #tpu.memory_space<semaphore_mem>>) {add = true}
      %get3A_2018 = arith.constant 0 : index
      %get3A_2019 = tpu.vector_load %arg19[%get3A_2018] {strides = array<i32>} : memref<80xi32, #tpu.memory_space<vmem>>, vector<16xi32>,
      %shift_right_logical3A_2020 = arith.constant 7 : i32
      %shift_right_logical3A_2021 = vector.broadcast %shift_right_logical3A_2020 : i32 to vector<16xi32>
      %shift_right_logical3A_2022 = arith.shrui %get3A_2019, %shift_right_logical3A_2021 : vector<16xi32>
      %and3A_2023 = arith.constant 127 : i32
      %and3A_2024 = vector.broadcast %and3A_2023 : i32 to vector<16xi32>
      %and3A_2025 = arith.andi %get3A_2019, %and3A_2024 : vector<16xi32>
      %broadcast_in_dim3A_2026 = arith.constant 1.000000e+00 : f32
      %broadcast_in_dim3A_2027 = vector.broadcast %broadcast_in_dim3A_2026 : f32 to vector<16xf32>
      tpu.vector_store_idx %arg21[%shift_right_logical3A_2022, %and3A_2025], %broadcast_in_dim3A_2027 {add = true} : memref<80x128xf32, #tpu.memory_space<vmem>>[vector<16xi32>, vector<16xi32>], vector<16xf32>,
      %get3A_2028 = arith.constant 16 : index
      %get3A_2029 = tpu.vector_load %arg19[%get3A_2028] {strides = array<i32>} : memref<80xi32, #tpu.memory_space<vmem>>, vector<16xi32>,
      %shift_right_logical3A_2030 = arith.constant 7 : i32
      %shift_right_logical3A_2031 = vector.broadcast %shift_right_logical3A_2030 : i32 to vector<16xi32>
      %shift_right_logical3A_2032 = arith.shrui %get3A_2029, %shift_right_logical3A_2031 : vector<16xi32>
      %and3A_2033 = arith.constant 127 : i32
      %and3A_2034 = vector.broadcast %and3A_2033 : i32 to vector<16xi32>
      %and3A_2035 = arith.andi %get3A_2029, %and3A_2034 : vector<16xi32>
      %broadcast_in_dim3A_2036 = arith.constant 1.000000e+00 : f32
      %broadcast_in_dim3A_2037 = vector.broadcast %broadcast_in_dim3A_2036 : f32 to vector<16xf32>
      tpu.vector_store_idx %arg21[%shift_right_logical3A_2032, %and3A_2035], %broadcast_in_dim3A_2037 {add = true} : memref<80x128xf32, #tpu.memory_space<vmem>>[vector<16xi32>, vector<16xi32>], vector<16xf32>,
      %get3A_2038 = arith.constant 32 : index
      %get3A_2039 = tpu.vector_load %arg19[%get3A_2038] {strides = array<i32>} : memref<80xi32, #tpu.memory_space<vmem>>, vector<16xi32>,
      %shift_right_logical3A_2040 = arith.constant 7 : i32
      %shift_right_logical3A_2041 = vector.broadcast %shift_right_logical3A_2040 : i32 to vector<16xi32>
      %shift_right_logical3A_2042 = arith.shrui %get3A_2039, %shift_right_logical3A_2041 : vector<16xi32>
      %and3A_2043 = arith.constant 127 : i32
      %and3A_2044 = vector.broadcast %and3A_2043 : i32 to vector<16xi32>
      %and3A_2045 = arith.andi %get3A_2039, %and3A_2044 : vector<16xi32>
      %broadcast_in_dim3A_2046 = arith.constant 1.000000e+00 : f32
      %broadcast_in_dim3A_2047 = vector.broadcast %broadcast_in_dim3A_2046 : f32 to vector<16xf32>
      tpu.vector_store_idx %arg21[%shift_right_logical3A_2042, %and3A_2045], %broadcast_in_dim3A_2047 {add = true} : memref<80x128xf32, #tpu.memory_space<vmem>>[vector<16xi32>, vector<16xi32>], vector<16xf32>,
      %get3A_2048 = arith.constant 48 : index
      %get3A_2049 = tpu.vector_load %arg19[%get3A_2048] {strides = array<i32>} : memref<80xi32, #tpu.memory_space<vmem>>, vector<16xi32>,
      %shift_right_logical3A_2050 = arith.constant 7 : i32
      %shift_right_logical3A_2051 = vector.broadcast %shift_right_logical3A_2050 : i32 to vector<16xi32>
      %shift_right_logical3A_2052 = arith.shrui %get3A_2049, %shift_right_logical3A_2051 : vector<16xi32>
      %and3A_2053 = arith.constant 127 : i32
      %and3A_2054 = vector.broadcast %and3A_2053 : i32 to vector<16xi32>
      %and3A_2055 = arith.andi %get3A_2049, %and3A_2054 : vector<16xi32>
      %broadcast_in_dim3A_2056 = arith.constant 1.000000e+00 : f32
      %broadcast_in_dim3A_2057 = vector.broadcast %broadcast_in_dim3A_2056 : f32 to vector<16xf32>
      tpu.vector_store_idx %arg21[%shift_right_logical3A_2052, %and3A_2055], %broadcast_in_dim3A_2057 {add = true} : memref<80x128xf32, #tpu.memory_space<vmem>>[vector<16xi32>, vector<16xi32>], vector<16xf32>,
      %get3A_2058 = arith.constant 64 : index
      %get3A_2059 = tpu.vector_load %arg19[%get3A_2058] {strides = array<i32>} : memref<80xi32, #tpu.memory_space<vmem>>, vector<16xi32>,
      %shift_right_logical3A_2060 = arith.constant 7 : i32
      %shift_right_logical3A_2061 = vector.broadcast %shift_right_logical3A_2060 : i32 to vector<16xi32>
      %shift_right_logical3A_2062 = arith.shrui %get3A_2059, %shift_right_logical3A_2061 : vector<16xi32>
      %and3A_2063 = arith.constant 127 : i32
      %and3A_2064 = vector.broadcast %and3A_2063 : i32 to vector<16xi32>
      %and3A_2065 = arith.andi %get3A_2059, %and3A_2064 : vector<16xi32>
      %broadcast_in_dim3A_2066 = arith.constant 1.000000e+00 : f32
      %broadcast_in_dim3A_2067 = vector.broadcast %broadcast_in_dim3A_2066 : f32 to vector<16xf32>
      tpu.vector_store_idx %arg21[%shift_right_logical3A_2062, %and3A_2065], %broadcast_in_dim3A_2067 {add = true} : memref<80x128xf32, #tpu.memory_space<vmem>>[vector<16xi32>, vector<16xi32>], vector<16xf32>,
      %dma_wait3A_2068 = arith.constant 0 : i32
      %dma_wait3A_2069 = arith.constant 0 : i32
      %dma_wait3A_2070 = tpu.memref_slice %arg14[%dma_wait3A_2068, %dma_wait3A_2069] : memref<10240x128xf32, #tpu.memory_space<vmem_shared>> -> memref<10240x128xf32, #tpu.memory_space<vmem_shared>>
      tpu.wait_indirect_dma semaphore(%arg28 : memref<!tpu.dma_semaphore, #tpu.memory_space<semaphore_mem>>) src(%arg15 : memref<80x128xf32, #tpu.memory_space<vmem>>) dst(%dma_wait3A_2070 : memref<10240x128xf32, #tpu.memory_space<vmem_shared>>)
      %add3A_2071 = arith.constant 2 : i32
      %add3A_2072 = arith.addi %add3A_2001, %add3A_2071 : i32
      %mul3A_2073 = arith.constant 32 : i32
      %mul3A_2074 = arith.muli %mul3A_2073, %add3A_2072 : i32
      %add3A_2075 = arith.addi %add3A, %mul3A_2074 : i32
      %mul3A_2076 = arith.constant 80 : i32
      %mul3A_2077 = arith.muli %add3A_2075, %mul3A_2076 : i32
      %dma_start3A_2078 = arith.constant 0 : i32
      %dma_start3A_2079 = tpu.memref_slice %arg2[%mul3A_2077, %dma_start3A_2078] : memref<320000x128xf32, #tpu.memory_space<hbm>> -> memref<80x128xf32, #tpu.memory_space<hbm>>
      %dma_start3A_2080 = arith.constant 0 : i32
      %dma_start3A_2081 = tpu.memref_slice %arg2[%mul3A_2077, %dma_start3A_2080] : memref<320000x128xf32, #tpu.memory_space<hbm>> -> memref<80x128xf32, #tpu.memory_space<hbm>>
      tpu.enqueue_dma source(%dma_start3A_2081 : memref<80x128xf32, #tpu.memory_space<hbm>>) target(%arg15 : memref<80x128xf32, #tpu.memory_space<vmem>>) target_semaphore(%arg22 : memref<!tpu.dma_semaphore, #tpu.memory_space<semaphore_mem>>)
      %mul3A_2082 = arith.constant 80 : i32
      %mul3A_2083 = arith.muli %add3A_2075, %mul3A_2082 : i32
      %dma_start3A_2084 = tpu.memref_slice %arg3[%mul3A_2083] : memref<320000xi32, #tpu.memory_space<hbm>> -> memref<80xi32, #tpu.memory_space<hbm>>
      %dma_start3A_2085 = tpu.memref_slice %arg3[%mul3A_2083] : memref<320000xi32, #tpu.memory_space<hbm>> -> memref<80xi32, #tpu.memory_space<hbm>>
      tpu.enqueue_dma source(%dma_start3A_2085 : memref<80xi32, #tpu.memory_space<hbm>>) target(%arg18 : memref<80xi32, #tpu.memory_space<vmem>>) target_semaphore(%arg25 : memref<!tpu.dma_semaphore, #tpu.memory_space<semaphore_mem>>)
      %mul3A_2086 = arith.constant 3 : i32
      %mul3A_2087 = arith.muli %mul3A_2086, %scan3A_1909 : i32
      %add3A_2088 = arith.constant 2 : i32
      %add3A_2089 = arith.addi %mul3A_2087, %add3A_2088 : i32
      %mul3A_2090 = arith.constant 32 : i32
      %mul3A_2091 = arith.muli %mul3A_2090, %add3A_2089 : i32
      %add3A_2092 = arith.addi %add3A, %mul3A_2091 : i32
      %mul3A_2093 = arith.constant 80 : i32
      %mul3A_2094 = arith.muli %add3A_2092, %mul3A_2093 : i32
      %dma_wait3A_2095 = arith.constant 0 : i32
      %dma_wait3A_2096 = tpu.memref_slice %arg2[%mul3A_2094, %dma_wait3A_2095] : memref<320000x128xf32, #tpu.memory_space<hbm>> -> memref<80x128xf32, #tpu.memory_space<hbm>>
      %dma_wait3A_2097 = arith.constant 0 : i32
      %dma_wait3A_2098 = tpu.memref_slice %arg2[%mul3A_2094, %dma_wait3A_2097] : memref<320000x128xf32, #tpu.memory_space<hbm>> -> memref<80x128xf32, #tpu.memory_space<hbm>>
      tpu.wait_dma2 semaphore(%arg24 : memref<!tpu.dma_semaphore, #tpu.memory_space<semaphore_mem>>) src(%dma_wait3A_2098 : memref<80x128xf32, #tpu.memory_space<hbm>>) dst(%arg17 : memref<80x128xf32, #tpu.memory_space<vmem>>)
      %mul3A_2099 = arith.constant 80 : i32
      %mul3A_2100 = arith.muli %add3A_2092, %mul3A_2099 : i32
      %dma_wait3A_2101 = tpu.memref_slice %arg3[%mul3A_2100] : memref<320000xi32, #tpu.memory_space<hbm>> -> memref<80xi32, #tpu.memory_space<hbm>>
      %dma_wait3A_2102 = tpu.memref_slice %arg3[%mul3A_2100] : memref<320000xi32, #tpu.memory_space<hbm>> -> memref<80xi32, #tpu.memory_space<hbm>>
      tpu.wait_dma2 semaphore(%arg27 : memref<!tpu.dma_semaphore, #tpu.memory_space<semaphore_mem>>) src(%dma_wait3A_2102 : memref<80xi32, #tpu.memory_space<hbm>>) dst(%arg20 : memref<80xi32, #tpu.memory_space<vmem>>)
      %dma_start3A_2103 = arith.constant 0 : i32
      %dma_start3A_2104 = arith.constant 0 : i32
      %dma_start3A_2105 = tpu.memref_slice %arg14[%dma_start3A_2103, %dma_start3A_2104] : memref<10240x128xf32, #tpu.memory_space<vmem_shared>> -> memref<10240x128xf32, #tpu.memory_space<vmem_shared>>
      tpu.enqueue_indirect_dma source(%arg17 : memref<80x128xf32, #tpu.memory_space<vmem>>) target(%dma_start3A_2105 : memref<10240x128xf32, #tpu.memory_space<vmem_shared>>) offsets(%arg20 : memref<80xi32, #tpu.memory_space<vmem>>) semaphore(%arg30 : memref<!tpu.dma_semaphore, #tpu.memory_space<semaphore_mem>>) {add = true}
      %get3A_2106 = arith.constant 0 : index
      %get3A_2107 = tpu.vector_load %arg20[%get3A_2106] {strides = array<i32>} : memref<80xi32, #tpu.memory_space<vmem>>, vector<16xi32>,
      %shift_right_logical3A_2108 = arith.constant 7 : i32
      %shift_right_logical3A_2109 = vector.broadcast %shift_right_logical3A_2108 : i32 to vector<16xi32>
      %shift_right_logical3A_2110 = arith.shrui %get3A_2107, %shift_right_logical3A_2109 : vector<16xi32>
      %and3A_2111 = arith.constant 127 : i32
      %and3A_2112 = vector.broadcast %and3A_2111 : i32 to vector<16xi32>
      %and3A_2113 = arith.andi %get3A_2107, %and3A_2112 : vector<16xi32>
      %broadcast_in_dim3A_2114 = arith.constant 1.000000e+00 : f32
      %broadcast_in_dim3A_2115 = vector.broadcast %broadcast_in_dim3A_2114 : f32 to vector<16xf32>
      tpu.vector_store_idx %arg21[%shift_right_logical3A_2110, %and3A_2113], %broadcast_in_dim3A_2115 {add = true} : memref<80x128xf32, #tpu.memory_space<vmem>>[vector<16xi32>, vector<16xi32>], vector<16xf32>,
      %get3A_2116 = arith.constant 16 : index
      %get3A_2117 = tpu.vector_load %arg20[%get3A_2116] {strides = array<i32>} : memref<80xi32, #tpu.memory_space<vmem>>, vector<16xi32>,
      %shift_right_logical3A_2118 = arith.constant 7 : i32
      %shift_right_logical3A_2119 = vector.broadcast %shift_right_logical3A_2118 : i32 to vector<16xi32>
      %shift_right_logical3A_2120 = arith.shrui %get3A_2117, %shift_right_logical3A_2119 : vector<16xi32>
      %and3A_2121 = arith.constant 127 : i32
      %and3A_2122 = vector.broadcast %and3A_2121 : i32 to vector<16xi32>
      %and3A_2123 = arith.andi %get3A_2117, %and3A_2122 : vector<16xi32>
      %broadcast_in_dim3A_2124 = arith.constant 1.000000e+00 : f32
      %broadcast_in_dim3A_2125 = vector.broadcast %broadcast_in_dim3A_2124 : f32 to vector<16xf32>
      tpu.vector_store_idx %arg21[%shift_right_logical3A_2120, %and3A_2123], %broadcast_in_dim3A_2125 {add = true} : memref<80x128xf32, #tpu.memory_space<vmem>>[vector<16xi32>, vector<16xi32>], vector<16xf32>,
      %get3A_2126 = arith.constant 32 : index
      %get3A_2127 = tpu.vector_load %arg20[%get3A_2126] {strides = array<i32>} : memref<80xi32, #tpu.memory_space<vmem>>, vector<16xi32>,
      %shift_right_logical3A_2128 = arith.constant 7 : i32
      %shift_right_logical3A_2129 = vector.broadcast %shift_right_logical3A_2128 : i32 to vector<16xi32>
      %shift_right_logical3A_2130 = arith.shrui %get3A_2127, %shift_right_logical3A_2129 : vector<16xi32>
      %and3A_2131 = arith.constant 127 : i32
      %and3A_2132 = vector.broadcast %and3A_2131 : i32 to vector<16xi32>
      %and3A_2133 = arith.andi %get3A_2127, %and3A_2132 : vector<16xi32>
      %broadcast_in_dim3A_2134 = arith.constant 1.000000e+00 : f32
      %broadcast_in_dim3A_2135 = vector.broadcast %broadcast_in_dim3A_2134 : f32 to vector<16xf32>
      tpu.vector_store_idx %arg21[%shift_right_logical3A_2130, %and3A_2133], %broadcast_in_dim3A_2135 {add = true} : memref<80x128xf32, #tpu.memory_space<vmem>>[vector<16xi32>, vector<16xi32>], vector<16xf32>,
      %get3A_2136 = arith.constant 48 : index
      %get3A_2137 = tpu.vector_load %arg20[%get3A_2136] {strides = array<i32>} : memref<80xi32, #tpu.memory_space<vmem>>, vector<16xi32>,
      %shift_right_logical3A_2138 = arith.constant 7 : i32
      %shift_right_logical3A_2139 = vector.broadcast %shift_right_logical3A_2138 : i32 to vector<16xi32>
      %shift_right_logical3A_2140 = arith.shrui %get3A_2137, %shift_right_logical3A_2139 : vector<16xi32>
      %and3A_2141 = arith.constant 127 : i32
      %and3A_2142 = vector.broadcast %and3A_2141 : i32 to vector<16xi32>
      %and3A_2143 = arith.andi %get3A_2137, %and3A_2142 : vector<16xi32>
      %broadcast_in_dim3A_2144 = arith.constant 1.000000e+00 : f32
      %broadcast_in_dim3A_2145 = vector.broadcast %broadcast_in_dim3A_2144 : f32 to vector<16xf32>
      tpu.vector_store_idx %arg21[%shift_right_logical3A_2140, %and3A_2143], %broadcast_in_dim3A_2145 {add = true} : memref<80x128xf32, #tpu.memory_space<vmem>>[vector<16xi32>, vector<16xi32>], vector<16xf32>,
      %get3A_2146 = arith.constant 64 : index
      %get3A_2147 = tpu.vector_load %arg20[%get3A_2146] {strides = array<i32>} : memref<80xi32, #tpu.memory_space<vmem>>, vector<16xi32>,
      %shift_right_logical3A_2148 = arith.constant 7 : i32
      %shift_right_logical3A_2149 = vector.broadcast %shift_right_logical3A_2148 : i32 to vector<16xi32>
      %shift_right_logical3A_2150 = arith.shrui %get3A_2147, %shift_right_logical3A_2149 : vector<16xi32>
      %and3A_2151 = arith.constant 127 : i32
      %and3A_2152 = vector.broadcast %and3A_2151 : i32 to vector<16xi32>
      %and3A_2153 = arith.andi %get3A_2147, %and3A_2152 : vector<16xi32>
      %broadcast_in_dim3A_2154 = arith.constant 1.000000e+00 : f32
      %broadcast_in_dim3A_2155 = vector.broadcast %broadcast_in_dim3A_2154 : f32 to vector<16xf32>
      tpu.vector_store_idx %arg21[%shift_right_logical3A_2150, %and3A_2153], %broadcast_in_dim3A_2155 {add = true} : memref<80x128xf32, #tpu.memory_space<vmem>>[vector<16xi32>, vector<16xi32>], vector<16xf32>,
      %dma_wait3A_2156 = arith.constant 0 : i32
      %dma_wait3A_2157 = arith.constant 0 : i32
      %dma_wait3A_2158 = tpu.memref_slice %arg14[%dma_wait3A_2156, %dma_wait3A_2157] : memref<10240x128xf32, #tpu.memory_space<vmem_shared>> -> memref<10240x128xf32, #tpu.memory_space<vmem_shared>>
      tpu.wait_indirect_dma semaphore(%arg29 : memref<!tpu.dma_semaphore, #tpu.memory_space<semaphore_mem>>) src(%arg16 : memref<80x128xf32, #tpu.memory_space<vmem>>) dst(%dma_wait3A_2158 : memref<10240x128xf32, #tpu.memory_space<vmem_shared>>)
      %add3A_2159 = arith.constant 2 : i32
      %add3A_2160 = arith.addi %add3A_2089, %add3A_2159 : i32
      %mul3A_2161 = arith.constant 32 : i32
      %mul3A_2162 = arith.muli %mul3A_2161, %add3A_2160 : i32
      %add3A_2163 = arith.addi %add3A, %mul3A_2162 : i32
      %mul3A_2164 = arith.constant 80 : i32
      %mul3A_2165 = arith.muli %add3A_2163, %mul3A_2164 : i32
      %dma_start3A_2166 = arith.constant 0 : i32
      %dma_start3A_2167 = tpu.memref_slice %arg2[%mul3A_2165, %dma_start3A_2166] : memref<320000x128xf32, #tpu.memory_space<hbm>> -> memref<80x128xf32, #tpu.memory_space<hbm>>
      %dma_start3A_2168 = arith.constant 0 : i32
      %dma_start3A_2169 = tpu.memref_slice %arg2[%mul3A_2165, %dma_start3A_2168] : memref<320000x128xf32, #tpu.memory_space<hbm>> -> memref<80x128xf32, #tpu.memory_space<hbm>>
      tpu.enqueue_dma source(%dma_start3A_2169 : memref<80x128xf32, #tpu.memory_space<hbm>>) target(%arg16 : memref<80x128xf32, #tpu.memory_space<vmem>>) target_semaphore(%arg23 : memref<!tpu.dma_semaphore, #tpu.memory_space<semaphore_mem>>)
      %mul3A_2170 = arith.constant 80 : i32
      %mul3A_2171 = arith.muli %add3A_2163, %mul3A_2170 : i32
      %dma_start3A_2172 = tpu.memref_slice %arg3[%mul3A_2171] : memref<320000xi32, #tpu.memory_space<hbm>> -> memref<80xi32, #tpu.memory_space<hbm>>
      %dma_start3A_2173 = tpu.memref_slice %arg3[%mul3A_2171] : memref<320000xi32, #tpu.memory_space<hbm>> -> memref<80xi32, #tpu.memory_space<hbm>>
      tpu.enqueue_dma source(%dma_start3A_2173 : memref<80xi32, #tpu.memory_space<hbm>>) target(%arg19 : memref<80xi32, #tpu.memory_space<vmem>>) target_semaphore(%arg26 : memref<!tpu.dma_semaphore, #tpu.memory_space<semaphore_mem>>)
    }
    %scan3A_364 = arith.constant 40 : i32
    %add3A_365 = arith.constant 3936 : i32
    %add3A_366 = arith.addi %add3A, %add3A_365 : i32
    %mul3A_367 = arith.constant 80 : i32
    %mul3A_368 = arith.muli %add3A_366, %mul3A_367 : i32
    %dma_wait3A_369 = arith.constant 0 : i32
    %dma_wait3A_370 = tpu.memref_slice %arg2[%mul3A_368, %dma_wait3A_369] : memref<320000x128xf32, #tpu.memory_space<hbm>> -> memref<80x128xf32, #tpu.memory_space<hbm>>
    %dma_wait3A_371 = arith.constant 0 : i32
    %dma_wait3A_372 = tpu.memref_slice %arg2[%mul3A_368, %dma_wait3A_371] : memref<320000x128xf32, #tpu.memory_space<hbm>> -> memref<80x128xf32, #tpu.memory_space<hbm>>
    tpu.wait_dma2 semaphore(%arg22 : memref<!tpu.dma_semaphore, #tpu.memory_space<semaphore_mem>>) src(%dma_wait3A_372 : memref<80x128xf32, #tpu.memory_space<hbm>>) dst(%arg15 : memref<80x128xf32, #tpu.memory_space<vmem>>)
    %mul3A_373 = arith.constant 80 : i32
    %mul3A_374 = arith.muli %add3A_366, %mul3A_373 : i32
    %dma_wait3A_375 = tpu.memref_slice %arg3[%mul3A_374] : memref<320000xi32, #tpu.memory_space<hbm>> -> memref<80xi32, #tpu.memory_space<hbm>>
    %dma_wait3A_376 = tpu.memref_slice %arg3[%mul3A_374] : memref<320000xi32, #tpu.memory_space<hbm>> -> memref<80xi32, #tpu.memory_space<hbm>>
    tpu.wait_dma2 semaphore(%arg25 : memref<!tpu.dma_semaphore, #tpu.memory_space<semaphore_mem>>) src(%dma_wait3A_376 : memref<80xi32, #tpu.memory_space<hbm>>) dst(%arg18 : memref<80xi32, #tpu.memory_space<vmem>>)
    %dma_start3A_377 = arith.constant 0 : i32
    %dma_start3A_378 = arith.constant 0 : i32
    %dma_start3A_379 = tpu.memref_slice %arg14[%dma_start3A_377, %dma_start3A_378] : memref<10240x128xf32, #tpu.memory_space<vmem_shared>> -> memref<10240x128xf32, #tpu.memory_space<vmem_shared>>
    tpu.enqueue_indirect_dma source(%arg15 : memref<80x128xf32, #tpu.memory_space<vmem>>) target(%dma_start3A_379 : memref<10240x128xf32, #tpu.memory_space<vmem_shared>>) offsets(%arg18 : memref<80xi32, #tpu.memory_space<vmem>>) semaphore(%arg28 : memref<!tpu.dma_semaphore, #tpu.memory_space<semaphore_mem>>) {add = true}
    %get3A_380 = arith.constant 0 : index
    %get3A_381 = tpu.vector_load %arg18[%get3A_380] {strides = array<i32>} : memref<80xi32, #tpu.memory_space<vmem>>, vector<16xi32>,
    %shift_right_logical3A_382 = arith.constant 7 : i32
    %shift_right_logical3A_383 = vector.broadcast %shift_right_logical3A_382 : i32 to vector<16xi32>
    %shift_right_logical3A_384 = arith.shrui %get3A_381, %shift_right_logical3A_383 : vector<16xi32>
    %and3A_385 = arith.constant 127 : i32
    %and3A_386 = vector.broadcast %and3A_385 : i32 to vector<16xi32>
    %and3A_387 = arith.andi %get3A_381, %and3A_386 : vector<16xi32>
    %broadcast_in_dim3A_388 = arith.constant 1.000000e+00 : f32
    %broadcast_in_dim3A_389 = vector.broadcast %broadcast_in_dim3A_388 : f32 to vector<16xf32>
    tpu.vector_store_idx %arg21[%shift_right_logical3A_384, %and3A_387], %broadcast_in_dim3A_389 {add = true} : memref<80x128xf32, #tpu.memory_space<vmem>>[vector<16xi32>, vector<16xi32>], vector<16xf32>,
    %get3A_390 = arith.constant 16 : index
    %get3A_391 = tpu.vector_load %arg18[%get3A_390] {strides = array<i32>} : memref<80xi32, #tpu.memory_space<vmem>>, vector<16xi32>,
    %shift_right_logical3A_392 = arith.constant 7 : i32
    %shift_right_logical3A_393 = vector.broadcast %shift_right_logical3A_392 : i32 to vector<16xi32>
    %shift_right_logical3A_394 = arith.shrui %get3A_391, %shift_right_logical3A_393 : vector<16xi32>
    %and3A_395 = arith.constant 127 : i32
    %and3A_396 = vector.broadcast %and3A_395 : i32 to vector<16xi32>
    %and3A_397 = arith.andi %get3A_391, %and3A_396 : vector<16xi32>
    %broadcast_in_dim3A_398 = arith.constant 1.000000e+00 : f32
    %broadcast_in_dim3A_399 = vector.broadcast %broadcast_in_dim3A_398 : f32 to vector<16xf32>
    tpu.vector_store_idx %arg21[%shift_right_logical3A_394, %and3A_397], %broadcast_in_dim3A_399 {add = true} : memref<80x128xf32, #tpu.memory_space<vmem>>[vector<16xi32>, vector<16xi32>], vector<16xf32>,
    %get3A_400 = arith.constant 32 : index
    %get3A_401 = tpu.vector_load %arg18[%get3A_400] {strides = array<i32>} : memref<80xi32, #tpu.memory_space<vmem>>, vector<16xi32>,
    %shift_right_logical3A_402 = arith.constant 7 : i32
    %shift_right_logical3A_403 = vector.broadcast %shift_right_logical3A_402 : i32 to vector<16xi32>
    %shift_right_logical3A_404 = arith.shrui %get3A_401, %shift_right_logical3A_403 : vector<16xi32>
    %and3A_405 = arith.constant 127 : i32
    %and3A_406 = vector.broadcast %and3A_405 : i32 to vector<16xi32>
    %and3A_407 = arith.andi %get3A_401, %and3A_406 : vector<16xi32>
    %broadcast_in_dim3A_408 = arith.constant 1.000000e+00 : f32
    %broadcast_in_dim3A_409 = vector.broadcast %broadcast_in_dim3A_408 : f32 to vector<16xf32>
    tpu.vector_store_idx %arg21[%shift_right_logical3A_404, %and3A_407], %broadcast_in_dim3A_409 {add = true} : memref<80x128xf32, #tpu.memory_space<vmem>>[vector<16xi32>, vector<16xi32>], vector<16xf32>,
    %get3A_410 = arith.constant 48 : index
    %get3A_411 = tpu.vector_load %arg18[%get3A_410] {strides = array<i32>} : memref<80xi32, #tpu.memory_space<vmem>>, vector<16xi32>,
    %shift_right_logical3A_412 = arith.constant 7 : i32
    %shift_right_logical3A_413 = vector.broadcast %shift_right_logical3A_412 : i32 to vector<16xi32>
    %shift_right_logical3A_414 = arith.shrui %get3A_411, %shift_right_logical3A_413 : vector<16xi32>
    %and3A_415 = arith.constant 127 : i32
    %and3A_416 = vector.broadcast %and3A_415 : i32 to vector<16xi32>
    %and3A_417 = arith.andi %get3A_411, %and3A_416 : vector<16xi32>
    %broadcast_in_dim3A_418 = arith.constant 1.000000e+00 : f32
    %broadcast_in_dim3A_419 = vector.broadcast %broadcast_in_dim3A_418 : f32 to vector<16xf32>
    tpu.vector_store_idx %arg21[%shift_right_logical3A_414, %and3A_417], %broadcast_in_dim3A_419 {add = true} : memref<80x128xf32, #tpu.memory_space<vmem>>[vector<16xi32>, vector<16xi32>], vector<16xf32>,
    %get3A_420 = arith.constant 64 : index
    %get3A_421 = tpu.vector_load %arg18[%get3A_420] {strides = array<i32>} : memref<80xi32, #tpu.memory_space<vmem>>, vector<16xi32>,
    %shift_right_logical3A_422 = arith.constant 7 : i32
    %shift_right_logical3A_423 = vector.broadcast %shift_right_logical3A_422 : i32 to vector<16xi32>
    %shift_right_logical3A_424 = arith.shrui %get3A_421, %shift_right_logical3A_423 : vector<16xi32>
    %and3A_425 = arith.constant 127 : i32
    %and3A_426 = vector.broadcast %and3A_425 : i32 to vector<16xi32>
    %and3A_427 = arith.andi %get3A_421, %and3A_426 : vector<16xi32>
    %broadcast_in_dim3A_428 = arith.constant 1.000000e+00 : f32
    %broadcast_in_dim3A_429 = vector.broadcast %broadcast_in_dim3A_428 : f32 to vector<16xf32>
    tpu.vector_store_idx %arg21[%shift_right_logical3A_424, %and3A_427], %broadcast_in_dim3A_429 {add = true} : memref<80x128xf32, #tpu.memory_space<vmem>>[vector<16xi32>, vector<16xi32>], vector<16xf32>,
    %dma_wait3A_430 = arith.constant 0 : i32
    %dma_wait3A_431 = arith.constant 0 : i32
    %dma_wait3A_432 = tpu.memref_slice %arg14[%dma_wait3A_430, %dma_wait3A_431] : memref<10240x128xf32, #tpu.memory_space<vmem_shared>> -> memref<10240x128xf32, #tpu.memory_space<vmem_shared>>
    tpu.wait_indirect_dma semaphore(%arg30 : memref<!tpu.dma_semaphore, #tpu.memory_space<semaphore_mem>>) src(%arg17 : memref<80x128xf32, #tpu.memory_space<vmem>>) dst(%dma_wait3A_432 : memref<10240x128xf32, #tpu.memory_space<vmem_shared>>)
    %add3A_433 = arith.constant 3968 : i32
    %add3A_434 = arith.addi %add3A, %add3A_433 : i32
    %mul3A_435 = arith.constant 80 : i32
    %mul3A_436 = arith.muli %add3A_434, %mul3A_435 : i32
    %dma_wait3A_437 = arith.constant 0 : i32
    %dma_wait3A_438 = tpu.memref_slice %arg2[%mul3A_436, %dma_wait3A_437] : memref<320000x128xf32, #tpu.memory_space<hbm>> -> memref<80x128xf32, #tpu.memory_space<hbm>>
    %dma_wait3A_439 = arith.constant 0 : i32
    %dma_wait3A_440 = tpu.memref_slice %arg2[%mul3A_436, %dma_wait3A_439] : memref<320000x128xf32, #tpu.memory_space<hbm>> -> memref<80x128xf32, #tpu.memory_space<hbm>>
    tpu.wait_dma2 semaphore(%arg23 : memref<!tpu.dma_semaphore, #tpu.memory_space<semaphore_mem>>) src(%dma_wait3A_440 : memref<80x128xf32, #tpu.memory_space<hbm>>) dst(%arg16 : memref<80x128xf32, #tpu.memory_space<vmem>>)
    %mul3A_441 = arith.constant 80 : i32
    %mul3A_442 = arith.muli %add3A_434, %mul3A_441 : i32
    %dma_wait3A_443 = tpu.memref_slice %arg3[%mul3A_442] : memref<320000xi32, #tpu.memory_space<hbm>> -> memref<80xi32, #tpu.memory_space<hbm>>
    %dma_wait3A_444 = tpu.memref_slice %arg3[%mul3A_442] : memref<320000xi32, #tpu.memory_space<hbm>> -> memref<80xi32, #tpu.memory_space<hbm>>
    tpu.wait_dma2 semaphore(%arg26 : memref<!tpu.dma_semaphore, #tpu.memory_space<semaphore_mem>>) src(%dma_wait3A_444 : memref<80xi32, #tpu.memory_space<hbm>>) dst(%arg19 : memref<80xi32, #tpu.memory_space<vmem>>)
    %dma_start3A_445 = arith.constant 0 : i32
    %dma_start3A_446 = arith.constant 0 : i32
    %dma_start3A_447 = tpu.memref_slice %arg14[%dma_start3A_445, %dma_start3A_446] : memref<10240x128xf32, #tpu.memory_space<vmem_shared>> -> memref<10240x128xf32, #tpu.memory_space<vmem_shared>>
    tpu.enqueue_indirect_dma source(%arg16 : memref<80x128xf32, #tpu.memory_space<vmem>>) target(%dma_start3A_447 : memref<10240x128xf32, #tpu.memory_space<vmem_shared>>) offsets(%arg19 : memref<80xi32, #tpu.memory_space<vmem>>) semaphore(%arg29 : memref<!tpu.dma_semaphore, #tpu.memory_space<semaphore_mem>>) {add = true}
    %get3A_448 = arith.constant 0 : index
    %get3A_449 = tpu.vector_load %arg19[%get3A_448] {strides = array<i32>} : memref<80xi32, #tpu.memory_space<vmem>>, vector<16xi32>,
    %shift_right_logical3A_450 = arith.constant 7 : i32
    %shift_right_logical3A_451 = vector.broadcast %shift_right_logical3A_450 : i32 to vector<16xi32>
    %shift_right_logical3A_452 = arith.shrui %get3A_449, %shift_right_logical3A_451 : vector<16xi32>
    %and3A_453 = arith.constant 127 : i32
    %and3A_454 = vector.broadcast %and3A_453 : i32 to vector<16xi32>
    %and3A_455 = arith.andi %get3A_449, %and3A_454 : vector<16xi32>
    %broadcast_in_dim3A_456 = arith.constant 1.000000e+00 : f32
    %broadcast_in_dim3A_457 = vector.broadcast %broadcast_in_dim3A_456 : f32 to vector<16xf32>
    tpu.vector_store_idx %arg21[%shift_right_logical3A_452, %and3A_455], %broadcast_in_dim3A_457 {add = true} : memref<80x128xf32, #tpu.memory_space<vmem>>[vector<16xi32>, vector<16xi32>], vector<16xf32>,
    %get3A_458 = arith.constant 16 : index
    %get3A_459 = tpu.vector_load %arg19[%get3A_458] {strides = array<i32>} : memref<80xi32, #tpu.memory_space<vmem>>, vector<16xi32>,
    %shift_right_logical3A_460 = arith.constant 7 : i32
    %shift_right_logical3A_461 = vector.broadcast %shift_right_logical3A_460 : i32 to vector<16xi32>
    %shift_right_logical3A_462 = arith.shrui %get3A_459, %shift_right_logical3A_461 : vector<16xi32>
    %and3A_463 = arith.constant 127 : i32
    %and3A_464 = vector.broadcast %and3A_463 : i32 to vector<16xi32>
    %and3A_465 = arith.andi %get3A_459, %and3A_464 : vector<16xi32>
    %broadcast_in_dim3A_466 = arith.constant 1.000000e+00 : f32
    %broadcast_in_dim3A_467 = vector.broadcast %broadcast_in_dim3A_466 : f32 to vector<16xf32>
    tpu.vector_store_idx %arg21[%shift_right_logical3A_462, %and3A_465], %broadcast_in_dim3A_467 {add = true} : memref<80x128xf32, #tpu.memory_space<vmem>>[vector<16xi32>, vector<16xi32>], vector<16xf32>,
    %get3A_468 = arith.constant 32 : index
    %get3A_469 = tpu.vector_load %arg19[%get3A_468] {strides = array<i32>} : memref<80xi32, #tpu.memory_space<vmem>>, vector<16xi32>,
    %shift_right_logical3A_470 = arith.constant 7 : i32
    %shift_right_logical3A_471 = vector.broadcast %shift_right_logical3A_470 : i32 to vector<16xi32>
    %shift_right_logical3A_472 = arith.shrui %get3A_469, %shift_right_logical3A_471 : vector<16xi32>
    %and3A_473 = arith.constant 127 : i32
    %and3A_474 = vector.broadcast %and3A_473 : i32 to vector<16xi32>
    %and3A_475 = arith.andi %get3A_469, %and3A_474 : vector<16xi32>
    %broadcast_in_dim3A_476 = arith.constant 1.000000e+00 : f32
    %broadcast_in_dim3A_477 = vector.broadcast %broadcast_in_dim3A_476 : f32 to vector<16xf32>
    tpu.vector_store_idx %arg21[%shift_right_logical3A_472, %and3A_475], %broadcast_in_dim3A_477 {add = true} : memref<80x128xf32, #tpu.memory_space<vmem>>[vector<16xi32>, vector<16xi32>], vector<16xf32>,
    %get3A_478 = arith.constant 48 : index
    %get3A_479 = tpu.vector_load %arg19[%get3A_478] {strides = array<i32>} : memref<80xi32, #tpu.memory_space<vmem>>, vector<16xi32>,
    %shift_right_logical3A_480 = arith.constant 7 : i32
    %shift_right_logical3A_481 = vector.broadcast %shift_right_logical3A_480 : i32 to vector<16xi32>
    %shift_right_logical3A_482 = arith.shrui %get3A_479, %shift_right_logical3A_481 : vector<16xi32>
    %and3A_483 = arith.constant 127 : i32
    %and3A_484 = vector.broadcast %and3A_483 : i32 to vector<16xi32>
    %and3A_485 = arith.andi %get3A_479, %and3A_484 : vector<16xi32>
    %broadcast_in_dim3A_486 = arith.constant 1.000000e+00 : f32
    %broadcast_in_dim3A_487 = vector.broadcast %broadcast_in_dim3A_486 : f32 to vector<16xf32>
    tpu.vector_store_idx %arg21[%shift_right_logical3A_482, %and3A_485], %broadcast_in_dim3A_487 {add = true} : memref<80x128xf32, #tpu.memory_space<vmem>>[vector<16xi32>, vector<16xi32>], vector<16xf32>,
    %get3A_488 = arith.constant 64 : index
    %get3A_489 = tpu.vector_load %arg19[%get3A_488] {strides = array<i32>} : memref<80xi32, #tpu.memory_space<vmem>>, vector<16xi32>,
    %shift_right_logical3A_490 = arith.constant 7 : i32
    %shift_right_logical3A_491 = vector.broadcast %shift_right_logical3A_490 : i32 to vector<16xi32>
    %shift_right_logical3A_492 = arith.shrui %get3A_489, %shift_right_logical3A_491 : vector<16xi32>
    %and3A_493 = arith.constant 127 : i32
    %and3A_494 = vector.broadcast %and3A_493 : i32 to vector<16xi32>
    %and3A_495 = arith.andi %get3A_489, %and3A_494 : vector<16xi32>
    %broadcast_in_dim3A_496 = arith.constant 1.000000e+00 : f32
    %broadcast_in_dim3A_497 = vector.broadcast %broadcast_in_dim3A_496 : f32 to vector<16xf32>
    tpu.vector_store_idx %arg21[%shift_right_logical3A_492, %and3A_495], %broadcast_in_dim3A_497 {add = true} : memref<80x128xf32, #tpu.memory_space<vmem>>[vector<16xi32>, vector<16xi32>], vector<16xf32>,
    %dma_wait3A_498 = arith.constant 0 : i32
    %dma_wait3A_499 = arith.constant 0 : i32
    %dma_wait3A_500 = tpu.memref_slice %arg14[%dma_wait3A_498, %dma_wait3A_499] : memref<10240x128xf32, #tpu.memory_space<vmem_shared>> -> memref<10240x128xf32, #tpu.memory_space<vmem_shared>>
    tpu.wait_indirect_dma semaphore(%arg28 : memref<!tpu.dma_semaphore, #tpu.memory_space<semaphore_mem>>) src(%arg15 : memref<80x128xf32, #tpu.memory_space<vmem>>) dst(%dma_wait3A_500 : memref<10240x128xf32, #tpu.memory_space<vmem_shared>>)
    %dma_wait3A_501 = arith.constant 0 : i32
    %dma_wait3A_502 = arith.constant 0 : i32
    %dma_wait3A_503 = tpu.memref_slice %arg14[%dma_wait3A_501, %dma_wait3A_502] : memref<10240x128xf32, #tpu.memory_space<vmem_shared>> -> memref<10240x128xf32, #tpu.memory_space<vmem_shared>>
    tpu.wait_indirect_dma semaphore(%arg29 : memref<!tpu.dma_semaphore, #tpu.memory_space<semaphore_mem>>) src(%arg16 : memref<80x128xf32, #tpu.memory_space<vmem>>) dst(%dma_wait3A_503 : memref<10240x128xf32, #tpu.memory_space<vmem_shared>>)
    %barrier3A_504 = arith.constant 0 : index
    tpu.barrier barrier_id(%barrier3A_504)
    %add3A_505 = arith.constant 0 : i32
    %add3A_506 = arith.addi %mul3A_2, %add3A_505 : i32
    "tpu.region"() ({
      %run_scoped3A = tpu.sem_alloc : memref<!tpu.dma_semaphore, #tpu.memory_space<semaphore_mem>>
      %dma_start3A_1909 = arith.constant 0 : i32
      %dma_start3A_1910 = tpu.memref_slice %arg14[%add3A_506, %dma_start3A_1909] : memref<10240x128xf32, #tpu.memory_space<vmem_shared>> -> memref<80x128xf32, #tpu.memory_space<vmem_shared>>
      %dma_start3A_1911 = arith.constant 0 : i32
      %dma_start3A_1912 = tpu.memref_slice %arg14[%add3A_506, %dma_start3A_1911] : memref<10240x128xf32, #tpu.memory_space<vmem_shared>> -> memref<80x128xf32, #tpu.memory_space<vmem_shared>>
      tpu.enqueue_dma source(%dma_start3A_1912 : memref<80x128xf32, #tpu.memory_space<vmem_shared>>) target(%arg15 : memref<80x128xf32, #tpu.memory_space<vmem>>) target_semaphore(%run_scoped3A : memref<!tpu.dma_semaphore, #tpu.memory_space<semaphore_mem>>)
      %dma_wait3A_1913 = arith.constant 0 : i32
      %dma_wait3A_1914 = tpu.memref_slice %arg14[%add3A_506, %dma_wait3A_1913] : memref<10240x128xf32, #tpu.memory_space<vmem_shared>> -> memref<80x128xf32, #tpu.memory_space<vmem_shared>>
      %dma_wait3A_1915 = arith.constant 0 : i32
      %dma_wait3A_1916 = tpu.memref_slice %arg14[%add3A_506, %dma_wait3A_1915] : memref<10240x128xf32, #tpu.memory_space<vmem_shared>> -> memref<80x128xf32, #tpu.memory_space<vmem_shared>>
      tpu.wait_dma2 semaphore(%run_scoped3A : memref<!tpu.dma_semaphore, #tpu.memory_space<semaphore_mem>>) src(%dma_wait3A_1916 : memref<80x128xf32, #tpu.memory_space<vmem_shared>>) dst(%arg15 : memref<80x128xf32, #tpu.memory_space<vmem>>)
      tpu.yield
    }) : () -> ()
    %dma_start3A_507 = arith.constant 0 : i32
    %dma_start3A_508 = tpu.memref_slice %arg8[%arg0, %add3A_506, %dma_start3A_507] : memref<2x10240x128xf32, #tpu.memory_space<hbm>> -> memref<1x80x128xf32, #tpu.memory_space<hbm>>
    %dma_start3A_509 = tpu.memref_squeeze %dma_start3A_508 : memref<1x80x128xf32, #tpu.memory_space<hbm>> -> memref<80x128xf32, #tpu.memory_space<hbm>>
    %dma_start3A_510 = arith.constant 0 : i32
    %dma_start3A_511 = tpu.memref_slice %arg8[%arg0, %add3A_506, %dma_start3A_510] : memref<2x10240x128xf32, #tpu.memory_space<hbm>> -> memref<1x80x128xf32, #tpu.memory_space<hbm>>
    %dma_start3A_512 = tpu.memref_squeeze %dma_start3A_511 : memref<1x80x128xf32, #tpu.memory_space<hbm>> -> memref<80x128xf32, #tpu.memory_space<hbm>>
    tpu.enqueue_dma source(%arg15 : memref<80x128xf32, #tpu.memory_space<vmem>>) target(%dma_start3A_512 : memref<80x128xf32, #tpu.memory_space<hbm>>) target_semaphore(%arg22 : memref<!tpu.dma_semaphore, #tpu.memory_space<semaphore_mem>>)
    %add3A_513 = arith.constant 80 : i32
    %add3A_514 = arith.addi %mul3A_2, %add3A_513 : i32
    "tpu.region"() ({
      %run_scoped3A = tpu.sem_alloc : memref<!tpu.dma_semaphore, #tpu.memory_space<semaphore_mem>>
      %dma_start3A_1909 = arith.constant 0 : i32
      %dma_start3A_1910 = tpu.memref_slice %arg14[%add3A_514, %dma_start3A_1909] : memref<10240x128xf32, #tpu.memory_space<vmem_shared>> -> memref<80x128xf32, #tpu.memory_space<vmem_shared>>
      %dma_start3A_1911 = arith.constant 0 : i32
      %dma_start3A_1912 = tpu.memref_slice %arg14[%add3A_514, %dma_start3A_1911] : memref<10240x128xf32, #tpu.memory_space<vmem_shared>> -> memref<80x128xf32, #tpu.memory_space<vmem_shared>>
      tpu.enqueue_dma source(%dma_start3A_1912 : memref<80x128xf32, #tpu.memory_space<vmem_shared>>) target(%arg16 : memref<80x128xf32, #tpu.memory_space<vmem>>) target_semaphore(%run_scoped3A : memref<!tpu.dma_semaphore, #tpu.memory_space<semaphore_mem>>)
      %dma_wait3A_1913 = arith.constant 0 : i32
      %dma_wait3A_1914 = tpu.memref_slice %arg14[%add3A_514, %dma_wait3A_1913] : memref<10240x128xf32, #tpu.memory_space<vmem_shared>> -> memref<80x128xf32, #tpu.memory_space<vmem_shared>>
      %dma_wait3A_1915 = arith.constant 0 : i32
      %dma_wait3A_1916 = tpu.memref_slice %arg14[%add3A_514, %dma_wait3A_1915] : memref<10240x128xf32, #tpu.memory_space<vmem_shared>> -> memref<80x128xf32, #tpu.memory_space<vmem_shared>>
      tpu.wait_dma2 semaphore(%run_scoped3A : memref<!tpu.dma_semaphore, #tpu.memory_space<semaphore_mem>>) src(%dma_wait3A_1916 : memref<80x128xf32, #tpu.memory_space<vmem_shared>>) dst(%arg16 : memref<80x128xf32, #tpu.memory_space<vmem>>)
      tpu.yield
    }) : () -> ()
    %dma_start3A_515 = arith.constant 0 : i32
    %dma_start3A_516 = tpu.memref_slice %arg8[%arg0, %add3A_514, %dma_start3A_515] : memref<2x10240x128xf32, #tpu.memory_space<hbm>> -> memref<1x80x128xf32, #tpu.memory_space<hbm>>
    %dma_start3A_517 = tpu.memref_squeeze %dma_start3A_516 : memref<1x80x128xf32, #tpu.memory_space<hbm>> -> memref<80x128xf32, #tpu.memory_space<hbm>>
    %dma_start3A_518 = arith.constant 0 : i32
    %dma_start3A_519 = tpu.memref_slice %arg8[%arg0, %add3A_514, %dma_start3A_518] : memref<2x10240x128xf32, #tpu.memory_space<hbm>> -> memref<1x80x128xf32, #tpu.memory_space<hbm>>
    %dma_start3A_520 = tpu.memref_squeeze %dma_start3A_519 : memref<1x80x128xf32, #tpu.memory_space<hbm>> -> memref<80x128xf32, #tpu.memory_space<hbm>>
    tpu.enqueue_dma source(%arg16 : memref<80x128xf32, #tpu.memory_space<vmem>>) target(%dma_start3A_520 : memref<80x128xf32, #tpu.memory_space<hbm>>) target_semaphore(%arg23 : memref<!tpu.dma_semaphore, #tpu.memory_space<semaphore_mem>>)
    %add3A_521 = arith.constant 160 : i32
    %add3A_522 = arith.addi %mul3A_2, %add3A_521 : i32
    %add3A_523 = arith.constant 0 : i32
    %add3A_524 = arith.addi %mul3A_2, %add3A_523 : i32
    %dma_wait3A_525 = arith.constant 0 : i32
    %dma_wait3A_526 = tpu.memref_slice %arg8[%arg0, %add3A_524, %dma_wait3A_525] : memref<2x10240x128xf32, #tpu.memory_space<hbm>> -> memref<1x80x128xf32, #tpu.memory_space<hbm>>
    %dma_wait3A_527 = tpu.memref_squeeze %dma_wait3A_526 : memref<1x80x128xf32, #tpu.memory_space<hbm>> -> memref<80x128xf32, #tpu.memory_space<hbm>>
    %dma_wait3A_528 = arith.constant 0 : i32
    %dma_wait3A_529 = tpu.memref_slice %arg8[%arg0, %add3A_524, %dma_wait3A_528] : memref<2x10240x128xf32, #tpu.memory_space<hbm>> -> memref<1x80x128xf32, #tpu.memory_space<hbm>>
    %dma_wait3A_530 = tpu.memref_squeeze %dma_wait3A_529 : memref<1x80x128xf32, #tpu.memory_space<hbm>> -> memref<80x128xf32, #tpu.memory_space<hbm>>
    tpu.wait_dma2 semaphore(%arg22 : memref<!tpu.dma_semaphore, #tpu.memory_space<semaphore_mem>>) src(%arg15 : memref<80x128xf32, #tpu.memory_space<vmem>>) dst(%dma_wait3A_530 : memref<80x128xf32, #tpu.memory_space<hbm>>)
    "tpu.region"() ({
      %run_scoped3A = tpu.sem_alloc : memref<!tpu.dma_semaphore, #tpu.memory_space<semaphore_mem>>
      %dma_start3A_1909 = arith.constant 0 : i32
      %dma_start3A_1910 = tpu.memref_slice %arg14[%add3A_522, %dma_start3A_1909] : memref<10240x128xf32, #tpu.memory_space<vmem_shared>> -> memref<80x128xf32, #tpu.memory_space<vmem_shared>>
      %dma_start3A_1911 = arith.constant 0 : i32
      %dma_start3A_1912 = tpu.memref_slice %arg14[%add3A_522, %dma_start3A_1911] : memref<10240x128xf32, #tpu.memory_space<vmem_shared>> -> memref<80x128xf32, #tpu.memory_space<vmem_shared>>
      tpu.enqueue_dma source(%dma_start3A_1912 : memref<80x128xf32, #tpu.memory_space<vmem_shared>>) target(%arg15 : memref<80x128xf32, #tpu.memory_space<vmem>>) target_semaphore(%run_scoped3A : memref<!tpu.dma_semaphore, #tpu.memory_space<semaphore_mem>>)
      %dma_wait3A_1913 = arith.constant 0 : i32
      %dma_wait3A_1914 = tpu.memref_slice %arg14[%add3A_522, %dma_wait3A_1913] : memref<10240x128xf32, #tpu.memory_space<vmem_shared>> -> memref<80x128xf32, #tpu.memory_space<vmem_shared>>
      %dma_wait3A_1915 = arith.constant 0 : i32
      %dma_wait3A_1916 = tpu.memref_slice %arg14[%add3A_522, %dma_wait3A_1915] : memref<10240x128xf32, #tpu.memory_space<vmem_shared>> -> memref<80x128xf32, #tpu.memory_space<vmem_shared>>
      tpu.wait_dma2 semaphore(%run_scoped3A : memref<!tpu.dma_semaphore, #tpu.memory_space<semaphore_mem>>) src(%dma_wait3A_1916 : memref<80x128xf32, #tpu.memory_space<vmem_shared>>) dst(%arg15 : memref<80x128xf32, #tpu.memory_space<vmem>>)
      tpu.yield
    }) : () -> ()
    %dma_start3A_531 = arith.constant 0 : i32
    %dma_start3A_532 = tpu.memref_slice %arg8[%arg0, %add3A_522, %dma_start3A_531] : memref<2x10240x128xf32, #tpu.memory_space<hbm>> -> memref<1x80x128xf32, #tpu.memory_space<hbm>>
    %dma_start3A_533 = tpu.memref_squeeze %dma_start3A_532 : memref<1x80x128xf32, #tpu.memory_space<hbm>> -> memref<80x128xf32, #tpu.memory_space<hbm>>
    %dma_start3A_534 = arith.constant 0 : i32
    %dma_start3A_535 = tpu.memref_slice %arg8[%arg0, %add3A_522, %dma_start3A_534] : memref<2x10240x128xf32, #tpu.memory_space<hbm>> -> memref<1x80x128xf32, #tpu.memory_space<hbm>>
    %dma_start3A_536 = tpu.memref_squeeze %dma_start3A_535 : memref<1x80x128xf32, #tpu.memory_space<hbm>> -> memref<80x128xf32, #tpu.memory_space<hbm>>
    tpu.enqueue_dma source(%arg15 : memref<80x128xf32, #tpu.memory_space<vmem>>) target(%dma_start3A_536 : memref<80x128xf32, #tpu.memory_space<hbm>>) target_semaphore(%arg22 : memref<!tpu.dma_semaphore, #tpu.memory_space<semaphore_mem>>)
    %add3A_537 = arith.constant 240 : i32
    %add3A_538 = arith.addi %mul3A_2, %add3A_537 : i32
    %add3A_539 = arith.constant 80 : i32
    %add3A_540 = arith.addi %mul3A_2, %add3A_539 : i32
    %dma_wait3A_541 = arith.constant 0 : i32
    %dma_wait3A_542 = tpu.memref_slice %arg8[%arg0, %add3A_540, %dma_wait3A_541] : memref<2x10240x128xf32, #tpu.memory_space<hbm>> -> memref<1x80x128xf32, #tpu.memory_space<hbm>>
    %dma_wait3A_543 = tpu.memref_squeeze %dma_wait3A_542 : memref<1x80x128xf32, #tpu.memory_space<hbm>> -> memref<80x128xf32, #tpu.memory_space<hbm>>
    %dma_wait3A_544 = arith.constant 0 : i32
    %dma_wait3A_545 = tpu.memref_slice %arg8[%arg0, %add3A_540, %dma_wait3A_544] : memref<2x10240x128xf32, #tpu.memory_space<hbm>> -> memref<1x80x128xf32, #tpu.memory_space<hbm>>
    %dma_wait3A_546 = tpu.memref_squeeze %dma_wait3A_545 : memref<1x80x128xf32, #tpu.memory_space<hbm>> -> memref<80x128xf32, #tpu.memory_space<hbm>>
    tpu.wait_dma2 semaphore(%arg23 : memref<!tpu.dma_semaphore, #tpu.memory_space<semaphore_mem>>) src(%arg16 : memref<80x128xf32, #tpu.memory_space<vmem>>) dst(%dma_wait3A_546 : memref<80x128xf32, #tpu.memory_space<hbm>>)
    "tpu.region"() ({
      %run_scoped3A = tpu.sem_alloc : memref<!tpu.dma_semaphore, #tpu.memory_space<semaphore_mem>>
      %dma_start3A_1909 = arith.constant 0 : i32
      %dma_start3A_1910 = tpu.memref_slice %arg14[%add3A_538, %dma_start3A_1909] : memref<10240x128xf32, #tpu.memory_space<vmem_shared>> -> memref<80x128xf32, #tpu.memory_space<vmem_shared>>
      %dma_start3A_1911 = arith.constant 0 : i32
      %dma_start3A_1912 = tpu.memref_slice %arg14[%add3A_538, %dma_start3A_1911] : memref<10240x128xf32, #tpu.memory_space<vmem_shared>> -> memref<80x128xf32, #tpu.memory_space<vmem_shared>>
      tpu.enqueue_dma source(%dma_start3A_1912 : memref<80x128xf32, #tpu.memory_space<vmem_shared>>) target(%arg16 : memref<80x128xf32, #tpu.memory_space<vmem>>) target_semaphore(%run_scoped3A : memref<!tpu.dma_semaphore, #tpu.memory_space<semaphore_mem>>)
      %dma_wait3A_1913 = arith.constant 0 : i32
      %dma_wait3A_1914 = tpu.memref_slice %arg14[%add3A_538, %dma_wait3A_1913] : memref<10240x128xf32, #tpu.memory_space<vmem_shared>> -> memref<80x128xf32, #tpu.memory_space<vmem_shared>>
      %dma_wait3A_1915 = arith.constant 0 : i32
      %dma_wait3A_1916 = tpu.memref_slice %arg14[%add3A_538, %dma_wait3A_1915] : memref<10240x128xf32, #tpu.memory_space<vmem_shared>> -> memref<80x128xf32, #tpu.memory_space<vmem_shared>>
      tpu.wait_dma2 semaphore(%run_scoped3A : memref<!tpu.dma_semaphore, #tpu.memory_space<semaphore_mem>>) src(%dma_wait3A_1916 : memref<80x128xf32, #tpu.memory_space<vmem_shared>>) dst(%arg16 : memref<80x128xf32, #tpu.memory_space<vmem>>)
      tpu.yield
    }) : () -> ()
    %dma_start3A_547 = arith.constant 0 : i32
    %dma_start3A_548 = tpu.memref_slice %arg8[%arg0, %add3A_538, %dma_start3A_547] : memref<2x10240x128xf32, #tpu.memory_space<hbm>> -> memref<1x80x128xf32, #tpu.memory_space<hbm>>
    %dma_start3A_549 = tpu.memref_squeeze %dma_start3A_548 : memref<1x80x128xf32, #tpu.memory_space<hbm>> -> memref<80x128xf32, #tpu.memory_space<hbm>>
    %dma_start3A_550 = arith.constant 0 : i32
    %dma_start3A_551 = tpu.memref_slice %arg8[%arg0, %add3A_538, %dma_start3A_550] : memref<2x10240x128xf32, #tpu.memory_space<hbm>> -> memref<1x80x128xf32, #tpu.memory_space<hbm>>
    %dma_start3A_552 = tpu.memref_squeeze %dma_start3A_551 : memref<1x80x128xf32, #tpu.memory_space<hbm>> -> memref<80x128xf32, #tpu.memory_space<hbm>>
    tpu.enqueue_dma source(%arg16 : memref<80x128xf32, #tpu.memory_space<vmem>>) target(%dma_start3A_552 : memref<80x128xf32, #tpu.memory_space<hbm>>) target_semaphore(%arg23 : memref<!tpu.dma_semaphore, #tpu.memory_space<semaphore_mem>>)
    %add3A_553 = arith.constant 320 : i32
    %add3A_554 = arith.addi %mul3A_2, %add3A_553 : i32
    %add3A_555 = arith.constant 160 : i32
    %add3A_556 = arith.addi %mul3A_2, %add3A_555 : i32
    %dma_wait3A_557 = arith.constant 0 : i32
    %dma_wait3A_558 = tpu.memref_slice %arg8[%arg0, %add3A_556, %dma_wait3A_557] : memref<2x10240x128xf32, #tpu.memory_space<hbm>> -> memref<1x80x128xf32, #tpu.memory_space<hbm>>
    %dma_wait3A_559 = tpu.memref_squeeze %dma_wait3A_558 : memref<1x80x128xf32, #tpu.memory_space<hbm>> -> memref<80x128xf32, #tpu.memory_space<hbm>>
    %dma_wait3A_560 = arith.constant 0 : i32
    %dma_wait3A_561 = tpu.memref_slice %arg8[%arg0, %add3A_556, %dma_wait3A_560] : memref<2x10240x128xf32, #tpu.memory_space<hbm>> -> memref<1x80x128xf32, #tpu.memory_space<hbm>>
    %dma_wait3A_562 = tpu.memref_squeeze %dma_wait3A_561 : memref<1x80x128xf32, #tpu.memory_space<hbm>> -> memref<80x128xf32, #tpu.memory_space<hbm>>
    tpu.wait_dma2 semaphore(%arg22 : memref<!tpu.dma_semaphore, #tpu.memory_space<semaphore_mem>>) src(%arg15 : memref<80x128xf32, #tpu.memory_space<vmem>>) dst(%dma_wait3A_562 : memref<80x128xf32, #tpu.memory_space<hbm>>)
    "tpu.region"() ({
      %run_scoped3A = tpu.sem_alloc : memref<!tpu.dma_semaphore, #tpu.memory_space<semaphore_mem>>
      %dma_start3A_1909 = arith.constant 0 : i32
      %dma_start3A_1910 = tpu.memref_slice %arg14[%add3A_554, %dma_start3A_1909] : memref<10240x128xf32, #tpu.memory_space<vmem_shared>> -> memref<80x128xf32, #tpu.memory_space<vmem_shared>>
      %dma_start3A_1911 = arith.constant 0 : i32
      %dma_start3A_1912 = tpu.memref_slice %arg14[%add3A_554, %dma_start3A_1911] : memref<10240x128xf32, #tpu.memory_space<vmem_shared>> -> memref<80x128xf32, #tpu.memory_space<vmem_shared>>
      tpu.enqueue_dma source(%dma_start3A_1912 : memref<80x128xf32, #tpu.memory_space<vmem_shared>>) target(%arg15 : memref<80x128xf32, #tpu.memory_space<vmem>>) target_semaphore(%run_scoped3A : memref<!tpu.dma_semaphore, #tpu.memory_space<semaphore_mem>>)
      %dma_wait3A_1913 = arith.constant 0 : i32
      %dma_wait3A_1914 = tpu.memref_slice %arg14[%add3A_554, %dma_wait3A_1913] : memref<10240x128xf32, #tpu.memory_space<vmem_shared>> -> memref<80x128xf32, #tpu.memory_space<vmem_shared>>
      %dma_wait3A_1915 = arith.constant 0 : i32
      %dma_wait3A_1916 = tpu.memref_slice %arg14[%add3A_554, %dma_wait3A_1915] : memref<10240x128xf32, #tpu.memory_space<vmem_shared>> -> memref<80x128xf32, #tpu.memory_space<vmem_shared>>
      tpu.wait_dma2 semaphore(%run_scoped3A : memref<!tpu.dma_semaphore, #tpu.memory_space<semaphore_mem>>) src(%dma_wait3A_1916 : memref<80x128xf32, #tpu.memory_space<vmem_shared>>) dst(%arg15 : memref<80x128xf32, #tpu.memory_space<vmem>>)
      tpu.yield
    }) : () -> ()
    %dma_start3A_563 = arith.constant 0 : i32
    %dma_start3A_564 = tpu.memref_slice %arg8[%arg0, %add3A_554, %dma_start3A_563] : memref<2x10240x128xf32, #tpu.memory_space<hbm>> -> memref<1x80x128xf32, #tpu.memory_space<hbm>>
    %dma_start3A_565 = tpu.memref_squeeze %dma_start3A_564 : memref<1x80x128xf32, #tpu.memory_space<hbm>> -> memref<80x128xf32, #tpu.memory_space<hbm>>
    %dma_start3A_566 = arith.constant 0 : i32
    %dma_start3A_567 = tpu.memref_slice %arg8[%arg0, %add3A_554, %dma_start3A_566] : memref<2x10240x128xf32, #tpu.memory_space<hbm>> -> memref<1x80x128xf32, #tpu.memory_space<hbm>>
    %dma_start3A_568 = tpu.memref_squeeze %dma_start3A_567 : memref<1x80x128xf32, #tpu.memory_space<hbm>> -> memref<80x128xf32, #tpu.memory_space<hbm>>
    tpu.enqueue_dma source(%arg15 : memref<80x128xf32, #tpu.memory_space<vmem>>) target(%dma_start3A_568 : memref<80x128xf32, #tpu.memory_space<hbm>>) target_semaphore(%arg22 : memref<!tpu.dma_semaphore, #tpu.memory_space<semaphore_mem>>)
    %add3A_569 = arith.constant 400 : i32
    %add3A_570 = arith.addi %mul3A_2, %add3A_569 : i32
    %add3A_571 = arith.constant 240 : i32
    %add3A_572 = arith.addi %mul3A_2, %add3A_571 : i32
    %dma_wait3A_573 = arith.constant 0 : i32
    %dma_wait3A_574 = tpu.memref_slice %arg8[%arg0, %add3A_572, %dma_wait3A_573] : memref<2x10240x128xf32, #tpu.memory_space<hbm>> -> memref<1x80x128xf32, #tpu.memory_space<hbm>>
    %dma_wait3A_575 = tpu.memref_squeeze %dma_wait3A_574 : memref<1x80x128xf32, #tpu.memory_space<hbm>> -> memref<80x128xf32, #tpu.memory_space<hbm>>
    %dma_wait3A_576 = arith.constant 0 : i32
    %dma_wait3A_577 = tpu.memref_slice %arg8[%arg0, %add3A_572, %dma_wait3A_576] : memref<2x10240x128xf32, #tpu.memory_space<hbm>> -> memref<1x80x128xf32, #tpu.memory_space<hbm>>
    %dma_wait3A_578 = tpu.memref_squeeze %dma_wait3A_577 : memref<1x80x128xf32, #tpu.memory_space<hbm>> -> memref<80x128xf32, #tpu.memory_space<hbm>>
    tpu.wait_dma2 semaphore(%arg23 : memref<!tpu.dma_semaphore, #tpu.memory_space<semaphore_mem>>) src(%arg16 : memref<80x128xf32, #tpu.memory_space<vmem>>) dst(%dma_wait3A_578 : memref<80x128xf32, #tpu.memory_space<hbm>>)
    "tpu.region"() ({
      %run_scoped3A = tpu.sem_alloc : memref<!tpu.dma_semaphore, #tpu.memory_space<semaphore_mem>>
      %dma_start3A_1909 = arith.constant 0 : i32
      %dma_start3A_1910 = tpu.memref_slice %arg14[%add3A_570, %dma_start3A_1909] : memref<10240x128xf32, #tpu.memory_space<vmem_shared>> -> memref<80x128xf32, #tpu.memory_space<vmem_shared>>
      %dma_start3A_1911 = arith.constant 0 : i32
      %dma_start3A_1912 = tpu.memref_slice %arg14[%add3A_570, %dma_start3A_1911] : memref<10240x128xf32, #tpu.memory_space<vmem_shared>> -> memref<80x128xf32, #tpu.memory_space<vmem_shared>>
      tpu.enqueue_dma source(%dma_start3A_1912 : memref<80x128xf32, #tpu.memory_space<vmem_shared>>) target(%arg16 : memref<80x128xf32, #tpu.memory_space<vmem>>) target_semaphore(%run_scoped3A : memref<!tpu.dma_semaphore, #tpu.memory_space<semaphore_mem>>)
      %dma_wait3A_1913 = arith.constant 0 : i32
      %dma_wait3A_1914 = tpu.memref_slice %arg14[%add3A_570, %dma_wait3A_1913] : memref<10240x128xf32, #tpu.memory_space<vmem_shared>> -> memref<80x128xf32, #tpu.memory_space<vmem_shared>>
      %dma_wait3A_1915 = arith.constant 0 : i32
      %dma_wait3A_1916 = tpu.memref_slice %arg14[%add3A_570, %dma_wait3A_1915] : memref<10240x128xf32, #tpu.memory_space<vmem_shared>> -> memref<80x128xf32, #tpu.memory_space<vmem_shared>>
      tpu.wait_dma2 semaphore(%run_scoped3A : memref<!tpu.dma_semaphore, #tpu.memory_space<semaphore_mem>>) src(%dma_wait3A_1916 : memref<80x128xf32, #tpu.memory_space<vmem_shared>>) dst(%arg16 : memref<80x128xf32, #tpu.memory_space<vmem>>)
      tpu.yield
    }) : () -> ()
    %dma_start3A_579 = arith.constant 0 : i32
    %dma_start3A_580 = tpu.memref_slice %arg8[%arg0, %add3A_570, %dma_start3A_579] : memref<2x10240x128xf32, #tpu.memory_space<hbm>> -> memref<1x80x128xf32, #tpu.memory_space<hbm>>
    %dma_start3A_581 = tpu.memref_squeeze %dma_start3A_580 : memref<1x80x128xf32, #tpu.memory_space<hbm>> -> memref<80x128xf32, #tpu.memory_space<hbm>>
    %dma_start3A_582 = arith.constant 0 : i32
    %dma_start3A_583 = tpu.memref_slice %arg8[%arg0, %add3A_570, %dma_start3A_582] : memref<2x10240x128xf32, #tpu.memory_space<hbm>> -> memref<1x80x128xf32, #tpu.memory_space<hbm>>
    %dma_start3A_584 = tpu.memref_squeeze %dma_start3A_583 : memref<1x80x128xf32, #tpu.memory_space<hbm>> -> memref<80x128xf32, #tpu.memory_space<hbm>>
    tpu.enqueue_dma source(%arg16 : memref<80x128xf32, #tpu.memory_space<vmem>>) target(%dma_start3A_584 : memref<80x128xf32, #tpu.memory_space<hbm>>) target_semaphore(%arg23 : memref<!tpu.dma_semaphore, #tpu.memory_space<semaphore_mem>>)
    %add3A_585 = arith.constant 480 : i32
    %add3A_586 = arith.addi %mul3A_2, %add3A_585 : i32
    %add3A_587 = arith.constant 320 : i32
    %add3A_588 = arith.addi %mul3A_2, %add3A_587 : i32
    %dma_wait3A_589 = arith.constant 0 : i32
    %dma_wait3A_590 = tpu.memref_slice %arg8[%arg0, %add3A_588, %dma_wait3A_589] : memref<2x10240x128xf32, #tpu.memory_space<hbm>> -> memref<1x80x128xf32, #tpu.memory_space<hbm>>
    %dma_wait3A_591 = tpu.memref_squeeze %dma_wait3A_590 : memref<1x80x128xf32, #tpu.memory_space<hbm>> -> memref<80x128xf32, #tpu.memory_space<hbm>>
    %dma_wait3A_592 = arith.constant 0 : i32
    %dma_wait3A_593 = tpu.memref_slice %arg8[%arg0, %add3A_588, %dma_wait3A_592] : memref<2x10240x128xf32, #tpu.memory_space<hbm>> -> memref<1x80x128xf32, #tpu.memory_space<hbm>>
    %dma_wait3A_594 = tpu.memref_squeeze %dma_wait3A_593 : memref<1x80x128xf32, #tpu.memory_space<hbm>> -> memref<80x128xf32, #tpu.memory_space<hbm>>
    tpu.wait_dma2 semaphore(%arg22 : memref<!tpu.dma_semaphore, #tpu.memory_space<semaphore_mem>>) src(%arg15 : memref<80x128xf32, #tpu.memory_space<vmem>>) dst(%dma_wait3A_594 : memref<80x128xf32, #tpu.memory_space<hbm>>)
    "tpu.region"() ({
      %run_scoped3A = tpu.sem_alloc : memref<!tpu.dma_semaphore, #tpu.memory_space<semaphore_mem>>
      %dma_start3A_1909 = arith.constant 0 : i32
      %dma_start3A_1910 = tpu.memref_slice %arg14[%add3A_586, %dma_start3A_1909] : memref<10240x128xf32, #tpu.memory_space<vmem_shared>> -> memref<80x128xf32, #tpu.memory_space<vmem_shared>>
      %dma_start3A_1911 = arith.constant 0 : i32
      %dma_start3A_1912 = tpu.memref_slice %arg14[%add3A_586, %dma_start3A_1911] : memref<10240x128xf32, #tpu.memory_space<vmem_shared>> -> memref<80x128xf32, #tpu.memory_space<vmem_shared>>
      tpu.enqueue_dma source(%dma_start3A_1912 : memref<80x128xf32, #tpu.memory_space<vmem_shared>>) target(%arg15 : memref<80x128xf32, #tpu.memory_space<vmem>>) target_semaphore(%run_scoped3A : memref<!tpu.dma_semaphore, #tpu.memory_space<semaphore_mem>>)
      %dma_wait3A_1913 = arith.constant 0 : i32
      %dma_wait3A_1914 = tpu.memref_slice %arg14[%add3A_586, %dma_wait3A_1913] : memref<10240x128xf32, #tpu.memory_space<vmem_shared>> -> memref<80x128xf32, #tpu.memory_space<vmem_shared>>
      %dma_wait3A_1915 = arith.constant 0 : i32
      %dma_wait3A_1916 = tpu.memref_slice %arg14[%add3A_586, %dma_wait3A_1915] : memref<10240x128xf32, #tpu.memory_space<vmem_shared>> -> memref<80x128xf32, #tpu.memory_space<vmem_shared>>
      tpu.wait_dma2 semaphore(%run_scoped3A : memref<!tpu.dma_semaphore, #tpu.memory_space<semaphore_mem>>) src(%dma_wait3A_1916 : memref<80x128xf32, #tpu.memory_space<vmem_shared>>) dst(%arg15 : memref<80x128xf32, #tpu.memory_space<vmem>>)
      tpu.yield
    }) : () -> ()
    %dma_start3A_595 = arith.constant 0 : i32
    %dma_start3A_596 = tpu.memref_slice %arg8[%arg0, %add3A_586, %dma_start3A_595] : memref<2x10240x128xf32, #tpu.memory_space<hbm>> -> memref<1x80x128xf32, #tpu.memory_space<hbm>>
    %dma_start3A_597 = tpu.memref_squeeze %dma_start3A_596 : memref<1x80x128xf32, #tpu.memory_space<hbm>> -> memref<80x128xf32, #tpu.memory_space<hbm>>
    %dma_start3A_598 = arith.constant 0 : i32
    %dma_start3A_599 = tpu.memref_slice %arg8[%arg0, %add3A_586, %dma_start3A_598] : memref<2x10240x128xf32, #tpu.memory_space<hbm>> -> memref<1x80x128xf32, #tpu.memory_space<hbm>>
    %dma_start3A_600 = tpu.memref_squeeze %dma_start3A_599 : memref<1x80x128xf32, #tpu.memory_space<hbm>> -> memref<80x128xf32, #tpu.memory_space<hbm>>
    tpu.enqueue_dma source(%arg15 : memref<80x128xf32, #tpu.memory_space<vmem>>) target(%dma_start3A_600 : memref<80x128xf32, #tpu.memory_space<hbm>>) target_semaphore(%arg22 : memref<!tpu.dma_semaphore, #tpu.memory_space<semaphore_mem>>)
    %add3A_601 = arith.constant 560 : i32
    %add3A_602 = arith.addi %mul3A_2, %add3A_601 : i32
    %add3A_603 = arith.constant 400 : i32
    %add3A_604 = arith.addi %mul3A_2, %add3A_603 : i32
    %dma_wait3A_605 = arith.constant 0 : i32
    %dma_wait3A_606 = tpu.memref_slice %arg8[%arg0, %add3A_604, %dma_wait3A_605] : memref<2x10240x128xf32, #tpu.memory_space<hbm>> -> memref<1x80x128xf32, #tpu.memory_space<hbm>>
    %dma_wait3A_607 = tpu.memref_squeeze %dma_wait3A_606 : memref<1x80x128xf32, #tpu.memory_space<hbm>> -> memref<80x128xf32, #tpu.memory_space<hbm>>
    %dma_wait3A_608 = arith.constant 0 : i32
    %dma_wait3A_609 = tpu.memref_slice %arg8[%arg0, %add3A_604, %dma_wait3A_608] : memref<2x10240x128xf32, #tpu.memory_space<hbm>> -> memref<1x80x128xf32, #tpu.memory_space<hbm>>
    %dma_wait3A_610 = tpu.memref_squeeze %dma_wait3A_609 : memref<1x80x128xf32, #tpu.memory_space<hbm>> -> memref<80x128xf32, #tpu.memory_space<hbm>>
    tpu.wait_dma2 semaphore(%arg23 : memref<!tpu.dma_semaphore, #tpu.memory_space<semaphore_mem>>) src(%arg16 : memref<80x128xf32, #tpu.memory_space<vmem>>) dst(%dma_wait3A_610 : memref<80x128xf32, #tpu.memory_space<hbm>>)
    "tpu.region"() ({
      %run_scoped3A = tpu.sem_alloc : memref<!tpu.dma_semaphore, #tpu.memory_space<semaphore_mem>>
      %dma_start3A_1909 = arith.constant 0 : i32
      %dma_start3A_1910 = tpu.memref_slice %arg14[%add3A_602, %dma_start3A_1909] : memref<10240x128xf32, #tpu.memory_space<vmem_shared>> -> memref<80x128xf32, #tpu.memory_space<vmem_shared>>
      %dma_start3A_1911 = arith.constant 0 : i32
      %dma_start3A_1912 = tpu.memref_slice %arg14[%add3A_602, %dma_start3A_1911] : memref<10240x128xf32, #tpu.memory_space<vmem_shared>> -> memref<80x128xf32, #tpu.memory_space<vmem_shared>>
      tpu.enqueue_dma source(%dma_start3A_1912 : memref<80x128xf32, #tpu.memory_space<vmem_shared>>) target(%arg16 : memref<80x128xf32, #tpu.memory_space<vmem>>) target_semaphore(%run_scoped3A : memref<!tpu.dma_semaphore, #tpu.memory_space<semaphore_mem>>)
      %dma_wait3A_1913 = arith.constant 0 : i32
      %dma_wait3A_1914 = tpu.memref_slice %arg14[%add3A_602, %dma_wait3A_1913] : memref<10240x128xf32, #tpu.memory_space<vmem_shared>> -> memref<80x128xf32, #tpu.memory_space<vmem_shared>>
      %dma_wait3A_1915 = arith.constant 0 : i32
      %dma_wait3A_1916 = tpu.memref_slice %arg14[%add3A_602, %dma_wait3A_1915] : memref<10240x128xf32, #tpu.memory_space<vmem_shared>> -> memref<80x128xf32, #tpu.memory_space<vmem_shared>>
      tpu.wait_dma2 semaphore(%run_scoped3A : memref<!tpu.dma_semaphore, #tpu.memory_space<semaphore_mem>>) src(%dma_wait3A_1916 : memref<80x128xf32, #tpu.memory_space<vmem_shared>>) dst(%arg16 : memref<80x128xf32, #tpu.memory_space<vmem>>)
      tpu.yield
    }) : () -> ()
    %dma_start3A_611 = arith.constant 0 : i32
    %dma_start3A_612 = tpu.memref_slice %arg8[%arg0, %add3A_602, %dma_start3A_611] : memref<2x10240x128xf32, #tpu.memory_space<hbm>> -> memref<1x80x128xf32, #tpu.memory_space<hbm>>
    %dma_start3A_613 = tpu.memref_squeeze %dma_start3A_612 : memref<1x80x128xf32, #tpu.memory_space<hbm>> -> memref<80x128xf32, #tpu.memory_space<hbm>>
    %dma_start3A_614 = arith.constant 0 : i32
    %dma_start3A_615 = tpu.memref_slice %arg8[%arg0, %add3A_602, %dma_start3A_614] : memref<2x10240x128xf32, #tpu.memory_space<hbm>> -> memref<1x80x128xf32, #tpu.memory_space<hbm>>
    %dma_start3A_616 = tpu.memref_squeeze %dma_start3A_615 : memref<1x80x128xf32, #tpu.memory_space<hbm>> -> memref<80x128xf32, #tpu.memory_space<hbm>>
    tpu.enqueue_dma source(%arg16 : memref<80x128xf32, #tpu.memory_space<vmem>>) target(%dma_start3A_616 : memref<80x128xf32, #tpu.memory_space<hbm>>) target_semaphore(%arg23 : memref<!tpu.dma_semaphore, #tpu.memory_space<semaphore_mem>>)
    %add3A_617 = arith.constant 480 : i32
    %add3A_618 = arith.addi %mul3A_2, %add3A_617 : i32
    %dma_wait3A_619 = arith.constant 0 : i32
    %dma_wait3A_620 = tpu.memref_slice %arg8[%arg0, %add3A_618, %dma_wait3A_619] : memref<2x10240x128xf32, #tpu.memory_space<hbm>> -> memref<1x80x128xf32, #tpu.memory_space<hbm>>
    %dma_wait3A_621 = tpu.memref_squeeze %dma_wait3A_620 : memref<1x80x128xf32, #tpu.memory_space<hbm>> -> memref<80x128xf32, #tpu.memory_space<hbm>>
    %dma_wait3A_622 = arith.constant 0 : i32
    %dma_wait3A_623 = tpu.memref_slice %arg8[%arg0, %add3A_618, %dma_wait3A_622] : memref<2x10240x128xf32, #tpu.memory_space<hbm>> -> memref<1x80x128xf32, #tpu.memory_space<hbm>>
    %dma_wait3A_624 = tpu.memref_squeeze %dma_wait3A_623 : memref<1x80x128xf32, #tpu.memory_space<hbm>> -> memref<80x128xf32, #tpu.memory_space<hbm>>
    tpu.wait_dma2 semaphore(%arg22 : memref<!tpu.dma_semaphore, #tpu.memory_space<semaphore_mem>>) src(%arg15 : memref<80x128xf32, #tpu.memory_space<vmem>>) dst(%dma_wait3A_624 : memref<80x128xf32, #tpu.memory_space<hbm>>)
    %add3A_625 = arith.constant 560 : i32
    %add3A_626 = arith.addi %mul3A_2, %add3A_625 : i32
    %dma_wait3A_627 = arith.constant 0 : i32
    %dma_wait3A_628 = tpu.memref_slice %arg8[%arg0, %add3A_626, %dma_wait3A_627] : memref<2x10240x128xf32, #tpu.memory_space<hbm>> -> memref<1x80x128xf32, #tpu.memory_space<hbm>>
    %dma_wait3A_629 = tpu.memref_squeeze %dma_wait3A_628 : memref<1x80x128xf32, #tpu.memory_space<hbm>> -> memref<80x128xf32, #tpu.memory_space<hbm>>
    %dma_wait3A_630 = arith.constant 0 : i32
    %dma_wait3A_631 = tpu.memref_slice %arg8[%arg0, %add3A_626, %dma_wait3A_630] : memref<2x10240x128xf32, #tpu.memory_space<hbm>> -> memref<1x80x128xf32, #tpu.memory_space<hbm>>
    %dma_wait3A_632 = tpu.memref_squeeze %dma_wait3A_631 : memref<1x80x128xf32, #tpu.memory_space<hbm>> -> memref<80x128xf32, #tpu.memory_space<hbm>>
    tpu.wait_dma2 semaphore(%arg23 : memref<!tpu.dma_semaphore, #tpu.memory_space<semaphore_mem>>) src(%arg16 : memref<80x128xf32, #tpu.memory_space<vmem>>) dst(%dma_wait3A_632 : memref<80x128xf32, #tpu.memory_space<hbm>>)
    "tpu.region"() ({
      %run_scoped3A = tpu.sem_alloc : memref<!tpu.dma_semaphore, #tpu.memory_space<semaphore_mem>>
      %dma_start3A_1909 = arith.constant 0 : i32
      %dma_start3A_1910 = arith.constant 0 : i32
      %dma_start3A_1911 = tpu.memref_slice %arg9[%add3A, %dma_start3A_1909, %dma_start3A_1910] : memref<32x80x128xf32, #tpu.memory_space<hbm>> -> memref<1x80x128xf32, #tpu.memory_space<hbm>>
      %dma_start3A_1912 = tpu.memref_squeeze %dma_start3A_1911 : memref<1x80x128xf32, #tpu.memory_space<hbm>> -> memref<80x128xf32, #tpu.memory_space<hbm>>
      %dma_start3A_1913 = arith.constant 0 : i32
      %dma_start3A_1914 = arith.constant 0 : i32
      %dma_start3A_1915 = tpu.memref_slice %arg9[%add3A, %dma_start3A_1913, %dma_start3A_1914] : memref<32x80x128xf32, #tpu.memory_space<hbm>> -> memref<1x80x128xf32, #tpu.memory_space<hbm>>
      %dma_start3A_1916 = tpu.memref_squeeze %dma_start3A_1915 : memref<1x80x128xf32, #tpu.memory_space<hbm>> -> memref<80x128xf32, #tpu.memory_space<hbm>>
      tpu.enqueue_dma source(%arg21 : memref<80x128xf32, #tpu.memory_space<vmem>>) target(%dma_start3A_1916 : memref<80x128xf32, #tpu.memory_space<hbm>>) target_semaphore(%run_scoped3A : memref<!tpu.dma_semaphore, #tpu.memory_space<semaphore_mem>>)
      %dma_wait3A_1917 = arith.constant 0 : i32
      %dma_wait3A_1918 = arith.constant 0 : i32
      %dma_wait3A_1919 = tpu.memref_slice %arg9[%add3A, %dma_wait3A_1917, %dma_wait3A_1918] : memref<32x80x128xf32, #tpu.memory_space<hbm>> -> memref<1x80x128xf32, #tpu.memory_space<hbm>>
      %dma_wait3A_1920 = tpu.memref_squeeze %dma_wait3A_1919 : memref<1x80x128xf32, #tpu.memory_space<hbm>> -> memref<80x128xf32, #tpu.memory_space<hbm>>
      %dma_wait3A_1921 = arith.constant 0 : i32
      %dma_wait3A_1922 = arith.constant 0 : i32
      %dma_wait3A_1923 = tpu.memref_slice %arg9[%add3A, %dma_wait3A_1921, %dma_wait3A_1922] : memref<32x80x128xf32, #tpu.memory_space<hbm>> -> memref<1x80x128xf32, #tpu.memory_space<hbm>>
      %dma_wait3A_1924 = tpu.memref_squeeze %dma_wait3A_1923 : memref<1x80x128xf32, #tpu.memory_space<hbm>> -> memref<80x128xf32, #tpu.memory_space<hbm>>
      tpu.wait_dma2 semaphore(%run_scoped3A : memref<!tpu.dma_semaphore, #tpu.memory_space<semaphore_mem>>) src(%arg21 : memref<80x128xf32, #tpu.memory_space<vmem>>) dst(%dma_wait3A_1924 : memref<80x128xf32, #tpu.memory_space<hbm>>)
      tpu.yield
    }) : () -> ()
    %scan3A_633 = arith.constant 0 : i32
    %scan3A_634 = arith.constant 0 : i32
    %scan3A_635 = arith.constant 80 : i32
    %scan3A_636 = arith.addi %scan3A_634, %scan3A_635 : i32
    %scan3A_637 = arith.constant 1 : i32
    scf.for %scan3A_1909 = %scan3A_634 to %scan3A_636 step %scan3A_637  : i32 {
      %broadcast_in_dim3A_1910 = arith.constant 0.000000e+00 : f32
      %broadcast_in_dim3A_1911 = vector.broadcast %broadcast_in_dim3A_1910 : f32 to vector<16xf32>
      %swap3A = arith.index_cast %scan3A_1909 : i32 to index
      %swap3A_1912 = arith.constant 0 : index
      %swap3A_1913 = tpu.vector_load %arg17[%swap3A, %swap3A_1912] {strides = array<i32>} : memref<80x128xf32, #tpu.memory_space<vmem>>, vector<16xf32>,
      tpu.vector_store %arg17[%swap3A, %swap3A_1912], %broadcast_in_dim3A_1911 {strides = array<i32>} : memref<80x128xf32, #tpu.memory_space<vmem>>, vector<16xf32>,
      %broadcast_in_dim3A_1914 = arith.constant 0.000000e+00 : f32
      %broadcast_in_dim3A_1915 = vector.broadcast %broadcast_in_dim3A_1914 : f32 to vector<16xf32>
      %swap3A_1916 = arith.index_cast %scan3A_1909 : i32 to index
      %swap3A_1917 = arith.constant 0 : index
      %swap3A_1918 = tpu.vector_load %arg21[%swap3A_1916, %swap3A_1917] {strides = array<i32>} : memref<80x128xf32, #tpu.memory_space<vmem>>, vector<16xf32>,
      tpu.vector_store %arg21[%swap3A_1916, %swap3A_1917], %broadcast_in_dim3A_1915 {strides = array<i32>} : memref<80x128xf32, #tpu.memory_space<vmem>>, vector<16xf32>,
      %broadcast_in_dim3A_1919 = arith.constant 0.000000e+00 : f32
      %broadcast_in_dim3A_1920 = vector.broadcast %broadcast_in_dim3A_1919 : f32 to vector<16xf32>
      %swap3A_1921 = arith.index_cast %scan3A_1909 : i32 to index
      %swap3A_1922 = arith.constant 16 : index
      %swap3A_1923 = tpu.vector_load %arg17[%swap3A_1921, %swap3A_1922] {strides = array<i32>} : memref<80x128xf32, #tpu.memory_space<vmem>>, vector<16xf32>,
      tpu.vector_store %arg17[%swap3A_1921, %swap3A_1922], %broadcast_in_dim3A_1920 {strides = array<i32>} : memref<80x128xf32, #tpu.memory_space<vmem>>, vector<16xf32>,
      %broadcast_in_dim3A_1924 = arith.constant 0.000000e+00 : f32
      %broadcast_in_dim3A_1925 = vector.broadcast %broadcast_in_dim3A_1924 : f32 to vector<16xf32>
      %swap3A_1926 = arith.index_cast %scan3A_1909 : i32 to index
      %swap3A_1927 = arith.constant 16 : index
      %swap3A_1928 = tpu.vector_load %arg21[%swap3A_1926, %swap3A_1927] {strides = array<i32>} : memref<80x128xf32, #tpu.memory_space<vmem>>, vector<16xf32>,
      tpu.vector_store %arg21[%swap3A_1926, %swap3A_1927], %broadcast_in_dim3A_1925 {strides = array<i32>} : memref<80x128xf32, #tpu.memory_space<vmem>>, vector<16xf32>,
      %broadcast_in_dim3A_1929 = arith.constant 0.000000e+00 : f32
      %broadcast_in_dim3A_1930 = vector.broadcast %broadcast_in_dim3A_1929 : f32 to vector<16xf32>
      %swap3A_1931 = arith.index_cast %scan3A_1909 : i32 to index
      %swap3A_1932 = arith.constant 32 : index
      %swap3A_1933 = tpu.vector_load %arg17[%swap3A_1931, %swap3A_1932] {strides = array<i32>} : memref<80x128xf32, #tpu.memory_space<vmem>>, vector<16xf32>,
      tpu.vector_store %arg17[%swap3A_1931, %swap3A_1932], %broadcast_in_dim3A_1930 {strides = array<i32>} : memref<80x128xf32, #tpu.memory_space<vmem>>, vector<16xf32>,
      %broadcast_in_dim3A_1934 = arith.constant 0.000000e+00 : f32
      %broadcast_in_dim3A_1935 = vector.broadcast %broadcast_in_dim3A_1934 : f32 to vector<16xf32>
      %swap3A_1936 = arith.index_cast %scan3A_1909 : i32 to index
      %swap3A_1937 = arith.constant 32 : index
      %swap3A_1938 = tpu.vector_load %arg21[%swap3A_1936, %swap3A_1937] {strides = array<i32>} : memref<80x128xf32, #tpu.memory_space<vmem>>, vector<16xf32>,
      tpu.vector_store %arg21[%swap3A_1936, %swap3A_1937], %broadcast_in_dim3A_1935 {strides = array<i32>} : memref<80x128xf32, #tpu.memory_space<vmem>>, vector<16xf32>,
      %broadcast_in_dim3A_1939 = arith.constant 0.000000e+00 : f32
      %broadcast_in_dim3A_1940 = vector.broadcast %broadcast_in_dim3A_1939 : f32 to vector<16xf32>
      %swap3A_1941 = arith.index_cast %scan3A_1909 : i32 to index
      %swap3A_1942 = arith.constant 48 : index
      %swap3A_1943 = tpu.vector_load %arg17[%swap3A_1941, %swap3A_1942] {strides = array<i32>} : memref<80x128xf32, #tpu.memory_space<vmem>>, vector<16xf32>,
      tpu.vector_store %arg17[%swap3A_1941, %swap3A_1942], %broadcast_in_dim3A_1940 {strides = array<i32>} : memref<80x128xf32, #tpu.memory_space<vmem>>, vector<16xf32>,
      %broadcast_in_dim3A_1944 = arith.constant 0.000000e+00 : f32
      %broadcast_in_dim3A_1945 = vector.broadcast %broadcast_in_dim3A_1944 : f32 to vector<16xf32>
      %swap3A_1946 = arith.index_cast %scan3A_1909 : i32 to index
      %swap3A_1947 = arith.constant 48 : index
      %swap3A_1948 = tpu.vector_load %arg21[%swap3A_1946, %swap3A_1947] {strides = array<i32>} : memref<80x128xf32, #tpu.memory_space<vmem>>, vector<16xf32>,
      tpu.vector_store %arg21[%swap3A_1946, %swap3A_1947], %broadcast_in_dim3A_1945 {strides = array<i32>} : memref<80x128xf32, #tpu.memory_space<vmem>>, vector<16xf32>,
      %broadcast_in_dim3A_1949 = arith.constant 0.000000e+00 : f32
      %broadcast_in_dim3A_1950 = vector.broadcast %broadcast_in_dim3A_1949 : f32 to vector<16xf32>
      %swap3A_1951 = arith.index_cast %scan3A_1909 : i32 to index
      %swap3A_1952 = arith.constant 64 : index
      %swap3A_1953 = tpu.vector_load %arg17[%swap3A_1951, %swap3A_1952] {strides = array<i32>} : memref<80x128xf32, #tpu.memory_space<vmem>>, vector<16xf32>,
      tpu.vector_store %arg17[%swap3A_1951, %swap3A_1952], %broadcast_in_dim3A_1950 {strides = array<i32>} : memref<80x128xf32, #tpu.memory_space<vmem>>, vector<16xf32>,
      %broadcast_in_dim3A_1954 = arith.constant 0.000000e+00 : f32
      %broadcast_in_dim3A_1955 = vector.broadcast %broadcast_in_dim3A_1954 : f32 to vector<16xf32>
      %swap3A_1956 = arith.index_cast %scan3A_1909 : i32 to index
      %swap3A_1957 = arith.constant 64 : index
      %swap3A_1958 = tpu.vector_load %arg21[%swap3A_1956, %swap3A_1957] {strides = array<i32>} : memref<80x128xf32, #tpu.memory_space<vmem>>, vector<16xf32>,
      tpu.vector_store %arg21[%swap3A_1956, %swap3A_1957], %broadcast_in_dim3A_1955 {strides = array<i32>} : memref<80x128xf32, #tpu.memory_space<vmem>>, vector<16xf32>,
      %broadcast_in_dim3A_1959 = arith.constant 0.000000e+00 : f32
      %broadcast_in_dim3A_1960 = vector.broadcast %broadcast_in_dim3A_1959 : f32 to vector<16xf32>
      %swap3A_1961 = arith.index_cast %scan3A_1909 : i32 to index
      %swap3A_1962 = arith.constant 80 : index
      %swap3A_1963 = tpu.vector_load %arg17[%swap3A_1961, %swap3A_1962] {strides = array<i32>} : memref<80x128xf32, #tpu.memory_space<vmem>>, vector<16xf32>,
      tpu.vector_store %arg17[%swap3A_1961, %swap3A_1962], %broadcast_in_dim3A_1960 {strides = array<i32>} : memref<80x128xf32, #tpu.memory_space<vmem>>, vector<16xf32>,
      %broadcast_in_dim3A_1964 = arith.constant 0.000000e+00 : f32
      %broadcast_in_dim3A_1965 = vector.broadcast %broadcast_in_dim3A_1964 : f32 to vector<16xf32>
      %swap3A_1966 = arith.index_cast %scan3A_1909 : i32 to index
      %swap3A_1967 = arith.constant 80 : index
      %swap3A_1968 = tpu.vector_load %arg21[%swap3A_1966, %swap3A_1967] {strides = array<i32>} : memref<80x128xf32, #tpu.memory_space<vmem>>, vector<16xf32>,
      tpu.vector_store %arg21[%swap3A_1966, %swap3A_1967], %broadcast_in_dim3A_1965 {strides = array<i32>} : memref<80x128xf32, #tpu.memory_space<vmem>>, vector<16xf32>,
      %broadcast_in_dim3A_1969 = arith.constant 0.000000e+00 : f32
      %broadcast_in_dim3A_1970 = vector.broadcast %broadcast_in_dim3A_1969 : f32 to vector<16xf32>
      %swap3A_1971 = arith.index_cast %scan3A_1909 : i32 to index
      %swap3A_1972 = arith.constant 96 : index
      %swap3A_1973 = tpu.vector_load %arg17[%swap3A_1971, %swap3A_1972] {strides = array<i32>} : memref<80x128xf32, #tpu.memory_space<vmem>>, vector<16xf32>,
      tpu.vector_store %arg17[%swap3A_1971, %swap3A_1972], %broadcast_in_dim3A_1970 {strides = array<i32>} : memref<80x128xf32, #tpu.memory_space<vmem>>, vector<16xf32>,
      %broadcast_in_dim3A_1974 = arith.constant 0.000000e+00 : f32
      %broadcast_in_dim3A_1975 = vector.broadcast %broadcast_in_dim3A_1974 : f32 to vector<16xf32>
      %swap3A_1976 = arith.index_cast %scan3A_1909 : i32 to index
      %swap3A_1977 = arith.constant 96 : index
      %swap3A_1978 = tpu.vector_load %arg21[%swap3A_1976, %swap3A_1977] {strides = array<i32>} : memref<80x128xf32, #tpu.memory_space<vmem>>, vector<16xf32>,
      tpu.vector_store %arg21[%swap3A_1976, %swap3A_1977], %broadcast_in_dim3A_1975 {strides = array<i32>} : memref<80x128xf32, #tpu.memory_space<vmem>>, vector<16xf32>,
      %broadcast_in_dim3A_1979 = arith.constant 0.000000e+00 : f32
      %broadcast_in_dim3A_1980 = vector.broadcast %broadcast_in_dim3A_1979 : f32 to vector<16xf32>
      %swap3A_1981 = arith.index_cast %scan3A_1909 : i32 to index
      %swap3A_1982 = arith.constant 112 : index
      %swap3A_1983 = tpu.vector_load %arg17[%swap3A_1981, %swap3A_1982] {strides = array<i32>} : memref<80x128xf32, #tpu.memory_space<vmem>>, vector<16xf32>,
      tpu.vector_store %arg17[%swap3A_1981, %swap3A_1982], %broadcast_in_dim3A_1980 {strides = array<i32>} : memref<80x128xf32, #tpu.memory_space<vmem>>, vector<16xf32>,
      %broadcast_in_dim3A_1984 = arith.constant 0.000000e+00 : f32
      %broadcast_in_dim3A_1985 = vector.broadcast %broadcast_in_dim3A_1984 : f32 to vector<16xf32>
      %swap3A_1986 = arith.index_cast %scan3A_1909 : i32 to index
      %swap3A_1987 = arith.constant 112 : index
      %swap3A_1988 = tpu.vector_load %arg21[%swap3A_1986, %swap3A_1987] {strides = array<i32>} : memref<80x128xf32, #tpu.memory_space<vmem>>, vector<16xf32>,
      tpu.vector_store %arg21[%swap3A_1986, %swap3A_1987], %broadcast_in_dim3A_1985 {strides = array<i32>} : memref<80x128xf32, #tpu.memory_space<vmem>>, vector<16xf32>,
    }
    %scan3A_638 = arith.constant 80 : i32
    %add3A_639 = arith.constant 0 : i32
    %add3A_640 = arith.addi %mul3A_2, %add3A_639 : i32
    %dma_start3A_641 = arith.constant 0 : i32
    %dma_start3A_642 = tpu.memref_slice %arg14[%add3A_640, %dma_start3A_641] : memref<10240x128xf32, #tpu.memory_space<vmem_shared>> -> memref<80x128xf32, #tpu.memory_space<vmem_shared>>
    %dma_start3A_643 = arith.constant 0 : i32
    %dma_start3A_644 = tpu.memref_slice %arg14[%add3A_640, %dma_start3A_643] : memref<10240x128xf32, #tpu.memory_space<vmem_shared>> -> memref<80x128xf32, #tpu.memory_space<vmem_shared>>
    tpu.enqueue_dma source(%arg17 : memref<80x128xf32, #tpu.memory_space<vmem>>) target(%dma_start3A_644 : memref<80x128xf32, #tpu.memory_space<vmem_shared>>) target_semaphore(%arg28 : memref<!tpu.dma_semaphore, #tpu.memory_space<semaphore_mem>>)
    %add3A_645 = arith.constant 80 : i32
    %add3A_646 = arith.addi %mul3A_2, %add3A_645 : i32
    %dma_start3A_647 = arith.constant 0 : i32
    %dma_start3A_648 = tpu.memref_slice %arg14[%add3A_646, %dma_start3A_647] : memref<10240x128xf32, #tpu.memory_space<vmem_shared>> -> memref<80x128xf32, #tpu.memory_space<vmem_shared>>
    %dma_start3A_649 = arith.constant 0 : i32
    %dma_start3A_650 = tpu.memref_slice %arg14[%add3A_646, %dma_start3A_649] : memref<10240x128xf32, #tpu.memory_space<vmem_shared>> -> memref<80x128xf32, #tpu.memory_space<vmem_shared>>
    tpu.enqueue_dma source(%arg17 : memref<80x128xf32, #tpu.memory_space<vmem>>) target(%dma_start3A_650 : memref<80x128xf32, #tpu.memory_space<vmem_shared>>) target_semaphore(%arg29 : memref<!tpu.dma_semaphore, #tpu.memory_space<semaphore_mem>>)
    %add3A_651 = arith.constant 160 : i32
    %add3A_652 = arith.addi %mul3A_2, %add3A_651 : i32
    %dma_start3A_653 = arith.constant 0 : i32
    %dma_start3A_654 = tpu.memref_slice %arg14[%add3A_652, %dma_start3A_653] : memref<10240x128xf32, #tpu.memory_space<vmem_shared>> -> memref<80x128xf32, #tpu.memory_space<vmem_shared>>
    %dma_start3A_655 = arith.constant 0 : i32
    %dma_start3A_656 = tpu.memref_slice %arg14[%add3A_652, %dma_start3A_655] : memref<10240x128xf32, #tpu.memory_space<vmem_shared>> -> memref<80x128xf32, #tpu.memory_space<vmem_shared>>
    tpu.enqueue_dma source(%arg17 : memref<80x128xf32, #tpu.memory_space<vmem>>) target(%dma_start3A_656 : memref<80x128xf32, #tpu.memory_space<vmem_shared>>) target_semaphore(%arg28 : memref<!tpu.dma_semaphore, #tpu.memory_space<semaphore_mem>>)
    %add3A_657 = arith.constant 240 : i32
    %add3A_658 = arith.addi %mul3A_2, %add3A_657 : i32
    %dma_start3A_659 = arith.constant 0 : i32
    %dma_start3A_660 = tpu.memref_slice %arg14[%add3A_658, %dma_start3A_659] : memref<10240x128xf32, #tpu.memory_space<vmem_shared>> -> memref<80x128xf32, #tpu.memory_space<vmem_shared>>
    %dma_start3A_661 = arith.constant 0 : i32
    %dma_start3A_662 = tpu.memref_slice %arg14[%add3A_658, %dma_start3A_661] : memref<10240x128xf32, #tpu.memory_space<vmem_shared>> -> memref<80x128xf32, #tpu.memory_space<vmem_shared>>
    tpu.enqueue_dma source(%arg17 : memref<80x128xf32, #tpu.memory_space<vmem>>) target(%dma_start3A_662 : memref<80x128xf32, #tpu.memory_space<vmem_shared>>) target_semaphore(%arg29 : memref<!tpu.dma_semaphore, #tpu.memory_space<semaphore_mem>>)
    %add3A_663 = arith.constant 320 : i32
    %add3A_664 = arith.addi %mul3A_2, %add3A_663 : i32
    %dma_start3A_665 = arith.constant 0 : i32
    %dma_start3A_666 = tpu.memref_slice %arg14[%add3A_664, %dma_start3A_665] : memref<10240x128xf32, #tpu.memory_space<vmem_shared>> -> memref<80x128xf32, #tpu.memory_space<vmem_shared>>
    %dma_start3A_667 = arith.constant 0 : i32
    %dma_start3A_668 = tpu.memref_slice %arg14[%add3A_664, %dma_start3A_667] : memref<10240x128xf32, #tpu.memory_space<vmem_shared>> -> memref<80x128xf32, #tpu.memory_space<vmem_shared>>
    tpu.enqueue_dma source(%arg17 : memref<80x128xf32, #tpu.memory_space<vmem>>) target(%dma_start3A_668 : memref<80x128xf32, #tpu.memory_space<vmem_shared>>) target_semaphore(%arg28 : memref<!tpu.dma_semaphore, #tpu.memory_space<semaphore_mem>>)
    %add3A_669 = arith.constant 400 : i32
    %add3A_670 = arith.addi %mul3A_2, %add3A_669 : i32
    %dma_start3A_671 = arith.constant 0 : i32
    %dma_start3A_672 = tpu.memref_slice %arg14[%add3A_670, %dma_start3A_671] : memref<10240x128xf32, #tpu.memory_space<vmem_shared>> -> memref<80x128xf32, #tpu.memory_space<vmem_shared>>
    %dma_start3A_673 = arith.constant 0 : i32
    %dma_start3A_674 = tpu.memref_slice %arg14[%add3A_670, %dma_start3A_673] : memref<10240x128xf32, #tpu.memory_space<vmem_shared>> -> memref<80x128xf32, #tpu.memory_space<vmem_shared>>
    tpu.enqueue_dma source(%arg17 : memref<80x128xf32, #tpu.memory_space<vmem>>) target(%dma_start3A_674 : memref<80x128xf32, #tpu.memory_space<vmem_shared>>) target_semaphore(%arg29 : memref<!tpu.dma_semaphore, #tpu.memory_space<semaphore_mem>>)
    %add3A_675 = arith.constant 480 : i32
    %add3A_676 = arith.addi %mul3A_2, %add3A_675 : i32
    %dma_start3A_677 = arith.constant 0 : i32
    %dma_start3A_678 = tpu.memref_slice %arg14[%add3A_676, %dma_start3A_677] : memref<10240x128xf32, #tpu.memory_space<vmem_shared>> -> memref<80x128xf32, #tpu.memory_space<vmem_shared>>
    %dma_start3A_679 = arith.constant 0 : i32
    %dma_start3A_680 = tpu.memref_slice %arg14[%add3A_676, %dma_start3A_679] : memref<10240x128xf32, #tpu.memory_space<vmem_shared>> -> memref<80x128xf32, #tpu.memory_space<vmem_shared>>
    tpu.enqueue_dma source(%arg17 : memref<80x128xf32, #tpu.memory_space<vmem>>) target(%dma_start3A_680 : memref<80x128xf32, #tpu.memory_space<vmem_shared>>) target_semaphore(%arg28 : memref<!tpu.dma_semaphore, #tpu.memory_space<semaphore_mem>>)
    %add3A_681 = arith.constant 560 : i32
    %add3A_682 = arith.addi %mul3A_2, %add3A_681 : i32
    %dma_start3A_683 = arith.constant 0 : i32
    %dma_start3A_684 = tpu.memref_slice %arg14[%add3A_682, %dma_start3A_683] : memref<10240x128xf32, #tpu.memory_space<vmem_shared>> -> memref<80x128xf32, #tpu.memory_space<vmem_shared>>
    %dma_start3A_685 = arith.constant 0 : i32
    %dma_start3A_686 = tpu.memref_slice %arg14[%add3A_682, %dma_start3A_685] : memref<10240x128xf32, #tpu.memory_space<vmem_shared>> -> memref<80x128xf32, #tpu.memory_space<vmem_shared>>
    tpu.enqueue_dma source(%arg17 : memref<80x128xf32, #tpu.memory_space<vmem>>) target(%dma_start3A_686 : memref<80x128xf32, #tpu.memory_space<vmem_shared>>) target_semaphore(%arg29 : memref<!tpu.dma_semaphore, #tpu.memory_space<semaphore_mem>>)
    %add3A_687 = arith.constant 0 : i32
    %add3A_688 = arith.addi %mul3A_2, %add3A_687 : i32
    %dma_wait3A_689 = arith.constant 0 : i32
    %dma_wait3A_690 = tpu.memref_slice %arg14[%add3A_688, %dma_wait3A_689] : memref<10240x128xf32, #tpu.memory_space<vmem_shared>> -> memref<80x128xf32, #tpu.memory_space<vmem_shared>>
    %dma_wait3A_691 = arith.constant 0 : i32
    %dma_wait3A_692 = tpu.memref_slice %arg14[%add3A_688, %dma_wait3A_691] : memref<10240x128xf32, #tpu.memory_space<vmem_shared>> -> memref<80x128xf32, #tpu.memory_space<vmem_shared>>
    tpu.wait_dma2 semaphore(%arg28 : memref<!tpu.dma_semaphore, #tpu.memory_space<semaphore_mem>>) src(%arg17 : memref<80x128xf32, #tpu.memory_space<vmem>>) dst(%dma_wait3A_692 : memref<80x128xf32, #tpu.memory_space<vmem_shared>>)
    %add3A_693 = arith.constant 80 : i32
    %add3A_694 = arith.addi %mul3A_2, %add3A_693 : i32
    %dma_wait3A_695 = arith.constant 0 : i32
    %dma_wait3A_696 = tpu.memref_slice %arg14[%add3A_694, %dma_wait3A_695] : memref<10240x128xf32, #tpu.memory_space<vmem_shared>> -> memref<80x128xf32, #tpu.memory_space<vmem_shared>>
    %dma_wait3A_697 = arith.constant 0 : i32
    %dma_wait3A_698 = tpu.memref_slice %arg14[%add3A_694, %dma_wait3A_697] : memref<10240x128xf32, #tpu.memory_space<vmem_shared>> -> memref<80x128xf32, #tpu.memory_space<vmem_shared>>
    tpu.wait_dma2 semaphore(%arg29 : memref<!tpu.dma_semaphore, #tpu.memory_space<semaphore_mem>>) src(%arg17 : memref<80x128xf32, #tpu.memory_space<vmem>>) dst(%dma_wait3A_698 : memref<80x128xf32, #tpu.memory_space<vmem_shared>>)
    %add3A_699 = arith.constant 160 : i32
    %add3A_700 = arith.addi %mul3A_2, %add3A_699 : i32
    %dma_wait3A_701 = arith.constant 0 : i32
    %dma_wait3A_702 = tpu.memref_slice %arg14[%add3A_700, %dma_wait3A_701] : memref<10240x128xf32, #tpu.memory_space<vmem_shared>> -> memref<80x128xf32, #tpu.memory_space<vmem_shared>>
    %dma_wait3A_703 = arith.constant 0 : i32
    %dma_wait3A_704 = tpu.memref_slice %arg14[%add3A_700, %dma_wait3A_703] : memref<10240x128xf32, #tpu.memory_space<vmem_shared>> -> memref<80x128xf32, #tpu.memory_space<vmem_shared>>
    tpu.wait_dma2 semaphore(%arg28 : memref<!tpu.dma_semaphore, #tpu.memory_space<semaphore_mem>>) src(%arg17 : memref<80x128xf32, #tpu.memory_space<vmem>>) dst(%dma_wait3A_704 : memref<80x128xf32, #tpu.memory_space<vmem_shared>>)
    %add3A_705 = arith.constant 240 : i32
    %add3A_706 = arith.addi %mul3A_2, %add3A_705 : i32
    %dma_wait3A_707 = arith.constant 0 : i32
    %dma_wait3A_708 = tpu.memref_slice %arg14[%add3A_706, %dma_wait3A_707] : memref<10240x128xf32, #tpu.memory_space<vmem_shared>> -> memref<80x128xf32, #tpu.memory_space<vmem_shared>>
    %dma_wait3A_709 = arith.constant 0 : i32
    %dma_wait3A_710 = tpu.memref_slice %arg14[%add3A_706, %dma_wait3A_709] : memref<10240x128xf32, #tpu.memory_space<vmem_shared>> -> memref<80x128xf32, #tpu.memory_space<vmem_shared>>
    tpu.wait_dma2 semaphore(%arg29 : memref<!tpu.dma_semaphore, #tpu.memory_space<semaphore_mem>>) src(%arg17 : memref<80x128xf32, #tpu.memory_space<vmem>>) dst(%dma_wait3A_710 : memref<80x128xf32, #tpu.memory_space<vmem_shared>>)
    %add3A_711 = arith.constant 320 : i32
    %add3A_712 = arith.addi %mul3A_2, %add3A_711 : i32
    %dma_wait3A_713 = arith.constant 0 : i32
    %dma_wait3A_714 = tpu.memref_slice %arg14[%add3A_712, %dma_wait3A_713] : memref<10240x128xf32, #tpu.memory_space<vmem_shared>> -> memref<80x128xf32, #tpu.memory_space<vmem_shared>>
    %dma_wait3A_715 = arith.constant 0 : i32
    %dma_wait3A_716 = tpu.memref_slice %arg14[%add3A_712, %dma_wait3A_715] : memref<10240x128xf32, #tpu.memory_space<vmem_shared>> -> memref<80x128xf32, #tpu.memory_space<vmem_shared>>
    tpu.wait_dma2 semaphore(%arg28 : memref<!tpu.dma_semaphore, #tpu.memory_space<semaphore_mem>>) src(%arg17 : memref<80x128xf32, #tpu.memory_space<vmem>>) dst(%dma_wait3A_716 : memref<80x128xf32, #tpu.memory_space<vmem_shared>>)
    %add3A_717 = arith.constant 400 : i32
    %add3A_718 = arith.addi %mul3A_2, %add3A_717 : i32
    %dma_wait3A_719 = arith.constant 0 : i32
    %dma_wait3A_720 = tpu.memref_slice %arg14[%add3A_718, %dma_wait3A_719] : memref<10240x128xf32, #tpu.memory_space<vmem_shared>> -> memref<80x128xf32, #tpu.memory_space<vmem_shared>>
    %dma_wait3A_721 = arith.constant 0 : i32
    %dma_wait3A_722 = tpu.memref_slice %arg14[%add3A_718, %dma_wait3A_721] : memref<10240x128xf32, #tpu.memory_space<vmem_shared>> -> memref<80x128xf32, #tpu.memory_space<vmem_shared>>
    tpu.wait_dma2 semaphore(%arg29 : memref<!tpu.dma_semaphore, #tpu.memory_space<semaphore_mem>>) src(%arg17 : memref<80x128xf32, #tpu.memory_space<vmem>>) dst(%dma_wait3A_722 : memref<80x128xf32, #tpu.memory_space<vmem_shared>>)
    %add3A_723 = arith.constant 480 : i32
    %add3A_724 = arith.addi %mul3A_2, %add3A_723 : i32
    %dma_wait3A_725 = arith.constant 0 : i32
    %dma_wait3A_726 = tpu.memref_slice %arg14[%add3A_724, %dma_wait3A_725] : memref<10240x128xf32, #tpu.memory_space<vmem_shared>> -> memref<80x128xf32, #tpu.memory_space<vmem_shared>>
    %dma_wait3A_727 = arith.constant 0 : i32
    %dma_wait3A_728 = tpu.memref_slice %arg14[%add3A_724, %dma_wait3A_727] : memref<10240x128xf32, #tpu.memory_space<vmem_shared>> -> memref<80x128xf32, #tpu.memory_space<vmem_shared>>
    tpu.wait_dma2 semaphore(%arg28 : memref<!tpu.dma_semaphore, #tpu.memory_space<semaphore_mem>>) src(%arg17 : memref<80x128xf32, #tpu.memory_space<vmem>>) dst(%dma_wait3A_728 : memref<80x128xf32, #tpu.memory_space<vmem_shared>>)
    %add3A_729 = arith.constant 560 : i32
    %add3A_730 = arith.addi %mul3A_2, %add3A_729 : i32
    %dma_wait3A_731 = arith.constant 0 : i32
    %dma_wait3A_732 = tpu.memref_slice %arg14[%add3A_730, %dma_wait3A_731] : memref<10240x128xf32, #tpu.memory_space<vmem_shared>> -> memref<80x128xf32, #tpu.memory_space<vmem_shared>>
    %dma_wait3A_733 = arith.constant 0 : i32
    %dma_wait3A_734 = tpu.memref_slice %arg14[%add3A_730, %dma_wait3A_733] : memref<10240x128xf32, #tpu.memory_space<vmem_shared>> -> memref<80x128xf32, #tpu.memory_space<vmem_shared>>
    tpu.wait_dma2 semaphore(%arg29 : memref<!tpu.dma_semaphore, #tpu.memory_space<semaphore_mem>>) src(%arg17 : memref<80x128xf32, #tpu.memory_space<vmem>>) dst(%dma_wait3A_734 : memref<80x128xf32, #tpu.memory_space<vmem_shared>>)
    %barrier3A_735 = arith.constant 0 : index
    tpu.barrier barrier_id(%barrier3A_735)
    %add3A_736 = arith.constant 0 : i32
    %add3A_737 = arith.addi %add3A, %add3A_736 : i32
    %mul3A_738 = arith.constant 80 : i32
    %mul3A_739 = arith.muli %add3A_737, %mul3A_738 : i32
    %dma_start3A_740 = arith.constant 0 : i32
    %dma_start3A_741 = tpu.memref_slice %arg4[%mul3A_739, %dma_start3A_740] : memref<320000x128xf32, #tpu.memory_space<hbm>> -> memref<80x128xf32, #tpu.memory_space<hbm>>
    %dma_start3A_742 = arith.constant 0 : i32
    %dma_start3A_743 = tpu.memref_slice %arg4[%mul3A_739, %dma_start3A_742] : memref<320000x128xf32, #tpu.memory_space<hbm>> -> memref<80x128xf32, #tpu.memory_space<hbm>>
    tpu.enqueue_dma source(%dma_start3A_743 : memref<80x128xf32, #tpu.memory_space<hbm>>) target(%arg15 : memref<80x128xf32, #tpu.memory_space<vmem>>) target_semaphore(%arg22 : memref<!tpu.dma_semaphore, #tpu.memory_space<semaphore_mem>>)
    %mul3A_744 = arith.constant 80 : i32
    %mul3A_745 = arith.muli %add3A_737, %mul3A_744 : i32
    %dma_start3A_746 = tpu.memref_slice %arg5[%mul3A_745] : memref<320000xi32, #tpu.memory_space<hbm>> -> memref<80xi32, #tpu.memory_space<hbm>>
    %dma_start3A_747 = tpu.memref_slice %arg5[%mul3A_745] : memref<320000xi32, #tpu.memory_space<hbm>> -> memref<80xi32, #tpu.memory_space<hbm>>
    tpu.enqueue_dma source(%dma_start3A_747 : memref<80xi32, #tpu.memory_space<hbm>>) target(%arg18 : memref<80xi32, #tpu.memory_space<vmem>>) target_semaphore(%arg25 : memref<!tpu.dma_semaphore, #tpu.memory_space<semaphore_mem>>)
    %add3A_748 = arith.constant 32 : i32
    %add3A_749 = arith.addi %add3A, %add3A_748 : i32
    %mul3A_750 = arith.constant 80 : i32
    %mul3A_751 = arith.muli %add3A_749, %mul3A_750 : i32
    %dma_start3A_752 = arith.constant 0 : i32
    %dma_start3A_753 = tpu.memref_slice %arg4[%mul3A_751, %dma_start3A_752] : memref<320000x128xf32, #tpu.memory_space<hbm>> -> memref<80x128xf32, #tpu.memory_space<hbm>>
    %dma_start3A_754 = arith.constant 0 : i32
    %dma_start3A_755 = tpu.memref_slice %arg4[%mul3A_751, %dma_start3A_754] : memref<320000x128xf32, #tpu.memory_space<hbm>> -> memref<80x128xf32, #tpu.memory_space<hbm>>
    tpu.enqueue_dma source(%dma_start3A_755 : memref<80x128xf32, #tpu.memory_space<hbm>>) target(%arg16 : memref<80x128xf32, #tpu.memory_space<vmem>>) target_semaphore(%arg23 : memref<!tpu.dma_semaphore, #tpu.memory_space<semaphore_mem>>)
    %mul3A_756 = arith.constant 80 : i32
    %mul3A_757 = arith.muli %add3A_749, %mul3A_756 : i32
    %dma_start3A_758 = tpu.memref_slice %arg5[%mul3A_757] : memref<320000xi32, #tpu.memory_space<hbm>> -> memref<80xi32, #tpu.memory_space<hbm>>
    %dma_start3A_759 = tpu.memref_slice %arg5[%mul3A_757] : memref<320000xi32, #tpu.memory_space<hbm>> -> memref<80xi32, #tpu.memory_space<hbm>>
    tpu.enqueue_dma source(%dma_start3A_759 : memref<80xi32, #tpu.memory_space<hbm>>) target(%arg19 : memref<80xi32, #tpu.memory_space<vmem>>) target_semaphore(%arg26 : memref<!tpu.dma_semaphore, #tpu.memory_space<semaphore_mem>>)
    %add3A_760 = arith.constant 0 : i32
    %add3A_761 = arith.addi %add3A, %add3A_760 : i32
    %mul3A_762 = arith.constant 80 : i32
    %mul3A_763 = arith.muli %add3A_761, %mul3A_762 : i32
    %dma_wait3A_764 = arith.constant 0 : i32
    %dma_wait3A_765 = tpu.memref_slice %arg4[%mul3A_763, %dma_wait3A_764] : memref<320000x128xf32, #tpu.memory_space<hbm>> -> memref<80x128xf32, #tpu.memory_space<hbm>>
    %dma_wait3A_766 = arith.constant 0 : i32
    %dma_wait3A_767 = tpu.memref_slice %arg4[%mul3A_763, %dma_wait3A_766] : memref<320000x128xf32, #tpu.memory_space<hbm>> -> memref<80x128xf32, #tpu.memory_space<hbm>>
    tpu.wait_dma2 semaphore(%arg22 : memref<!tpu.dma_semaphore, #tpu.memory_space<semaphore_mem>>) src(%dma_wait3A_767 : memref<80x128xf32, #tpu.memory_space<hbm>>) dst(%arg15 : memref<80x128xf32, #tpu.memory_space<vmem>>)
    %mul3A_768 = arith.constant 80 : i32
    %mul3A_769 = arith.muli %add3A_761, %mul3A_768 : i32
    %dma_wait3A_770 = tpu.memref_slice %arg5[%mul3A_769] : memref<320000xi32, #tpu.memory_space<hbm>> -> memref<80xi32, #tpu.memory_space<hbm>>
    %dma_wait3A_771 = tpu.memref_slice %arg5[%mul3A_769] : memref<320000xi32, #tpu.memory_space<hbm>> -> memref<80xi32, #tpu.memory_space<hbm>>
    tpu.wait_dma2 semaphore(%arg25 : memref<!tpu.dma_semaphore, #tpu.memory_space<semaphore_mem>>) src(%dma_wait3A_771 : memref<80xi32, #tpu.memory_space<hbm>>) dst(%arg18 : memref<80xi32, #tpu.memory_space<vmem>>)
    %dma_start3A_772 = arith.constant 0 : i32
    %dma_start3A_773 = arith.constant 0 : i32
    %dma_start3A_774 = tpu.memref_slice %arg14[%dma_start3A_772, %dma_start3A_773] : memref<10240x128xf32, #tpu.memory_space<vmem_shared>> -> memref<10240x128xf32, #tpu.memory_space<vmem_shared>>
    tpu.enqueue_indirect_dma source(%arg15 : memref<80x128xf32, #tpu.memory_space<vmem>>) target(%dma_start3A_774 : memref<10240x128xf32, #tpu.memory_space<vmem_shared>>) offsets(%arg18 : memref<80xi32, #tpu.memory_space<vmem>>) semaphore(%arg28 : memref<!tpu.dma_semaphore, #tpu.memory_space<semaphore_mem>>) {add = true}
    %get3A_775 = arith.constant 0 : index
    %get3A_776 = tpu.vector_load %arg18[%get3A_775] {strides = array<i32>} : memref<80xi32, #tpu.memory_space<vmem>>, vector<16xi32>,
    %shift_right_logical3A_777 = arith.constant 7 : i32
    %shift_right_logical3A_778 = vector.broadcast %shift_right_logical3A_777 : i32 to vector<16xi32>
    %shift_right_logical3A_779 = arith.shrui %get3A_776, %shift_right_logical3A_778 : vector<16xi32>
    %and3A_780 = arith.constant 127 : i32
    %and3A_781 = vector.broadcast %and3A_780 : i32 to vector<16xi32>
    %and3A_782 = arith.andi %get3A_776, %and3A_781 : vector<16xi32>
    %broadcast_in_dim3A_783 = arith.constant 1.000000e+00 : f32
    %broadcast_in_dim3A_784 = vector.broadcast %broadcast_in_dim3A_783 : f32 to vector<16xf32>
    tpu.vector_store_idx %arg21[%shift_right_logical3A_779, %and3A_782], %broadcast_in_dim3A_784 {add = true} : memref<80x128xf32, #tpu.memory_space<vmem>>[vector<16xi32>, vector<16xi32>], vector<16xf32>,
    %get3A_785 = arith.constant 16 : index
    %get3A_786 = tpu.vector_load %arg18[%get3A_785] {strides = array<i32>} : memref<80xi32, #tpu.memory_space<vmem>>, vector<16xi32>,
    %shift_right_logical3A_787 = arith.constant 7 : i32
    %shift_right_logical3A_788 = vector.broadcast %shift_right_logical3A_787 : i32 to vector<16xi32>
    %shift_right_logical3A_789 = arith.shrui %get3A_786, %shift_right_logical3A_788 : vector<16xi32>
    %and3A_790 = arith.constant 127 : i32
    %and3A_791 = vector.broadcast %and3A_790 : i32 to vector<16xi32>
    %and3A_792 = arith.andi %get3A_786, %and3A_791 : vector<16xi32>
    %broadcast_in_dim3A_793 = arith.constant 1.000000e+00 : f32
    %broadcast_in_dim3A_794 = vector.broadcast %broadcast_in_dim3A_793 : f32 to vector<16xf32>
    tpu.vector_store_idx %arg21[%shift_right_logical3A_789, %and3A_792], %broadcast_in_dim3A_794 {add = true} : memref<80x128xf32, #tpu.memory_space<vmem>>[vector<16xi32>, vector<16xi32>], vector<16xf32>,
    %get3A_795 = arith.constant 32 : index
    %get3A_796 = tpu.vector_load %arg18[%get3A_795] {strides = array<i32>} : memref<80xi32, #tpu.memory_space<vmem>>, vector<16xi32>,
    %shift_right_logical3A_797 = arith.constant 7 : i32
    %shift_right_logical3A_798 = vector.broadcast %shift_right_logical3A_797 : i32 to vector<16xi32>
    %shift_right_logical3A_799 = arith.shrui %get3A_796, %shift_right_logical3A_798 : vector<16xi32>
    %and3A_800 = arith.constant 127 : i32
    %and3A_801 = vector.broadcast %and3A_800 : i32 to vector<16xi32>
    %and3A_802 = arith.andi %get3A_796, %and3A_801 : vector<16xi32>
    %broadcast_in_dim3A_803 = arith.constant 1.000000e+00 : f32
    %broadcast_in_dim3A_804 = vector.broadcast %broadcast_in_dim3A_803 : f32 to vector<16xf32>
    tpu.vector_store_idx %arg21[%shift_right_logical3A_799, %and3A_802], %broadcast_in_dim3A_804 {add = true} : memref<80x128xf32, #tpu.memory_space<vmem>>[vector<16xi32>, vector<16xi32>], vector<16xf32>,
    %get3A_805 = arith.constant 48 : index
    %get3A_806 = tpu.vector_load %arg18[%get3A_805] {strides = array<i32>} : memref<80xi32, #tpu.memory_space<vmem>>, vector<16xi32>,
    %shift_right_logical3A_807 = arith.constant 7 : i32
    %shift_right_logical3A_808 = vector.broadcast %shift_right_logical3A_807 : i32 to vector<16xi32>
    %shift_right_logical3A_809 = arith.shrui %get3A_806, %shift_right_logical3A_808 : vector<16xi32>
    %and3A_810 = arith.constant 127 : i32
    %and3A_811 = vector.broadcast %and3A_810 : i32 to vector<16xi32>
    %and3A_812 = arith.andi %get3A_806, %and3A_811 : vector<16xi32>
    %broadcast_in_dim3A_813 = arith.constant 1.000000e+00 : f32
    %broadcast_in_dim3A_814 = vector.broadcast %broadcast_in_dim3A_813 : f32 to vector<16xf32>
    tpu.vector_store_idx %arg21[%shift_right_logical3A_809, %and3A_812], %broadcast_in_dim3A_814 {add = true} : memref<80x128xf32, #tpu.memory_space<vmem>>[vector<16xi32>, vector<16xi32>], vector<16xf32>,
    %get3A_815 = arith.constant 64 : index
    %get3A_816 = tpu.vector_load %arg18[%get3A_815] {strides = array<i32>} : memref<80xi32, #tpu.memory_space<vmem>>, vector<16xi32>,
    %shift_right_logical3A_817 = arith.constant 7 : i32
    %shift_right_logical3A_818 = vector.broadcast %shift_right_logical3A_817 : i32 to vector<16xi32>
    %shift_right_logical3A_819 = arith.shrui %get3A_816, %shift_right_logical3A_818 : vector<16xi32>
    %and3A_820 = arith.constant 127 : i32
    %and3A_821 = vector.broadcast %and3A_820 : i32 to vector<16xi32>
    %and3A_822 = arith.andi %get3A_816, %and3A_821 : vector<16xi32>
    %broadcast_in_dim3A_823 = arith.constant 1.000000e+00 : f32
    %broadcast_in_dim3A_824 = vector.broadcast %broadcast_in_dim3A_823 : f32 to vector<16xf32>
    tpu.vector_store_idx %arg21[%shift_right_logical3A_819, %and3A_822], %broadcast_in_dim3A_824 {add = true} : memref<80x128xf32, #tpu.memory_space<vmem>>[vector<16xi32>, vector<16xi32>], vector<16xf32>,
    %add3A_825 = arith.constant 64 : i32
    %add3A_826 = arith.addi %add3A, %add3A_825 : i32
    %mul3A_827 = arith.constant 80 : i32
    %mul3A_828 = arith.muli %add3A_826, %mul3A_827 : i32
    %dma_start3A_829 = arith.constant 0 : i32
    %dma_start3A_830 = tpu.memref_slice %arg4[%mul3A_828, %dma_start3A_829] : memref<320000x128xf32, #tpu.memory_space<hbm>> -> memref<80x128xf32, #tpu.memory_space<hbm>>
    %dma_start3A_831 = arith.constant 0 : i32
    %dma_start3A_832 = tpu.memref_slice %arg4[%mul3A_828, %dma_start3A_831] : memref<320000x128xf32, #tpu.memory_space<hbm>> -> memref<80x128xf32, #tpu.memory_space<hbm>>
    tpu.enqueue_dma source(%dma_start3A_832 : memref<80x128xf32, #tpu.memory_space<hbm>>) target(%arg17 : memref<80x128xf32, #tpu.memory_space<vmem>>) target_semaphore(%arg24 : memref<!tpu.dma_semaphore, #tpu.memory_space<semaphore_mem>>)
    %mul3A_833 = arith.constant 80 : i32
    %mul3A_834 = arith.muli %add3A_826, %mul3A_833 : i32
    %dma_start3A_835 = tpu.memref_slice %arg5[%mul3A_834] : memref<320000xi32, #tpu.memory_space<hbm>> -> memref<80xi32, #tpu.memory_space<hbm>>
    %dma_start3A_836 = tpu.memref_slice %arg5[%mul3A_834] : memref<320000xi32, #tpu.memory_space<hbm>> -> memref<80xi32, #tpu.memory_space<hbm>>
    tpu.enqueue_dma source(%dma_start3A_836 : memref<80xi32, #tpu.memory_space<hbm>>) target(%arg20 : memref<80xi32, #tpu.memory_space<vmem>>) target_semaphore(%arg27 : memref<!tpu.dma_semaphore, #tpu.memory_space<semaphore_mem>>)
    %add3A_837 = arith.constant 32 : i32
    %add3A_838 = arith.addi %add3A, %add3A_837 : i32
    %mul3A_839 = arith.constant 80 : i32
    %mul3A_840 = arith.muli %add3A_838, %mul3A_839 : i32
    %dma_wait3A_841 = arith.constant 0 : i32
    %dma_wait3A_842 = tpu.memref_slice %arg4[%mul3A_840, %dma_wait3A_841] : memref<320000x128xf32, #tpu.memory_space<hbm>> -> memref<80x128xf32, #tpu.memory_space<hbm>>
    %dma_wait3A_843 = arith.constant 0 : i32
    %dma_wait3A_844 = tpu.memref_slice %arg4[%mul3A_840, %dma_wait3A_843] : memref<320000x128xf32, #tpu.memory_space<hbm>> -> memref<80x128xf32, #tpu.memory_space<hbm>>
    tpu.wait_dma2 semaphore(%arg23 : memref<!tpu.dma_semaphore, #tpu.memory_space<semaphore_mem>>) src(%dma_wait3A_844 : memref<80x128xf32, #tpu.memory_space<hbm>>) dst(%arg16 : memref<80x128xf32, #tpu.memory_space<vmem>>)
    %mul3A_845 = arith.constant 80 : i32
    %mul3A_846 = arith.muli %add3A_838, %mul3A_845 : i32
    %dma_wait3A_847 = tpu.memref_slice %arg5[%mul3A_846] : memref<320000xi32, #tpu.memory_space<hbm>> -> memref<80xi32, #tpu.memory_space<hbm>>
    %dma_wait3A_848 = tpu.memref_slice %arg5[%mul3A_846] : memref<320000xi32, #tpu.memory_space<hbm>> -> memref<80xi32, #tpu.memory_space<hbm>>
    tpu.wait_dma2 semaphore(%arg26 : memref<!tpu.dma_semaphore, #tpu.memory_space<semaphore_mem>>) src(%dma_wait3A_848 : memref<80xi32, #tpu.memory_space<hbm>>) dst(%arg19 : memref<80xi32, #tpu.memory_space<vmem>>)
    %dma_start3A_849 = arith.constant 0 : i32
    %dma_start3A_850 = arith.constant 0 : i32
    %dma_start3A_851 = tpu.memref_slice %arg14[%dma_start3A_849, %dma_start3A_850] : memref<10240x128xf32, #tpu.memory_space<vmem_shared>> -> memref<10240x128xf32, #tpu.memory_space<vmem_shared>>
    tpu.enqueue_indirect_dma source(%arg16 : memref<80x128xf32, #tpu.memory_space<vmem>>) target(%dma_start3A_851 : memref<10240x128xf32, #tpu.memory_space<vmem_shared>>) offsets(%arg19 : memref<80xi32, #tpu.memory_space<vmem>>) semaphore(%arg29 : memref<!tpu.dma_semaphore, #tpu.memory_space<semaphore_mem>>) {add = true}
    %get3A_852 = arith.constant 0 : index
    %get3A_853 = tpu.vector_load %arg19[%get3A_852] {strides = array<i32>} : memref<80xi32, #tpu.memory_space<vmem>>, vector<16xi32>,
    %shift_right_logical3A_854 = arith.constant 7 : i32
    %shift_right_logical3A_855 = vector.broadcast %shift_right_logical3A_854 : i32 to vector<16xi32>
    %shift_right_logical3A_856 = arith.shrui %get3A_853, %shift_right_logical3A_855 : vector<16xi32>
    %and3A_857 = arith.constant 127 : i32
    %and3A_858 = vector.broadcast %and3A_857 : i32 to vector<16xi32>
    %and3A_859 = arith.andi %get3A_853, %and3A_858 : vector<16xi32>
    %broadcast_in_dim3A_860 = arith.constant 1.000000e+00 : f32
    %broadcast_in_dim3A_861 = vector.broadcast %broadcast_in_dim3A_860 : f32 to vector<16xf32>
    tpu.vector_store_idx %arg21[%shift_right_logical3A_856, %and3A_859], %broadcast_in_dim3A_861 {add = true} : memref<80x128xf32, #tpu.memory_space<vmem>>[vector<16xi32>, vector<16xi32>], vector<16xf32>,
    %get3A_862 = arith.constant 16 : index
    %get3A_863 = tpu.vector_load %arg19[%get3A_862] {strides = array<i32>} : memref<80xi32, #tpu.memory_space<vmem>>, vector<16xi32>,
    %shift_right_logical3A_864 = arith.constant 7 : i32
    %shift_right_logical3A_865 = vector.broadcast %shift_right_logical3A_864 : i32 to vector<16xi32>
    %shift_right_logical3A_866 = arith.shrui %get3A_863, %shift_right_logical3A_865 : vector<16xi32>
    %and3A_867 = arith.constant 127 : i32
    %and3A_868 = vector.broadcast %and3A_867 : i32 to vector<16xi32>
    %and3A_869 = arith.andi %get3A_863, %and3A_868 : vector<16xi32>
    %broadcast_in_dim3A_870 = arith.constant 1.000000e+00 : f32
    %broadcast_in_dim3A_871 = vector.broadcast %broadcast_in_dim3A_870 : f32 to vector<16xf32>
    tpu.vector_store_idx %arg21[%shift_right_logical3A_866, %and3A_869], %broadcast_in_dim3A_871 {add = true} : memref<80x128xf32, #tpu.memory_space<vmem>>[vector<16xi32>, vector<16xi32>], vector<16xf32>,
    %get3A_872 = arith.constant 32 : index
    %get3A_873 = tpu.vector_load %arg19[%get3A_872] {strides = array<i32>} : memref<80xi32, #tpu.memory_space<vmem>>, vector<16xi32>,
    %shift_right_logical3A_874 = arith.constant 7 : i32
    %shift_right_logical3A_875 = vector.broadcast %shift_right_logical3A_874 : i32 to vector<16xi32>
    %shift_right_logical3A_876 = arith.shrui %get3A_873, %shift_right_logical3A_875 : vector<16xi32>
    %and3A_877 = arith.constant 127 : i32
    %and3A_878 = vector.broadcast %and3A_877 : i32 to vector<16xi32>
    %and3A_879 = arith.andi %get3A_873, %and3A_878 : vector<16xi32>
    %broadcast_in_dim3A_880 = arith.constant 1.000000e+00 : f32
    %broadcast_in_dim3A_881 = vector.broadcast %broadcast_in_dim3A_880 : f32 to vector<16xf32>
    tpu.vector_store_idx %arg21[%shift_right_logical3A_876, %and3A_879], %broadcast_in_dim3A_881 {add = true} : memref<80x128xf32, #tpu.memory_space<vmem>>[vector<16xi32>, vector<16xi32>], vector<16xf32>,
    %get3A_882 = arith.constant 48 : index
    %get3A_883 = tpu.vector_load %arg19[%get3A_882] {strides = array<i32>} : memref<80xi32, #tpu.memory_space<vmem>>, vector<16xi32>,
    %shift_right_logical3A_884 = arith.constant 7 : i32
    %shift_right_logical3A_885 = vector.broadcast %shift_right_logical3A_884 : i32 to vector<16xi32>
    %shift_right_logical3A_886 = arith.shrui %get3A_883, %shift_right_logical3A_885 : vector<16xi32>
    %and3A_887 = arith.constant 127 : i32
    %and3A_888 = vector.broadcast %and3A_887 : i32 to vector<16xi32>
    %and3A_889 = arith.andi %get3A_883, %and3A_888 : vector<16xi32>
    %broadcast_in_dim3A_890 = arith.constant 1.000000e+00 : f32
    %broadcast_in_dim3A_891 = vector.broadcast %broadcast_in_dim3A_890 : f32 to vector<16xf32>
    tpu.vector_store_idx %arg21[%shift_right_logical3A_886, %and3A_889], %broadcast_in_dim3A_891 {add = true} : memref<80x128xf32, #tpu.memory_space<vmem>>[vector<16xi32>, vector<16xi32>], vector<16xf32>,
    %get3A_892 = arith.constant 64 : index
    %get3A_893 = tpu.vector_load %arg19[%get3A_892] {strides = array<i32>} : memref<80xi32, #tpu.memory_space<vmem>>, vector<16xi32>,
    %shift_right_logical3A_894 = arith.constant 7 : i32
    %shift_right_logical3A_895 = vector.broadcast %shift_right_logical3A_894 : i32 to vector<16xi32>
    %shift_right_logical3A_896 = arith.shrui %get3A_893, %shift_right_logical3A_895 : vector<16xi32>
    %and3A_897 = arith.constant 127 : i32
    %and3A_898 = vector.broadcast %and3A_897 : i32 to vector<16xi32>
    %and3A_899 = arith.andi %get3A_893, %and3A_898 : vector<16xi32>
    %broadcast_in_dim3A_900 = arith.constant 1.000000e+00 : f32
    %broadcast_in_dim3A_901 = vector.broadcast %broadcast_in_dim3A_900 : f32 to vector<16xf32>
    tpu.vector_store_idx %arg21[%shift_right_logical3A_896, %and3A_899], %broadcast_in_dim3A_901 {add = true} : memref<80x128xf32, #tpu.memory_space<vmem>>[vector<16xi32>, vector<16xi32>], vector<16xf32>,
    %dma_wait3A_902 = arith.constant 0 : i32
    %dma_wait3A_903 = arith.constant 0 : i32
    %dma_wait3A_904 = tpu.memref_slice %arg14[%dma_wait3A_902, %dma_wait3A_903] : memref<10240x128xf32, #tpu.memory_space<vmem_shared>> -> memref<10240x128xf32, #tpu.memory_space<vmem_shared>>
    tpu.wait_indirect_dma semaphore(%arg28 : memref<!tpu.dma_semaphore, #tpu.memory_space<semaphore_mem>>) src(%arg15 : memref<80x128xf32, #tpu.memory_space<vmem>>) dst(%dma_wait3A_904 : memref<10240x128xf32, #tpu.memory_space<vmem_shared>>)
    %add3A_905 = arith.constant 96 : i32
    %add3A_906 = arith.addi %add3A, %add3A_905 : i32
    %mul3A_907 = arith.constant 80 : i32
    %mul3A_908 = arith.muli %add3A_906, %mul3A_907 : i32
    %dma_start3A_909 = arith.constant 0 : i32
    %dma_start3A_910 = tpu.memref_slice %arg4[%mul3A_908, %dma_start3A_909] : memref<320000x128xf32, #tpu.memory_space<hbm>> -> memref<80x128xf32, #tpu.memory_space<hbm>>
    %dma_start3A_911 = arith.constant 0 : i32
    %dma_start3A_912 = tpu.memref_slice %arg4[%mul3A_908, %dma_start3A_911] : memref<320000x128xf32, #tpu.memory_space<hbm>> -> memref<80x128xf32, #tpu.memory_space<hbm>>
    tpu.enqueue_dma source(%dma_start3A_912 : memref<80x128xf32, #tpu.memory_space<hbm>>) target(%arg15 : memref<80x128xf32, #tpu.memory_space<vmem>>) target_semaphore(%arg22 : memref<!tpu.dma_semaphore, #tpu.memory_space<semaphore_mem>>)
    %mul3A_913 = arith.constant 80 : i32
    %mul3A_914 = arith.muli %add3A_906, %mul3A_913 : i32
    %dma_start3A_915 = tpu.memref_slice %arg5[%mul3A_914] : memref<320000xi32, #tpu.memory_space<hbm>> -> memref<80xi32, #tpu.memory_space<hbm>>
    %dma_start3A_916 = tpu.memref_slice %arg5[%mul3A_914] : memref<320000xi32, #tpu.memory_space<hbm>> -> memref<80xi32, #tpu.memory_space<hbm>>
    tpu.enqueue_dma source(%dma_start3A_916 : memref<80xi32, #tpu.memory_space<hbm>>) target(%arg18 : memref<80xi32, #tpu.memory_space<vmem>>) target_semaphore(%arg25 : memref<!tpu.dma_semaphore, #tpu.memory_space<semaphore_mem>>)
    %add3A_917 = arith.constant 64 : i32
    %add3A_918 = arith.addi %add3A, %add3A_917 : i32
    %mul3A_919 = arith.constant 80 : i32
    %mul3A_920 = arith.muli %add3A_918, %mul3A_919 : i32
    %dma_wait3A_921 = arith.constant 0 : i32
    %dma_wait3A_922 = tpu.memref_slice %arg4[%mul3A_920, %dma_wait3A_921] : memref<320000x128xf32, #tpu.memory_space<hbm>> -> memref<80x128xf32, #tpu.memory_space<hbm>>
    %dma_wait3A_923 = arith.constant 0 : i32
    %dma_wait3A_924 = tpu.memref_slice %arg4[%mul3A_920, %dma_wait3A_923] : memref<320000x128xf32, #tpu.memory_space<hbm>> -> memref<80x128xf32, #tpu.memory_space<hbm>>
    tpu.wait_dma2 semaphore(%arg24 : memref<!tpu.dma_semaphore, #tpu.memory_space<semaphore_mem>>) src(%dma_wait3A_924 : memref<80x128xf32, #tpu.memory_space<hbm>>) dst(%arg17 : memref<80x128xf32, #tpu.memory_space<vmem>>)
    %mul3A_925 = arith.constant 80 : i32
    %mul3A_926 = arith.muli %add3A_918, %mul3A_925 : i32
    %dma_wait3A_927 = tpu.memref_slice %arg5[%mul3A_926] : memref<320000xi32, #tpu.memory_space<hbm>> -> memref<80xi32, #tpu.memory_space<hbm>>
    %dma_wait3A_928 = tpu.memref_slice %arg5[%mul3A_926] : memref<320000xi32, #tpu.memory_space<hbm>> -> memref<80xi32, #tpu.memory_space<hbm>>
    tpu.wait_dma2 semaphore(%arg27 : memref<!tpu.dma_semaphore, #tpu.memory_space<semaphore_mem>>) src(%dma_wait3A_928 : memref<80xi32, #tpu.memory_space<hbm>>) dst(%arg20 : memref<80xi32, #tpu.memory_space<vmem>>)
    %dma_start3A_929 = arith.constant 0 : i32
    %dma_start3A_930 = arith.constant 0 : i32
    %dma_start3A_931 = tpu.memref_slice %arg14[%dma_start3A_929, %dma_start3A_930] : memref<10240x128xf32, #tpu.memory_space<vmem_shared>> -> memref<10240x128xf32, #tpu.memory_space<vmem_shared>>
    tpu.enqueue_indirect_dma source(%arg17 : memref<80x128xf32, #tpu.memory_space<vmem>>) target(%dma_start3A_931 : memref<10240x128xf32, #tpu.memory_space<vmem_shared>>) offsets(%arg20 : memref<80xi32, #tpu.memory_space<vmem>>) semaphore(%arg30 : memref<!tpu.dma_semaphore, #tpu.memory_space<semaphore_mem>>) {add = true}
    %get3A_932 = arith.constant 0 : index
    %get3A_933 = tpu.vector_load %arg20[%get3A_932] {strides = array<i32>} : memref<80xi32, #tpu.memory_space<vmem>>, vector<16xi32>,
    %shift_right_logical3A_934 = arith.constant 7 : i32
    %shift_right_logical3A_935 = vector.broadcast %shift_right_logical3A_934 : i32 to vector<16xi32>
    %shift_right_logical3A_936 = arith.shrui %get3A_933, %shift_right_logical3A_935 : vector<16xi32>
    %and3A_937 = arith.constant 127 : i32
    %and3A_938 = vector.broadcast %and3A_937 : i32 to vector<16xi32>
    %and3A_939 = arith.andi %get3A_933, %and3A_938 : vector<16xi32>
    %broadcast_in_dim3A_940 = arith.constant 1.000000e+00 : f32
    %broadcast_in_dim3A_941 = vector.broadcast %broadcast_in_dim3A_940 : f32 to vector<16xf32>
    tpu.vector_store_idx %arg21[%shift_right_logical3A_936, %and3A_939], %broadcast_in_dim3A_941 {add = true} : memref<80x128xf32, #tpu.memory_space<vmem>>[vector<16xi32>, vector<16xi32>], vector<16xf32>,
    %get3A_942 = arith.constant 16 : index
    %get3A_943 = tpu.vector_load %arg20[%get3A_942] {strides = array<i32>} : memref<80xi32, #tpu.memory_space<vmem>>, vector<16xi32>,
    %shift_right_logical3A_944 = arith.constant 7 : i32
    %shift_right_logical3A_945 = vector.broadcast %shift_right_logical3A_944 : i32 to vector<16xi32>
    %shift_right_logical3A_946 = arith.shrui %get3A_943, %shift_right_logical3A_945 : vector<16xi32>
    %and3A_947 = arith.constant 127 : i32
    %and3A_948 = vector.broadcast %and3A_947 : i32 to vector<16xi32>
    %and3A_949 = arith.andi %get3A_943, %and3A_948 : vector<16xi32>
    %broadcast_in_dim3A_950 = arith.constant 1.000000e+00 : f32
    %broadcast_in_dim3A_951 = vector.broadcast %broadcast_in_dim3A_950 : f32 to vector<16xf32>
    tpu.vector_store_idx %arg21[%shift_right_logical3A_946, %and3A_949], %broadcast_in_dim3A_951 {add = true} : memref<80x128xf32, #tpu.memory_space<vmem>>[vector<16xi32>, vector<16xi32>], vector<16xf32>,
    %get3A_952 = arith.constant 32 : index
    %get3A_953 = tpu.vector_load %arg20[%get3A_952] {strides = array<i32>} : memref<80xi32, #tpu.memory_space<vmem>>, vector<16xi32>,
    %shift_right_logical3A_954 = arith.constant 7 : i32
    %shift_right_logical3A_955 = vector.broadcast %shift_right_logical3A_954 : i32 to vector<16xi32>
    %shift_right_logical3A_956 = arith.shrui %get3A_953, %shift_right_logical3A_955 : vector<16xi32>
    %and3A_957 = arith.constant 127 : i32
    %and3A_958 = vector.broadcast %and3A_957 : i32 to vector<16xi32>
    %and3A_959 = arith.andi %get3A_953, %and3A_958 : vector<16xi32>
    %broadcast_in_dim3A_960 = arith.constant 1.000000e+00 : f32
    %broadcast_in_dim3A_961 = vector.broadcast %broadcast_in_dim3A_960 : f32 to vector<16xf32>
    tpu.vector_store_idx %arg21[%shift_right_logical3A_956, %and3A_959], %broadcast_in_dim3A_961 {add = true} : memref<80x128xf32, #tpu.memory_space<vmem>>[vector<16xi32>, vector<16xi32>], vector<16xf32>,
    %get3A_962 = arith.constant 48 : index
    %get3A_963 = tpu.vector_load %arg20[%get3A_962] {strides = array<i32>} : memref<80xi32, #tpu.memory_space<vmem>>, vector<16xi32>,
    %shift_right_logical3A_964 = arith.constant 7 : i32
    %shift_right_logical3A_965 = vector.broadcast %shift_right_logical3A_964 : i32 to vector<16xi32>
    %shift_right_logical3A_966 = arith.shrui %get3A_963, %shift_right_logical3A_965 : vector<16xi32>
    %and3A_967 = arith.constant 127 : i32
    %and3A_968 = vector.broadcast %and3A_967 : i32 to vector<16xi32>
    %and3A_969 = arith.andi %get3A_963, %and3A_968 : vector<16xi32>
    %broadcast_in_dim3A_970 = arith.constant 1.000000e+00 : f32
    %broadcast_in_dim3A_971 = vector.broadcast %broadcast_in_dim3A_970 : f32 to vector<16xf32>
    tpu.vector_store_idx %arg21[%shift_right_logical3A_966, %and3A_969], %broadcast_in_dim3A_971 {add = true} : memref<80x128xf32, #tpu.memory_space<vmem>>[vector<16xi32>, vector<16xi32>], vector<16xf32>,
    %get3A_972 = arith.constant 64 : index
    %get3A_973 = tpu.vector_load %arg20[%get3A_972] {strides = array<i32>} : memref<80xi32, #tpu.memory_space<vmem>>, vector<16xi32>,
    %shift_right_logical3A_974 = arith.constant 7 : i32
    %shift_right_logical3A_975 = vector.broadcast %shift_right_logical3A_974 : i32 to vector<16xi32>
    %shift_right_logical3A_976 = arith.shrui %get3A_973, %shift_right_logical3A_975 : vector<16xi32>
    %and3A_977 = arith.constant 127 : i32
    %and3A_978 = vector.broadcast %and3A_977 : i32 to vector<16xi32>
    %and3A_979 = arith.andi %get3A_973, %and3A_978 : vector<16xi32>
    %broadcast_in_dim3A_980 = arith.constant 1.000000e+00 : f32
    %broadcast_in_dim3A_981 = vector.broadcast %broadcast_in_dim3A_980 : f32 to vector<16xf32>
    tpu.vector_store_idx %arg21[%shift_right_logical3A_976, %and3A_979], %broadcast_in_dim3A_981 {add = true} : memref<80x128xf32, #tpu.memory_space<vmem>>[vector<16xi32>, vector<16xi32>], vector<16xf32>,
    %dma_wait3A_982 = arith.constant 0 : i32
    %dma_wait3A_983 = arith.constant 0 : i32
    %dma_wait3A_984 = tpu.memref_slice %arg14[%dma_wait3A_982, %dma_wait3A_983] : memref<10240x128xf32, #tpu.memory_space<vmem_shared>> -> memref<10240x128xf32, #tpu.memory_space<vmem_shared>>
    tpu.wait_indirect_dma semaphore(%arg29 : memref<!tpu.dma_semaphore, #tpu.memory_space<semaphore_mem>>) src(%arg16 : memref<80x128xf32, #tpu.memory_space<vmem>>) dst(%dma_wait3A_984 : memref<10240x128xf32, #tpu.memory_space<vmem_shared>>)
    %add3A_985 = arith.constant 128 : i32
    %add3A_986 = arith.addi %add3A, %add3A_985 : i32
    %mul3A_987 = arith.constant 80 : i32
    %mul3A_988 = arith.muli %add3A_986, %mul3A_987 : i32
    %dma_start3A_989 = arith.constant 0 : i32
    %dma_start3A_990 = tpu.memref_slice %arg4[%mul3A_988, %dma_start3A_989] : memref<320000x128xf32, #tpu.memory_space<hbm>> -> memref<80x128xf32, #tpu.memory_space<hbm>>
    %dma_start3A_991 = arith.constant 0 : i32
    %dma_start3A_992 = tpu.memref_slice %arg4[%mul3A_988, %dma_start3A_991] : memref<320000x128xf32, #tpu.memory_space<hbm>> -> memref<80x128xf32, #tpu.memory_space<hbm>>
    tpu.enqueue_dma source(%dma_start3A_992 : memref<80x128xf32, #tpu.memory_space<hbm>>) target(%arg16 : memref<80x128xf32, #tpu.memory_space<vmem>>) target_semaphore(%arg23 : memref<!tpu.dma_semaphore, #tpu.memory_space<semaphore_mem>>)
    %mul3A_993 = arith.constant 80 : i32
    %mul3A_994 = arith.muli %add3A_986, %mul3A_993 : i32
    %dma_start3A_995 = tpu.memref_slice %arg5[%mul3A_994] : memref<320000xi32, #tpu.memory_space<hbm>> -> memref<80xi32, #tpu.memory_space<hbm>>
    %dma_start3A_996 = tpu.memref_slice %arg5[%mul3A_994] : memref<320000xi32, #tpu.memory_space<hbm>> -> memref<80xi32, #tpu.memory_space<hbm>>
    tpu.enqueue_dma source(%dma_start3A_996 : memref<80xi32, #tpu.memory_space<hbm>>) target(%arg19 : memref<80xi32, #tpu.memory_space<vmem>>) target_semaphore(%arg26 : memref<!tpu.dma_semaphore, #tpu.memory_space<semaphore_mem>>)
    %scan3A_997 = arith.constant 0 : i32
    %scan3A_998 = arith.constant 1 : i32
    %scan3A_999 = arith.constant 40 : i32
    %scan3A_1000 = arith.addi %scan3A_998, %scan3A_999 : i32
    %scan3A_1001 = arith.constant 1 : i32
    scf.for %scan3A_1909 = %scan3A_998 to %scan3A_1000 step %scan3A_1001  : i32 {
      %mul3A_1910 = arith.constant 3 : i32
      %mul3A_1911 = arith.muli %mul3A_1910, %scan3A_1909 : i32
      %add3A_1912 = arith.constant 0 : i32
      %add3A_1913 = arith.addi %mul3A_1911, %add3A_1912 : i32
      %mul3A_1914 = arith.constant 32 : i32
      %mul3A_1915 = arith.muli %mul3A_1914, %add3A_1913 : i32
      %add3A_1916 = arith.addi %add3A, %mul3A_1915 : i32
      %mul3A_1917 = arith.constant 80 : i32
      %mul3A_1918 = arith.muli %add3A_1916, %mul3A_1917 : i32
      %dma_wait3A_1919 = arith.constant 0 : i32
      %dma_wait3A_1920 = tpu.memref_slice %arg4[%mul3A_1918, %dma_wait3A_1919] : memref<320000x128xf32, #tpu.memory_space<hbm>> -> memref<80x128xf32, #tpu.memory_space<hbm>>
      %dma_wait3A_1921 = arith.constant 0 : i32
      %dma_wait3A_1922 = tpu.memref_slice %arg4[%mul3A_1918, %dma_wait3A_1921] : memref<320000x128xf32, #tpu.memory_space<hbm>> -> memref<80x128xf32, #tpu.memory_space<hbm>>
      tpu.wait_dma2 semaphore(%arg22 : memref<!tpu.dma_semaphore, #tpu.memory_space<semaphore_mem>>) src(%dma_wait3A_1922 : memref<80x128xf32, #tpu.memory_space<hbm>>) dst(%arg15 : memref<80x128xf32, #tpu.memory_space<vmem>>)
      %mul3A_1923 = arith.constant 80 : i32
      %mul3A_1924 = arith.muli %add3A_1916, %mul3A_1923 : i32
      %dma_wait3A_1925 = tpu.memref_slice %arg5[%mul3A_1924] : memref<320000xi32, #tpu.memory_space<hbm>> -> memref<80xi32, #tpu.memory_space<hbm>>
      %dma_wait3A_1926 = tpu.memref_slice %arg5[%mul3A_1924] : memref<320000xi32, #tpu.memory_space<hbm>> -> memref<80xi32, #tpu.memory_space<hbm>>
      tpu.wait_dma2 semaphore(%arg25 : memref<!tpu.dma_semaphore, #tpu.memory_space<semaphore_mem>>) src(%dma_wait3A_1926 : memref<80xi32, #tpu.memory_space<hbm>>) dst(%arg18 : memref<80xi32, #tpu.memory_space<vmem>>)
      %dma_start3A_1927 = arith.constant 0 : i32
      %dma_start3A_1928 = arith.constant 0 : i32
      %dma_start3A_1929 = tpu.memref_slice %arg14[%dma_start3A_1927, %dma_start3A_1928] : memref<10240x128xf32, #tpu.memory_space<vmem_shared>> -> memref<10240x128xf32, #tpu.memory_space<vmem_shared>>
      tpu.enqueue_indirect_dma source(%arg15 : memref<80x128xf32, #tpu.memory_space<vmem>>) target(%dma_start3A_1929 : memref<10240x128xf32, #tpu.memory_space<vmem_shared>>) offsets(%arg18 : memref<80xi32, #tpu.memory_space<vmem>>) semaphore(%arg28 : memref<!tpu.dma_semaphore, #tpu.memory_space<semaphore_mem>>) {add = true}
      %get3A_1930 = arith.constant 0 : index
      %get3A_1931 = tpu.vector_load %arg18[%get3A_1930] {strides = array<i32>} : memref<80xi32, #tpu.memory_space<vmem>>, vector<16xi32>,
      %shift_right_logical3A_1932 = arith.constant 7 : i32
      %shift_right_logical3A_1933 = vector.broadcast %shift_right_logical3A_1932 : i32 to vector<16xi32>
      %shift_right_logical3A_1934 = arith.shrui %get3A_1931, %shift_right_logical3A_1933 : vector<16xi32>
      %and3A_1935 = arith.constant 127 : i32
      %and3A_1936 = vector.broadcast %and3A_1935 : i32 to vector<16xi32>
      %and3A_1937 = arith.andi %get3A_1931, %and3A_1936 : vector<16xi32>
      %broadcast_in_dim3A_1938 = arith.constant 1.000000e+00 : f32
      %broadcast_in_dim3A_1939 = vector.broadcast %broadcast_in_dim3A_1938 : f32 to vector<16xf32>
      tpu.vector_store_idx %arg21[%shift_right_logical3A_1934, %and3A_1937], %broadcast_in_dim3A_1939 {add = true} : memref<80x128xf32, #tpu.memory_space<vmem>>[vector<16xi32>, vector<16xi32>], vector<16xf32>,
      %get3A_1940 = arith.constant 16 : index
      %get3A_1941 = tpu.vector_load %arg18[%get3A_1940] {strides = array<i32>} : memref<80xi32, #tpu.memory_space<vmem>>, vector<16xi32>,
      %shift_right_logical3A_1942 = arith.constant 7 : i32
      %shift_right_logical3A_1943 = vector.broadcast %shift_right_logical3A_1942 : i32 to vector<16xi32>
      %shift_right_logical3A_1944 = arith.shrui %get3A_1941, %shift_right_logical3A_1943 : vector<16xi32>
      %and3A_1945 = arith.constant 127 : i32
      %and3A_1946 = vector.broadcast %and3A_1945 : i32 to vector<16xi32>
      %and3A_1947 = arith.andi %get3A_1941, %and3A_1946 : vector<16xi32>
      %broadcast_in_dim3A_1948 = arith.constant 1.000000e+00 : f32
      %broadcast_in_dim3A_1949 = vector.broadcast %broadcast_in_dim3A_1948 : f32 to vector<16xf32>
      tpu.vector_store_idx %arg21[%shift_right_logical3A_1944, %and3A_1947], %broadcast_in_dim3A_1949 {add = true} : memref<80x128xf32, #tpu.memory_space<vmem>>[vector<16xi32>, vector<16xi32>], vector<16xf32>,
      %get3A_1950 = arith.constant 32 : index
      %get3A_1951 = tpu.vector_load %arg18[%get3A_1950] {strides = array<i32>} : memref<80xi32, #tpu.memory_space<vmem>>, vector<16xi32>,
      %shift_right_logical3A_1952 = arith.constant 7 : i32
      %shift_right_logical3A_1953 = vector.broadcast %shift_right_logical3A_1952 : i32 to vector<16xi32>
      %shift_right_logical3A_1954 = arith.shrui %get3A_1951, %shift_right_logical3A_1953 : vector<16xi32>
      %and3A_1955 = arith.constant 127 : i32
      %and3A_1956 = vector.broadcast %and3A_1955 : i32 to vector<16xi32>
      %and3A_1957 = arith.andi %get3A_1951, %and3A_1956 : vector<16xi32>
      %broadcast_in_dim3A_1958 = arith.constant 1.000000e+00 : f32
      %broadcast_in_dim3A_1959 = vector.broadcast %broadcast_in_dim3A_1958 : f32 to vector<16xf32>
      tpu.vector_store_idx %arg21[%shift_right_logical3A_1954, %and3A_1957], %broadcast_in_dim3A_1959 {add = true} : memref<80x128xf32, #tpu.memory_space<vmem>>[vector<16xi32>, vector<16xi32>], vector<16xf32>,
      %get3A_1960 = arith.constant 48 : index
      %get3A_1961 = tpu.vector_load %arg18[%get3A_1960] {strides = array<i32>} : memref<80xi32, #tpu.memory_space<vmem>>, vector<16xi32>,
      %shift_right_logical3A_1962 = arith.constant 7 : i32
      %shift_right_logical3A_1963 = vector.broadcast %shift_right_logical3A_1962 : i32 to vector<16xi32>
      %shift_right_logical3A_1964 = arith.shrui %get3A_1961, %shift_right_logical3A_1963 : vector<16xi32>
      %and3A_1965 = arith.constant 127 : i32
      %and3A_1966 = vector.broadcast %and3A_1965 : i32 to vector<16xi32>
      %and3A_1967 = arith.andi %get3A_1961, %and3A_1966 : vector<16xi32>
      %broadcast_in_dim3A_1968 = arith.constant 1.000000e+00 : f32
      %broadcast_in_dim3A_1969 = vector.broadcast %broadcast_in_dim3A_1968 : f32 to vector<16xf32>
      tpu.vector_store_idx %arg21[%shift_right_logical3A_1964, %and3A_1967], %broadcast_in_dim3A_1969 {add = true} : memref<80x128xf32, #tpu.memory_space<vmem>>[vector<16xi32>, vector<16xi32>], vector<16xf32>,
      %get3A_1970 = arith.constant 64 : index
      %get3A_1971 = tpu.vector_load %arg18[%get3A_1970] {strides = array<i32>} : memref<80xi32, #tpu.memory_space<vmem>>, vector<16xi32>,
      %shift_right_logical3A_1972 = arith.constant 7 : i32
      %shift_right_logical3A_1973 = vector.broadcast %shift_right_logical3A_1972 : i32 to vector<16xi32>
      %shift_right_logical3A_1974 = arith.shrui %get3A_1971, %shift_right_logical3A_1973 : vector<16xi32>
      %and3A_1975 = arith.constant 127 : i32
      %and3A_1976 = vector.broadcast %and3A_1975 : i32 to vector<16xi32>
      %and3A_1977 = arith.andi %get3A_1971, %and3A_1976 : vector<16xi32>
      %broadcast_in_dim3A_1978 = arith.constant 1.000000e+00 : f32
      %broadcast_in_dim3A_1979 = vector.broadcast %broadcast_in_dim3A_1978 : f32 to vector<16xf32>
      tpu.vector_store_idx %arg21[%shift_right_logical3A_1974, %and3A_1977], %broadcast_in_dim3A_1979 {add = true} : memref<80x128xf32, #tpu.memory_space<vmem>>[vector<16xi32>, vector<16xi32>], vector<16xf32>,
      %dma_wait3A_1980 = arith.constant 0 : i32
      %dma_wait3A_1981 = arith.constant 0 : i32
      %dma_wait3A_1982 = tpu.memref_slice %arg14[%dma_wait3A_1980, %dma_wait3A_1981] : memref<10240x128xf32, #tpu.memory_space<vmem_shared>> -> memref<10240x128xf32, #tpu.memory_space<vmem_shared>>
      tpu.wait_indirect_dma semaphore(%arg30 : memref<!tpu.dma_semaphore, #tpu.memory_space<semaphore_mem>>) src(%arg17 : memref<80x128xf32, #tpu.memory_space<vmem>>) dst(%dma_wait3A_1982 : memref<10240x128xf32, #tpu.memory_space<vmem_shared>>)
      %add3A_1983 = arith.constant 2 : i32
      %add3A_1984 = arith.addi %add3A_1913, %add3A_1983 : i32
      %mul3A_1985 = arith.constant 32 : i32
      %mul3A_1986 = arith.muli %mul3A_1985, %add3A_1984 : i32
      %add3A_1987 = arith.addi %add3A, %mul3A_1986 : i32
      %mul3A_1988 = arith.constant 80 : i32
      %mul3A_1989 = arith.muli %add3A_1987, %mul3A_1988 : i32
      %dma_start3A_1990 = arith.constant 0 : i32
      %dma_start3A_1991 = tpu.memref_slice %arg4[%mul3A_1989, %dma_start3A_1990] : memref<320000x128xf32, #tpu.memory_space<hbm>> -> memref<80x128xf32, #tpu.memory_space<hbm>>
      %dma_start3A_1992 = arith.constant 0 : i32
      %dma_start3A_1993 = tpu.memref_slice %arg4[%mul3A_1989, %dma_start3A_1992] : memref<320000x128xf32, #tpu.memory_space<hbm>> -> memref<80x128xf32, #tpu.memory_space<hbm>>
      tpu.enqueue_dma source(%dma_start3A_1993 : memref<80x128xf32, #tpu.memory_space<hbm>>) target(%arg17 : memref<80x128xf32, #tpu.memory_space<vmem>>) target_semaphore(%arg24 : memref<!tpu.dma_semaphore, #tpu.memory_space<semaphore_mem>>)
      %mul3A_1994 = arith.constant 80 : i32
      %mul3A_1995 = arith.muli %add3A_1987, %mul3A_1994 : i32
      %dma_start3A_1996 = tpu.memref_slice %arg5[%mul3A_1995] : memref<320000xi32, #tpu.memory_space<hbm>> -> memref<80xi32, #tpu.memory_space<hbm>>
      %dma_start3A_1997 = tpu.memref_slice %arg5[%mul3A_1995] : memref<320000xi32, #tpu.memory_space<hbm>> -> memref<80xi32, #tpu.memory_space<hbm>>
      tpu.enqueue_dma source(%dma_start3A_1997 : memref<80xi32, #tpu.memory_space<hbm>>) target(%arg20 : memref<80xi32, #tpu.memory_space<vmem>>) target_semaphore(%arg27 : memref<!tpu.dma_semaphore, #tpu.memory_space<semaphore_mem>>)
      %mul3A_1998 = arith.constant 3 : i32
      %mul3A_1999 = arith.muli %mul3A_1998, %scan3A_1909 : i32
      %add3A_2000 = arith.constant 1 : i32
      %add3A_2001 = arith.addi %mul3A_1999, %add3A_2000 : i32
      %mul3A_2002 = arith.constant 32 : i32
      %mul3A_2003 = arith.muli %mul3A_2002, %add3A_2001 : i32
      %add3A_2004 = arith.addi %add3A, %mul3A_2003 : i32
      %mul3A_2005 = arith.constant 80 : i32
      %mul3A_2006 = arith.muli %add3A_2004, %mul3A_2005 : i32
      %dma_wait3A_2007 = arith.constant 0 : i32
      %dma_wait3A_2008 = tpu.memref_slice %arg4[%mul3A_2006, %dma_wait3A_2007] : memref<320000x128xf32, #tpu.memory_space<hbm>> -> memref<80x128xf32, #tpu.memory_space<hbm>>
      %dma_wait3A_2009 = arith.constant 0 : i32
      %dma_wait3A_2010 = tpu.memref_slice %arg4[%mul3A_2006, %dma_wait3A_2009] : memref<320000x128xf32, #tpu.memory_space<hbm>> -> memref<80x128xf32, #tpu.memory_space<hbm>>
      tpu.wait_dma2 semaphore(%arg23 : memref<!tpu.dma_semaphore, #tpu.memory_space<semaphore_mem>>) src(%dma_wait3A_2010 : memref<80x128xf32, #tpu.memory_space<hbm>>) dst(%arg16 : memref<80x128xf32, #tpu.memory_space<vmem>>)
      %mul3A_2011 = arith.constant 80 : i32
      %mul3A_2012 = arith.muli %add3A_2004, %mul3A_2011 : i32
      %dma_wait3A_2013 = tpu.memref_slice %arg5[%mul3A_2012] : memref<320000xi32, #tpu.memory_space<hbm>> -> memref<80xi32, #tpu.memory_space<hbm>>
      %dma_wait3A_2014 = tpu.memref_slice %arg5[%mul3A_2012] : memref<320000xi32, #tpu.memory_space<hbm>> -> memref<80xi32, #tpu.memory_space<hbm>>
      tpu.wait_dma2 semaphore(%arg26 : memref<!tpu.dma_semaphore, #tpu.memory_space<semaphore_mem>>) src(%dma_wait3A_2014 : memref<80xi32, #tpu.memory_space<hbm>>) dst(%arg19 : memref<80xi32, #tpu.memory_space<vmem>>)
      %dma_start3A_2015 = arith.constant 0 : i32
      %dma_start3A_2016 = arith.constant 0 : i32
      %dma_start3A_2017 = tpu.memref_slice %arg14[%dma_start3A_2015, %dma_start3A_2016] : memref<10240x128xf32, #tpu.memory_space<vmem_shared>> -> memref<10240x128xf32, #tpu.memory_space<vmem_shared>>
      tpu.enqueue_indirect_dma source(%arg16 : memref<80x128xf32, #tpu.memory_space<vmem>>) target(%dma_start3A_2017 : memref<10240x128xf32, #tpu.memory_space<vmem_shared>>) offsets(%arg19 : memref<80xi32, #tpu.memory_space<vmem>>) semaphore(%arg29 : memref<!tpu.dma_semaphore, #tpu.memory_space<semaphore_mem>>) {add = true}
      %get3A_2018 = arith.constant 0 : index
      %get3A_2019 = tpu.vector_load %arg19[%get3A_2018] {strides = array<i32>} : memref<80xi32, #tpu.memory_space<vmem>>, vector<16xi32>,
      %shift_right_logical3A_2020 = arith.constant 7 : i32
      %shift_right_logical3A_2021 = vector.broadcast %shift_right_logical3A_2020 : i32 to vector<16xi32>
      %shift_right_logical3A_2022 = arith.shrui %get3A_2019, %shift_right_logical3A_2021 : vector<16xi32>
      %and3A_2023 = arith.constant 127 : i32
      %and3A_2024 = vector.broadcast %and3A_2023 : i32 to vector<16xi32>
      %and3A_2025 = arith.andi %get3A_2019, %and3A_2024 : vector<16xi32>
      %broadcast_in_dim3A_2026 = arith.constant 1.000000e+00 : f32
      %broadcast_in_dim3A_2027 = vector.broadcast %broadcast_in_dim3A_2026 : f32 to vector<16xf32>
      tpu.vector_store_idx %arg21[%shift_right_logical3A_2022, %and3A_2025], %broadcast_in_dim3A_2027 {add = true} : memref<80x128xf32, #tpu.memory_space<vmem>>[vector<16xi32>, vector<16xi32>], vector<16xf32>,
      %get3A_2028 = arith.constant 16 : index
      %get3A_2029 = tpu.vector_load %arg19[%get3A_2028] {strides = array<i32>} : memref<80xi32, #tpu.memory_space<vmem>>, vector<16xi32>,
      %shift_right_logical3A_2030 = arith.constant 7 : i32
      %shift_right_logical3A_2031 = vector.broadcast %shift_right_logical3A_2030 : i32 to vector<16xi32>
      %shift_right_logical3A_2032 = arith.shrui %get3A_2029, %shift_right_logical3A_2031 : vector<16xi32>
      %and3A_2033 = arith.constant 127 : i32
      %and3A_2034 = vector.broadcast %and3A_2033 : i32 to vector<16xi32>
      %and3A_2035 = arith.andi %get3A_2029, %and3A_2034 : vector<16xi32>
      %broadcast_in_dim3A_2036 = arith.constant 1.000000e+00 : f32
      %broadcast_in_dim3A_2037 = vector.broadcast %broadcast_in_dim3A_2036 : f32 to vector<16xf32>
      tpu.vector_store_idx %arg21[%shift_right_logical3A_2032, %and3A_2035], %broadcast_in_dim3A_2037 {add = true} : memref<80x128xf32, #tpu.memory_space<vmem>>[vector<16xi32>, vector<16xi32>], vector<16xf32>,
      %get3A_2038 = arith.constant 32 : index
      %get3A_2039 = tpu.vector_load %arg19[%get3A_2038] {strides = array<i32>} : memref<80xi32, #tpu.memory_space<vmem>>, vector<16xi32>,
      %shift_right_logical3A_2040 = arith.constant 7 : i32
      %shift_right_logical3A_2041 = vector.broadcast %shift_right_logical3A_2040 : i32 to vector<16xi32>
      %shift_right_logical3A_2042 = arith.shrui %get3A_2039, %shift_right_logical3A_2041 : vector<16xi32>
      %and3A_2043 = arith.constant 127 : i32
      %and3A_2044 = vector.broadcast %and3A_2043 : i32 to vector<16xi32>
      %and3A_2045 = arith.andi %get3A_2039, %and3A_2044 : vector<16xi32>
      %broadcast_in_dim3A_2046 = arith.constant 1.000000e+00 : f32
      %broadcast_in_dim3A_2047 = vector.broadcast %broadcast_in_dim3A_2046 : f32 to vector<16xf32>
      tpu.vector_store_idx %arg21[%shift_right_logical3A_2042, %and3A_2045], %broadcast_in_dim3A_2047 {add = true} : memref<80x128xf32, #tpu.memory_space<vmem>>[vector<16xi32>, vector<16xi32>], vector<16xf32>,
      %get3A_2048 = arith.constant 48 : index
      %get3A_2049 = tpu.vector_load %arg19[%get3A_2048] {strides = array<i32>} : memref<80xi32, #tpu.memory_space<vmem>>, vector<16xi32>,
      %shift_right_logical3A_2050 = arith.constant 7 : i32
      %shift_right_logical3A_2051 = vector.broadcast %shift_right_logical3A_2050 : i32 to vector<16xi32>
      %shift_right_logical3A_2052 = arith.shrui %get3A_2049, %shift_right_logical3A_2051 : vector<16xi32>
      %and3A_2053 = arith.constant 127 : i32
      %and3A_2054 = vector.broadcast %and3A_2053 : i32 to vector<16xi32>
      %and3A_2055 = arith.andi %get3A_2049, %and3A_2054 : vector<16xi32>
      %broadcast_in_dim3A_2056 = arith.constant 1.000000e+00 : f32
      %broadcast_in_dim3A_2057 = vector.broadcast %broadcast_in_dim3A_2056 : f32 to vector<16xf32>
      tpu.vector_store_idx %arg21[%shift_right_logical3A_2052, %and3A_2055], %broadcast_in_dim3A_2057 {add = true} : memref<80x128xf32, #tpu.memory_space<vmem>>[vector<16xi32>, vector<16xi32>], vector<16xf32>,
      %get3A_2058 = arith.constant 64 : index
      %get3A_2059 = tpu.vector_load %arg19[%get3A_2058] {strides = array<i32>} : memref<80xi32, #tpu.memory_space<vmem>>, vector<16xi32>,
      %shift_right_logical3A_2060 = arith.constant 7 : i32
      %shift_right_logical3A_2061 = vector.broadcast %shift_right_logical3A_2060 : i32 to vector<16xi32>
      %shift_right_logical3A_2062 = arith.shrui %get3A_2059, %shift_right_logical3A_2061 : vector<16xi32>
      %and3A_2063 = arith.constant 127 : i32
      %and3A_2064 = vector.broadcast %and3A_2063 : i32 to vector<16xi32>
      %and3A_2065 = arith.andi %get3A_2059, %and3A_2064 : vector<16xi32>
      %broadcast_in_dim3A_2066 = arith.constant 1.000000e+00 : f32
      %broadcast_in_dim3A_2067 = vector.broadcast %broadcast_in_dim3A_2066 : f32 to vector<16xf32>
      tpu.vector_store_idx %arg21[%shift_right_logical3A_2062, %and3A_2065], %broadcast_in_dim3A_2067 {add = true} : memref<80x128xf32, #tpu.memory_space<vmem>>[vector<16xi32>, vector<16xi32>], vector<16xf32>,
      %dma_wait3A_2068 = arith.constant 0 : i32
      %dma_wait3A_2069 = arith.constant 0 : i32
      %dma_wait3A_2070 = tpu.memref_slice %arg14[%dma_wait3A_2068, %dma_wait3A_2069] : memref<10240x128xf32, #tpu.memory_space<vmem_shared>> -> memref<10240x128xf32, #tpu.memory_space<vmem_shared>>
      tpu.wait_indirect_dma semaphore(%arg28 : memref<!tpu.dma_semaphore, #tpu.memory_space<semaphore_mem>>) src(%arg15 : memref<80x128xf32, #tpu.memory_space<vmem>>) dst(%dma_wait3A_2070 : memref<10240x128xf32, #tpu.memory_space<vmem_shared>>)
      %add3A_2071 = arith.constant 2 : i32
      %add3A_2072 = arith.addi %add3A_2001, %add3A_2071 : i32
      %mul3A_2073 = arith.constant 32 : i32
      %mul3A_2074 = arith.muli %mul3A_2073, %add3A_2072 : i32
      %add3A_2075 = arith.addi %add3A, %mul3A_2074 : i32
      %mul3A_2076 = arith.constant 80 : i32
      %mul3A_2077 = arith.muli %add3A_2075, %mul3A_2076 : i32
      %dma_start3A_2078 = arith.constant 0 : i32
      %dma_start3A_2079 = tpu.memref_slice %arg4[%mul3A_2077, %dma_start3A_2078] : memref<320000x128xf32, #tpu.memory_space<hbm>> -> memref<80x128xf32, #tpu.memory_space<hbm>>
      %dma_start3A_2080 = arith.constant 0 : i32
      %dma_start3A_2081 = tpu.memref_slice %arg4[%mul3A_2077, %dma_start3A_2080] : memref<320000x128xf32, #tpu.memory_space<hbm>> -> memref<80x128xf32, #tpu.memory_space<hbm>>
      tpu.enqueue_dma source(%dma_start3A_2081 : memref<80x128xf32, #tpu.memory_space<hbm>>) target(%arg15 : memref<80x128xf32, #tpu.memory_space<vmem>>) target_semaphore(%arg22 : memref<!tpu.dma_semaphore, #tpu.memory_space<semaphore_mem>>)
      %mul3A_2082 = arith.constant 80 : i32
      %mul3A_2083 = arith.muli %add3A_2075, %mul3A_2082 : i32
      %dma_start3A_2084 = tpu.memref_slice %arg5[%mul3A_2083] : memref<320000xi32, #tpu.memory_space<hbm>> -> memref<80xi32, #tpu.memory_space<hbm>>
      %dma_start3A_2085 = tpu.memref_slice %arg5[%mul3A_2083] : memref<320000xi32, #tpu.memory_space<hbm>> -> memref<80xi32, #tpu.memory_space<hbm>>
      tpu.enqueue_dma source(%dma_start3A_2085 : memref<80xi32, #tpu.memory_space<hbm>>) target(%arg18 : memref<80xi32, #tpu.memory_space<vmem>>) target_semaphore(%arg25 : memref<!tpu.dma_semaphore, #tpu.memory_space<semaphore_mem>>)
      %mul3A_2086 = arith.constant 3 : i32
      %mul3A_2087 = arith.muli %mul3A_2086, %scan3A_1909 : i32
      %add3A_2088 = arith.constant 2 : i32
      %add3A_2089 = arith.addi %mul3A_2087, %add3A_2088 : i32
      %mul3A_2090 = arith.constant 32 : i32
      %mul3A_2091 = arith.muli %mul3A_2090, %add3A_2089 : i32
      %add3A_2092 = arith.addi %add3A, %mul3A_2091 : i32
      %mul3A_2093 = arith.constant 80 : i32
      %mul3A_2094 = arith.muli %add3A_2092, %mul3A_2093 : i32
      %dma_wait3A_2095 = arith.constant 0 : i32
      %dma_wait3A_2096 = tpu.memref_slice %arg4[%mul3A_2094, %dma_wait3A_2095] : memref<320000x128xf32, #tpu.memory_space<hbm>> -> memref<80x128xf32, #tpu.memory_space<hbm>>
      %dma_wait3A_2097 = arith.constant 0 : i32
      %dma_wait3A_2098 = tpu.memref_slice %arg4[%mul3A_2094, %dma_wait3A_2097] : memref<320000x128xf32, #tpu.memory_space<hbm>> -> memref<80x128xf32, #tpu.memory_space<hbm>>
      tpu.wait_dma2 semaphore(%arg24 : memref<!tpu.dma_semaphore, #tpu.memory_space<semaphore_mem>>) src(%dma_wait3A_2098 : memref<80x128xf32, #tpu.memory_space<hbm>>) dst(%arg17 : memref<80x128xf32, #tpu.memory_space<vmem>>)
      %mul3A_2099 = arith.constant 80 : i32
      %mul3A_2100 = arith.muli %add3A_2092, %mul3A_2099 : i32
      %dma_wait3A_2101 = tpu.memref_slice %arg5[%mul3A_2100] : memref<320000xi32, #tpu.memory_space<hbm>> -> memref<80xi32, #tpu.memory_space<hbm>>
      %dma_wait3A_2102 = tpu.memref_slice %arg5[%mul3A_2100] : memref<320000xi32, #tpu.memory_space<hbm>> -> memref<80xi32, #tpu.memory_space<hbm>>
      tpu.wait_dma2 semaphore(%arg27 : memref<!tpu.dma_semaphore, #tpu.memory_space<semaphore_mem>>) src(%dma_wait3A_2102 : memref<80xi32, #tpu.memory_space<hbm>>) dst(%arg20 : memref<80xi32, #tpu.memory_space<vmem>>)
      %dma_start3A_2103 = arith.constant 0 : i32
      %dma_start3A_2104 = arith.constant 0 : i32
      %dma_start3A_2105 = tpu.memref_slice %arg14[%dma_start3A_2103, %dma_start3A_2104] : memref<10240x128xf32, #tpu.memory_space<vmem_shared>> -> memref<10240x128xf32, #tpu.memory_space<vmem_shared>>
      tpu.enqueue_indirect_dma source(%arg17 : memref<80x128xf32, #tpu.memory_space<vmem>>) target(%dma_start3A_2105 : memref<10240x128xf32, #tpu.memory_space<vmem_shared>>) offsets(%arg20 : memref<80xi32, #tpu.memory_space<vmem>>) semaphore(%arg30 : memref<!tpu.dma_semaphore, #tpu.memory_space<semaphore_mem>>) {add = true}
      %get3A_2106 = arith.constant 0 : index
      %get3A_2107 = tpu.vector_load %arg20[%get3A_2106] {strides = array<i32>} : memref<80xi32, #tpu.memory_space<vmem>>, vector<16xi32>,
      %shift_right_logical3A_2108 = arith.constant 7 : i32
      %shift_right_logical3A_2109 = vector.broadcast %shift_right_logical3A_2108 : i32 to vector<16xi32>
      %shift_right_logical3A_2110 = arith.shrui %get3A_2107, %shift_right_logical3A_2109 : vector<16xi32>
      %and3A_2111 = arith.constant 127 : i32
      %and3A_2112 = vector.broadcast %and3A_2111 : i32 to vector<16xi32>
      %and3A_2113 = arith.andi %get3A_2107, %and3A_2112 : vector<16xi32>
      %broadcast_in_dim3A_2114 = arith.constant 1.000000e+00 : f32
      %broadcast_in_dim3A_2115 = vector.broadcast %broadcast_in_dim3A_2114 : f32 to vector<16xf32>
      tpu.vector_store_idx %arg21[%shift_right_logical3A_2110, %and3A_2113], %broadcast_in_dim3A_2115 {add = true} : memref<80x128xf32, #tpu.memory_space<vmem>>[vector<16xi32>, vector<16xi32>], vector<16xf32>,
      %get3A_2116 = arith.constant 16 : index
      %get3A_2117 = tpu.vector_load %arg20[%get3A_2116] {strides = array<i32>} : memref<80xi32, #tpu.memory_space<vmem>>, vector<16xi32>,
      %shift_right_logical3A_2118 = arith.constant 7 : i32
      %shift_right_logical3A_2119 = vector.broadcast %shift_right_logical3A_2118 : i32 to vector<16xi32>
      %shift_right_logical3A_2120 = arith.shrui %get3A_2117, %shift_right_logical3A_2119 : vector<16xi32>
      %and3A_2121 = arith.constant 127 : i32
      %and3A_2122 = vector.broadcast %and3A_2121 : i32 to vector<16xi32>
      %and3A_2123 = arith.andi %get3A_2117, %and3A_2122 : vector<16xi32>
      %broadcast_in_dim3A_2124 = arith.constant 1.000000e+00 : f32
      %broadcast_in_dim3A_2125 = vector.broadcast %broadcast_in_dim3A_2124 : f32 to vector<16xf32>
      tpu.vector_store_idx %arg21[%shift_right_logical3A_2120, %and3A_2123], %broadcast_in_dim3A_2125 {add = true} : memref<80x128xf32, #tpu.memory_space<vmem>>[vector<16xi32>, vector<16xi32>], vector<16xf32>,
      %get3A_2126 = arith.constant 32 : index
      %get3A_2127 = tpu.vector_load %arg20[%get3A_2126] {strides = array<i32>} : memref<80xi32, #tpu.memory_space<vmem>>, vector<16xi32>,
      %shift_right_logical3A_2128 = arith.constant 7 : i32
      %shift_right_logical3A_2129 = vector.broadcast %shift_right_logical3A_2128 : i32 to vector<16xi32>
      %shift_right_logical3A_2130 = arith.shrui %get3A_2127, %shift_right_logical3A_2129 : vector<16xi32>
      %and3A_2131 = arith.constant 127 : i32
      %and3A_2132 = vector.broadcast %and3A_2131 : i32 to vector<16xi32>
      %and3A_2133 = arith.andi %get3A_2127, %and3A_2132 : vector<16xi32>
      %broadcast_in_dim3A_2134 = arith.constant 1.000000e+00 : f32
      %broadcast_in_dim3A_2135 = vector.broadcast %broadcast_in_dim3A_2134 : f32 to vector<16xf32>
      tpu.vector_store_idx %arg21[%shift_right_logical3A_2130, %and3A_2133], %broadcast_in_dim3A_2135 {add = true} : memref<80x128xf32, #tpu.memory_space<vmem>>[vector<16xi32>, vector<16xi32>], vector<16xf32>,
      %get3A_2136 = arith.constant 48 : index
      %get3A_2137 = tpu.vector_load %arg20[%get3A_2136] {strides = array<i32>} : memref<80xi32, #tpu.memory_space<vmem>>, vector<16xi32>,
      %shift_right_logical3A_2138 = arith.constant 7 : i32
      %shift_right_logical3A_2139 = vector.broadcast %shift_right_logical3A_2138 : i32 to vector<16xi32>
      %shift_right_logical3A_2140 = arith.shrui %get3A_2137, %shift_right_logical3A_2139 : vector<16xi32>
      %and3A_2141 = arith.constant 127 : i32
      %and3A_2142 = vector.broadcast %and3A_2141 : i32 to vector<16xi32>
      %and3A_2143 = arith.andi %get3A_2137, %and3A_2142 : vector<16xi32>
      %broadcast_in_dim3A_2144 = arith.constant 1.000000e+00 : f32
      %broadcast_in_dim3A_2145 = vector.broadcast %broadcast_in_dim3A_2144 : f32 to vector<16xf32>
      tpu.vector_store_idx %arg21[%shift_right_logical3A_2140, %and3A_2143], %broadcast_in_dim3A_2145 {add = true} : memref<80x128xf32, #tpu.memory_space<vmem>>[vector<16xi32>, vector<16xi32>], vector<16xf32>,
      %get3A_2146 = arith.constant 64 : index
      %get3A_2147 = tpu.vector_load %arg20[%get3A_2146] {strides = array<i32>} : memref<80xi32, #tpu.memory_space<vmem>>, vector<16xi32>,
      %shift_right_logical3A_2148 = arith.constant 7 : i32
      %shift_right_logical3A_2149 = vector.broadcast %shift_right_logical3A_2148 : i32 to vector<16xi32>
      %shift_right_logical3A_2150 = arith.shrui %get3A_2147, %shift_right_logical3A_2149 : vector<16xi32>
      %and3A_2151 = arith.constant 127 : i32
      %and3A_2152 = vector.broadcast %and3A_2151 : i32 to vector<16xi32>
      %and3A_2153 = arith.andi %get3A_2147, %and3A_2152 : vector<16xi32>
      %broadcast_in_dim3A_2154 = arith.constant 1.000000e+00 : f32
      %broadcast_in_dim3A_2155 = vector.broadcast %broadcast_in_dim3A_2154 : f32 to vector<16xf32>
      tpu.vector_store_idx %arg21[%shift_right_logical3A_2150, %and3A_2153], %broadcast_in_dim3A_2155 {add = true} : memref<80x128xf32, #tpu.memory_space<vmem>>[vector<16xi32>, vector<16xi32>], vector<16xf32>,
      %dma_wait3A_2156 = arith.constant 0 : i32
      %dma_wait3A_2157 = arith.constant 0 : i32
      %dma_wait3A_2158 = tpu.memref_slice %arg14[%dma_wait3A_2156, %dma_wait3A_2157] : memref<10240x128xf32, #tpu.memory_space<vmem_shared>> -> memref<10240x128xf32, #tpu.memory_space<vmem_shared>>
      tpu.wait_indirect_dma semaphore(%arg29 : memref<!tpu.dma_semaphore, #tpu.memory_space<semaphore_mem>>) src(%arg16 : memref<80x128xf32, #tpu.memory_space<vmem>>) dst(%dma_wait3A_2158 : memref<10240x128xf32, #tpu.memory_space<vmem_shared>>)
      %add3A_2159 = arith.constant 2 : i32
      %add3A_2160 = arith.addi %add3A_2089, %add3A_2159 : i32
      %mul3A_2161 = arith.constant 32 : i32
      %mul3A_2162 = arith.muli %mul3A_2161, %add3A_2160 : i32
      %add3A_2163 = arith.addi %add3A, %mul3A_2162 : i32
      %mul3A_2164 = arith.constant 80 : i32
      %mul3A_2165 = arith.muli %add3A_2163, %mul3A_2164 : i32
      %dma_start3A_2166 = arith.constant 0 : i32
      %dma_start3A_2167 = tpu.memref_slice %arg4[%mul3A_2165, %dma_start3A_2166] : memref<320000x128xf32, #tpu.memory_space<hbm>> -> memref<80x128xf32, #tpu.memory_space<hbm>>
      %dma_start3A_2168 = arith.constant 0 : i32
      %dma_start3A_2169 = tpu.memref_slice %arg4[%mul3A_2165, %dma_start3A_2168] : memref<320000x128xf32, #tpu.memory_space<hbm>> -> memref<80x128xf32, #tpu.memory_space<hbm>>
      tpu.enqueue_dma source(%dma_start3A_2169 : memref<80x128xf32, #tpu.memory_space<hbm>>) target(%arg16 : memref<80x128xf32, #tpu.memory_space<vmem>>) target_semaphore(%arg23 : memref<!tpu.dma_semaphore, #tpu.memory_space<semaphore_mem>>)
      %mul3A_2170 = arith.constant 80 : i32
      %mul3A_2171 = arith.muli %add3A_2163, %mul3A_2170 : i32
      %dma_start3A_2172 = tpu.memref_slice %arg5[%mul3A_2171] : memref<320000xi32, #tpu.memory_space<hbm>> -> memref<80xi32, #tpu.memory_space<hbm>>
      %dma_start3A_2173 = tpu.memref_slice %arg5[%mul3A_2171] : memref<320000xi32, #tpu.memory_space<hbm>> -> memref<80xi32, #tpu.memory_space<hbm>>
      tpu.enqueue_dma source(%dma_start3A_2173 : memref<80xi32, #tpu.memory_space<hbm>>) target(%arg19 : memref<80xi32, #tpu.memory_space<vmem>>) target_semaphore(%arg26 : memref<!tpu.dma_semaphore, #tpu.memory_space<semaphore_mem>>)
    }
    %scan3A_1002 = arith.constant 40 : i32
    %add3A_1003 = arith.constant 3936 : i32
    %add3A_1004 = arith.addi %add3A, %add3A_1003 : i32
    %mul3A_1005 = arith.constant 80 : i32
    %mul3A_1006 = arith.muli %add3A_1004, %mul3A_1005 : i32
    %dma_wait3A_1007 = arith.constant 0 : i32
    %dma_wait3A_1008 = tpu.memref_slice %arg4[%mul3A_1006, %dma_wait3A_1007] : memref<320000x128xf32, #tpu.memory_space<hbm>> -> memref<80x128xf32, #tpu.memory_space<hbm>>
    %dma_wait3A_1009 = arith.constant 0 : i32
    %dma_wait3A_1010 = tpu.memref_slice %arg4[%mul3A_1006, %dma_wait3A_1009] : memref<320000x128xf32, #tpu.memory_space<hbm>> -> memref<80x128xf32, #tpu.memory_space<hbm>>
    tpu.wait_dma2 semaphore(%arg22 : memref<!tpu.dma_semaphore, #tpu.memory_space<semaphore_mem>>) src(%dma_wait3A_1010 : memref<80x128xf32, #tpu.memory_space<hbm>>) dst(%arg15 : memref<80x128xf32, #tpu.memory_space<vmem>>)
    %mul3A_1011 = arith.constant 80 : i32
    %mul3A_1012 = arith.muli %add3A_1004, %mul3A_1011 : i32
    %dma_wait3A_1013 = tpu.memref_slice %arg5[%mul3A_1012] : memref<320000xi32, #tpu.memory_space<hbm>> -> memref<80xi32, #tpu.memory_space<hbm>>
    %dma_wait3A_1014 = tpu.memref_slice %arg5[%mul3A_1012] : memref<320000xi32, #tpu.memory_space<hbm>> -> memref<80xi32, #tpu.memory_space<hbm>>
    tpu.wait_dma2 semaphore(%arg25 : memref<!tpu.dma_semaphore, #tpu.memory_space<semaphore_mem>>) src(%dma_wait3A_1014 : memref<80xi32, #tpu.memory_space<hbm>>) dst(%arg18 : memref<80xi32, #tpu.memory_space<vmem>>)
    %dma_start3A_1015 = arith.constant 0 : i32
    %dma_start3A_1016 = arith.constant 0 : i32
    %dma_start3A_1017 = tpu.memref_slice %arg14[%dma_start3A_1015, %dma_start3A_1016] : memref<10240x128xf32, #tpu.memory_space<vmem_shared>> -> memref<10240x128xf32, #tpu.memory_space<vmem_shared>>
    tpu.enqueue_indirect_dma source(%arg15 : memref<80x128xf32, #tpu.memory_space<vmem>>) target(%dma_start3A_1017 : memref<10240x128xf32, #tpu.memory_space<vmem_shared>>) offsets(%arg18 : memref<80xi32, #tpu.memory_space<vmem>>) semaphore(%arg28 : memref<!tpu.dma_semaphore, #tpu.memory_space<semaphore_mem>>) {add = true}
    %get3A_1018 = arith.constant 0 : index
    %get3A_1019 = tpu.vector_load %arg18[%get3A_1018] {strides = array<i32>} : memref<80xi32, #tpu.memory_space<vmem>>, vector<16xi32>,
    %shift_right_logical3A_1020 = arith.constant 7 : i32
    %shift_right_logical3A_1021 = vector.broadcast %shift_right_logical3A_1020 : i32 to vector<16xi32>
    %shift_right_logical3A_1022 = arith.shrui %get3A_1019, %shift_right_logical3A_1021 : vector<16xi32>
    %and3A_1023 = arith.constant 127 : i32
    %and3A_1024 = vector.broadcast %and3A_1023 : i32 to vector<16xi32>
    %and3A_1025 = arith.andi %get3A_1019, %and3A_1024 : vector<16xi32>
    %broadcast_in_dim3A_1026 = arith.constant 1.000000e+00 : f32
    %broadcast_in_dim3A_1027 = vector.broadcast %broadcast_in_dim3A_1026 : f32 to vector<16xf32>
    tpu.vector_store_idx %arg21[%shift_right_logical3A_1022, %and3A_1025], %broadcast_in_dim3A_1027 {add = true} : memref<80x128xf32, #tpu.memory_space<vmem>>[vector<16xi32>, vector<16xi32>], vector<16xf32>,
    %get3A_1028 = arith.constant 16 : index
    %get3A_1029 = tpu.vector_load %arg18[%get3A_1028] {strides = array<i32>} : memref<80xi32, #tpu.memory_space<vmem>>, vector<16xi32>,
    %shift_right_logical3A_1030 = arith.constant 7 : i32
    %shift_right_logical3A_1031 = vector.broadcast %shift_right_logical3A_1030 : i32 to vector<16xi32>
    %shift_right_logical3A_1032 = arith.shrui %get3A_1029, %shift_right_logical3A_1031 : vector<16xi32>
    %and3A_1033 = arith.constant 127 : i32
    %and3A_1034 = vector.broadcast %and3A_1033 : i32 to vector<16xi32>
    %and3A_1035 = arith.andi %get3A_1029, %and3A_1034 : vector<16xi32>
    %broadcast_in_dim3A_1036 = arith.constant 1.000000e+00 : f32
    %broadcast_in_dim3A_1037 = vector.broadcast %broadcast_in_dim3A_1036 : f32 to vector<16xf32>
    tpu.vector_store_idx %arg21[%shift_right_logical3A_1032, %and3A_1035], %broadcast_in_dim3A_1037 {add = true} : memref<80x128xf32, #tpu.memory_space<vmem>>[vector<16xi32>, vector<16xi32>], vector<16xf32>,
    %get3A_1038 = arith.constant 32 : index
    %get3A_1039 = tpu.vector_load %arg18[%get3A_1038] {strides = array<i32>} : memref<80xi32, #tpu.memory_space<vmem>>, vector<16xi32>,
    %shift_right_logical3A_1040 = arith.constant 7 : i32
    %shift_right_logical3A_1041 = vector.broadcast %shift_right_logical3A_1040 : i32 to vector<16xi32>
    %shift_right_logical3A_1042 = arith.shrui %get3A_1039, %shift_right_logical3A_1041 : vector<16xi32>
    %and3A_1043 = arith.constant 127 : i32
    %and3A_1044 = vector.broadcast %and3A_1043 : i32 to vector<16xi32>
    %and3A_1045 = arith.andi %get3A_1039, %and3A_1044 : vector<16xi32>
    %broadcast_in_dim3A_1046 = arith.constant 1.000000e+00 : f32
    %broadcast_in_dim3A_1047 = vector.broadcast %broadcast_in_dim3A_1046 : f32 to vector<16xf32>
    tpu.vector_store_idx %arg21[%shift_right_logical3A_1042, %and3A_1045], %broadcast_in_dim3A_1047 {add = true} : memref<80x128xf32, #tpu.memory_space<vmem>>[vector<16xi32>, vector<16xi32>], vector<16xf32>,
    %get3A_1048 = arith.constant 48 : index
    %get3A_1049 = tpu.vector_load %arg18[%get3A_1048] {strides = array<i32>} : memref<80xi32, #tpu.memory_space<vmem>>, vector<16xi32>,
    %shift_right_logical3A_1050 = arith.constant 7 : i32
    %shift_right_logical3A_1051 = vector.broadcast %shift_right_logical3A_1050 : i32 to vector<16xi32>
    %shift_right_logical3A_1052 = arith.shrui %get3A_1049, %shift_right_logical3A_1051 : vector<16xi32>
    %and3A_1053 = arith.constant 127 : i32
    %and3A_1054 = vector.broadcast %and3A_1053 : i32 to vector<16xi32>
    %and3A_1055 = arith.andi %get3A_1049, %and3A_1054 : vector<16xi32>
    %broadcast_in_dim3A_1056 = arith.constant 1.000000e+00 : f32
    %broadcast_in_dim3A_1057 = vector.broadcast %broadcast_in_dim3A_1056 : f32 to vector<16xf32>
    tpu.vector_store_idx %arg21[%shift_right_logical3A_1052, %and3A_1055], %broadcast_in_dim3A_1057 {add = true} : memref<80x128xf32, #tpu.memory_space<vmem>>[vector<16xi32>, vector<16xi32>], vector<16xf32>,
    %get3A_1058 = arith.constant 64 : index
    %get3A_1059 = tpu.vector_load %arg18[%get3A_1058] {strides = array<i32>} : memref<80xi32, #tpu.memory_space<vmem>>, vector<16xi32>,
    %shift_right_logical3A_1060 = arith.constant 7 : i32
    %shift_right_logical3A_1061 = vector.broadcast %shift_right_logical3A_1060 : i32 to vector<16xi32>
    %shift_right_logical3A_1062 = arith.shrui %get3A_1059, %shift_right_logical3A_1061 : vector<16xi32>
    %and3A_1063 = arith.constant 127 : i32
    %and3A_1064 = vector.broadcast %and3A_1063 : i32 to vector<16xi32>
    %and3A_1065 = arith.andi %get3A_1059, %and3A_1064 : vector<16xi32>
    %broadcast_in_dim3A_1066 = arith.constant 1.000000e+00 : f32
    %broadcast_in_dim3A_1067 = vector.broadcast %broadcast_in_dim3A_1066 : f32 to vector<16xf32>
    tpu.vector_store_idx %arg21[%shift_right_logical3A_1062, %and3A_1065], %broadcast_in_dim3A_1067 {add = true} : memref<80x128xf32, #tpu.memory_space<vmem>>[vector<16xi32>, vector<16xi32>], vector<16xf32>,
    %dma_wait3A_1068 = arith.constant 0 : i32
    %dma_wait3A_1069 = arith.constant 0 : i32
    %dma_wait3A_1070 = tpu.memref_slice %arg14[%dma_wait3A_1068, %dma_wait3A_1069] : memref<10240x128xf32, #tpu.memory_space<vmem_shared>> -> memref<10240x128xf32, #tpu.memory_space<vmem_shared>>
    tpu.wait_indirect_dma semaphore(%arg30 : memref<!tpu.dma_semaphore, #tpu.memory_space<semaphore_mem>>) src(%arg17 : memref<80x128xf32, #tpu.memory_space<vmem>>) dst(%dma_wait3A_1070 : memref<10240x128xf32, #tpu.memory_space<vmem_shared>>)
    %add3A_1071 = arith.constant 3968 : i32
    %add3A_1072 = arith.addi %add3A, %add3A_1071 : i32
    %mul3A_1073 = arith.constant 80 : i32
    %mul3A_1074 = arith.muli %add3A_1072, %mul3A_1073 : i32
    %dma_wait3A_1075 = arith.constant 0 : i32
    %dma_wait3A_1076 = tpu.memref_slice %arg4[%mul3A_1074, %dma_wait3A_1075] : memref<320000x128xf32, #tpu.memory_space<hbm>> -> memref<80x128xf32, #tpu.memory_space<hbm>>
    %dma_wait3A_1077 = arith.constant 0 : i32
    %dma_wait3A_1078 = tpu.memref_slice %arg4[%mul3A_1074, %dma_wait3A_1077] : memref<320000x128xf32, #tpu.memory_space<hbm>> -> memref<80x128xf32, #tpu.memory_space<hbm>>
    tpu.wait_dma2 semaphore(%arg23 : memref<!tpu.dma_semaphore, #tpu.memory_space<semaphore_mem>>) src(%dma_wait3A_1078 : memref<80x128xf32, #tpu.memory_space<hbm>>) dst(%arg16 : memref<80x128xf32, #tpu.memory_space<vmem>>)
    %mul3A_1079 = arith.constant 80 : i32
    %mul3A_1080 = arith.muli %add3A_1072, %mul3A_1079 : i32
    %dma_wait3A_1081 = tpu.memref_slice %arg5[%mul3A_1080] : memref<320000xi32, #tpu.memory_space<hbm>> -> memref<80xi32, #tpu.memory_space<hbm>>
    %dma_wait3A_1082 = tpu.memref_slice %arg5[%mul3A_1080] : memref<320000xi32, #tpu.memory_space<hbm>> -> memref<80xi32, #tpu.memory_space<hbm>>
    tpu.wait_dma2 semaphore(%arg26 : memref<!tpu.dma_semaphore, #tpu.memory_space<semaphore_mem>>) src(%dma_wait3A_1082 : memref<80xi32, #tpu.memory_space<hbm>>) dst(%arg19 : memref<80xi32, #tpu.memory_space<vmem>>)
    %dma_start3A_1083 = arith.constant 0 : i32
    %dma_start3A_1084 = arith.constant 0 : i32
    %dma_start3A_1085 = tpu.memref_slice %arg14[%dma_start3A_1083, %dma_start3A_1084] : memref<10240x128xf32, #tpu.memory_space<vmem_shared>> -> memref<10240x128xf32, #tpu.memory_space<vmem_shared>>
    tpu.enqueue_indirect_dma source(%arg16 : memref<80x128xf32, #tpu.memory_space<vmem>>) target(%dma_start3A_1085 : memref<10240x128xf32, #tpu.memory_space<vmem_shared>>) offsets(%arg19 : memref<80xi32, #tpu.memory_space<vmem>>) semaphore(%arg29 : memref<!tpu.dma_semaphore, #tpu.memory_space<semaphore_mem>>) {add = true}
    %get3A_1086 = arith.constant 0 : index
    %get3A_1087 = tpu.vector_load %arg19[%get3A_1086] {strides = array<i32>} : memref<80xi32, #tpu.memory_space<vmem>>, vector<16xi32>,
    %shift_right_logical3A_1088 = arith.constant 7 : i32
    %shift_right_logical3A_1089 = vector.broadcast %shift_right_logical3A_1088 : i32 to vector<16xi32>
    %shift_right_logical3A_1090 = arith.shrui %get3A_1087, %shift_right_logical3A_1089 : vector<16xi32>
    %and3A_1091 = arith.constant 127 : i32
    %and3A_1092 = vector.broadcast %and3A_1091 : i32 to vector<16xi32>
    %and3A_1093 = arith.andi %get3A_1087, %and3A_1092 : vector<16xi32>
    %broadcast_in_dim3A_1094 = arith.constant 1.000000e+00 : f32
    %broadcast_in_dim3A_1095 = vector.broadcast %broadcast_in_dim3A_1094 : f32 to vector<16xf32>
    tpu.vector_store_idx %arg21[%shift_right_logical3A_1090, %and3A_1093], %broadcast_in_dim3A_1095 {add = true} : memref<80x128xf32, #tpu.memory_space<vmem>>[vector<16xi32>, vector<16xi32>], vector<16xf32>,
    %get3A_1096 = arith.constant 16 : index
    %get3A_1097 = tpu.vector_load %arg19[%get3A_1096] {strides = array<i32>} : memref<80xi32, #tpu.memory_space<vmem>>, vector<16xi32>,
    %shift_right_logical3A_1098 = arith.constant 7 : i32
    %shift_right_logical3A_1099 = vector.broadcast %shift_right_logical3A_1098 : i32 to vector<16xi32>
    %shift_right_logical3A_1100 = arith.shrui %get3A_1097, %shift_right_logical3A_1099 : vector<16xi32>
    %and3A_1101 = arith.constant 127 : i32
    %and3A_1102 = vector.broadcast %and3A_1101 : i32 to vector<16xi32>
    %and3A_1103 = arith.andi %get3A_1097, %and3A_1102 : vector<16xi32>
    %broadcast_in_dim3A_1104 = arith.constant 1.000000e+00 : f32
    %broadcast_in_dim3A_1105 = vector.broadcast %broadcast_in_dim3A_1104 : f32 to vector<16xf32>
    tpu.vector_store_idx %arg21[%shift_right_logical3A_1100, %and3A_1103], %broadcast_in_dim3A_1105 {add = true} : memref<80x128xf32, #tpu.memory_space<vmem>>[vector<16xi32>, vector<16xi32>], vector<16xf32>,
    %get3A_1106 = arith.constant 32 : index
    %get3A_1107 = tpu.vector_load %arg19[%get3A_1106] {strides = array<i32>} : memref<80xi32, #tpu.memory_space<vmem>>, vector<16xi32>,
    %shift_right_logical3A_1108 = arith.constant 7 : i32
    %shift_right_logical3A_1109 = vector.broadcast %shift_right_logical3A_1108 : i32 to vector<16xi32>
    %shift_right_logical3A_1110 = arith.shrui %get3A_1107, %shift_right_logical3A_1109 : vector<16xi32>
    %and3A_1111 = arith.constant 127 : i32
    %and3A_1112 = vector.broadcast %and3A_1111 : i32 to vector<16xi32>
    %and3A_1113 = arith.andi %get3A_1107, %and3A_1112 : vector<16xi32>
    %broadcast_in_dim3A_1114 = arith.constant 1.000000e+00 : f32
    %broadcast_in_dim3A_1115 = vector.broadcast %broadcast_in_dim3A_1114 : f32 to vector<16xf32>
    tpu.vector_store_idx %arg21[%shift_right_logical3A_1110, %and3A_1113], %broadcast_in_dim3A_1115 {add = true} : memref<80x128xf32, #tpu.memory_space<vmem>>[vector<16xi32>, vector<16xi32>], vector<16xf32>,
    %get3A_1116 = arith.constant 48 : index
    %get3A_1117 = tpu.vector_load %arg19[%get3A_1116] {strides = array<i32>} : memref<80xi32, #tpu.memory_space<vmem>>, vector<16xi32>,
    %shift_right_logical3A_1118 = arith.constant 7 : i32
    %shift_right_logical3A_1119 = vector.broadcast %shift_right_logical3A_1118 : i32 to vector<16xi32>
    %shift_right_logical3A_1120 = arith.shrui %get3A_1117, %shift_right_logical3A_1119 : vector<16xi32>
    %and3A_1121 = arith.constant 127 : i32
    %and3A_1122 = vector.broadcast %and3A_1121 : i32 to vector<16xi32>
    %and3A_1123 = arith.andi %get3A_1117, %and3A_1122 : vector<16xi32>
    %broadcast_in_dim3A_1124 = arith.constant 1.000000e+00 : f32
    %broadcast_in_dim3A_1125 = vector.broadcast %broadcast_in_dim3A_1124 : f32 to vector<16xf32>
    tpu.vector_store_idx %arg21[%shift_right_logical3A_1120, %and3A_1123], %broadcast_in_dim3A_1125 {add = true} : memref<80x128xf32, #tpu.memory_space<vmem>>[vector<16xi32>, vector<16xi32>], vector<16xf32>,
    %get3A_1126 = arith.constant 64 : index
    %get3A_1127 = tpu.vector_load %arg19[%get3A_1126] {strides = array<i32>} : memref<80xi32, #tpu.memory_space<vmem>>, vector<16xi32>,
    %shift_right_logical3A_1128 = arith.constant 7 : i32
    %shift_right_logical3A_1129 = vector.broadcast %shift_right_logical3A_1128 : i32 to vector<16xi32>
    %shift_right_logical3A_1130 = arith.shrui %get3A_1127, %shift_right_logical3A_1129 : vector<16xi32>
    %and3A_1131 = arith.constant 127 : i32
    %and3A_1132 = vector.broadcast %and3A_1131 : i32 to vector<16xi32>
    %and3A_1133 = arith.andi %get3A_1127, %and3A_1132 : vector<16xi32>
    %broadcast_in_dim3A_1134 = arith.constant 1.000000e+00 : f32
    %broadcast_in_dim3A_1135 = vector.broadcast %broadcast_in_dim3A_1134 : f32 to vector<16xf32>
    tpu.vector_store_idx %arg21[%shift_right_logical3A_1130, %and3A_1133], %broadcast_in_dim3A_1135 {add = true} : memref<80x128xf32, #tpu.memory_space<vmem>>[vector<16xi32>, vector<16xi32>], vector<16xf32>,
    %dma_wait3A_1136 = arith.constant 0 : i32
    %dma_wait3A_1137 = arith.constant 0 : i32
    %dma_wait3A_1138 = tpu.memref_slice %arg14[%dma_wait3A_1136, %dma_wait3A_1137] : memref<10240x128xf32, #tpu.memory_space<vmem_shared>> -> memref<10240x128xf32, #tpu.memory_space<vmem_shared>>
    tpu.wait_indirect_dma semaphore(%arg28 : memref<!tpu.dma_semaphore, #tpu.memory_space<semaphore_mem>>) src(%arg15 : memref<80x128xf32, #tpu.memory_space<vmem>>) dst(%dma_wait3A_1138 : memref<10240x128xf32, #tpu.memory_space<vmem_shared>>)
    %dma_wait3A_1139 = arith.constant 0 : i32
    %dma_wait3A_1140 = arith.constant 0 : i32
    %dma_wait3A_1141 = tpu.memref_slice %arg14[%dma_wait3A_1139, %dma_wait3A_1140] : memref<10240x128xf32, #tpu.memory_space<vmem_shared>> -> memref<10240x128xf32, #tpu.memory_space<vmem_shared>>
    tpu.wait_indirect_dma semaphore(%arg29 : memref<!tpu.dma_semaphore, #tpu.memory_space<semaphore_mem>>) src(%arg16 : memref<80x128xf32, #tpu.memory_space<vmem>>) dst(%dma_wait3A_1141 : memref<10240x128xf32, #tpu.memory_space<vmem_shared>>)
    %barrier3A_1142 = arith.constant 0 : index
    tpu.barrier barrier_id(%barrier3A_1142)
    %add3A_1143 = arith.constant 0 : i32
    %add3A_1144 = arith.addi %mul3A_2, %add3A_1143 : i32
    "tpu.region"() ({
      %run_scoped3A = tpu.sem_alloc : memref<!tpu.dma_semaphore, #tpu.memory_space<semaphore_mem>>
      %dma_start3A_1909 = arith.constant 0 : i32
      %dma_start3A_1910 = tpu.memref_slice %arg14[%add3A_1144, %dma_start3A_1909] : memref<10240x128xf32, #tpu.memory_space<vmem_shared>> -> memref<80x128xf32, #tpu.memory_space<vmem_shared>>
      %dma_start3A_1911 = arith.constant 0 : i32
      %dma_start3A_1912 = tpu.memref_slice %arg14[%add3A_1144, %dma_start3A_1911] : memref<10240x128xf32, #tpu.memory_space<vmem_shared>> -> memref<80x128xf32, #tpu.memory_space<vmem_shared>>
      tpu.enqueue_dma source(%dma_start3A_1912 : memref<80x128xf32, #tpu.memory_space<vmem_shared>>) target(%arg15 : memref<80x128xf32, #tpu.memory_space<vmem>>) target_semaphore(%run_scoped3A : memref<!tpu.dma_semaphore, #tpu.memory_space<semaphore_mem>>)
      %dma_wait3A_1913 = arith.constant 0 : i32
      %dma_wait3A_1914 = tpu.memref_slice %arg14[%add3A_1144, %dma_wait3A_1913] : memref<10240x128xf32, #tpu.memory_space<vmem_shared>> -> memref<80x128xf32, #tpu.memory_space<vmem_shared>>
      %dma_wait3A_1915 = arith.constant 0 : i32
      %dma_wait3A_1916 = tpu.memref_slice %arg14[%add3A_1144, %dma_wait3A_1915] : memref<10240x128xf32, #tpu.memory_space<vmem_shared>> -> memref<80x128xf32, #tpu.memory_space<vmem_shared>>
      tpu.wait_dma2 semaphore(%run_scoped3A : memref<!tpu.dma_semaphore, #tpu.memory_space<semaphore_mem>>) src(%dma_wait3A_1916 : memref<80x128xf32, #tpu.memory_space<vmem_shared>>) dst(%arg15 : memref<80x128xf32, #tpu.memory_space<vmem>>)
      tpu.yield
    }) : () -> ()
    %dma_start3A_1145 = arith.constant 0 : i32
    %dma_start3A_1146 = tpu.memref_slice %arg10[%arg0, %add3A_1144, %dma_start3A_1145] : memref<2x10240x128xf32, #tpu.memory_space<hbm>> -> memref<1x80x128xf32, #tpu.memory_space<hbm>>
    %dma_start3A_1147 = tpu.memref_squeeze %dma_start3A_1146 : memref<1x80x128xf32, #tpu.memory_space<hbm>> -> memref<80x128xf32, #tpu.memory_space<hbm>>
    %dma_start3A_1148 = arith.constant 0 : i32
    %dma_start3A_1149 = tpu.memref_slice %arg10[%arg0, %add3A_1144, %dma_start3A_1148] : memref<2x10240x128xf32, #tpu.memory_space<hbm>> -> memref<1x80x128xf32, #tpu.memory_space<hbm>>
    %dma_start3A_1150 = tpu.memref_squeeze %dma_start3A_1149 : memref<1x80x128xf32, #tpu.memory_space<hbm>> -> memref<80x128xf32, #tpu.memory_space<hbm>>
    tpu.enqueue_dma source(%arg15 : memref<80x128xf32, #tpu.memory_space<vmem>>) target(%dma_start3A_1150 : memref<80x128xf32, #tpu.memory_space<hbm>>) target_semaphore(%arg22 : memref<!tpu.dma_semaphore, #tpu.memory_space<semaphore_mem>>)
    %add3A_1151 = arith.constant 80 : i32
    %add3A_1152 = arith.addi %mul3A_2, %add3A_1151 : i32
    "tpu.region"() ({
      %run_scoped3A = tpu.sem_alloc : memref<!tpu.dma_semaphore, #tpu.memory_space<semaphore_mem>>
      %dma_start3A_1909 = arith.constant 0 : i32
      %dma_start3A_1910 = tpu.memref_slice %arg14[%add3A_1152, %dma_start3A_1909] : memref<10240x128xf32, #tpu.memory_space<vmem_shared>> -> memref<80x128xf32, #tpu.memory_space<vmem_shared>>
      %dma_start3A_1911 = arith.constant 0 : i32
      %dma_start3A_1912 = tpu.memref_slice %arg14[%add3A_1152, %dma_start3A_1911] : memref<10240x128xf32, #tpu.memory_space<vmem_shared>> -> memref<80x128xf32, #tpu.memory_space<vmem_shared>>
      tpu.enqueue_dma source(%dma_start3A_1912 : memref<80x128xf32, #tpu.memory_space<vmem_shared>>) target(%arg16 : memref<80x128xf32, #tpu.memory_space<vmem>>) target_semaphore(%run_scoped3A : memref<!tpu.dma_semaphore, #tpu.memory_space<semaphore_mem>>)
      %dma_wait3A_1913 = arith.constant 0 : i32
      %dma_wait3A_1914 = tpu.memref_slice %arg14[%add3A_1152, %dma_wait3A_1913] : memref<10240x128xf32, #tpu.memory_space<vmem_shared>> -> memref<80x128xf32, #tpu.memory_space<vmem_shared>>
      %dma_wait3A_1915 = arith.constant 0 : i32
      %dma_wait3A_1916 = tpu.memref_slice %arg14[%add3A_1152, %dma_wait3A_1915] : memref<10240x128xf32, #tpu.memory_space<vmem_shared>> -> memref<80x128xf32, #tpu.memory_space<vmem_shared>>
      tpu.wait_dma2 semaphore(%run_scoped3A : memref<!tpu.dma_semaphore, #tpu.memory_space<semaphore_mem>>) src(%dma_wait3A_1916 : memref<80x128xf32, #tpu.memory_space<vmem_shared>>) dst(%arg16 : memref<80x128xf32, #tpu.memory_space<vmem>>)
      tpu.yield
    }) : () -> ()
    %dma_start3A_1153 = arith.constant 0 : i32
    %dma_start3A_1154 = tpu.memref_slice %arg10[%arg0, %add3A_1152, %dma_start3A_1153] : memref<2x10240x128xf32, #tpu.memory_space<hbm>> -> memref<1x80x128xf32, #tpu.memory_space<hbm>>
    %dma_start3A_1155 = tpu.memref_squeeze %dma_start3A_1154 : memref<1x80x128xf32, #tpu.memory_space<hbm>> -> memref<80x128xf32, #tpu.memory_space<hbm>>
    %dma_start3A_1156 = arith.constant 0 : i32
    %dma_start3A_1157 = tpu.memref_slice %arg10[%arg0, %add3A_1152, %dma_start3A_1156] : memref<2x10240x128xf32, #tpu.memory_space<hbm>> -> memref<1x80x128xf32, #tpu.memory_space<hbm>>
    %dma_start3A_1158 = tpu.memref_squeeze %dma_start3A_1157 : memref<1x80x128xf32, #tpu.memory_space<hbm>> -> memref<80x128xf32, #tpu.memory_space<hbm>>
    tpu.enqueue_dma source(%arg16 : memref<80x128xf32, #tpu.memory_space<vmem>>) target(%dma_start3A_1158 : memref<80x128xf32, #tpu.memory_space<hbm>>) target_semaphore(%arg23 : memref<!tpu.dma_semaphore, #tpu.memory_space<semaphore_mem>>)
    %add3A_1159 = arith.constant 160 : i32
    %add3A_1160 = arith.addi %mul3A_2, %add3A_1159 : i32
    %add3A_1161 = arith.constant 0 : i32
    %add3A_1162 = arith.addi %mul3A_2, %add3A_1161 : i32
    %dma_wait3A_1163 = arith.constant 0 : i32
    %dma_wait3A_1164 = tpu.memref_slice %arg10[%arg0, %add3A_1162, %dma_wait3A_1163] : memref<2x10240x128xf32, #tpu.memory_space<hbm>> -> memref<1x80x128xf32, #tpu.memory_space<hbm>>
    %dma_wait3A_1165 = tpu.memref_squeeze %dma_wait3A_1164 : memref<1x80x128xf32, #tpu.memory_space<hbm>> -> memref<80x128xf32, #tpu.memory_space<hbm>>
    %dma_wait3A_1166 = arith.constant 0 : i32
    %dma_wait3A_1167 = tpu.memref_slice %arg10[%arg0, %add3A_1162, %dma_wait3A_1166] : memref<2x10240x128xf32, #tpu.memory_space<hbm>> -> memref<1x80x128xf32, #tpu.memory_space<hbm>>
    %dma_wait3A_1168 = tpu.memref_squeeze %dma_wait3A_1167 : memref<1x80x128xf32, #tpu.memory_space<hbm>> -> memref<80x128xf32, #tpu.memory_space<hbm>>
    tpu.wait_dma2 semaphore(%arg22 : memref<!tpu.dma_semaphore, #tpu.memory_space<semaphore_mem>>) src(%arg15 : memref<80x128xf32, #tpu.memory_space<vmem>>) dst(%dma_wait3A_1168 : memref<80x128xf32, #tpu.memory_space<hbm>>)
    "tpu.region"() ({
      %run_scoped3A = tpu.sem_alloc : memref<!tpu.dma_semaphore, #tpu.memory_space<semaphore_mem>>
      %dma_start3A_1909 = arith.constant 0 : i32
      %dma_start3A_1910 = tpu.memref_slice %arg14[%add3A_1160, %dma_start3A_1909] : memref<10240x128xf32, #tpu.memory_space<vmem_shared>> -> memref<80x128xf32, #tpu.memory_space<vmem_shared>>
      %dma_start3A_1911 = arith.constant 0 : i32
      %dma_start3A_1912 = tpu.memref_slice %arg14[%add3A_1160, %dma_start3A_1911] : memref<10240x128xf32, #tpu.memory_space<vmem_shared>> -> memref<80x128xf32, #tpu.memory_space<vmem_shared>>
      tpu.enqueue_dma source(%dma_start3A_1912 : memref<80x128xf32, #tpu.memory_space<vmem_shared>>) target(%arg15 : memref<80x128xf32, #tpu.memory_space<vmem>>) target_semaphore(%run_scoped3A : memref<!tpu.dma_semaphore, #tpu.memory_space<semaphore_mem>>)
      %dma_wait3A_1913 = arith.constant 0 : i32
      %dma_wait3A_1914 = tpu.memref_slice %arg14[%add3A_1160, %dma_wait3A_1913] : memref<10240x128xf32, #tpu.memory_space<vmem_shared>> -> memref<80x128xf32, #tpu.memory_space<vmem_shared>>
      %dma_wait3A_1915 = arith.constant 0 : i32
      %dma_wait3A_1916 = tpu.memref_slice %arg14[%add3A_1160, %dma_wait3A_1915] : memref<10240x128xf32, #tpu.memory_space<vmem_shared>> -> memref<80x128xf32, #tpu.memory_space<vmem_shared>>
      tpu.wait_dma2 semaphore(%run_scoped3A : memref<!tpu.dma_semaphore, #tpu.memory_space<semaphore_mem>>) src(%dma_wait3A_1916 : memref<80x128xf32, #tpu.memory_space<vmem_shared>>) dst(%arg15 : memref<80x128xf32, #tpu.memory_space<vmem>>)
      tpu.yield
    }) : () -> ()
    %dma_start3A_1169 = arith.constant 0 : i32
    %dma_start3A_1170 = tpu.memref_slice %arg10[%arg0, %add3A_1160, %dma_start3A_1169] : memref<2x10240x128xf32, #tpu.memory_space<hbm>> -> memref<1x80x128xf32, #tpu.memory_space<hbm>>
    %dma_start3A_1171 = tpu.memref_squeeze %dma_start3A_1170 : memref<1x80x128xf32, #tpu.memory_space<hbm>> -> memref<80x128xf32, #tpu.memory_space<hbm>>
    %dma_start3A_1172 = arith.constant 0 : i32
    %dma_start3A_1173 = tpu.memref_slice %arg10[%arg0, %add3A_1160, %dma_start3A_1172] : memref<2x10240x128xf32, #tpu.memory_space<hbm>> -> memref<1x80x128xf32, #tpu.memory_space<hbm>>
    %dma_start3A_1174 = tpu.memref_squeeze %dma_start3A_1173 : memref<1x80x128xf32, #tpu.memory_space<hbm>> -> memref<80x128xf32, #tpu.memory_space<hbm>>
    tpu.enqueue_dma source(%arg15 : memref<80x128xf32, #tpu.memory_space<vmem>>) target(%dma_start3A_1174 : memref<80x128xf32, #tpu.memory_space<hbm>>) target_semaphore(%arg22 : memref<!tpu.dma_semaphore, #tpu.memory_space<semaphore_mem>>)
    %add3A_1175 = arith.constant 240 : i32
    %add3A_1176 = arith.addi %mul3A_2, %add3A_1175 : i32
    %add3A_1177 = arith.constant 80 : i32
    %add3A_1178 = arith.addi %mul3A_2, %add3A_1177 : i32
    %dma_wait3A_1179 = arith.constant 0 : i32
    %dma_wait3A_1180 = tpu.memref_slice %arg10[%arg0, %add3A_1178, %dma_wait3A_1179] : memref<2x10240x128xf32, #tpu.memory_space<hbm>> -> memref<1x80x128xf32, #tpu.memory_space<hbm>>
    %dma_wait3A_1181 = tpu.memref_squeeze %dma_wait3A_1180 : memref<1x80x128xf32, #tpu.memory_space<hbm>> -> memref<80x128xf32, #tpu.memory_space<hbm>>
    %dma_wait3A_1182 = arith.constant 0 : i32
    %dma_wait3A_1183 = tpu.memref_slice %arg10[%arg0, %add3A_1178, %dma_wait3A_1182] : memref<2x10240x128xf32, #tpu.memory_space<hbm>> -> memref<1x80x128xf32, #tpu.memory_space<hbm>>
    %dma_wait3A_1184 = tpu.memref_squeeze %dma_wait3A_1183 : memref<1x80x128xf32, #tpu.memory_space<hbm>> -> memref<80x128xf32, #tpu.memory_space<hbm>>
    tpu.wait_dma2 semaphore(%arg23 : memref<!tpu.dma_semaphore, #tpu.memory_space<semaphore_mem>>) src(%arg16 : memref<80x128xf32, #tpu.memory_space<vmem>>) dst(%dma_wait3A_1184 : memref<80x128xf32, #tpu.memory_space<hbm>>)
    "tpu.region"() ({
      %run_scoped3A = tpu.sem_alloc : memref<!tpu.dma_semaphore, #tpu.memory_space<semaphore_mem>>
      %dma_start3A_1909 = arith.constant 0 : i32
      %dma_start3A_1910 = tpu.memref_slice %arg14[%add3A_1176, %dma_start3A_1909] : memref<10240x128xf32, #tpu.memory_space<vmem_shared>> -> memref<80x128xf32, #tpu.memory_space<vmem_shared>>
      %dma_start3A_1911 = arith.constant 0 : i32
      %dma_start3A_1912 = tpu.memref_slice %arg14[%add3A_1176, %dma_start3A_1911] : memref<10240x128xf32, #tpu.memory_space<vmem_shared>> -> memref<80x128xf32, #tpu.memory_space<vmem_shared>>
      tpu.enqueue_dma source(%dma_start3A_1912 : memref<80x128xf32, #tpu.memory_space<vmem_shared>>) target(%arg16 : memref<80x128xf32, #tpu.memory_space<vmem>>) target_semaphore(%run_scoped3A : memref<!tpu.dma_semaphore, #tpu.memory_space<semaphore_mem>>)
      %dma_wait3A_1913 = arith.constant 0 : i32
      %dma_wait3A_1914 = tpu.memref_slice %arg14[%add3A_1176, %dma_wait3A_1913] : memref<10240x128xf32, #tpu.memory_space<vmem_shared>> -> memref<80x128xf32, #tpu.memory_space<vmem_shared>>
      %dma_wait3A_1915 = arith.constant 0 : i32
      %dma_wait3A_1916 = tpu.memref_slice %arg14[%add3A_1176, %dma_wait3A_1915] : memref<10240x128xf32, #tpu.memory_space<vmem_shared>> -> memref<80x128xf32, #tpu.memory_space<vmem_shared>>
      tpu.wait_dma2 semaphore(%run_scoped3A : memref<!tpu.dma_semaphore, #tpu.memory_space<semaphore_mem>>) src(%dma_wait3A_1916 : memref<80x128xf32, #tpu.memory_space<vmem_shared>>) dst(%arg16 : memref<80x128xf32, #tpu.memory_space<vmem>>)
      tpu.yield
    }) : () -> ()
    %dma_start3A_1185 = arith.constant 0 : i32
    %dma_start3A_1186 = tpu.memref_slice %arg10[%arg0, %add3A_1176, %dma_start3A_1185] : memref<2x10240x128xf32, #tpu.memory_space<hbm>> -> memref<1x80x128xf32, #tpu.memory_space<hbm>>
    %dma_start3A_1187 = tpu.memref_squeeze %dma_start3A_1186 : memref<1x80x128xf32, #tpu.memory_space<hbm>> -> memref<80x128xf32, #tpu.memory_space<hbm>>
    %dma_start3A_1188 = arith.constant 0 : i32
    %dma_start3A_1189 = tpu.memref_slice %arg10[%arg0, %add3A_1176, %dma_start3A_1188] : memref<2x10240x128xf32, #tpu.memory_space<hbm>> -> memref<1x80x128xf32, #tpu.memory_space<hbm>>
    %dma_start3A_1190 = tpu.memref_squeeze %dma_start3A_1189 : memref<1x80x128xf32, #tpu.memory_space<hbm>> -> memref<80x128xf32, #tpu.memory_space<hbm>>
    tpu.enqueue_dma source(%arg16 : memref<80x128xf32, #tpu.memory_space<vmem>>) target(%dma_start3A_1190 : memref<80x128xf32, #tpu.memory_space<hbm>>) target_semaphore(%arg23 : memref<!tpu.dma_semaphore, #tpu.memory_space<semaphore_mem>>)
    %add3A_1191 = arith.constant 320 : i32
    %add3A_1192 = arith.addi %mul3A_2, %add3A_1191 : i32
    %add3A_1193 = arith.constant 160 : i32
    %add3A_1194 = arith.addi %mul3A_2, %add3A_1193 : i32
    %dma_wait3A_1195 = arith.constant 0 : i32
    %dma_wait3A_1196 = tpu.memref_slice %arg10[%arg0, %add3A_1194, %dma_wait3A_1195] : memref<2x10240x128xf32, #tpu.memory_space<hbm>> -> memref<1x80x128xf32, #tpu.memory_space<hbm>>
    %dma_wait3A_1197 = tpu.memref_squeeze %dma_wait3A_1196 : memref<1x80x128xf32, #tpu.memory_space<hbm>> -> memref<80x128xf32, #tpu.memory_space<hbm>>
    %dma_wait3A_1198 = arith.constant 0 : i32
    %dma_wait3A_1199 = tpu.memref_slice %arg10[%arg0, %add3A_1194, %dma_wait3A_1198] : memref<2x10240x128xf32, #tpu.memory_space<hbm>> -> memref<1x80x128xf32, #tpu.memory_space<hbm>>
    %dma_wait3A_1200 = tpu.memref_squeeze %dma_wait3A_1199 : memref<1x80x128xf32, #tpu.memory_space<hbm>> -> memref<80x128xf32, #tpu.memory_space<hbm>>
    tpu.wait_dma2 semaphore(%arg22 : memref<!tpu.dma_semaphore, #tpu.memory_space<semaphore_mem>>) src(%arg15 : memref<80x128xf32, #tpu.memory_space<vmem>>) dst(%dma_wait3A_1200 : memref<80x128xf32, #tpu.memory_space<hbm>>)
    "tpu.region"() ({
      %run_scoped3A = tpu.sem_alloc : memref<!tpu.dma_semaphore, #tpu.memory_space<semaphore_mem>>
      %dma_start3A_1909 = arith.constant 0 : i32
      %dma_start3A_1910 = tpu.memref_slice %arg14[%add3A_1192, %dma_start3A_1909] : memref<10240x128xf32, #tpu.memory_space<vmem_shared>> -> memref<80x128xf32, #tpu.memory_space<vmem_shared>>
      %dma_start3A_1911 = arith.constant 0 : i32
      %dma_start3A_1912 = tpu.memref_slice %arg14[%add3A_1192, %dma_start3A_1911] : memref<10240x128xf32, #tpu.memory_space<vmem_shared>> -> memref<80x128xf32, #tpu.memory_space<vmem_shared>>
      tpu.enqueue_dma source(%dma_start3A_1912 : memref<80x128xf32, #tpu.memory_space<vmem_shared>>) target(%arg15 : memref<80x128xf32, #tpu.memory_space<vmem>>) target_semaphore(%run_scoped3A : memref<!tpu.dma_semaphore, #tpu.memory_space<semaphore_mem>>)
      %dma_wait3A_1913 = arith.constant 0 : i32
      %dma_wait3A_1914 = tpu.memref_slice %arg14[%add3A_1192, %dma_wait3A_1913] : memref<10240x128xf32, #tpu.memory_space<vmem_shared>> -> memref<80x128xf32, #tpu.memory_space<vmem_shared>>
      %dma_wait3A_1915 = arith.constant 0 : i32
      %dma_wait3A_1916 = tpu.memref_slice %arg14[%add3A_1192, %dma_wait3A_1915] : memref<10240x128xf32, #tpu.memory_space<vmem_shared>> -> memref<80x128xf32, #tpu.memory_space<vmem_shared>>
      tpu.wait_dma2 semaphore(%run_scoped3A : memref<!tpu.dma_semaphore, #tpu.memory_space<semaphore_mem>>) src(%dma_wait3A_1916 : memref<80x128xf32, #tpu.memory_space<vmem_shared>>) dst(%arg15 : memref<80x128xf32, #tpu.memory_space<vmem>>)
      tpu.yield
    }) : () -> ()
    %dma_start3A_1201 = arith.constant 0 : i32
    %dma_start3A_1202 = tpu.memref_slice %arg10[%arg0, %add3A_1192, %dma_start3A_1201] : memref<2x10240x128xf32, #tpu.memory_space<hbm>> -> memref<1x80x128xf32, #tpu.memory_space<hbm>>
    %dma_start3A_1203 = tpu.memref_squeeze %dma_start3A_1202 : memref<1x80x128xf32, #tpu.memory_space<hbm>> -> memref<80x128xf32, #tpu.memory_space<hbm>>
    %dma_start3A_1204 = arith.constant 0 : i32
    %dma_start3A_1205 = tpu.memref_slice %arg10[%arg0, %add3A_1192, %dma_start3A_1204] : memref<2x10240x128xf32, #tpu.memory_space<hbm>> -> memref<1x80x128xf32, #tpu.memory_space<hbm>>
    %dma_start3A_1206 = tpu.memref_squeeze %dma_start3A_1205 : memref<1x80x128xf32, #tpu.memory_space<hbm>> -> memref<80x128xf32, #tpu.memory_space<hbm>>
    tpu.enqueue_dma source(%arg15 : memref<80x128xf32, #tpu.memory_space<vmem>>) target(%dma_start3A_1206 : memref<80x128xf32, #tpu.memory_space<hbm>>) target_semaphore(%arg22 : memref<!tpu.dma_semaphore, #tpu.memory_space<semaphore_mem>>)
    %add3A_1207 = arith.constant 400 : i32
    %add3A_1208 = arith.addi %mul3A_2, %add3A_1207 : i32
    %add3A_1209 = arith.constant 240 : i32
    %add3A_1210 = arith.addi %mul3A_2, %add3A_1209 : i32
    %dma_wait3A_1211 = arith.constant 0 : i32
    %dma_wait3A_1212 = tpu.memref_slice %arg10[%arg0, %add3A_1210, %dma_wait3A_1211] : memref<2x10240x128xf32, #tpu.memory_space<hbm>> -> memref<1x80x128xf32, #tpu.memory_space<hbm>>
    %dma_wait3A_1213 = tpu.memref_squeeze %dma_wait3A_1212 : memref<1x80x128xf32, #tpu.memory_space<hbm>> -> memref<80x128xf32, #tpu.memory_space<hbm>>
    %dma_wait3A_1214 = arith.constant 0 : i32
    %dma_wait3A_1215 = tpu.memref_slice %arg10[%arg0, %add3A_1210, %dma_wait3A_1214] : memref<2x10240x128xf32, #tpu.memory_space<hbm>> -> memref<1x80x128xf32, #tpu.memory_space<hbm>>
    %dma_wait3A_1216 = tpu.memref_squeeze %dma_wait3A_1215 : memref<1x80x128xf32, #tpu.memory_space<hbm>> -> memref<80x128xf32, #tpu.memory_space<hbm>>
    tpu.wait_dma2 semaphore(%arg23 : memref<!tpu.dma_semaphore, #tpu.memory_space<semaphore_mem>>) src(%arg16 : memref<80x128xf32, #tpu.memory_space<vmem>>) dst(%dma_wait3A_1216 : memref<80x128xf32, #tpu.memory_space<hbm>>)
    "tpu.region"() ({
      %run_scoped3A = tpu.sem_alloc : memref<!tpu.dma_semaphore, #tpu.memory_space<semaphore_mem>>
      %dma_start3A_1909 = arith.constant 0 : i32
      %dma_start3A_1910 = tpu.memref_slice %arg14[%add3A_1208, %dma_start3A_1909] : memref<10240x128xf32, #tpu.memory_space<vmem_shared>> -> memref<80x128xf32, #tpu.memory_space<vmem_shared>>
      %dma_start3A_1911 = arith.constant 0 : i32
      %dma_start3A_1912 = tpu.memref_slice %arg14[%add3A_1208, %dma_start3A_1911] : memref<10240x128xf32, #tpu.memory_space<vmem_shared>> -> memref<80x128xf32, #tpu.memory_space<vmem_shared>>
      tpu.enqueue_dma source(%dma_start3A_1912 : memref<80x128xf32, #tpu.memory_space<vmem_shared>>) target(%arg16 : memref<80x128xf32, #tpu.memory_space<vmem>>) target_semaphore(%run_scoped3A : memref<!tpu.dma_semaphore, #tpu.memory_space<semaphore_mem>>)
      %dma_wait3A_1913 = arith.constant 0 : i32
      %dma_wait3A_1914 = tpu.memref_slice %arg14[%add3A_1208, %dma_wait3A_1913] : memref<10240x128xf32, #tpu.memory_space<vmem_shared>> -> memref<80x128xf32, #tpu.memory_space<vmem_shared>>
      %dma_wait3A_1915 = arith.constant 0 : i32
      %dma_wait3A_1916 = tpu.memref_slice %arg14[%add3A_1208, %dma_wait3A_1915] : memref<10240x128xf32, #tpu.memory_space<vmem_shared>> -> memref<80x128xf32, #tpu.memory_space<vmem_shared>>
      tpu.wait_dma2 semaphore(%run_scoped3A : memref<!tpu.dma_semaphore, #tpu.memory_space<semaphore_mem>>) src(%dma_wait3A_1916 : memref<80x128xf32, #tpu.memory_space<vmem_shared>>) dst(%arg16 : memref<80x128xf32, #tpu.memory_space<vmem>>)
      tpu.yield
    }) : () -> ()
    %dma_start3A_1217 = arith.constant 0 : i32
    %dma_start3A_1218 = tpu.memref_slice %arg10[%arg0, %add3A_1208, %dma_start3A_1217] : memref<2x10240x128xf32, #tpu.memory_space<hbm>> -> memref<1x80x128xf32, #tpu.memory_space<hbm>>
    %dma_start3A_1219 = tpu.memref_squeeze %dma_start3A_1218 : memref<1x80x128xf32, #tpu.memory_space<hbm>> -> memref<80x128xf32, #tpu.memory_space<hbm>>
    %dma_start3A_1220 = arith.constant 0 : i32
    %dma_start3A_1221 = tpu.memref_slice %arg10[%arg0, %add3A_1208, %dma_start3A_1220] : memref<2x10240x128xf32, #tpu.memory_space<hbm>> -> memref<1x80x128xf32, #tpu.memory_space<hbm>>
    %dma_start3A_1222 = tpu.memref_squeeze %dma_start3A_1221 : memref<1x80x128xf32, #tpu.memory_space<hbm>> -> memref<80x128xf32, #tpu.memory_space<hbm>>
    tpu.enqueue_dma source(%arg16 : memref<80x128xf32, #tpu.memory_space<vmem>>) target(%dma_start3A_1222 : memref<80x128xf32, #tpu.memory_space<hbm>>) target_semaphore(%arg23 : memref<!tpu.dma_semaphore, #tpu.memory_space<semaphore_mem>>)
    %add3A_1223 = arith.constant 480 : i32
    %add3A_1224 = arith.addi %mul3A_2, %add3A_1223 : i32
    %add3A_1225 = arith.constant 320 : i32
    %add3A_1226 = arith.addi %mul3A_2, %add3A_1225 : i32
    %dma_wait3A_1227 = arith.constant 0 : i32
    %dma_wait3A_1228 = tpu.memref_slice %arg10[%arg0, %add3A_1226, %dma_wait3A_1227] : memref<2x10240x128xf32, #tpu.memory_space<hbm>> -> memref<1x80x128xf32, #tpu.memory_space<hbm>>
    %dma_wait3A_1229 = tpu.memref_squeeze %dma_wait3A_1228 : memref<1x80x128xf32, #tpu.memory_space<hbm>> -> memref<80x128xf32, #tpu.memory_space<hbm>>
    %dma_wait3A_1230 = arith.constant 0 : i32
    %dma_wait3A_1231 = tpu.memref_slice %arg10[%arg0, %add3A_1226, %dma_wait3A_1230] : memref<2x10240x128xf32, #tpu.memory_space<hbm>> -> memref<1x80x128xf32, #tpu.memory_space<hbm>>
    %dma_wait3A_1232 = tpu.memref_squeeze %dma_wait3A_1231 : memref<1x80x128xf32, #tpu.memory_space<hbm>> -> memref<80x128xf32, #tpu.memory_space<hbm>>
    tpu.wait_dma2 semaphore(%arg22 : memref<!tpu.dma_semaphore, #tpu.memory_space<semaphore_mem>>) src(%arg15 : memref<80x128xf32, #tpu.memory_space<vmem>>) dst(%dma_wait3A_1232 : memref<80x128xf32, #tpu.memory_space<hbm>>)
    "tpu.region"() ({
      %run_scoped3A = tpu.sem_alloc : memref<!tpu.dma_semaphore, #tpu.memory_space<semaphore_mem>>
      %dma_start3A_1909 = arith.constant 0 : i32
      %dma_start3A_1910 = tpu.memref_slice %arg14[%add3A_1224, %dma_start3A_1909] : memref<10240x128xf32, #tpu.memory_space<vmem_shared>> -> memref<80x128xf32, #tpu.memory_space<vmem_shared>>
      %dma_start3A_1911 = arith.constant 0 : i32
      %dma_start3A_1912 = tpu.memref_slice %arg14[%add3A_1224, %dma_start3A_1911] : memref<10240x128xf32, #tpu.memory_space<vmem_shared>> -> memref<80x128xf32, #tpu.memory_space<vmem_shared>>
      tpu.enqueue_dma source(%dma_start3A_1912 : memref<80x128xf32, #tpu.memory_space<vmem_shared>>) target(%arg15 : memref<80x128xf32, #tpu.memory_space<vmem>>) target_semaphore(%run_scoped3A : memref<!tpu.dma_semaphore, #tpu.memory_space<semaphore_mem>>)
      %dma_wait3A_1913 = arith.constant 0 : i32
      %dma_wait3A_1914 = tpu.memref_slice %arg14[%add3A_1224, %dma_wait3A_1913] : memref<10240x128xf32, #tpu.memory_space<vmem_shared>> -> memref<80x128xf32, #tpu.memory_space<vmem_shared>>
      %dma_wait3A_1915 = arith.constant 0 : i32
      %dma_wait3A_1916 = tpu.memref_slice %arg14[%add3A_1224, %dma_wait3A_1915] : memref<10240x128xf32, #tpu.memory_space<vmem_shared>> -> memref<80x128xf32, #tpu.memory_space<vmem_shared>>
      tpu.wait_dma2 semaphore(%run_scoped3A : memref<!tpu.dma_semaphore, #tpu.memory_space<semaphore_mem>>) src(%dma_wait3A_1916 : memref<80x128xf32, #tpu.memory_space<vmem_shared>>) dst(%arg15 : memref<80x128xf32, #tpu.memory_space<vmem>>)
      tpu.yield
    }) : () -> ()
    %dma_start3A_1233 = arith.constant 0 : i32
    %dma_start3A_1234 = tpu.memref_slice %arg10[%arg0, %add3A_1224, %dma_start3A_1233] : memref<2x10240x128xf32, #tpu.memory_space<hbm>> -> memref<1x80x128xf32, #tpu.memory_space<hbm>>
    %dma_start3A_1235 = tpu.memref_squeeze %dma_start3A_1234 : memref<1x80x128xf32, #tpu.memory_space<hbm>> -> memref<80x128xf32, #tpu.memory_space<hbm>>
    %dma_start3A_1236 = arith.constant 0 : i32
    %dma_start3A_1237 = tpu.memref_slice %arg10[%arg0, %add3A_1224, %dma_start3A_1236] : memref<2x10240x128xf32, #tpu.memory_space<hbm>> -> memref<1x80x128xf32, #tpu.memory_space<hbm>>
    %dma_start3A_1238 = tpu.memref_squeeze %dma_start3A_1237 : memref<1x80x128xf32, #tpu.memory_space<hbm>> -> memref<80x128xf32, #tpu.memory_space<hbm>>
    tpu.enqueue_dma source(%arg15 : memref<80x128xf32, #tpu.memory_space<vmem>>) target(%dma_start3A_1238 : memref<80x128xf32, #tpu.memory_space<hbm>>) target_semaphore(%arg22 : memref<!tpu.dma_semaphore, #tpu.memory_space<semaphore_mem>>)
    %add3A_1239 = arith.constant 560 : i32
    %add3A_1240 = arith.addi %mul3A_2, %add3A_1239 : i32
    %add3A_1241 = arith.constant 400 : i32
    %add3A_1242 = arith.addi %mul3A_2, %add3A_1241 : i32
    %dma_wait3A_1243 = arith.constant 0 : i32
    %dma_wait3A_1244 = tpu.memref_slice %arg10[%arg0, %add3A_1242, %dma_wait3A_1243] : memref<2x10240x128xf32, #tpu.memory_space<hbm>> -> memref<1x80x128xf32, #tpu.memory_space<hbm>>
    %dma_wait3A_1245 = tpu.memref_squeeze %dma_wait3A_1244 : memref<1x80x128xf32, #tpu.memory_space<hbm>> -> memref<80x128xf32, #tpu.memory_space<hbm>>
    %dma_wait3A_1246 = arith.constant 0 : i32
    %dma_wait3A_1247 = tpu.memref_slice %arg10[%arg0, %add3A_1242, %dma_wait3A_1246] : memref<2x10240x128xf32, #tpu.memory_space<hbm>> -> memref<1x80x128xf32, #tpu.memory_space<hbm>>
    %dma_wait3A_1248 = tpu.memref_squeeze %dma_wait3A_1247 : memref<1x80x128xf32, #tpu.memory_space<hbm>> -> memref<80x128xf32, #tpu.memory_space<hbm>>
    tpu.wait_dma2 semaphore(%arg23 : memref<!tpu.dma_semaphore, #tpu.memory_space<semaphore_mem>>) src(%arg16 : memref<80x128xf32, #tpu.memory_space<vmem>>) dst(%dma_wait3A_1248 : memref<80x128xf32, #tpu.memory_space<hbm>>)
    "tpu.region"() ({
      %run_scoped3A = tpu.sem_alloc : memref<!tpu.dma_semaphore, #tpu.memory_space<semaphore_mem>>
      %dma_start3A_1909 = arith.constant 0 : i32
      %dma_start3A_1910 = tpu.memref_slice %arg14[%add3A_1240, %dma_start3A_1909] : memref<10240x128xf32, #tpu.memory_space<vmem_shared>> -> memref<80x128xf32, #tpu.memory_space<vmem_shared>>
      %dma_start3A_1911 = arith.constant 0 : i32
      %dma_start3A_1912 = tpu.memref_slice %arg14[%add3A_1240, %dma_start3A_1911] : memref<10240x128xf32, #tpu.memory_space<vmem_shared>> -> memref<80x128xf32, #tpu.memory_space<vmem_shared>>
      tpu.enqueue_dma source(%dma_start3A_1912 : memref<80x128xf32, #tpu.memory_space<vmem_shared>>) target(%arg16 : memref<80x128xf32, #tpu.memory_space<vmem>>) target_semaphore(%run_scoped3A : memref<!tpu.dma_semaphore, #tpu.memory_space<semaphore_mem>>)
      %dma_wait3A_1913 = arith.constant 0 : i32
      %dma_wait3A_1914 = tpu.memref_slice %arg14[%add3A_1240, %dma_wait3A_1913] : memref<10240x128xf32, #tpu.memory_space<vmem_shared>> -> memref<80x128xf32, #tpu.memory_space<vmem_shared>>
      %dma_wait3A_1915 = arith.constant 0 : i32
      %dma_wait3A_1916 = tpu.memref_slice %arg14[%add3A_1240, %dma_wait3A_1915] : memref<10240x128xf32, #tpu.memory_space<vmem_shared>> -> memref<80x128xf32, #tpu.memory_space<vmem_shared>>
      tpu.wait_dma2 semaphore(%run_scoped3A : memref<!tpu.dma_semaphore, #tpu.memory_space<semaphore_mem>>) src(%dma_wait3A_1916 : memref<80x128xf32, #tpu.memory_space<vmem_shared>>) dst(%arg16 : memref<80x128xf32, #tpu.memory_space<vmem>>)
      tpu.yield
    }) : () -> ()
    %dma_start3A_1249 = arith.constant 0 : i32
    %dma_start3A_1250 = tpu.memref_slice %arg10[%arg0, %add3A_1240, %dma_start3A_1249] : memref<2x10240x128xf32, #tpu.memory_space<hbm>> -> memref<1x80x128xf32, #tpu.memory_space<hbm>>
    %dma_start3A_1251 = tpu.memref_squeeze %dma_start3A_1250 : memref<1x80x128xf32, #tpu.memory_space<hbm>> -> memref<80x128xf32, #tpu.memory_space<hbm>>
    %dma_start3A_1252 = arith.constant 0 : i32
    %dma_start3A_1253 = tpu.memref_slice %arg10[%arg0, %add3A_1240, %dma_start3A_1252] : memref<2x10240x128xf32, #tpu.memory_space<hbm>> -> memref<1x80x128xf32, #tpu.memory_space<hbm>>
    %dma_start3A_1254 = tpu.memref_squeeze %dma_start3A_1253 : memref<1x80x128xf32, #tpu.memory_space<hbm>> -> memref<80x128xf32, #tpu.memory_space<hbm>>
    tpu.enqueue_dma source(%arg16 : memref<80x128xf32, #tpu.memory_space<vmem>>) target(%dma_start3A_1254 : memref<80x128xf32, #tpu.memory_space<hbm>>) target_semaphore(%arg23 : memref<!tpu.dma_semaphore, #tpu.memory_space<semaphore_mem>>)
    %add3A_1255 = arith.constant 480 : i32
    %add3A_1256 = arith.addi %mul3A_2, %add3A_1255 : i32
    %dma_wait3A_1257 = arith.constant 0 : i32
    %dma_wait3A_1258 = tpu.memref_slice %arg10[%arg0, %add3A_1256, %dma_wait3A_1257] : memref<2x10240x128xf32, #tpu.memory_space<hbm>> -> memref<1x80x128xf32, #tpu.memory_space<hbm>>
    %dma_wait3A_1259 = tpu.memref_squeeze %dma_wait3A_1258 : memref<1x80x128xf32, #tpu.memory_space<hbm>> -> memref<80x128xf32, #tpu.memory_space<hbm>>
    %dma_wait3A_1260 = arith.constant 0 : i32
    %dma_wait3A_1261 = tpu.memref_slice %arg10[%arg0, %add3A_1256, %dma_wait3A_1260] : memref<2x10240x128xf32, #tpu.memory_space<hbm>> -> memref<1x80x128xf32, #tpu.memory_space<hbm>>
    %dma_wait3A_1262 = tpu.memref_squeeze %dma_wait3A_1261 : memref<1x80x128xf32, #tpu.memory_space<hbm>> -> memref<80x128xf32, #tpu.memory_space<hbm>>
    tpu.wait_dma2 semaphore(%arg22 : memref<!tpu.dma_semaphore, #tpu.memory_space<semaphore_mem>>) src(%arg15 : memref<80x128xf32, #tpu.memory_space<vmem>>) dst(%dma_wait3A_1262 : memref<80x128xf32, #tpu.memory_space<hbm>>)
    %add3A_1263 = arith.constant 560 : i32
    %add3A_1264 = arith.addi %mul3A_2, %add3A_1263 : i32
    %dma_wait3A_1265 = arith.constant 0 : i32
    %dma_wait3A_1266 = tpu.memref_slice %arg10[%arg0, %add3A_1264, %dma_wait3A_1265] : memref<2x10240x128xf32, #tpu.memory_space<hbm>> -> memref<1x80x128xf32, #tpu.memory_space<hbm>>
    %dma_wait3A_1267 = tpu.memref_squeeze %dma_wait3A_1266 : memref<1x80x128xf32, #tpu.memory_space<hbm>> -> memref<80x128xf32, #tpu.memory_space<hbm>>
    %dma_wait3A_1268 = arith.constant 0 : i32
    %dma_wait3A_1269 = tpu.memref_slice %arg10[%arg0, %add3A_1264, %dma_wait3A_1268] : memref<2x10240x128xf32, #tpu.memory_space<hbm>> -> memref<1x80x128xf32, #tpu.memory_space<hbm>>
    %dma_wait3A_1270 = tpu.memref_squeeze %dma_wait3A_1269 : memref<1x80x128xf32, #tpu.memory_space<hbm>> -> memref<80x128xf32, #tpu.memory_space<hbm>>
    tpu.wait_dma2 semaphore(%arg23 : memref<!tpu.dma_semaphore, #tpu.memory_space<semaphore_mem>>) src(%arg16 : memref<80x128xf32, #tpu.memory_space<vmem>>) dst(%dma_wait3A_1270 : memref<80x128xf32, #tpu.memory_space<hbm>>)
    "tpu.region"() ({
      %run_scoped3A = tpu.sem_alloc : memref<!tpu.dma_semaphore, #tpu.memory_space<semaphore_mem>>
      %dma_start3A_1909 = arith.constant 0 : i32
      %dma_start3A_1910 = arith.constant 0 : i32
      %dma_start3A_1911 = tpu.memref_slice %arg11[%add3A, %dma_start3A_1909, %dma_start3A_1910] : memref<32x80x128xf32, #tpu.memory_space<hbm>> -> memref<1x80x128xf32, #tpu.memory_space<hbm>>
      %dma_start3A_1912 = tpu.memref_squeeze %dma_start3A_1911 : memref<1x80x128xf32, #tpu.memory_space<hbm>> -> memref<80x128xf32, #tpu.memory_space<hbm>>
      %dma_start3A_1913 = arith.constant 0 : i32
      %dma_start3A_1914 = arith.constant 0 : i32
      %dma_start3A_1915 = tpu.memref_slice %arg11[%add3A, %dma_start3A_1913, %dma_start3A_1914] : memref<32x80x128xf32, #tpu.memory_space<hbm>> -> memref<1x80x128xf32, #tpu.memory_space<hbm>>
      %dma_start3A_1916 = tpu.memref_squeeze %dma_start3A_1915 : memref<1x80x128xf32, #tpu.memory_space<hbm>> -> memref<80x128xf32, #tpu.memory_space<hbm>>
      tpu.enqueue_dma source(%arg21 : memref<80x128xf32, #tpu.memory_space<vmem>>) target(%dma_start3A_1916 : memref<80x128xf32, #tpu.memory_space<hbm>>) target_semaphore(%run_scoped3A : memref<!tpu.dma_semaphore, #tpu.memory_space<semaphore_mem>>)
      %dma_wait3A_1917 = arith.constant 0 : i32
      %dma_wait3A_1918 = arith.constant 0 : i32
      %dma_wait3A_1919 = tpu.memref_slice %arg11[%add3A, %dma_wait3A_1917, %dma_wait3A_1918] : memref<32x80x128xf32, #tpu.memory_space<hbm>> -> memref<1x80x128xf32, #tpu.memory_space<hbm>>
      %dma_wait3A_1920 = tpu.memref_squeeze %dma_wait3A_1919 : memref<1x80x128xf32, #tpu.memory_space<hbm>> -> memref<80x128xf32, #tpu.memory_space<hbm>>
      %dma_wait3A_1921 = arith.constant 0 : i32
      %dma_wait3A_1922 = arith.constant 0 : i32
      %dma_wait3A_1923 = tpu.memref_slice %arg11[%add3A, %dma_wait3A_1921, %dma_wait3A_1922] : memref<32x80x128xf32, #tpu.memory_space<hbm>> -> memref<1x80x128xf32, #tpu.memory_space<hbm>>
      %dma_wait3A_1924 = tpu.memref_squeeze %dma_wait3A_1923 : memref<1x80x128xf32, #tpu.memory_space<hbm>> -> memref<80x128xf32, #tpu.memory_space<hbm>>
      tpu.wait_dma2 semaphore(%run_scoped3A : memref<!tpu.dma_semaphore, #tpu.memory_space<semaphore_mem>>) src(%arg21 : memref<80x128xf32, #tpu.memory_space<vmem>>) dst(%dma_wait3A_1924 : memref<80x128xf32, #tpu.memory_space<hbm>>)
      tpu.yield
    }) : () -> ()
    %scan3A_1271 = arith.constant 0 : i32
    %scan3A_1272 = arith.constant 0 : i32
    %scan3A_1273 = arith.constant 80 : i32
    %scan3A_1274 = arith.addi %scan3A_1272, %scan3A_1273 : i32
    %scan3A_1275 = arith.constant 1 : i32
    scf.for %scan3A_1909 = %scan3A_1272 to %scan3A_1274 step %scan3A_1275  : i32 {
      %broadcast_in_dim3A_1910 = arith.constant 0.000000e+00 : f32
      %broadcast_in_dim3A_1911 = vector.broadcast %broadcast_in_dim3A_1910 : f32 to vector<16xf32>
      %swap3A = arith.index_cast %scan3A_1909 : i32 to index
      %swap3A_1912 = arith.constant 0 : index
      %swap3A_1913 = tpu.vector_load %arg17[%swap3A, %swap3A_1912] {strides = array<i32>} : memref<80x128xf32, #tpu.memory_space<vmem>>, vector<16xf32>,
      tpu.vector_store %arg17[%swap3A, %swap3A_1912], %broadcast_in_dim3A_1911 {strides = array<i32>} : memref<80x128xf32, #tpu.memory_space<vmem>>, vector<16xf32>,
      %broadcast_in_dim3A_1914 = arith.constant 0.000000e+00 : f32
      %broadcast_in_dim3A_1915 = vector.broadcast %broadcast_in_dim3A_1914 : f32 to vector<16xf32>
      %swap3A_1916 = arith.index_cast %scan3A_1909 : i32 to index
      %swap3A_1917 = arith.constant 0 : index
      %swap3A_1918 = tpu.vector_load %arg21[%swap3A_1916, %swap3A_1917] {strides = array<i32>} : memref<80x128xf32, #tpu.memory_space<vmem>>, vector<16xf32>,
      tpu.vector_store %arg21[%swap3A_1916, %swap3A_1917], %broadcast_in_dim3A_1915 {strides = array<i32>} : memref<80x128xf32, #tpu.memory_space<vmem>>, vector<16xf32>,
      %broadcast_in_dim3A_1919 = arith.constant 0.000000e+00 : f32
      %broadcast_in_dim3A_1920 = vector.broadcast %broadcast_in_dim3A_1919 : f32 to vector<16xf32>
      %swap3A_1921 = arith.index_cast %scan3A_1909 : i32 to index
      %swap3A_1922 = arith.constant 16 : index
      %swap3A_1923 = tpu.vector_load %arg17[%swap3A_1921, %swap3A_1922] {strides = array<i32>} : memref<80x128xf32, #tpu.memory_space<vmem>>, vector<16xf32>,
      tpu.vector_store %arg17[%swap3A_1921, %swap3A_1922], %broadcast_in_dim3A_1920 {strides = array<i32>} : memref<80x128xf32, #tpu.memory_space<vmem>>, vector<16xf32>,
      %broadcast_in_dim3A_1924 = arith.constant 0.000000e+00 : f32
      %broadcast_in_dim3A_1925 = vector.broadcast %broadcast_in_dim3A_1924 : f32 to vector<16xf32>
      %swap3A_1926 = arith.index_cast %scan3A_1909 : i32 to index
      %swap3A_1927 = arith.constant 16 : index
      %swap3A_1928 = tpu.vector_load %arg21[%swap3A_1926, %swap3A_1927] {strides = array<i32>} : memref<80x128xf32, #tpu.memory_space<vmem>>, vector<16xf32>,
      tpu.vector_store %arg21[%swap3A_1926, %swap3A_1927], %broadcast_in_dim3A_1925 {strides = array<i32>} : memref<80x128xf32, #tpu.memory_space<vmem>>, vector<16xf32>,
      %broadcast_in_dim3A_1929 = arith.constant 0.000000e+00 : f32
      %broadcast_in_dim3A_1930 = vector.broadcast %broadcast_in_dim3A_1929 : f32 to vector<16xf32>
      %swap3A_1931 = arith.index_cast %scan3A_1909 : i32 to index
      %swap3A_1932 = arith.constant 32 : index
      %swap3A_1933 = tpu.vector_load %arg17[%swap3A_1931, %swap3A_1932] {strides = array<i32>} : memref<80x128xf32, #tpu.memory_space<vmem>>, vector<16xf32>,
      tpu.vector_store %arg17[%swap3A_1931, %swap3A_1932], %broadcast_in_dim3A_1930 {strides = array<i32>} : memref<80x128xf32, #tpu.memory_space<vmem>>, vector<16xf32>,
      %broadcast_in_dim3A_1934 = arith.constant 0.000000e+00 : f32
      %broadcast_in_dim3A_1935 = vector.broadcast %broadcast_in_dim3A_1934 : f32 to vector<16xf32>
      %swap3A_1936 = arith.index_cast %scan3A_1909 : i32 to index
      %swap3A_1937 = arith.constant 32 : index
      %swap3A_1938 = tpu.vector_load %arg21[%swap3A_1936, %swap3A_1937] {strides = array<i32>} : memref<80x128xf32, #tpu.memory_space<vmem>>, vector<16xf32>,
      tpu.vector_store %arg21[%swap3A_1936, %swap3A_1937], %broadcast_in_dim3A_1935 {strides = array<i32>} : memref<80x128xf32, #tpu.memory_space<vmem>>, vector<16xf32>,
      %broadcast_in_dim3A_1939 = arith.constant 0.000000e+00 : f32
      %broadcast_in_dim3A_1940 = vector.broadcast %broadcast_in_dim3A_1939 : f32 to vector<16xf32>
      %swap3A_1941 = arith.index_cast %scan3A_1909 : i32 to index
      %swap3A_1942 = arith.constant 48 : index
      %swap3A_1943 = tpu.vector_load %arg17[%swap3A_1941, %swap3A_1942] {strides = array<i32>} : memref<80x128xf32, #tpu.memory_space<vmem>>, vector<16xf32>,
      tpu.vector_store %arg17[%swap3A_1941, %swap3A_1942], %broadcast_in_dim3A_1940 {strides = array<i32>} : memref<80x128xf32, #tpu.memory_space<vmem>>, vector<16xf32>,
      %broadcast_in_dim3A_1944 = arith.constant 0.000000e+00 : f32
      %broadcast_in_dim3A_1945 = vector.broadcast %broadcast_in_dim3A_1944 : f32 to vector<16xf32>
      %swap3A_1946 = arith.index_cast %scan3A_1909 : i32 to index
      %swap3A_1947 = arith.constant 48 : index
      %swap3A_1948 = tpu.vector_load %arg21[%swap3A_1946, %swap3A_1947] {strides = array<i32>} : memref<80x128xf32, #tpu.memory_space<vmem>>, vector<16xf32>,
      tpu.vector_store %arg21[%swap3A_1946, %swap3A_1947], %broadcast_in_dim3A_1945 {strides = array<i32>} : memref<80x128xf32, #tpu.memory_space<vmem>>, vector<16xf32>,
      %broadcast_in_dim3A_1949 = arith.constant 0.000000e+00 : f32
      %broadcast_in_dim3A_1950 = vector.broadcast %broadcast_in_dim3A_1949 : f32 to vector<16xf32>
      %swap3A_1951 = arith.index_cast %scan3A_1909 : i32 to index
      %swap3A_1952 = arith.constant 64 : index
      %swap3A_1953 = tpu.vector_load %arg17[%swap3A_1951, %swap3A_1952] {strides = array<i32>} : memref<80x128xf32, #tpu.memory_space<vmem>>, vector<16xf32>,
      tpu.vector_store %arg17[%swap3A_1951, %swap3A_1952], %broadcast_in_dim3A_1950 {strides = array<i32>} : memref<80x128xf32, #tpu.memory_space<vmem>>, vector<16xf32>,
      %broadcast_in_dim3A_1954 = arith.constant 0.000000e+00 : f32
      %broadcast_in_dim3A_1955 = vector.broadcast %broadcast_in_dim3A_1954 : f32 to vector<16xf32>
      %swap3A_1956 = arith.index_cast %scan3A_1909 : i32 to index
      %swap3A_1957 = arith.constant 64 : index
      %swap3A_1958 = tpu.vector_load %arg21[%swap3A_1956, %swap3A_1957] {strides = array<i32>} : memref<80x128xf32, #tpu.memory_space<vmem>>, vector<16xf32>,
      tpu.vector_store %arg21[%swap3A_1956, %swap3A_1957], %broadcast_in_dim3A_1955 {strides = array<i32>} : memref<80x128xf32, #tpu.memory_space<vmem>>, vector<16xf32>,
      %broadcast_in_dim3A_1959 = arith.constant 0.000000e+00 : f32
      %broadcast_in_dim3A_1960 = vector.broadcast %broadcast_in_dim3A_1959 : f32 to vector<16xf32>
      %swap3A_1961 = arith.index_cast %scan3A_1909 : i32 to index
      %swap3A_1962 = arith.constant 80 : index
      %swap3A_1963 = tpu.vector_load %arg17[%swap3A_1961, %swap3A_1962] {strides = array<i32>} : memref<80x128xf32, #tpu.memory_space<vmem>>, vector<16xf32>,
      tpu.vector_store %arg17[%swap3A_1961, %swap3A_1962], %broadcast_in_dim3A_1960 {strides = array<i32>} : memref<80x128xf32, #tpu.memory_space<vmem>>, vector<16xf32>,
      %broadcast_in_dim3A_1964 = arith.constant 0.000000e+00 : f32
      %broadcast_in_dim3A_1965 = vector.broadcast %broadcast_in_dim3A_1964 : f32 to vector<16xf32>
      %swap3A_1966 = arith.index_cast %scan3A_1909 : i32 to index
      %swap3A_1967 = arith.constant 80 : index
      %swap3A_1968 = tpu.vector_load %arg21[%swap3A_1966, %swap3A_1967] {strides = array<i32>} : memref<80x128xf32, #tpu.memory_space<vmem>>, vector<16xf32>,
      tpu.vector_store %arg21[%swap3A_1966, %swap3A_1967], %broadcast_in_dim3A_1965 {strides = array<i32>} : memref<80x128xf32, #tpu.memory_space<vmem>>, vector<16xf32>,
      %broadcast_in_dim3A_1969 = arith.constant 0.000000e+00 : f32
      %broadcast_in_dim3A_1970 = vector.broadcast %broadcast_in_dim3A_1969 : f32 to vector<16xf32>
      %swap3A_1971 = arith.index_cast %scan3A_1909 : i32 to index
      %swap3A_1972 = arith.constant 96 : index
      %swap3A_1973 = tpu.vector_load %arg17[%swap3A_1971, %swap3A_1972] {strides = array<i32>} : memref<80x128xf32, #tpu.memory_space<vmem>>, vector<16xf32>,
      tpu.vector_store %arg17[%swap3A_1971, %swap3A_1972], %broadcast_in_dim3A_1970 {strides = array<i32>} : memref<80x128xf32, #tpu.memory_space<vmem>>, vector<16xf32>,
      %broadcast_in_dim3A_1974 = arith.constant 0.000000e+00 : f32
      %broadcast_in_dim3A_1975 = vector.broadcast %broadcast_in_dim3A_1974 : f32 to vector<16xf32>
      %swap3A_1976 = arith.index_cast %scan3A_1909 : i32 to index
      %swap3A_1977 = arith.constant 96 : index
      %swap3A_1978 = tpu.vector_load %arg21[%swap3A_1976, %swap3A_1977] {strides = array<i32>} : memref<80x128xf32, #tpu.memory_space<vmem>>, vector<16xf32>,
      tpu.vector_store %arg21[%swap3A_1976, %swap3A_1977], %broadcast_in_dim3A_1975 {strides = array<i32>} : memref<80x128xf32, #tpu.memory_space<vmem>>, vector<16xf32>,
      %broadcast_in_dim3A_1979 = arith.constant 0.000000e+00 : f32
      %broadcast_in_dim3A_1980 = vector.broadcast %broadcast_in_dim3A_1979 : f32 to vector<16xf32>
      %swap3A_1981 = arith.index_cast %scan3A_1909 : i32 to index
      %swap3A_1982 = arith.constant 112 : index
      %swap3A_1983 = tpu.vector_load %arg17[%swap3A_1981, %swap3A_1982] {strides = array<i32>} : memref<80x128xf32, #tpu.memory_space<vmem>>, vector<16xf32>,
      tpu.vector_store %arg17[%swap3A_1981, %swap3A_1982], %broadcast_in_dim3A_1980 {strides = array<i32>} : memref<80x128xf32, #tpu.memory_space<vmem>>, vector<16xf32>,
      %broadcast_in_dim3A_1984 = arith.constant 0.000000e+00 : f32
      %broadcast_in_dim3A_1985 = vector.broadcast %broadcast_in_dim3A_1984 : f32 to vector<16xf32>
      %swap3A_1986 = arith.index_cast %scan3A_1909 : i32 to index
      %swap3A_1987 = arith.constant 112 : index
      %swap3A_1988 = tpu.vector_load %arg21[%swap3A_1986, %swap3A_1987] {strides = array<i32>} : memref<80x128xf32, #tpu.memory_space<vmem>>, vector<16xf32>,
      tpu.vector_store %arg21[%swap3A_1986, %swap3A_1987], %broadcast_in_dim3A_1985 {strides = array<i32>} : memref<80x128xf32, #tpu.memory_space<vmem>>, vector<16xf32>,
    }
    %scan3A_1276 = arith.constant 80 : i32
    %add3A_1277 = arith.constant 0 : i32
    %add3A_1278 = arith.addi %mul3A_2, %add3A_1277 : i32
    %dma_start3A_1279 = arith.constant 0 : i32
    %dma_start3A_1280 = tpu.memref_slice %arg14[%add3A_1278, %dma_start3A_1279] : memref<10240x128xf32, #tpu.memory_space<vmem_shared>> -> memref<80x128xf32, #tpu.memory_space<vmem_shared>>
    %dma_start3A_1281 = arith.constant 0 : i32
    %dma_start3A_1282 = tpu.memref_slice %arg14[%add3A_1278, %dma_start3A_1281] : memref<10240x128xf32, #tpu.memory_space<vmem_shared>> -> memref<80x128xf32, #tpu.memory_space<vmem_shared>>
    tpu.enqueue_dma source(%arg17 : memref<80x128xf32, #tpu.memory_space<vmem>>) target(%dma_start3A_1282 : memref<80x128xf32, #tpu.memory_space<vmem_shared>>) target_semaphore(%arg28 : memref<!tpu.dma_semaphore, #tpu.memory_space<semaphore_mem>>)
    %add3A_1283 = arith.constant 80 : i32
    %add3A_1284 = arith.addi %mul3A_2, %add3A_1283 : i32
    %dma_start3A_1285 = arith.constant 0 : i32
    %dma_start3A_1286 = tpu.memref_slice %arg14[%add3A_1284, %dma_start3A_1285] : memref<10240x128xf32, #tpu.memory_space<vmem_shared>> -> memref<80x128xf32, #tpu.memory_space<vmem_shared>>
    %dma_start3A_1287 = arith.constant 0 : i32
    %dma_start3A_1288 = tpu.memref_slice %arg14[%add3A_1284, %dma_start3A_1287] : memref<10240x128xf32, #tpu.memory_space<vmem_shared>> -> memref<80x128xf32, #tpu.memory_space<vmem_shared>>
    tpu.enqueue_dma source(%arg17 : memref<80x128xf32, #tpu.memory_space<vmem>>) target(%dma_start3A_1288 : memref<80x128xf32, #tpu.memory_space<vmem_shared>>) target_semaphore(%arg29 : memref<!tpu.dma_semaphore, #tpu.memory_space<semaphore_mem>>)
    %add3A_1289 = arith.constant 160 : i32
    %add3A_1290 = arith.addi %mul3A_2, %add3A_1289 : i32
    %dma_start3A_1291 = arith.constant 0 : i32
    %dma_start3A_1292 = tpu.memref_slice %arg14[%add3A_1290, %dma_start3A_1291] : memref<10240x128xf32, #tpu.memory_space<vmem_shared>> -> memref<80x128xf32, #tpu.memory_space<vmem_shared>>
    %dma_start3A_1293 = arith.constant 0 : i32
    %dma_start3A_1294 = tpu.memref_slice %arg14[%add3A_1290, %dma_start3A_1293] : memref<10240x128xf32, #tpu.memory_space<vmem_shared>> -> memref<80x128xf32, #tpu.memory_space<vmem_shared>>
    tpu.enqueue_dma source(%arg17 : memref<80x128xf32, #tpu.memory_space<vmem>>) target(%dma_start3A_1294 : memref<80x128xf32, #tpu.memory_space<vmem_shared>>) target_semaphore(%arg28 : memref<!tpu.dma_semaphore, #tpu.memory_space<semaphore_mem>>)
    %add3A_1295 = arith.constant 240 : i32
    %add3A_1296 = arith.addi %mul3A_2, %add3A_1295 : i32
    %dma_start3A_1297 = arith.constant 0 : i32
    %dma_start3A_1298 = tpu.memref_slice %arg14[%add3A_1296, %dma_start3A_1297] : memref<10240x128xf32, #tpu.memory_space<vmem_shared>> -> memref<80x128xf32, #tpu.memory_space<vmem_shared>>
    %dma_start3A_1299 = arith.constant 0 : i32
    %dma_start3A_1300 = tpu.memref_slice %arg14[%add3A_1296, %dma_start3A_1299] : memref<10240x128xf32, #tpu.memory_space<vmem_shared>> -> memref<80x128xf32, #tpu.memory_space<vmem_shared>>
    tpu.enqueue_dma source(%arg17 : memref<80x128xf32, #tpu.memory_space<vmem>>) target(%dma_start3A_1300 : memref<80x128xf32, #tpu.memory_space<vmem_shared>>) target_semaphore(%arg29 : memref<!tpu.dma_semaphore, #tpu.memory_space<semaphore_mem>>)
    %add3A_1301 = arith.constant 320 : i32
    %add3A_1302 = arith.addi %mul3A_2, %add3A_1301 : i32
    %dma_start3A_1303 = arith.constant 0 : i32
    %dma_start3A_1304 = tpu.memref_slice %arg14[%add3A_1302, %dma_start3A_1303] : memref<10240x128xf32, #tpu.memory_space<vmem_shared>> -> memref<80x128xf32, #tpu.memory_space<vmem_shared>>
    %dma_start3A_1305 = arith.constant 0 : i32
    %dma_start3A_1306 = tpu.memref_slice %arg14[%add3A_1302, %dma_start3A_1305] : memref<10240x128xf32, #tpu.memory_space<vmem_shared>> -> memref<80x128xf32, #tpu.memory_space<vmem_shared>>
    tpu.enqueue_dma source(%arg17 : memref<80x128xf32, #tpu.memory_space<vmem>>) target(%dma_start3A_1306 : memref<80x128xf32, #tpu.memory_space<vmem_shared>>) target_semaphore(%arg28 : memref<!tpu.dma_semaphore, #tpu.memory_space<semaphore_mem>>)
    %add3A_1307 = arith.constant 400 : i32
    %add3A_1308 = arith.addi %mul3A_2, %add3A_1307 : i32
    %dma_start3A_1309 = arith.constant 0 : i32
    %dma_start3A_1310 = tpu.memref_slice %arg14[%add3A_1308, %dma_start3A_1309] : memref<10240x128xf32, #tpu.memory_space<vmem_shared>> -> memref<80x128xf32, #tpu.memory_space<vmem_shared>>
    %dma_start3A_1311 = arith.constant 0 : i32
    %dma_start3A_1312 = tpu.memref_slice %arg14[%add3A_1308, %dma_start3A_1311] : memref<10240x128xf32, #tpu.memory_space<vmem_shared>> -> memref<80x128xf32, #tpu.memory_space<vmem_shared>>
    tpu.enqueue_dma source(%arg17 : memref<80x128xf32, #tpu.memory_space<vmem>>) target(%dma_start3A_1312 : memref<80x128xf32, #tpu.memory_space<vmem_shared>>) target_semaphore(%arg29 : memref<!tpu.dma_semaphore, #tpu.memory_space<semaphore_mem>>)
    %add3A_1313 = arith.constant 480 : i32
    %add3A_1314 = arith.addi %mul3A_2, %add3A_1313 : i32
    %dma_start3A_1315 = arith.constant 0 : i32
    %dma_start3A_1316 = tpu.memref_slice %arg14[%add3A_1314, %dma_start3A_1315] : memref<10240x128xf32, #tpu.memory_space<vmem_shared>> -> memref<80x128xf32, #tpu.memory_space<vmem_shared>>
    %dma_start3A_1317 = arith.constant 0 : i32
    %dma_start3A_1318 = tpu.memref_slice %arg14[%add3A_1314, %dma_start3A_1317] : memref<10240x128xf32, #tpu.memory_space<vmem_shared>> -> memref<80x128xf32, #tpu.memory_space<vmem_shared>>
    tpu.enqueue_dma source(%arg17 : memref<80x128xf32, #tpu.memory_space<vmem>>) target(%dma_start3A_1318 : memref<80x128xf32, #tpu.memory_space<vmem_shared>>) target_semaphore(%arg28 : memref<!tpu.dma_semaphore, #tpu.memory_space<semaphore_mem>>)
    %add3A_1319 = arith.constant 560 : i32
    %add3A_1320 = arith.addi %mul3A_2, %add3A_1319 : i32
    %dma_start3A_1321 = arith.constant 0 : i32
    %dma_start3A_1322 = tpu.memref_slice %arg14[%add3A_1320, %dma_start3A_1321] : memref<10240x128xf32, #tpu.memory_space<vmem_shared>> -> memref<80x128xf32, #tpu.memory_space<vmem_shared>>
    %dma_start3A_1323 = arith.constant 0 : i32
    %dma_start3A_1324 = tpu.memref_slice %arg14[%add3A_1320, %dma_start3A_1323] : memref<10240x128xf32, #tpu.memory_space<vmem_shared>> -> memref<80x128xf32, #tpu.memory_space<vmem_shared>>
    tpu.enqueue_dma source(%arg17 : memref<80x128xf32, #tpu.memory_space<vmem>>) target(%dma_start3A_1324 : memref<80x128xf32, #tpu.memory_space<vmem_shared>>) target_semaphore(%arg29 : memref<!tpu.dma_semaphore, #tpu.memory_space<semaphore_mem>>)
    %add3A_1325 = arith.constant 0 : i32
    %add3A_1326 = arith.addi %mul3A_2, %add3A_1325 : i32
    %dma_wait3A_1327 = arith.constant 0 : i32
    %dma_wait3A_1328 = tpu.memref_slice %arg14[%add3A_1326, %dma_wait3A_1327] : memref<10240x128xf32, #tpu.memory_space<vmem_shared>> -> memref<80x128xf32, #tpu.memory_space<vmem_shared>>
    %dma_wait3A_1329 = arith.constant 0 : i32
    %dma_wait3A_1330 = tpu.memref_slice %arg14[%add3A_1326, %dma_wait3A_1329] : memref<10240x128xf32, #tpu.memory_space<vmem_shared>> -> memref<80x128xf32, #tpu.memory_space<vmem_shared>>
    tpu.wait_dma2 semaphore(%arg28 : memref<!tpu.dma_semaphore, #tpu.memory_space<semaphore_mem>>) src(%arg17 : memref<80x128xf32, #tpu.memory_space<vmem>>) dst(%dma_wait3A_1330 : memref<80x128xf32, #tpu.memory_space<vmem_shared>>)
    %add3A_1331 = arith.constant 80 : i32
    %add3A_1332 = arith.addi %mul3A_2, %add3A_1331 : i32
    %dma_wait3A_1333 = arith.constant 0 : i32
    %dma_wait3A_1334 = tpu.memref_slice %arg14[%add3A_1332, %dma_wait3A_1333] : memref<10240x128xf32, #tpu.memory_space<vmem_shared>> -> memref<80x128xf32, #tpu.memory_space<vmem_shared>>
    %dma_wait3A_1335 = arith.constant 0 : i32
    %dma_wait3A_1336 = tpu.memref_slice %arg14[%add3A_1332, %dma_wait3A_1335] : memref<10240x128xf32, #tpu.memory_space<vmem_shared>> -> memref<80x128xf32, #tpu.memory_space<vmem_shared>>
    tpu.wait_dma2 semaphore(%arg29 : memref<!tpu.dma_semaphore, #tpu.memory_space<semaphore_mem>>) src(%arg17 : memref<80x128xf32, #tpu.memory_space<vmem>>) dst(%dma_wait3A_1336 : memref<80x128xf32, #tpu.memory_space<vmem_shared>>)
    %add3A_1337 = arith.constant 160 : i32
    %add3A_1338 = arith.addi %mul3A_2, %add3A_1337 : i32
    %dma_wait3A_1339 = arith.constant 0 : i32
    %dma_wait3A_1340 = tpu.memref_slice %arg14[%add3A_1338, %dma_wait3A_1339] : memref<10240x128xf32, #tpu.memory_space<vmem_shared>> -> memref<80x128xf32, #tpu.memory_space<vmem_shared>>
    %dma_wait3A_1341 = arith.constant 0 : i32
    %dma_wait3A_1342 = tpu.memref_slice %arg14[%add3A_1338, %dma_wait3A_1341] : memref<10240x128xf32, #tpu.memory_space<vmem_shared>> -> memref<80x128xf32, #tpu.memory_space<vmem_shared>>
    tpu.wait_dma2 semaphore(%arg28 : memref<!tpu.dma_semaphore, #tpu.memory_space<semaphore_mem>>) src(%arg17 : memref<80x128xf32, #tpu.memory_space<vmem>>) dst(%dma_wait3A_1342 : memref<80x128xf32, #tpu.memory_space<vmem_shared>>)
    %add3A_1343 = arith.constant 240 : i32
    %add3A_1344 = arith.addi %mul3A_2, %add3A_1343 : i32
    %dma_wait3A_1345 = arith.constant 0 : i32
    %dma_wait3A_1346 = tpu.memref_slice %arg14[%add3A_1344, %dma_wait3A_1345] : memref<10240x128xf32, #tpu.memory_space<vmem_shared>> -> memref<80x128xf32, #tpu.memory_space<vmem_shared>>
    %dma_wait3A_1347 = arith.constant 0 : i32
    %dma_wait3A_1348 = tpu.memref_slice %arg14[%add3A_1344, %dma_wait3A_1347] : memref<10240x128xf32, #tpu.memory_space<vmem_shared>> -> memref<80x128xf32, #tpu.memory_space<vmem_shared>>
    tpu.wait_dma2 semaphore(%arg29 : memref<!tpu.dma_semaphore, #tpu.memory_space<semaphore_mem>>) src(%arg17 : memref<80x128xf32, #tpu.memory_space<vmem>>) dst(%dma_wait3A_1348 : memref<80x128xf32, #tpu.memory_space<vmem_shared>>)
    %add3A_1349 = arith.constant 320 : i32
    %add3A_1350 = arith.addi %mul3A_2, %add3A_1349 : i32
    %dma_wait3A_1351 = arith.constant 0 : i32
    %dma_wait3A_1352 = tpu.memref_slice %arg14[%add3A_1350, %dma_wait3A_1351] : memref<10240x128xf32, #tpu.memory_space<vmem_shared>> -> memref<80x128xf32, #tpu.memory_space<vmem_shared>>
    %dma_wait3A_1353 = arith.constant 0 : i32
    %dma_wait3A_1354 = tpu.memref_slice %arg14[%add3A_1350, %dma_wait3A_1353] : memref<10240x128xf32, #tpu.memory_space<vmem_shared>> -> memref<80x128xf32, #tpu.memory_space<vmem_shared>>
    tpu.wait_dma2 semaphore(%arg28 : memref<!tpu.dma_semaphore, #tpu.memory_space<semaphore_mem>>) src(%arg17 : memref<80x128xf32, #tpu.memory_space<vmem>>) dst(%dma_wait3A_1354 : memref<80x128xf32, #tpu.memory_space<vmem_shared>>)
    %add3A_1355 = arith.constant 400 : i32
    %add3A_1356 = arith.addi %mul3A_2, %add3A_1355 : i32
    %dma_wait3A_1357 = arith.constant 0 : i32
    %dma_wait3A_1358 = tpu.memref_slice %arg14[%add3A_1356, %dma_wait3A_1357] : memref<10240x128xf32, #tpu.memory_space<vmem_shared>> -> memref<80x128xf32, #tpu.memory_space<vmem_shared>>
    %dma_wait3A_1359 = arith.constant 0 : i32
    %dma_wait3A_1360 = tpu.memref_slice %arg14[%add3A_1356, %dma_wait3A_1359] : memref<10240x128xf32, #tpu.memory_space<vmem_shared>> -> memref<80x128xf32, #tpu.memory_space<vmem_shared>>
    tpu.wait_dma2 semaphore(%arg29 : memref<!tpu.dma_semaphore, #tpu.memory_space<semaphore_mem>>) src(%arg17 : memref<80x128xf32, #tpu.memory_space<vmem>>) dst(%dma_wait3A_1360 : memref<80x128xf32, #tpu.memory_space<vmem_shared>>)
    %add3A_1361 = arith.constant 480 : i32
    %add3A_1362 = arith.addi %mul3A_2, %add3A_1361 : i32
    %dma_wait3A_1363 = arith.constant 0 : i32
    %dma_wait3A_1364 = tpu.memref_slice %arg14[%add3A_1362, %dma_wait3A_1363] : memref<10240x128xf32, #tpu.memory_space<vmem_shared>> -> memref<80x128xf32, #tpu.memory_space<vmem_shared>>
    %dma_wait3A_1365 = arith.constant 0 : i32
    %dma_wait3A_1366 = tpu.memref_slice %arg14[%add3A_1362, %dma_wait3A_1365] : memref<10240x128xf32, #tpu.memory_space<vmem_shared>> -> memref<80x128xf32, #tpu.memory_space<vmem_shared>>
    tpu.wait_dma2 semaphore(%arg28 : memref<!tpu.dma_semaphore, #tpu.memory_space<semaphore_mem>>) src(%arg17 : memref<80x128xf32, #tpu.memory_space<vmem>>) dst(%dma_wait3A_1366 : memref<80x128xf32, #tpu.memory_space<vmem_shared>>)
    %add3A_1367 = arith.constant 560 : i32
    %add3A_1368 = arith.addi %mul3A_2, %add3A_1367 : i32
    %dma_wait3A_1369 = arith.constant 0 : i32
    %dma_wait3A_1370 = tpu.memref_slice %arg14[%add3A_1368, %dma_wait3A_1369] : memref<10240x128xf32, #tpu.memory_space<vmem_shared>> -> memref<80x128xf32, #tpu.memory_space<vmem_shared>>
    %dma_wait3A_1371 = arith.constant 0 : i32
    %dma_wait3A_1372 = tpu.memref_slice %arg14[%add3A_1368, %dma_wait3A_1371] : memref<10240x128xf32, #tpu.memory_space<vmem_shared>> -> memref<80x128xf32, #tpu.memory_space<vmem_shared>>
    tpu.wait_dma2 semaphore(%arg29 : memref<!tpu.dma_semaphore, #tpu.memory_space<semaphore_mem>>) src(%arg17 : memref<80x128xf32, #tpu.memory_space<vmem>>) dst(%dma_wait3A_1372 : memref<80x128xf32, #tpu.memory_space<vmem_shared>>)
    %barrier3A_1373 = arith.constant 0 : index
    tpu.barrier barrier_id(%barrier3A_1373)
    %add3A_1374 = arith.constant 0 : i32
    %add3A_1375 = arith.addi %add3A, %add3A_1374 : i32
    %mul3A_1376 = arith.constant 80 : i32
    %mul3A_1377 = arith.muli %add3A_1375, %mul3A_1376 : i32
    %dma_start3A_1378 = arith.constant 0 : i32
    %dma_start3A_1379 = tpu.memref_slice %arg6[%mul3A_1377, %dma_start3A_1378] : memref<320000x128xf32, #tpu.memory_space<hbm>> -> memref<80x128xf32, #tpu.memory_space<hbm>>
    %dma_start3A_1380 = arith.constant 0 : i32
    %dma_start3A_1381 = tpu.memref_slice %arg6[%mul3A_1377, %dma_start3A_1380] : memref<320000x128xf32, #tpu.memory_space<hbm>> -> memref<80x128xf32, #tpu.memory_space<hbm>>
    tpu.enqueue_dma source(%dma_start3A_1381 : memref<80x128xf32, #tpu.memory_space<hbm>>) target(%arg15 : memref<80x128xf32, #tpu.memory_space<vmem>>) target_semaphore(%arg22 : memref<!tpu.dma_semaphore, #tpu.memory_space<semaphore_mem>>)
    %mul3A_1382 = arith.constant 80 : i32
    %mul3A_1383 = arith.muli %add3A_1375, %mul3A_1382 : i32
    %dma_start3A_1384 = tpu.memref_slice %arg7[%mul3A_1383] : memref<320000xi32, #tpu.memory_space<hbm>> -> memref<80xi32, #tpu.memory_space<hbm>>
    %dma_start3A_1385 = tpu.memref_slice %arg7[%mul3A_1383] : memref<320000xi32, #tpu.memory_space<hbm>> -> memref<80xi32, #tpu.memory_space<hbm>>
    tpu.enqueue_dma source(%dma_start3A_1385 : memref<80xi32, #tpu.memory_space<hbm>>) target(%arg18 : memref<80xi32, #tpu.memory_space<vmem>>) target_semaphore(%arg25 : memref<!tpu.dma_semaphore, #tpu.memory_space<semaphore_mem>>)
    %add3A_1386 = arith.constant 32 : i32
    %add3A_1387 = arith.addi %add3A, %add3A_1386 : i32
    %mul3A_1388 = arith.constant 80 : i32
    %mul3A_1389 = arith.muli %add3A_1387, %mul3A_1388 : i32
    %dma_start3A_1390 = arith.constant 0 : i32
    %dma_start3A_1391 = tpu.memref_slice %arg6[%mul3A_1389, %dma_start3A_1390] : memref<320000x128xf32, #tpu.memory_space<hbm>> -> memref<80x128xf32, #tpu.memory_space<hbm>>
    %dma_start3A_1392 = arith.constant 0 : i32
    %dma_start3A_1393 = tpu.memref_slice %arg6[%mul3A_1389, %dma_start3A_1392] : memref<320000x128xf32, #tpu.memory_space<hbm>> -> memref<80x128xf32, #tpu.memory_space<hbm>>
    tpu.enqueue_dma source(%dma_start3A_1393 : memref<80x128xf32, #tpu.memory_space<hbm>>) target(%arg16 : memref<80x128xf32, #tpu.memory_space<vmem>>) target_semaphore(%arg23 : memref<!tpu.dma_semaphore, #tpu.memory_space<semaphore_mem>>)
    %mul3A_1394 = arith.constant 80 : i32
    %mul3A_1395 = arith.muli %add3A_1387, %mul3A_1394 : i32
    %dma_start3A_1396 = tpu.memref_slice %arg7[%mul3A_1395] : memref<320000xi32, #tpu.memory_space<hbm>> -> memref<80xi32, #tpu.memory_space<hbm>>
    %dma_start3A_1397 = tpu.memref_slice %arg7[%mul3A_1395] : memref<320000xi32, #tpu.memory_space<hbm>> -> memref<80xi32, #tpu.memory_space<hbm>>
    tpu.enqueue_dma source(%dma_start3A_1397 : memref<80xi32, #tpu.memory_space<hbm>>) target(%arg19 : memref<80xi32, #tpu.memory_space<vmem>>) target_semaphore(%arg26 : memref<!tpu.dma_semaphore, #tpu.memory_space<semaphore_mem>>)
    %add3A_1398 = arith.constant 0 : i32
    %add3A_1399 = arith.addi %add3A, %add3A_1398 : i32
    %mul3A_1400 = arith.constant 80 : i32
    %mul3A_1401 = arith.muli %add3A_1399, %mul3A_1400 : i32
    %dma_wait3A_1402 = arith.constant 0 : i32
    %dma_wait3A_1403 = tpu.memref_slice %arg6[%mul3A_1401, %dma_wait3A_1402] : memref<320000x128xf32, #tpu.memory_space<hbm>> -> memref<80x128xf32, #tpu.memory_space<hbm>>
    %dma_wait3A_1404 = arith.constant 0 : i32
    %dma_wait3A_1405 = tpu.memref_slice %arg6[%mul3A_1401, %dma_wait3A_1404] : memref<320000x128xf32, #tpu.memory_space<hbm>> -> memref<80x128xf32, #tpu.memory_space<hbm>>
    tpu.wait_dma2 semaphore(%arg22 : memref<!tpu.dma_semaphore, #tpu.memory_space<semaphore_mem>>) src(%dma_wait3A_1405 : memref<80x128xf32, #tpu.memory_space<hbm>>) dst(%arg15 : memref<80x128xf32, #tpu.memory_space<vmem>>)
    %mul3A_1406 = arith.constant 80 : i32
    %mul3A_1407 = arith.muli %add3A_1399, %mul3A_1406 : i32
    %dma_wait3A_1408 = tpu.memref_slice %arg7[%mul3A_1407] : memref<320000xi32, #tpu.memory_space<hbm>> -> memref<80xi32, #tpu.memory_space<hbm>>
    %dma_wait3A_1409 = tpu.memref_slice %arg7[%mul3A_1407] : memref<320000xi32, #tpu.memory_space<hbm>> -> memref<80xi32, #tpu.memory_space<hbm>>
    tpu.wait_dma2 semaphore(%arg25 : memref<!tpu.dma_semaphore, #tpu.memory_space<semaphore_mem>>) src(%dma_wait3A_1409 : memref<80xi32, #tpu.memory_space<hbm>>) dst(%arg18 : memref<80xi32, #tpu.memory_space<vmem>>)
    %dma_start3A_1410 = arith.constant 0 : i32
    %dma_start3A_1411 = arith.constant 0 : i32
    %dma_start3A_1412 = tpu.memref_slice %arg14[%dma_start3A_1410, %dma_start3A_1411] : memref<10240x128xf32, #tpu.memory_space<vmem_shared>> -> memref<10240x128xf32, #tpu.memory_space<vmem_shared>>
    tpu.enqueue_indirect_dma source(%arg15 : memref<80x128xf32, #tpu.memory_space<vmem>>) target(%dma_start3A_1412 : memref<10240x128xf32, #tpu.memory_space<vmem_shared>>) offsets(%arg18 : memref<80xi32, #tpu.memory_space<vmem>>) semaphore(%arg28 : memref<!tpu.dma_semaphore, #tpu.memory_space<semaphore_mem>>) {add = true}
    %get3A_1413 = arith.constant 0 : index
    %get3A_1414 = tpu.vector_load %arg18[%get3A_1413] {strides = array<i32>} : memref<80xi32, #tpu.memory_space<vmem>>, vector<16xi32>,
    %shift_right_logical3A_1415 = arith.constant 7 : i32
    %shift_right_logical3A_1416 = vector.broadcast %shift_right_logical3A_1415 : i32 to vector<16xi32>
    %shift_right_logical3A_1417 = arith.shrui %get3A_1414, %shift_right_logical3A_1416 : vector<16xi32>
    %and3A_1418 = arith.constant 127 : i32
    %and3A_1419 = vector.broadcast %and3A_1418 : i32 to vector<16xi32>
    %and3A_1420 = arith.andi %get3A_1414, %and3A_1419 : vector<16xi32>
    %broadcast_in_dim3A_1421 = arith.constant 1.000000e+00 : f32
    %broadcast_in_dim3A_1422 = vector.broadcast %broadcast_in_dim3A_1421 : f32 to vector<16xf32>
    tpu.vector_store_idx %arg21[%shift_right_logical3A_1417, %and3A_1420], %broadcast_in_dim3A_1422 {add = true} : memref<80x128xf32, #tpu.memory_space<vmem>>[vector<16xi32>, vector<16xi32>], vector<16xf32>,
    %get3A_1423 = arith.constant 16 : index
    %get3A_1424 = tpu.vector_load %arg18[%get3A_1423] {strides = array<i32>} : memref<80xi32, #tpu.memory_space<vmem>>, vector<16xi32>,
    %shift_right_logical3A_1425 = arith.constant 7 : i32
    %shift_right_logical3A_1426 = vector.broadcast %shift_right_logical3A_1425 : i32 to vector<16xi32>
    %shift_right_logical3A_1427 = arith.shrui %get3A_1424, %shift_right_logical3A_1426 : vector<16xi32>
    %and3A_1428 = arith.constant 127 : i32
    %and3A_1429 = vector.broadcast %and3A_1428 : i32 to vector<16xi32>
    %and3A_1430 = arith.andi %get3A_1424, %and3A_1429 : vector<16xi32>
    %broadcast_in_dim3A_1431 = arith.constant 1.000000e+00 : f32
    %broadcast_in_dim3A_1432 = vector.broadcast %broadcast_in_dim3A_1431 : f32 to vector<16xf32>
    tpu.vector_store_idx %arg21[%shift_right_logical3A_1427, %and3A_1430], %broadcast_in_dim3A_1432 {add = true} : memref<80x128xf32, #tpu.memory_space<vmem>>[vector<16xi32>, vector<16xi32>], vector<16xf32>,
    %get3A_1433 = arith.constant 32 : index
    %get3A_1434 = tpu.vector_load %arg18[%get3A_1433] {strides = array<i32>} : memref<80xi32, #tpu.memory_space<vmem>>, vector<16xi32>,
    %shift_right_logical3A_1435 = arith.constant 7 : i32
    %shift_right_logical3A_1436 = vector.broadcast %shift_right_logical3A_1435 : i32 to vector<16xi32>
    %shift_right_logical3A_1437 = arith.shrui %get3A_1434, %shift_right_logical3A_1436 : vector<16xi32>
    %and3A_1438 = arith.constant 127 : i32
    %and3A_1439 = vector.broadcast %and3A_1438 : i32 to vector<16xi32>
    %and3A_1440 = arith.andi %get3A_1434, %and3A_1439 : vector<16xi32>
    %broadcast_in_dim3A_1441 = arith.constant 1.000000e+00 : f32
    %broadcast_in_dim3A_1442 = vector.broadcast %broadcast_in_dim3A_1441 : f32 to vector<16xf32>
    tpu.vector_store_idx %arg21[%shift_right_logical3A_1437, %and3A_1440], %broadcast_in_dim3A_1442 {add = true} : memref<80x128xf32, #tpu.memory_space<vmem>>[vector<16xi32>, vector<16xi32>], vector<16xf32>,
    %get3A_1443 = arith.constant 48 : index
    %get3A_1444 = tpu.vector_load %arg18[%get3A_1443] {strides = array<i32>} : memref<80xi32, #tpu.memory_space<vmem>>, vector<16xi32>,
    %shift_right_logical3A_1445 = arith.constant 7 : i32
    %shift_right_logical3A_1446 = vector.broadcast %shift_right_logical3A_1445 : i32 to vector<16xi32>
    %shift_right_logical3A_1447 = arith.shrui %get3A_1444, %shift_right_logical3A_1446 : vector<16xi32>
    %and3A_1448 = arith.constant 127 : i32
    %and3A_1449 = vector.broadcast %and3A_1448 : i32 to vector<16xi32>
    %and3A_1450 = arith.andi %get3A_1444, %and3A_1449 : vector<16xi32>
    %broadcast_in_dim3A_1451 = arith.constant 1.000000e+00 : f32
    %broadcast_in_dim3A_1452 = vector.broadcast %broadcast_in_dim3A_1451 : f32 to vector<16xf32>
    tpu.vector_store_idx %arg21[%shift_right_logical3A_1447, %and3A_1450], %broadcast_in_dim3A_1452 {add = true} : memref<80x128xf32, #tpu.memory_space<vmem>>[vector<16xi32>, vector<16xi32>], vector<16xf32>,
    %get3A_1453 = arith.constant 64 : index
    %get3A_1454 = tpu.vector_load %arg18[%get3A_1453] {strides = array<i32>} : memref<80xi32, #tpu.memory_space<vmem>>, vector<16xi32>,
    %shift_right_logical3A_1455 = arith.constant 7 : i32
    %shift_right_logical3A_1456 = vector.broadcast %shift_right_logical3A_1455 : i32 to vector<16xi32>
    %shift_right_logical3A_1457 = arith.shrui %get3A_1454, %shift_right_logical3A_1456 : vector<16xi32>
    %and3A_1458 = arith.constant 127 : i32
    %and3A_1459 = vector.broadcast %and3A_1458 : i32 to vector<16xi32>
    %and3A_1460 = arith.andi %get3A_1454, %and3A_1459 : vector<16xi32>
    %broadcast_in_dim3A_1461 = arith.constant 1.000000e+00 : f32
    %broadcast_in_dim3A_1462 = vector.broadcast %broadcast_in_dim3A_1461 : f32 to vector<16xf32>
    tpu.vector_store_idx %arg21[%shift_right_logical3A_1457, %and3A_1460], %broadcast_in_dim3A_1462 {add = true} : memref<80x128xf32, #tpu.memory_space<vmem>>[vector<16xi32>, vector<16xi32>], vector<16xf32>,
    %add3A_1463 = arith.constant 64 : i32
    %add3A_1464 = arith.addi %add3A, %add3A_1463 : i32
    %mul3A_1465 = arith.constant 80 : i32
    %mul3A_1466 = arith.muli %add3A_1464, %mul3A_1465 : i32
    %dma_start3A_1467 = arith.constant 0 : i32
    %dma_start3A_1468 = tpu.memref_slice %arg6[%mul3A_1466, %dma_start3A_1467] : memref<320000x128xf32, #tpu.memory_space<hbm>> -> memref<80x128xf32, #tpu.memory_space<hbm>>
    %dma_start3A_1469 = arith.constant 0 : i32
    %dma_start3A_1470 = tpu.memref_slice %arg6[%mul3A_1466, %dma_start3A_1469] : memref<320000x128xf32, #tpu.memory_space<hbm>> -> memref<80x128xf32, #tpu.memory_space<hbm>>
    tpu.enqueue_dma source(%dma_start3A_1470 : memref<80x128xf32, #tpu.memory_space<hbm>>) target(%arg17 : memref<80x128xf32, #tpu.memory_space<vmem>>) target_semaphore(%arg24 : memref<!tpu.dma_semaphore, #tpu.memory_space<semaphore_mem>>)
    %mul3A_1471 = arith.constant 80 : i32
    %mul3A_1472 = arith.muli %add3A_1464, %mul3A_1471 : i32
    %dma_start3A_1473 = tpu.memref_slice %arg7[%mul3A_1472] : memref<320000xi32, #tpu.memory_space<hbm>> -> memref<80xi32, #tpu.memory_space<hbm>>
    %dma_start3A_1474 = tpu.memref_slice %arg7[%mul3A_1472] : memref<320000xi32, #tpu.memory_space<hbm>> -> memref<80xi32, #tpu.memory_space<hbm>>
    tpu.enqueue_dma source(%dma_start3A_1474 : memref<80xi32, #tpu.memory_space<hbm>>) target(%arg20 : memref<80xi32, #tpu.memory_space<vmem>>) target_semaphore(%arg27 : memref<!tpu.dma_semaphore, #tpu.memory_space<semaphore_mem>>)
    %add3A_1475 = arith.constant 32 : i32
    %add3A_1476 = arith.addi %add3A, %add3A_1475 : i32
    %mul3A_1477 = arith.constant 80 : i32
    %mul3A_1478 = arith.muli %add3A_1476, %mul3A_1477 : i32
    %dma_wait3A_1479 = arith.constant 0 : i32
    %dma_wait3A_1480 = tpu.memref_slice %arg6[%mul3A_1478, %dma_wait3A_1479] : memref<320000x128xf32, #tpu.memory_space<hbm>> -> memref<80x128xf32, #tpu.memory_space<hbm>>
    %dma_wait3A_1481 = arith.constant 0 : i32
    %dma_wait3A_1482 = tpu.memref_slice %arg6[%mul3A_1478, %dma_wait3A_1481] : memref<320000x128xf32, #tpu.memory_space<hbm>> -> memref<80x128xf32, #tpu.memory_space<hbm>>
    tpu.wait_dma2 semaphore(%arg23 : memref<!tpu.dma_semaphore, #tpu.memory_space<semaphore_mem>>) src(%dma_wait3A_1482 : memref<80x128xf32, #tpu.memory_space<hbm>>) dst(%arg16 : memref<80x128xf32, #tpu.memory_space<vmem>>)
    %mul3A_1483 = arith.constant 80 : i32
    %mul3A_1484 = arith.muli %add3A_1476, %mul3A_1483 : i32
    %dma_wait3A_1485 = tpu.memref_slice %arg7[%mul3A_1484] : memref<320000xi32, #tpu.memory_space<hbm>> -> memref<80xi32, #tpu.memory_space<hbm>>
    %dma_wait3A_1486 = tpu.memref_slice %arg7[%mul3A_1484] : memref<320000xi32, #tpu.memory_space<hbm>> -> memref<80xi32, #tpu.memory_space<hbm>>
    tpu.wait_dma2 semaphore(%arg26 : memref<!tpu.dma_semaphore, #tpu.memory_space<semaphore_mem>>) src(%dma_wait3A_1486 : memref<80xi32, #tpu.memory_space<hbm>>) dst(%arg19 : memref<80xi32, #tpu.memory_space<vmem>>)
    %dma_start3A_1487 = arith.constant 0 : i32
    %dma_start3A_1488 = arith.constant 0 : i32
    %dma_start3A_1489 = tpu.memref_slice %arg14[%dma_start3A_1487, %dma_start3A_1488] : memref<10240x128xf32, #tpu.memory_space<vmem_shared>> -> memref<10240x128xf32, #tpu.memory_space<vmem_shared>>
    tpu.enqueue_indirect_dma source(%arg16 : memref<80x128xf32, #tpu.memory_space<vmem>>) target(%dma_start3A_1489 : memref<10240x128xf32, #tpu.memory_space<vmem_shared>>) offsets(%arg19 : memref<80xi32, #tpu.memory_space<vmem>>) semaphore(%arg29 : memref<!tpu.dma_semaphore, #tpu.memory_space<semaphore_mem>>) {add = true}
    %get3A_1490 = arith.constant 0 : index
    %get3A_1491 = tpu.vector_load %arg19[%get3A_1490] {strides = array<i32>} : memref<80xi32, #tpu.memory_space<vmem>>, vector<16xi32>,
    %shift_right_logical3A_1492 = arith.constant 7 : i32
    %shift_right_logical3A_1493 = vector.broadcast %shift_right_logical3A_1492 : i32 to vector<16xi32>
    %shift_right_logical3A_1494 = arith.shrui %get3A_1491, %shift_right_logical3A_1493 : vector<16xi32>
    %and3A_1495 = arith.constant 127 : i32
    %and3A_1496 = vector.broadcast %and3A_1495 : i32 to vector<16xi32>
    %and3A_1497 = arith.andi %get3A_1491, %and3A_1496 : vector<16xi32>
    %broadcast_in_dim3A_1498 = arith.constant 1.000000e+00 : f32
    %broadcast_in_dim3A_1499 = vector.broadcast %broadcast_in_dim3A_1498 : f32 to vector<16xf32>
    tpu.vector_store_idx %arg21[%shift_right_logical3A_1494, %and3A_1497], %broadcast_in_dim3A_1499 {add = true} : memref<80x128xf32, #tpu.memory_space<vmem>>[vector<16xi32>, vector<16xi32>], vector<16xf32>,
    %get3A_1500 = arith.constant 16 : index
    %get3A_1501 = tpu.vector_load %arg19[%get3A_1500] {strides = array<i32>} : memref<80xi32, #tpu.memory_space<vmem>>, vector<16xi32>,
    %shift_right_logical3A_1502 = arith.constant 7 : i32
    %shift_right_logical3A_1503 = vector.broadcast %shift_right_logical3A_1502 : i32 to vector<16xi32>
    %shift_right_logical3A_1504 = arith.shrui %get3A_1501, %shift_right_logical3A_1503 : vector<16xi32>
    %and3A_1505 = arith.constant 127 : i32
    %and3A_1506 = vector.broadcast %and3A_1505 : i32 to vector<16xi32>
    %and3A_1507 = arith.andi %get3A_1501, %and3A_1506 : vector<16xi32>
    %broadcast_in_dim3A_1508 = arith.constant 1.000000e+00 : f32
    %broadcast_in_dim3A_1509 = vector.broadcast %broadcast_in_dim3A_1508 : f32 to vector<16xf32>
    tpu.vector_store_idx %arg21[%shift_right_logical3A_1504, %and3A_1507], %broadcast_in_dim3A_1509 {add = true} : memref<80x128xf32, #tpu.memory_space<vmem>>[vector<16xi32>, vector<16xi32>], vector<16xf32>,
    %get3A_1510 = arith.constant 32 : index
    %get3A_1511 = tpu.vector_load %arg19[%get3A_1510] {strides = array<i32>} : memref<80xi32, #tpu.memory_space<vmem>>, vector<16xi32>,
    %shift_right_logical3A_1512 = arith.constant 7 : i32
    %shift_right_logical3A_1513 = vector.broadcast %shift_right_logical3A_1512 : i32 to vector<16xi32>
    %shift_right_logical3A_1514 = arith.shrui %get3A_1511, %shift_right_logical3A_1513 : vector<16xi32>
    %and3A_1515 = arith.constant 127 : i32
    %and3A_1516 = vector.broadcast %and3A_1515 : i32 to vector<16xi32>
    %and3A_1517 = arith.andi %get3A_1511, %and3A_1516 : vector<16xi32>
    %broadcast_in_dim3A_1518 = arith.constant 1.000000e+00 : f32
    %broadcast_in_dim3A_1519 = vector.broadcast %broadcast_in_dim3A_1518 : f32 to vector<16xf32>
    tpu.vector_store_idx %arg21[%shift_right_logical3A_1514, %and3A_1517], %broadcast_in_dim3A_1519 {add = true} : memref<80x128xf32, #tpu.memory_space<vmem>>[vector<16xi32>, vector<16xi32>], vector<16xf32>,
    %get3A_1520 = arith.constant 48 : index
    %get3A_1521 = tpu.vector_load %arg19[%get3A_1520] {strides = array<i32>} : memref<80xi32, #tpu.memory_space<vmem>>, vector<16xi32>,
    %shift_right_logical3A_1522 = arith.constant 7 : i32
    %shift_right_logical3A_1523 = vector.broadcast %shift_right_logical3A_1522 : i32 to vector<16xi32>
    %shift_right_logical3A_1524 = arith.shrui %get3A_1521, %shift_right_logical3A_1523 : vector<16xi32>
    %and3A_1525 = arith.constant 127 : i32
    %and3A_1526 = vector.broadcast %and3A_1525 : i32 to vector<16xi32>
    %and3A_1527 = arith.andi %get3A_1521, %and3A_1526 : vector<16xi32>
    %broadcast_in_dim3A_1528 = arith.constant 1.000000e+00 : f32
    %broadcast_in_dim3A_1529 = vector.broadcast %broadcast_in_dim3A_1528 : f32 to vector<16xf32>
    tpu.vector_store_idx %arg21[%shift_right_logical3A_1524, %and3A_1527], %broadcast_in_dim3A_1529 {add = true} : memref<80x128xf32, #tpu.memory_space<vmem>>[vector<16xi32>, vector<16xi32>], vector<16xf32>,
    %get3A_1530 = arith.constant 64 : index
    %get3A_1531 = tpu.vector_load %arg19[%get3A_1530] {strides = array<i32>} : memref<80xi32, #tpu.memory_space<vmem>>, vector<16xi32>,
    %shift_right_logical3A_1532 = arith.constant 7 : i32
    %shift_right_logical3A_1533 = vector.broadcast %shift_right_logical3A_1532 : i32 to vector<16xi32>
    %shift_right_logical3A_1534 = arith.shrui %get3A_1531, %shift_right_logical3A_1533 : vector<16xi32>
    %and3A_1535 = arith.constant 127 : i32
    %and3A_1536 = vector.broadcast %and3A_1535 : i32 to vector<16xi32>
    %and3A_1537 = arith.andi %get3A_1531, %and3A_1536 : vector<16xi32>
    %broadcast_in_dim3A_1538 = arith.constant 1.000000e+00 : f32
    %broadcast_in_dim3A_1539 = vector.broadcast %broadcast_in_dim3A_1538 : f32 to vector<16xf32>
    tpu.vector_store_idx %arg21[%shift_right_logical3A_1534, %and3A_1537], %broadcast_in_dim3A_1539 {add = true} : memref<80x128xf32, #tpu.memory_space<vmem>>[vector<16xi32>, vector<16xi32>], vector<16xf32>,
    %dma_wait3A_1540 = arith.constant 0 : i32
    %dma_wait3A_1541 = arith.constant 0 : i32
    %dma_wait3A_1542 = tpu.memref_slice %arg14[%dma_wait3A_1540, %dma_wait3A_1541] : memref<10240x128xf32, #tpu.memory_space<vmem_shared>> -> memref<10240x128xf32, #tpu.memory_space<vmem_shared>>
    tpu.wait_indirect_dma semaphore(%arg28 : memref<!tpu.dma_semaphore, #tpu.memory_space<semaphore_mem>>) src(%arg15 : memref<80x128xf32, #tpu.memory_space<vmem>>) dst(%dma_wait3A_1542 : memref<10240x128xf32, #tpu.memory_space<vmem_shared>>)
    %add3A_1543 = arith.constant 96 : i32
    %add3A_1544 = arith.addi %add3A, %add3A_1543 : i32
    %mul3A_1545 = arith.constant 80 : i32
    %mul3A_1546 = arith.muli %add3A_1544, %mul3A_1545 : i32
    %dma_start3A_1547 = arith.constant 0 : i32
    %dma_start3A_1548 = tpu.memref_slice %arg6[%mul3A_1546, %dma_start3A_1547] : memref<320000x128xf32, #tpu.memory_space<hbm>> -> memref<80x128xf32, #tpu.memory_space<hbm>>
    %dma_start3A_1549 = arith.constant 0 : i32
    %dma_start3A_1550 = tpu.memref_slice %arg6[%mul3A_1546, %dma_start3A_1549] : memref<320000x128xf32, #tpu.memory_space<hbm>> -> memref<80x128xf32, #tpu.memory_space<hbm>>
    tpu.enqueue_dma source(%dma_start3A_1550 : memref<80x128xf32, #tpu.memory_space<hbm>>) target(%arg15 : memref<80x128xf32, #tpu.memory_space<vmem>>) target_semaphore(%arg22 : memref<!tpu.dma_semaphore, #tpu.memory_space<semaphore_mem>>)
    %mul3A_1551 = arith.constant 80 : i32
    %mul3A_1552 = arith.muli %add3A_1544, %mul3A_1551 : i32
    %dma_start3A_1553 = tpu.memref_slice %arg7[%mul3A_1552] : memref<320000xi32, #tpu.memory_space<hbm>> -> memref<80xi32, #tpu.memory_space<hbm>>
    %dma_start3A_1554 = tpu.memref_slice %arg7[%mul3A_1552] : memref<320000xi32, #tpu.memory_space<hbm>> -> memref<80xi32, #tpu.memory_space<hbm>>
    tpu.enqueue_dma source(%dma_start3A_1554 : memref<80xi32, #tpu.memory_space<hbm>>) target(%arg18 : memref<80xi32, #tpu.memory_space<vmem>>) target_semaphore(%arg25 : memref<!tpu.dma_semaphore, #tpu.memory_space<semaphore_mem>>)
    %add3A_1555 = arith.constant 64 : i32
    %add3A_1556 = arith.addi %add3A, %add3A_1555 : i32
    %mul3A_1557 = arith.constant 80 : i32
    %mul3A_1558 = arith.muli %add3A_1556, %mul3A_1557 : i32
    %dma_wait3A_1559 = arith.constant 0 : i32
    %dma_wait3A_1560 = tpu.memref_slice %arg6[%mul3A_1558, %dma_wait3A_1559] : memref<320000x128xf32, #tpu.memory_space<hbm>> -> memref<80x128xf32, #tpu.memory_space<hbm>>
    %dma_wait3A_1561 = arith.constant 0 : i32
    %dma_wait3A_1562 = tpu.memref_slice %arg6[%mul3A_1558, %dma_wait3A_1561] : memref<320000x128xf32, #tpu.memory_space<hbm>> -> memref<80x128xf32, #tpu.memory_space<hbm>>
    tpu.wait_dma2 semaphore(%arg24 : memref<!tpu.dma_semaphore, #tpu.memory_space<semaphore_mem>>) src(%dma_wait3A_1562 : memref<80x128xf32, #tpu.memory_space<hbm>>) dst(%arg17 : memref<80x128xf32, #tpu.memory_space<vmem>>)
    %mul3A_1563 = arith.constant 80 : i32
    %mul3A_1564 = arith.muli %add3A_1556, %mul3A_1563 : i32
    %dma_wait3A_1565 = tpu.memref_slice %arg7[%mul3A_1564] : memref<320000xi32, #tpu.memory_space<hbm>> -> memref<80xi32, #tpu.memory_space<hbm>>
    %dma_wait3A_1566 = tpu.memref_slice %arg7[%mul3A_1564] : memref<320000xi32, #tpu.memory_space<hbm>> -> memref<80xi32, #tpu.memory_space<hbm>>
    tpu.wait_dma2 semaphore(%arg27 : memref<!tpu.dma_semaphore, #tpu.memory_space<semaphore_mem>>) src(%dma_wait3A_1566 : memref<80xi32, #tpu.memory_space<hbm>>) dst(%arg20 : memref<80xi32, #tpu.memory_space<vmem>>)
    %dma_start3A_1567 = arith.constant 0 : i32
    %dma_start3A_1568 = arith.constant 0 : i32
    %dma_start3A_1569 = tpu.memref_slice %arg14[%dma_start3A_1567, %dma_start3A_1568] : memref<10240x128xf32, #tpu.memory_space<vmem_shared>> -> memref<10240x128xf32, #tpu.memory_space<vmem_shared>>
    tpu.enqueue_indirect_dma source(%arg17 : memref<80x128xf32, #tpu.memory_space<vmem>>) target(%dma_start3A_1569 : memref<10240x128xf32, #tpu.memory_space<vmem_shared>>) offsets(%arg20 : memref<80xi32, #tpu.memory_space<vmem>>) semaphore(%arg30 : memref<!tpu.dma_semaphore, #tpu.memory_space<semaphore_mem>>) {add = true}
    %get3A_1570 = arith.constant 0 : index
    %get3A_1571 = tpu.vector_load %arg20[%get3A_1570] {strides = array<i32>} : memref<80xi32, #tpu.memory_space<vmem>>, vector<16xi32>,
    %shift_right_logical3A_1572 = arith.constant 7 : i32
    %shift_right_logical3A_1573 = vector.broadcast %shift_right_logical3A_1572 : i32 to vector<16xi32>
    %shift_right_logical3A_1574 = arith.shrui %get3A_1571, %shift_right_logical3A_1573 : vector<16xi32>
    %and3A_1575 = arith.constant 127 : i32
    %and3A_1576 = vector.broadcast %and3A_1575 : i32 to vector<16xi32>
    %and3A_1577 = arith.andi %get3A_1571, %and3A_1576 : vector<16xi32>
    %broadcast_in_dim3A_1578 = arith.constant 1.000000e+00 : f32
    %broadcast_in_dim3A_1579 = vector.broadcast %broadcast_in_dim3A_1578 : f32 to vector<16xf32>
    tpu.vector_store_idx %arg21[%shift_right_logical3A_1574, %and3A_1577], %broadcast_in_dim3A_1579 {add = true} : memref<80x128xf32, #tpu.memory_space<vmem>>[vector<16xi32>, vector<16xi32>], vector<16xf32>,
    %get3A_1580 = arith.constant 16 : index
    %get3A_1581 = tpu.vector_load %arg20[%get3A_1580] {strides = array<i32>} : memref<80xi32, #tpu.memory_space<vmem>>, vector<16xi32>,
    %shift_right_logical3A_1582 = arith.constant 7 : i32
    %shift_right_logical3A_1583 = vector.broadcast %shift_right_logical3A_1582 : i32 to vector<16xi32>
    %shift_right_logical3A_1584 = arith.shrui %get3A_1581, %shift_right_logical3A_1583 : vector<16xi32>
    %and3A_1585 = arith.constant 127 : i32
    %and3A_1586 = vector.broadcast %and3A_1585 : i32 to vector<16xi32>
    %and3A_1587 = arith.andi %get3A_1581, %and3A_1586 : vector<16xi32>
    %broadcast_in_dim3A_1588 = arith.constant 1.000000e+00 : f32
    %broadcast_in_dim3A_1589 = vector.broadcast %broadcast_in_dim3A_1588 : f32 to vector<16xf32>
    tpu.vector_store_idx %arg21[%shift_right_logical3A_1584, %and3A_1587], %broadcast_in_dim3A_1589 {add = true} : memref<80x128xf32, #tpu.memory_space<vmem>>[vector<16xi32>, vector<16xi32>], vector<16xf32>,
    %get3A_1590 = arith.constant 32 : index
    %get3A_1591 = tpu.vector_load %arg20[%get3A_1590] {strides = array<i32>} : memref<80xi32, #tpu.memory_space<vmem>>, vector<16xi32>,
    %shift_right_logical3A_1592 = arith.constant 7 : i32
    %shift_right_logical3A_1593 = vector.broadcast %shift_right_logical3A_1592 : i32 to vector<16xi32>
    %shift_right_logical3A_1594 = arith.shrui %get3A_1591, %shift_right_logical3A_1593 : vector<16xi32>
    %and3A_1595 = arith.constant 127 : i32
    %and3A_1596 = vector.broadcast %and3A_1595 : i32 to vector<16xi32>
    %and3A_1597 = arith.andi %get3A_1591, %and3A_1596 : vector<16xi32>
    %broadcast_in_dim3A_1598 = arith.constant 1.000000e+00 : f32
    %broadcast_in_dim3A_1599 = vector.broadcast %broadcast_in_dim3A_1598 : f32 to vector<16xf32>
    tpu.vector_store_idx %arg21[%shift_right_logical3A_1594, %and3A_1597], %broadcast_in_dim3A_1599 {add = true} : memref<80x128xf32, #tpu.memory_space<vmem>>[vector<16xi32>, vector<16xi32>], vector<16xf32>,
    %get3A_1600 = arith.constant 48 : index
    %get3A_1601 = tpu.vector_load %arg20[%get3A_1600] {strides = array<i32>} : memref<80xi32, #tpu.memory_space<vmem>>, vector<16xi32>,
    %shift_right_logical3A_1602 = arith.constant 7 : i32
    %shift_right_logical3A_1603 = vector.broadcast %shift_right_logical3A_1602 : i32 to vector<16xi32>
    %shift_right_logical3A_1604 = arith.shrui %get3A_1601, %shift_right_logical3A_1603 : vector<16xi32>
    %and3A_1605 = arith.constant 127 : i32
    %and3A_1606 = vector.broadcast %and3A_1605 : i32 to vector<16xi32>
    %and3A_1607 = arith.andi %get3A_1601, %and3A_1606 : vector<16xi32>
    %broadcast_in_dim3A_1608 = arith.constant 1.000000e+00 : f32
    %broadcast_in_dim3A_1609 = vector.broadcast %broadcast_in_dim3A_1608 : f32 to vector<16xf32>
    tpu.vector_store_idx %arg21[%shift_right_logical3A_1604, %and3A_1607], %broadcast_in_dim3A_1609 {add = true} : memref<80x128xf32, #tpu.memory_space<vmem>>[vector<16xi32>, vector<16xi32>], vector<16xf32>,
    %get3A_1610 = arith.constant 64 : index
    %get3A_1611 = tpu.vector_load %arg20[%get3A_1610] {strides = array<i32>} : memref<80xi32, #tpu.memory_space<vmem>>, vector<16xi32>,
    %shift_right_logical3A_1612 = arith.constant 7 : i32
    %shift_right_logical3A_1613 = vector.broadcast %shift_right_logical3A_1612 : i32 to vector<16xi32>
    %shift_right_logical3A_1614 = arith.shrui %get3A_1611, %shift_right_logical3A_1613 : vector<16xi32>
    %and3A_1615 = arith.constant 127 : i32
    %and3A_1616 = vector.broadcast %and3A_1615 : i32 to vector<16xi32>
    %and3A_1617 = arith.andi %get3A_1611, %and3A_1616 : vector<16xi32>
    %broadcast_in_dim3A_1618 = arith.constant 1.000000e+00 : f32
    %broadcast_in_dim3A_1619 = vector.broadcast %broadcast_in_dim3A_1618 : f32 to vector<16xf32>
    tpu.vector_store_idx %arg21[%shift_right_logical3A_1614, %and3A_1617], %broadcast_in_dim3A_1619 {add = true} : memref<80x128xf32, #tpu.memory_space<vmem>>[vector<16xi32>, vector<16xi32>], vector<16xf32>,
    %dma_wait3A_1620 = arith.constant 0 : i32
    %dma_wait3A_1621 = arith.constant 0 : i32
    %dma_wait3A_1622 = tpu.memref_slice %arg14[%dma_wait3A_1620, %dma_wait3A_1621] : memref<10240x128xf32, #tpu.memory_space<vmem_shared>> -> memref<10240x128xf32, #tpu.memory_space<vmem_shared>>
    tpu.wait_indirect_dma semaphore(%arg29 : memref<!tpu.dma_semaphore, #tpu.memory_space<semaphore_mem>>) src(%arg16 : memref<80x128xf32, #tpu.memory_space<vmem>>) dst(%dma_wait3A_1622 : memref<10240x128xf32, #tpu.memory_space<vmem_shared>>)
    %add3A_1623 = arith.constant 128 : i32
    %add3A_1624 = arith.addi %add3A, %add3A_1623 : i32
    %mul3A_1625 = arith.constant 80 : i32
    %mul3A_1626 = arith.muli %add3A_1624, %mul3A_1625 : i32
    %dma_start3A_1627 = arith.constant 0 : i32
    %dma_start3A_1628 = tpu.memref_slice %arg6[%mul3A_1626, %dma_start3A_1627] : memref<320000x128xf32, #tpu.memory_space<hbm>> -> memref<80x128xf32, #tpu.memory_space<hbm>>
    %dma_start3A_1629 = arith.constant 0 : i32
    %dma_start3A_1630 = tpu.memref_slice %arg6[%mul3A_1626, %dma_start3A_1629] : memref<320000x128xf32, #tpu.memory_space<hbm>> -> memref<80x128xf32, #tpu.memory_space<hbm>>
    tpu.enqueue_dma source(%dma_start3A_1630 : memref<80x128xf32, #tpu.memory_space<hbm>>) target(%arg16 : memref<80x128xf32, #tpu.memory_space<vmem>>) target_semaphore(%arg23 : memref<!tpu.dma_semaphore, #tpu.memory_space<semaphore_mem>>)
    %mul3A_1631 = arith.constant 80 : i32
    %mul3A_1632 = arith.muli %add3A_1624, %mul3A_1631 : i32
    %dma_start3A_1633 = tpu.memref_slice %arg7[%mul3A_1632] : memref<320000xi32, #tpu.memory_space<hbm>> -> memref<80xi32, #tpu.memory_space<hbm>>
    %dma_start3A_1634 = tpu.memref_slice %arg7[%mul3A_1632] : memref<320000xi32, #tpu.memory_space<hbm>> -> memref<80xi32, #tpu.memory_space<hbm>>
    tpu.enqueue_dma source(%dma_start3A_1634 : memref<80xi32, #tpu.memory_space<hbm>>) target(%arg19 : memref<80xi32, #tpu.memory_space<vmem>>) target_semaphore(%arg26 : memref<!tpu.dma_semaphore, #tpu.memory_space<semaphore_mem>>)
    %scan3A_1635 = arith.constant 0 : i32
    %scan3A_1636 = arith.constant 1 : i32
    %scan3A_1637 = arith.constant 40 : i32
    %scan3A_1638 = arith.addi %scan3A_1636, %scan3A_1637 : i32
    %scan3A_1639 = arith.constant 1 : i32
    scf.for %scan3A_1909 = %scan3A_1636 to %scan3A_1638 step %scan3A_1639  : i32 {
      %mul3A_1910 = arith.constant 3 : i32
      %mul3A_1911 = arith.muli %mul3A_1910, %scan3A_1909 : i32
      %add3A_1912 = arith.constant 0 : i32
      %add3A_1913 = arith.addi %mul3A_1911, %add3A_1912 : i32
      %mul3A_1914 = arith.constant 32 : i32
      %mul3A_1915 = arith.muli %mul3A_1914, %add3A_1913 : i32
      %add3A_1916 = arith.addi %add3A, %mul3A_1915 : i32
      %mul3A_1917 = arith.constant 80 : i32
      %mul3A_1918 = arith.muli %add3A_1916, %mul3A_1917 : i32
      %dma_wait3A_1919 = arith.constant 0 : i32
      %dma_wait3A_1920 = tpu.memref_slice %arg6[%mul3A_1918, %dma_wait3A_1919] : memref<320000x128xf32, #tpu.memory_space<hbm>> -> memref<80x128xf32, #tpu.memory_space<hbm>>
      %dma_wait3A_1921 = arith.constant 0 : i32
      %dma_wait3A_1922 = tpu.memref_slice %arg6[%mul3A_1918, %dma_wait3A_1921] : memref<320000x128xf32, #tpu.memory_space<hbm>> -> memref<80x128xf32, #tpu.memory_space<hbm>>
      tpu.wait_dma2 semaphore(%arg22 : memref<!tpu.dma_semaphore, #tpu.memory_space<semaphore_mem>>) src(%dma_wait3A_1922 : memref<80x128xf32, #tpu.memory_space<hbm>>) dst(%arg15 : memref<80x128xf32, #tpu.memory_space<vmem>>)
      %mul3A_1923 = arith.constant 80 : i32
      %mul3A_1924 = arith.muli %add3A_1916, %mul3A_1923 : i32
      %dma_wait3A_1925 = tpu.memref_slice %arg7[%mul3A_1924] : memref<320000xi32, #tpu.memory_space<hbm>> -> memref<80xi32, #tpu.memory_space<hbm>>
      %dma_wait3A_1926 = tpu.memref_slice %arg7[%mul3A_1924] : memref<320000xi32, #tpu.memory_space<hbm>> -> memref<80xi32, #tpu.memory_space<hbm>>
      tpu.wait_dma2 semaphore(%arg25 : memref<!tpu.dma_semaphore, #tpu.memory_space<semaphore_mem>>) src(%dma_wait3A_1926 : memref<80xi32, #tpu.memory_space<hbm>>) dst(%arg18 : memref<80xi32, #tpu.memory_space<vmem>>)
      %dma_start3A_1927 = arith.constant 0 : i32
      %dma_start3A_1928 = arith.constant 0 : i32
      %dma_start3A_1929 = tpu.memref_slice %arg14[%dma_start3A_1927, %dma_start3A_1928] : memref<10240x128xf32, #tpu.memory_space<vmem_shared>> -> memref<10240x128xf32, #tpu.memory_space<vmem_shared>>
      tpu.enqueue_indirect_dma source(%arg15 : memref<80x128xf32, #tpu.memory_space<vmem>>) target(%dma_start3A_1929 : memref<10240x128xf32, #tpu.memory_space<vmem_shared>>) offsets(%arg18 : memref<80xi32, #tpu.memory_space<vmem>>) semaphore(%arg28 : memref<!tpu.dma_semaphore, #tpu.memory_space<semaphore_mem>>) {add = true}
      %get3A_1930 = arith.constant 0 : index
      %get3A_1931 = tpu.vector_load %arg18[%get3A_1930] {strides = array<i32>} : memref<80xi32, #tpu.memory_space<vmem>>, vector<16xi32>,
      %shift_right_logical3A_1932 = arith.constant 7 : i32
      %shift_right_logical3A_1933 = vector.broadcast %shift_right_logical3A_1932 : i32 to vector<16xi32>
      %shift_right_logical3A_1934 = arith.shrui %get3A_1931, %shift_right_logical3A_1933 : vector<16xi32>
      %and3A_1935 = arith.constant 127 : i32
      %and3A_1936 = vector.broadcast %and3A_1935 : i32 to vector<16xi32>
      %and3A_1937 = arith.andi %get3A_1931, %and3A_1936 : vector<16xi32>
      %broadcast_in_dim3A_1938 = arith.constant 1.000000e+00 : f32
      %broadcast_in_dim3A_1939 = vector.broadcast %broadcast_in_dim3A_1938 : f32 to vector<16xf32>
      tpu.vector_store_idx %arg21[%shift_right_logical3A_1934, %and3A_1937], %broadcast_in_dim3A_1939 {add = true} : memref<80x128xf32, #tpu.memory_space<vmem>>[vector<16xi32>, vector<16xi32>], vector<16xf32>,
      %get3A_1940 = arith.constant 16 : index
      %get3A_1941 = tpu.vector_load %arg18[%get3A_1940] {strides = array<i32>} : memref<80xi32, #tpu.memory_space<vmem>>, vector<16xi32>,
      %shift_right_logical3A_1942 = arith.constant 7 : i32
      %shift_right_logical3A_1943 = vector.broadcast %shift_right_logical3A_1942 : i32 to vector<16xi32>
      %shift_right_logical3A_1944 = arith.shrui %get3A_1941, %shift_right_logical3A_1943 : vector<16xi32>
      %and3A_1945 = arith.constant 127 : i32
      %and3A_1946 = vector.broadcast %and3A_1945 : i32 to vector<16xi32>
      %and3A_1947 = arith.andi %get3A_1941, %and3A_1946 : vector<16xi32>
      %broadcast_in_dim3A_1948 = arith.constant 1.000000e+00 : f32
      %broadcast_in_dim3A_1949 = vector.broadcast %broadcast_in_dim3A_1948 : f32 to vector<16xf32>
      tpu.vector_store_idx %arg21[%shift_right_logical3A_1944, %and3A_1947], %broadcast_in_dim3A_1949 {add = true} : memref<80x128xf32, #tpu.memory_space<vmem>>[vector<16xi32>, vector<16xi32>], vector<16xf32>,
      %get3A_1950 = arith.constant 32 : index
      %get3A_1951 = tpu.vector_load %arg18[%get3A_1950] {strides = array<i32>} : memref<80xi32, #tpu.memory_space<vmem>>, vector<16xi32>,
      %shift_right_logical3A_1952 = arith.constant 7 : i32
      %shift_right_logical3A_1953 = vector.broadcast %shift_right_logical3A_1952 : i32 to vector<16xi32>
      %shift_right_logical3A_1954 = arith.shrui %get3A_1951, %shift_right_logical3A_1953 : vector<16xi32>
      %and3A_1955 = arith.constant 127 : i32
      %and3A_1956 = vector.broadcast %and3A_1955 : i32 to vector<16xi32>
      %and3A_1957 = arith.andi %get3A_1951, %and3A_1956 : vector<16xi32>
      %broadcast_in_dim3A_1958 = arith.constant 1.000000e+00 : f32
      %broadcast_in_dim3A_1959 = vector.broadcast %broadcast_in_dim3A_1958 : f32 to vector<16xf32>
      tpu.vector_store_idx %arg21[%shift_right_logical3A_1954, %and3A_1957], %broadcast_in_dim3A_1959 {add = true} : memref<80x128xf32, #tpu.memory_space<vmem>>[vector<16xi32>, vector<16xi32>], vector<16xf32>,
      %get3A_1960 = arith.constant 48 : index
      %get3A_1961 = tpu.vector_load %arg18[%get3A_1960] {strides = array<i32>} : memref<80xi32, #tpu.memory_space<vmem>>, vector<16xi32>,
      %shift_right_logical3A_1962 = arith.constant 7 : i32
      %shift_right_logical3A_1963 = vector.broadcast %shift_right_logical3A_1962 : i32 to vector<16xi32>
      %shift_right_logical3A_1964 = arith.shrui %get3A_1961, %shift_right_logical3A_1963 : vector<16xi32>
      %and3A_1965 = arith.constant 127 : i32
      %and3A_1966 = vector.broadcast %and3A_1965 : i32 to vector<16xi32>
      %and3A_1967 = arith.andi %get3A_1961, %and3A_1966 : vector<16xi32>
      %broadcast_in_dim3A_1968 = arith.constant 1.000000e+00 : f32
      %broadcast_in_dim3A_1969 = vector.broadcast %broadcast_in_dim3A_1968 : f32 to vector<16xf32>
      tpu.vector_store_idx %arg21[%shift_right_logical3A_1964, %and3A_1967], %broadcast_in_dim3A_1969 {add = true} : memref<80x128xf32, #tpu.memory_space<vmem>>[vector<16xi32>, vector<16xi32>], vector<16xf32>,
      %get3A_1970 = arith.constant 64 : index
      %get3A_1971 = tpu.vector_load %arg18[%get3A_1970] {strides = array<i32>} : memref<80xi32, #tpu.memory_space<vmem>>, vector<16xi32>,
      %shift_right_logical3A_1972 = arith.constant 7 : i32
      %shift_right_logical3A_1973 = vector.broadcast %shift_right_logical3A_1972 : i32 to vector<16xi32>
      %shift_right_logical3A_1974 = arith.shrui %get3A_1971, %shift_right_logical3A_1973 : vector<16xi32>
      %and3A_1975 = arith.constant 127 : i32
      %and3A_1976 = vector.broadcast %and3A_1975 : i32 to vector<16xi32>
      %and3A_1977 = arith.andi %get3A_1971, %and3A_1976 : vector<16xi32>
      %broadcast_in_dim3A_1978 = arith.constant 1.000000e+00 : f32
      %broadcast_in_dim3A_1979 = vector.broadcast %broadcast_in_dim3A_1978 : f32 to vector<16xf32>
      tpu.vector_store_idx %arg21[%shift_right_logical3A_1974, %and3A_1977], %broadcast_in_dim3A_1979 {add = true} : memref<80x128xf32, #tpu.memory_space<vmem>>[vector<16xi32>, vector<16xi32>], vector<16xf32>,
      %dma_wait3A_1980 = arith.constant 0 : i32
      %dma_wait3A_1981 = arith.constant 0 : i32
      %dma_wait3A_1982 = tpu.memref_slice %arg14[%dma_wait3A_1980, %dma_wait3A_1981] : memref<10240x128xf32, #tpu.memory_space<vmem_shared>> -> memref<10240x128xf32, #tpu.memory_space<vmem_shared>>
      tpu.wait_indirect_dma semaphore(%arg30 : memref<!tpu.dma_semaphore, #tpu.memory_space<semaphore_mem>>) src(%arg17 : memref<80x128xf32, #tpu.memory_space<vmem>>) dst(%dma_wait3A_1982 : memref<10240x128xf32, #tpu.memory_space<vmem_shared>>)
      %add3A_1983 = arith.constant 2 : i32
      %add3A_1984 = arith.addi %add3A_1913, %add3A_1983 : i32
      %mul3A_1985 = arith.constant 32 : i32
      %mul3A_1986 = arith.muli %mul3A_1985, %add3A_1984 : i32
      %add3A_1987 = arith.addi %add3A, %mul3A_1986 : i32
      %mul3A_1988 = arith.constant 80 : i32
      %mul3A_1989 = arith.muli %add3A_1987, %mul3A_1988 : i32
      %dma_start3A_1990 = arith.constant 0 : i32
      %dma_start3A_1991 = tpu.memref_slice %arg6[%mul3A_1989, %dma_start3A_1990] : memref<320000x128xf32, #tpu.memory_space<hbm>> -> memref<80x128xf32, #tpu.memory_space<hbm>>
      %dma_start3A_1992 = arith.constant 0 : i32
      %dma_start3A_1993 = tpu.memref_slice %arg6[%mul3A_1989, %dma_start3A_1992] : memref<320000x128xf32, #tpu.memory_space<hbm>> -> memref<80x128xf32, #tpu.memory_space<hbm>>
      tpu.enqueue_dma source(%dma_start3A_1993 : memref<80x128xf32, #tpu.memory_space<hbm>>) target(%arg17 : memref<80x128xf32, #tpu.memory_space<vmem>>) target_semaphore(%arg24 : memref<!tpu.dma_semaphore, #tpu.memory_space<semaphore_mem>>)
      %mul3A_1994 = arith.constant 80 : i32
      %mul3A_1995 = arith.muli %add3A_1987, %mul3A_1994 : i32
      %dma_start3A_1996 = tpu.memref_slice %arg7[%mul3A_1995] : memref<320000xi32, #tpu.memory_space<hbm>> -> memref<80xi32, #tpu.memory_space<hbm>>
      %dma_start3A_1997 = tpu.memref_slice %arg7[%mul3A_1995] : memref<320000xi32, #tpu.memory_space<hbm>> -> memref<80xi32, #tpu.memory_space<hbm>>
      tpu.enqueue_dma source(%dma_start3A_1997 : memref<80xi32, #tpu.memory_space<hbm>>) target(%arg20 : memref<80xi32, #tpu.memory_space<vmem>>) target_semaphore(%arg27 : memref<!tpu.dma_semaphore, #tpu.memory_space<semaphore_mem>>)
      %mul3A_1998 = arith.constant 3 : i32
      %mul3A_1999 = arith.muli %mul3A_1998, %scan3A_1909 : i32
      %add3A_2000 = arith.constant 1 : i32
      %add3A_2001 = arith.addi %mul3A_1999, %add3A_2000 : i32
      %mul3A_2002 = arith.constant 32 : i32
      %mul3A_2003 = arith.muli %mul3A_2002, %add3A_2001 : i32
      %add3A_2004 = arith.addi %add3A, %mul3A_2003 : i32
      %mul3A_2005 = arith.constant 80 : i32
      %mul3A_2006 = arith.muli %add3A_2004, %mul3A_2005 : i32
      %dma_wait3A_2007 = arith.constant 0 : i32
      %dma_wait3A_2008 = tpu.memref_slice %arg6[%mul3A_2006, %dma_wait3A_2007] : memref<320000x128xf32, #tpu.memory_space<hbm>> -> memref<80x128xf32, #tpu.memory_space<hbm>>
      %dma_wait3A_2009 = arith.constant 0 : i32
      %dma_wait3A_2010 = tpu.memref_slice %arg6[%mul3A_2006, %dma_wait3A_2009] : memref<320000x128xf32, #tpu.memory_space<hbm>> -> memref<80x128xf32, #tpu.memory_space<hbm>>
      tpu.wait_dma2 semaphore(%arg23 : memref<!tpu.dma_semaphore, #tpu.memory_space<semaphore_mem>>) src(%dma_wait3A_2010 : memref<80x128xf32, #tpu.memory_space<hbm>>) dst(%arg16 : memref<80x128xf32, #tpu.memory_space<vmem>>)
      %mul3A_2011 = arith.constant 80 : i32
      %mul3A_2012 = arith.muli %add3A_2004, %mul3A_2011 : i32
      %dma_wait3A_2013 = tpu.memref_slice %arg7[%mul3A_2012] : memref<320000xi32, #tpu.memory_space<hbm>> -> memref<80xi32, #tpu.memory_space<hbm>>
      %dma_wait3A_2014 = tpu.memref_slice %arg7[%mul3A_2012] : memref<320000xi32, #tpu.memory_space<hbm>> -> memref<80xi32, #tpu.memory_space<hbm>>
      tpu.wait_dma2 semaphore(%arg26 : memref<!tpu.dma_semaphore, #tpu.memory_space<semaphore_mem>>) src(%dma_wait3A_2014 : memref<80xi32, #tpu.memory_space<hbm>>) dst(%arg19 : memref<80xi32, #tpu.memory_space<vmem>>)
      %dma_start3A_2015 = arith.constant 0 : i32
      %dma_start3A_2016 = arith.constant 0 : i32
      %dma_start3A_2017 = tpu.memref_slice %arg14[%dma_start3A_2015, %dma_start3A_2016] : memref<10240x128xf32, #tpu.memory_space<vmem_shared>> -> memref<10240x128xf32, #tpu.memory_space<vmem_shared>>
      tpu.enqueue_indirect_dma source(%arg16 : memref<80x128xf32, #tpu.memory_space<vmem>>) target(%dma_start3A_2017 : memref<10240x128xf32, #tpu.memory_space<vmem_shared>>) offsets(%arg19 : memref<80xi32, #tpu.memory_space<vmem>>) semaphore(%arg29 : memref<!tpu.dma_semaphore, #tpu.memory_space<semaphore_mem>>) {add = true}
      %get3A_2018 = arith.constant 0 : index
      %get3A_2019 = tpu.vector_load %arg19[%get3A_2018] {strides = array<i32>} : memref<80xi32, #tpu.memory_space<vmem>>, vector<16xi32>,
      %shift_right_logical3A_2020 = arith.constant 7 : i32
      %shift_right_logical3A_2021 = vector.broadcast %shift_right_logical3A_2020 : i32 to vector<16xi32>
      %shift_right_logical3A_2022 = arith.shrui %get3A_2019, %shift_right_logical3A_2021 : vector<16xi32>
      %and3A_2023 = arith.constant 127 : i32
      %and3A_2024 = vector.broadcast %and3A_2023 : i32 to vector<16xi32>
      %and3A_2025 = arith.andi %get3A_2019, %and3A_2024 : vector<16xi32>
      %broadcast_in_dim3A_2026 = arith.constant 1.000000e+00 : f32
      %broadcast_in_dim3A_2027 = vector.broadcast %broadcast_in_dim3A_2026 : f32 to vector<16xf32>
      tpu.vector_store_idx %arg21[%shift_right_logical3A_2022, %and3A_2025], %broadcast_in_dim3A_2027 {add = true} : memref<80x128xf32, #tpu.memory_space<vmem>>[vector<16xi32>, vector<16xi32>], vector<16xf32>,
      %get3A_2028 = arith.constant 16 : index
      %get3A_2029 = tpu.vector_load %arg19[%get3A_2028] {strides = array<i32>} : memref<80xi32, #tpu.memory_space<vmem>>, vector<16xi32>,
      %shift_right_logical3A_2030 = arith.constant 7 : i32
      %shift_right_logical3A_2031 = vector.broadcast %shift_right_logical3A_2030 : i32 to vector<16xi32>
      %shift_right_logical3A_2032 = arith.shrui %get3A_2029, %shift_right_logical3A_2031 : vector<16xi32>
      %and3A_2033 = arith.constant 127 : i32
      %and3A_2034 = vector.broadcast %and3A_2033 : i32 to vector<16xi32>
      %and3A_2035 = arith.andi %get3A_2029, %and3A_2034 : vector<16xi32>
      %broadcast_in_dim3A_2036 = arith.constant 1.000000e+00 : f32
      %broadcast_in_dim3A_2037 = vector.broadcast %broadcast_in_dim3A_2036 : f32 to vector<16xf32>
      tpu.vector_store_idx %arg21[%shift_right_logical3A_2032, %and3A_2035], %broadcast_in_dim3A_2037 {add = true} : memref<80x128xf32, #tpu.memory_space<vmem>>[vector<16xi32>, vector<16xi32>], vector<16xf32>,
      %get3A_2038 = arith.constant 32 : index
      %get3A_2039 = tpu.vector_load %arg19[%get3A_2038] {strides = array<i32>} : memref<80xi32, #tpu.memory_space<vmem>>, vector<16xi32>,
      %shift_right_logical3A_2040 = arith.constant 7 : i32
      %shift_right_logical3A_2041 = vector.broadcast %shift_right_logical3A_2040 : i32 to vector<16xi32>
      %shift_right_logical3A_2042 = arith.shrui %get3A_2039, %shift_right_logical3A_2041 : vector<16xi32>
      %and3A_2043 = arith.constant 127 : i32
      %and3A_2044 = vector.broadcast %and3A_2043 : i32 to vector<16xi32>
      %and3A_2045 = arith.andi %get3A_2039, %and3A_2044 : vector<16xi32>
      %broadcast_in_dim3A_2046 = arith.constant 1.000000e+00 : f32
      %broadcast_in_dim3A_2047 = vector.broadcast %broadcast_in_dim3A_2046 : f32 to vector<16xf32>
      tpu.vector_store_idx %arg21[%shift_right_logical3A_2042, %and3A_2045], %broadcast_in_dim3A_2047 {add = true} : memref<80x128xf32, #tpu.memory_space<vmem>>[vector<16xi32>, vector<16xi32>], vector<16xf32>,
      %get3A_2048 = arith.constant 48 : index
      %get3A_2049 = tpu.vector_load %arg19[%get3A_2048] {strides = array<i32>} : memref<80xi32, #tpu.memory_space<vmem>>, vector<16xi32>,
      %shift_right_logical3A_2050 = arith.constant 7 : i32
      %shift_right_logical3A_2051 = vector.broadcast %shift_right_logical3A_2050 : i32 to vector<16xi32>
      %shift_right_logical3A_2052 = arith.shrui %get3A_2049, %shift_right_logical3A_2051 : vector<16xi32>
      %and3A_2053 = arith.constant 127 : i32
      %and3A_2054 = vector.broadcast %and3A_2053 : i32 to vector<16xi32>
      %and3A_2055 = arith.andi %get3A_2049, %and3A_2054 : vector<16xi32>
      %broadcast_in_dim3A_2056 = arith.constant 1.000000e+00 : f32
      %broadcast_in_dim3A_2057 = vector.broadcast %broadcast_in_dim3A_2056 : f32 to vector<16xf32>
      tpu.vector_store_idx %arg21[%shift_right_logical3A_2052, %and3A_2055], %broadcast_in_dim3A_2057 {add = true} : memref<80x128xf32, #tpu.memory_space<vmem>>[vector<16xi32>, vector<16xi32>], vector<16xf32>,
      %get3A_2058 = arith.constant 64 : index
      %get3A_2059 = tpu.vector_load %arg19[%get3A_2058] {strides = array<i32>} : memref<80xi32, #tpu.memory_space<vmem>>, vector<16xi32>,
      %shift_right_logical3A_2060 = arith.constant 7 : i32
      %shift_right_logical3A_2061 = vector.broadcast %shift_right_logical3A_2060 : i32 to vector<16xi32>
      %shift_right_logical3A_2062 = arith.shrui %get3A_2059, %shift_right_logical3A_2061 : vector<16xi32>
      %and3A_2063 = arith.constant 127 : i32
      %and3A_2064 = vector.broadcast %and3A_2063 : i32 to vector<16xi32>
      %and3A_2065 = arith.andi %get3A_2059, %and3A_2064 : vector<16xi32>
      %broadcast_in_dim3A_2066 = arith.constant 1.000000e+00 : f32
      %broadcast_in_dim3A_2067 = vector.broadcast %broadcast_in_dim3A_2066 : f32 to vector<16xf32>
      tpu.vector_store_idx %arg21[%shift_right_logical3A_2062, %and3A_2065], %broadcast_in_dim3A_2067 {add = true} : memref<80x128xf32, #tpu.memory_space<vmem>>[vector<16xi32>, vector<16xi32>], vector<16xf32>,
      %dma_wait3A_2068 = arith.constant 0 : i32
      %dma_wait3A_2069 = arith.constant 0 : i32
      %dma_wait3A_2070 = tpu.memref_slice %arg14[%dma_wait3A_2068, %dma_wait3A_2069] : memref<10240x128xf32, #tpu.memory_space<vmem_shared>> -> memref<10240x128xf32, #tpu.memory_space<vmem_shared>>
      tpu.wait_indirect_dma semaphore(%arg28 : memref<!tpu.dma_semaphore, #tpu.memory_space<semaphore_mem>>) src(%arg15 : memref<80x128xf32, #tpu.memory_space<vmem>>) dst(%dma_wait3A_2070 : memref<10240x128xf32, #tpu.memory_space<vmem_shared>>)
      %add3A_2071 = arith.constant 2 : i32
      %add3A_2072 = arith.addi %add3A_2001, %add3A_2071 : i32
      %mul3A_2073 = arith.constant 32 : i32
      %mul3A_2074 = arith.muli %mul3A_2073, %add3A_2072 : i32
      %add3A_2075 = arith.addi %add3A, %mul3A_2074 : i32
      %mul3A_2076 = arith.constant 80 : i32
      %mul3A_2077 = arith.muli %add3A_2075, %mul3A_2076 : i32
      %dma_start3A_2078 = arith.constant 0 : i32
      %dma_start3A_2079 = tpu.memref_slice %arg6[%mul3A_2077, %dma_start3A_2078] : memref<320000x128xf32, #tpu.memory_space<hbm>> -> memref<80x128xf32, #tpu.memory_space<hbm>>
      %dma_start3A_2080 = arith.constant 0 : i32
      %dma_start3A_2081 = tpu.memref_slice %arg6[%mul3A_2077, %dma_start3A_2080] : memref<320000x128xf32, #tpu.memory_space<hbm>> -> memref<80x128xf32, #tpu.memory_space<hbm>>
      tpu.enqueue_dma source(%dma_start3A_2081 : memref<80x128xf32, #tpu.memory_space<hbm>>) target(%arg15 : memref<80x128xf32, #tpu.memory_space<vmem>>) target_semaphore(%arg22 : memref<!tpu.dma_semaphore, #tpu.memory_space<semaphore_mem>>)
      %mul3A_2082 = arith.constant 80 : i32
      %mul3A_2083 = arith.muli %add3A_2075, %mul3A_2082 : i32
      %dma_start3A_2084 = tpu.memref_slice %arg7[%mul3A_2083] : memref<320000xi32, #tpu.memory_space<hbm>> -> memref<80xi32, #tpu.memory_space<hbm>>
      %dma_start3A_2085 = tpu.memref_slice %arg7[%mul3A_2083] : memref<320000xi32, #tpu.memory_space<hbm>> -> memref<80xi32, #tpu.memory_space<hbm>>
      tpu.enqueue_dma source(%dma_start3A_2085 : memref<80xi32, #tpu.memory_space<hbm>>) target(%arg18 : memref<80xi32, #tpu.memory_space<vmem>>) target_semaphore(%arg25 : memref<!tpu.dma_semaphore, #tpu.memory_space<semaphore_mem>>)
      %mul3A_2086 = arith.constant 3 : i32
      %mul3A_2087 = arith.muli %mul3A_2086, %scan3A_1909 : i32
      %add3A_2088 = arith.constant 2 : i32
      %add3A_2089 = arith.addi %mul3A_2087, %add3A_2088 : i32
      %mul3A_2090 = arith.constant 32 : i32
      %mul3A_2091 = arith.muli %mul3A_2090, %add3A_2089 : i32
      %add3A_2092 = arith.addi %add3A, %mul3A_2091 : i32
      %mul3A_2093 = arith.constant 80 : i32
      %mul3A_2094 = arith.muli %add3A_2092, %mul3A_2093 : i32
      %dma_wait3A_2095 = arith.constant 0 : i32
      %dma_wait3A_2096 = tpu.memref_slice %arg6[%mul3A_2094, %dma_wait3A_2095] : memref<320000x128xf32, #tpu.memory_space<hbm>> -> memref<80x128xf32, #tpu.memory_space<hbm>>
      %dma_wait3A_2097 = arith.constant 0 : i32
      %dma_wait3A_2098 = tpu.memref_slice %arg6[%mul3A_2094, %dma_wait3A_2097] : memref<320000x128xf32, #tpu.memory_space<hbm>> -> memref<80x128xf32, #tpu.memory_space<hbm>>
      tpu.wait_dma2 semaphore(%arg24 : memref<!tpu.dma_semaphore, #tpu.memory_space<semaphore_mem>>) src(%dma_wait3A_2098 : memref<80x128xf32, #tpu.memory_space<hbm>>) dst(%arg17 : memref<80x128xf32, #tpu.memory_space<vmem>>)
      %mul3A_2099 = arith.constant 80 : i32
      %mul3A_2100 = arith.muli %add3A_2092, %mul3A_2099 : i32
      %dma_wait3A_2101 = tpu.memref_slice %arg7[%mul3A_2100] : memref<320000xi32, #tpu.memory_space<hbm>> -> memref<80xi32, #tpu.memory_space<hbm>>
      %dma_wait3A_2102 = tpu.memref_slice %arg7[%mul3A_2100] : memref<320000xi32, #tpu.memory_space<hbm>> -> memref<80xi32, #tpu.memory_space<hbm>>
      tpu.wait_dma2 semaphore(%arg27 : memref<!tpu.dma_semaphore, #tpu.memory_space<semaphore_mem>>) src(%dma_wait3A_2102 : memref<80xi32, #tpu.memory_space<hbm>>) dst(%arg20 : memref<80xi32, #tpu.memory_space<vmem>>)
      %dma_start3A_2103 = arith.constant 0 : i32
      %dma_start3A_2104 = arith.constant 0 : i32
      %dma_start3A_2105 = tpu.memref_slice %arg14[%dma_start3A_2103, %dma_start3A_2104] : memref<10240x128xf32, #tpu.memory_space<vmem_shared>> -> memref<10240x128xf32, #tpu.memory_space<vmem_shared>>
      tpu.enqueue_indirect_dma source(%arg17 : memref<80x128xf32, #tpu.memory_space<vmem>>) target(%dma_start3A_2105 : memref<10240x128xf32, #tpu.memory_space<vmem_shared>>) offsets(%arg20 : memref<80xi32, #tpu.memory_space<vmem>>) semaphore(%arg30 : memref<!tpu.dma_semaphore, #tpu.memory_space<semaphore_mem>>) {add = true}
      %get3A_2106 = arith.constant 0 : index
      %get3A_2107 = tpu.vector_load %arg20[%get3A_2106] {strides = array<i32>} : memref<80xi32, #tpu.memory_space<vmem>>, vector<16xi32>,
      %shift_right_logical3A_2108 = arith.constant 7 : i32
      %shift_right_logical3A_2109 = vector.broadcast %shift_right_logical3A_2108 : i32 to vector<16xi32>
      %shift_right_logical3A_2110 = arith.shrui %get3A_2107, %shift_right_logical3A_2109 : vector<16xi32>
      %and3A_2111 = arith.constant 127 : i32
      %and3A_2112 = vector.broadcast %and3A_2111 : i32 to vector<16xi32>
      %and3A_2113 = arith.andi %get3A_2107, %and3A_2112 : vector<16xi32>
      %broadcast_in_dim3A_2114 = arith.constant 1.000000e+00 : f32
      %broadcast_in_dim3A_2115 = vector.broadcast %broadcast_in_dim3A_2114 : f32 to vector<16xf32>
      tpu.vector_store_idx %arg21[%shift_right_logical3A_2110, %and3A_2113], %broadcast_in_dim3A_2115 {add = true} : memref<80x128xf32, #tpu.memory_space<vmem>>[vector<16xi32>, vector<16xi32>], vector<16xf32>,
      %get3A_2116 = arith.constant 16 : index
      %get3A_2117 = tpu.vector_load %arg20[%get3A_2116] {strides = array<i32>} : memref<80xi32, #tpu.memory_space<vmem>>, vector<16xi32>,
      %shift_right_logical3A_2118 = arith.constant 7 : i32
      %shift_right_logical3A_2119 = vector.broadcast %shift_right_logical3A_2118 : i32 to vector<16xi32>
      %shift_right_logical3A_2120 = arith.shrui %get3A_2117, %shift_right_logical3A_2119 : vector<16xi32>
      %and3A_2121 = arith.constant 127 : i32
      %and3A_2122 = vector.broadcast %and3A_2121 : i32 to vector<16xi32>
      %and3A_2123 = arith.andi %get3A_2117, %and3A_2122 : vector<16xi32>
      %broadcast_in_dim3A_2124 = arith.constant 1.000000e+00 : f32
      %broadcast_in_dim3A_2125 = vector.broadcast %broadcast_in_dim3A_2124 : f32 to vector<16xf32>
      tpu.vector_store_idx %arg21[%shift_right_logical3A_2120, %and3A_2123], %broadcast_in_dim3A_2125 {add = true} : memref<80x128xf32, #tpu.memory_space<vmem>>[vector<16xi32>, vector<16xi32>], vector<16xf32>,
      %get3A_2126 = arith.constant 32 : index
      %get3A_2127 = tpu.vector_load %arg20[%get3A_2126] {strides = array<i32>} : memref<80xi32, #tpu.memory_space<vmem>>, vector<16xi32>,
      %shift_right_logical3A_2128 = arith.constant 7 : i32
      %shift_right_logical3A_2129 = vector.broadcast %shift_right_logical3A_2128 : i32 to vector<16xi32>
      %shift_right_logical3A_2130 = arith.shrui %get3A_2127, %shift_right_logical3A_2129 : vector<16xi32>
      %and3A_2131 = arith.constant 127 : i32
      %and3A_2132 = vector.broadcast %and3A_2131 : i32 to vector<16xi32>
      %and3A_2133 = arith.andi %get3A_2127, %and3A_2132 : vector<16xi32>
      %broadcast_in_dim3A_2134 = arith.constant 1.000000e+00 : f32
      %broadcast_in_dim3A_2135 = vector.broadcast %broadcast_in_dim3A_2134 : f32 to vector<16xf32>
      tpu.vector_store_idx %arg21[%shift_right_logical3A_2130, %and3A_2133], %broadcast_in_dim3A_2135 {add = true} : memref<80x128xf32, #tpu.memory_space<vmem>>[vector<16xi32>, vector<16xi32>], vector<16xf32>,
      %get3A_2136 = arith.constant 48 : index
      %get3A_2137 = tpu.vector_load %arg20[%get3A_2136] {strides = array<i32>} : memref<80xi32, #tpu.memory_space<vmem>>, vector<16xi32>,
      %shift_right_logical3A_2138 = arith.constant 7 : i32
      %shift_right_logical3A_2139 = vector.broadcast %shift_right_logical3A_2138 : i32 to vector<16xi32>
      %shift_right_logical3A_2140 = arith.shrui %get3A_2137, %shift_right_logical3A_2139 : vector<16xi32>
      %and3A_2141 = arith.constant 127 : i32
      %and3A_2142 = vector.broadcast %and3A_2141 : i32 to vector<16xi32>
      %and3A_2143 = arith.andi %get3A_2137, %and3A_2142 : vector<16xi32>
      %broadcast_in_dim3A_2144 = arith.constant 1.000000e+00 : f32
      %broadcast_in_dim3A_2145 = vector.broadcast %broadcast_in_dim3A_2144 : f32 to vector<16xf32>
      tpu.vector_store_idx %arg21[%shift_right_logical3A_2140, %and3A_2143], %broadcast_in_dim3A_2145 {add = true} : memref<80x128xf32, #tpu.memory_space<vmem>>[vector<16xi32>, vector<16xi32>], vector<16xf32>,
      %get3A_2146 = arith.constant 64 : index
      %get3A_2147 = tpu.vector_load %arg20[%get3A_2146] {strides = array<i32>} : memref<80xi32, #tpu.memory_space<vmem>>, vector<16xi32>,
      %shift_right_logical3A_2148 = arith.constant 7 : i32
      %shift_right_logical3A_2149 = vector.broadcast %shift_right_logical3A_2148 : i32 to vector<16xi32>
      %shift_right_logical3A_2150 = arith.shrui %get3A_2147, %shift_right_logical3A_2149 : vector<16xi32>
      %and3A_2151 = arith.constant 127 : i32
      %and3A_2152 = vector.broadcast %and3A_2151 : i32 to vector<16xi32>
      %and3A_2153 = arith.andi %get3A_2147, %and3A_2152 : vector<16xi32>
      %broadcast_in_dim3A_2154 = arith.constant 1.000000e+00 : f32
      %broadcast_in_dim3A_2155 = vector.broadcast %broadcast_in_dim3A_2154 : f32 to vector<16xf32>
      tpu.vector_store_idx %arg21[%shift_right_logical3A_2150, %and3A_2153], %broadcast_in_dim3A_2155 {add = true} : memref<80x128xf32, #tpu.memory_space<vmem>>[vector<16xi32>, vector<16xi32>], vector<16xf32>,
      %dma_wait3A_2156 = arith.constant 0 : i32
      %dma_wait3A_2157 = arith.constant 0 : i32
      %dma_wait3A_2158 = tpu.memref_slice %arg14[%dma_wait3A_2156, %dma_wait3A_2157] : memref<10240x128xf32, #tpu.memory_space<vmem_shared>> -> memref<10240x128xf32, #tpu.memory_space<vmem_shared>>
      tpu.wait_indirect_dma semaphore(%arg29 : memref<!tpu.dma_semaphore, #tpu.memory_space<semaphore_mem>>) src(%arg16 : memref<80x128xf32, #tpu.memory_space<vmem>>) dst(%dma_wait3A_2158 : memref<10240x128xf32, #tpu.memory_space<vmem_shared>>)
      %add3A_2159 = arith.constant 2 : i32
      %add3A_2160 = arith.addi %add3A_2089, %add3A_2159 : i32
      %mul3A_2161 = arith.constant 32 : i32
      %mul3A_2162 = arith.muli %mul3A_2161, %add3A_2160 : i32
      %add3A_2163 = arith.addi %add3A, %mul3A_2162 : i32
      %mul3A_2164 = arith.constant 80 : i32
      %mul3A_2165 = arith.muli %add3A_2163, %mul3A_2164 : i32
      %dma_start3A_2166 = arith.constant 0 : i32
      %dma_start3A_2167 = tpu.memref_slice %arg6[%mul3A_2165, %dma_start3A_2166] : memref<320000x128xf32, #tpu.memory_space<hbm>> -> memref<80x128xf32, #tpu.memory_space<hbm>>
      %dma_start3A_2168 = arith.constant 0 : i32
      %dma_start3A_2169 = tpu.memref_slice %arg6[%mul3A_2165, %dma_start3A_2168] : memref<320000x128xf32, #tpu.memory_space<hbm>> -> memref<80x128xf32, #tpu.memory_space<hbm>>
      tpu.enqueue_dma source(%dma_start3A_2169 : memref<80x128xf32, #tpu.memory_space<hbm>>) target(%arg16 : memref<80x128xf32, #tpu.memory_space<vmem>>) target_semaphore(%arg23 : memref<!tpu.dma_semaphore, #tpu.memory_space<semaphore_mem>>)
      %mul3A_2170 = arith.constant 80 : i32
      %mul3A_2171 = arith.muli %add3A_2163, %mul3A_2170 : i32
      %dma_start3A_2172 = tpu.memref_slice %arg7[%mul3A_2171] : memref<320000xi32, #tpu.memory_space<hbm>> -> memref<80xi32, #tpu.memory_space<hbm>>
      %dma_start3A_2173 = tpu.memref_slice %arg7[%mul3A_2171] : memref<320000xi32, #tpu.memory_space<hbm>> -> memref<80xi32, #tpu.memory_space<hbm>>
      tpu.enqueue_dma source(%dma_start3A_2173 : memref<80xi32, #tpu.memory_space<hbm>>) target(%arg19 : memref<80xi32, #tpu.memory_space<vmem>>) target_semaphore(%arg26 : memref<!tpu.dma_semaphore, #tpu.memory_space<semaphore_mem>>)
    }
    %scan3A_1640 = arith.constant 40 : i32
    %add3A_1641 = arith.constant 3936 : i32
    %add3A_1642 = arith.addi %add3A, %add3A_1641 : i32
    %mul3A_1643 = arith.constant 80 : i32
    %mul3A_1644 = arith.muli %add3A_1642, %mul3A_1643 : i32
    %dma_wait3A_1645 = arith.constant 0 : i32
    %dma_wait3A_1646 = tpu.memref_slice %arg6[%mul3A_1644, %dma_wait3A_1645] : memref<320000x128xf32, #tpu.memory_space<hbm>> -> memref<80x128xf32, #tpu.memory_space<hbm>>
    %dma_wait3A_1647 = arith.constant 0 : i32
    %dma_wait3A_1648 = tpu.memref_slice %arg6[%mul3A_1644, %dma_wait3A_1647] : memref<320000x128xf32, #tpu.memory_space<hbm>> -> memref<80x128xf32, #tpu.memory_space<hbm>>
    tpu.wait_dma2 semaphore(%arg22 : memref<!tpu.dma_semaphore, #tpu.memory_space<semaphore_mem>>) src(%dma_wait3A_1648 : memref<80x128xf32, #tpu.memory_space<hbm>>) dst(%arg15 : memref<80x128xf32, #tpu.memory_space<vmem>>)
    %mul3A_1649 = arith.constant 80 : i32
    %mul3A_1650 = arith.muli %add3A_1642, %mul3A_1649 : i32
    %dma_wait3A_1651 = tpu.memref_slice %arg7[%mul3A_1650] : memref<320000xi32, #tpu.memory_space<hbm>> -> memref<80xi32, #tpu.memory_space<hbm>>
    %dma_wait3A_1652 = tpu.memref_slice %arg7[%mul3A_1650] : memref<320000xi32, #tpu.memory_space<hbm>> -> memref<80xi32, #tpu.memory_space<hbm>>
    tpu.wait_dma2 semaphore(%arg25 : memref<!tpu.dma_semaphore, #tpu.memory_space<semaphore_mem>>) src(%dma_wait3A_1652 : memref<80xi32, #tpu.memory_space<hbm>>) dst(%arg18 : memref<80xi32, #tpu.memory_space<vmem>>)
    %dma_start3A_1653 = arith.constant 0 : i32
    %dma_start3A_1654 = arith.constant 0 : i32
    %dma_start3A_1655 = tpu.memref_slice %arg14[%dma_start3A_1653, %dma_start3A_1654] : memref<10240x128xf32, #tpu.memory_space<vmem_shared>> -> memref<10240x128xf32, #tpu.memory_space<vmem_shared>>
    tpu.enqueue_indirect_dma source(%arg15 : memref<80x128xf32, #tpu.memory_space<vmem>>) target(%dma_start3A_1655 : memref<10240x128xf32, #tpu.memory_space<vmem_shared>>) offsets(%arg18 : memref<80xi32, #tpu.memory_space<vmem>>) semaphore(%arg28 : memref<!tpu.dma_semaphore, #tpu.memory_space<semaphore_mem>>) {add = true}
    %get3A_1656 = arith.constant 0 : index
    %get3A_1657 = tpu.vector_load %arg18[%get3A_1656] {strides = array<i32>} : memref<80xi32, #tpu.memory_space<vmem>>, vector<16xi32>,
    %shift_right_logical3A_1658 = arith.constant 7 : i32
    %shift_right_logical3A_1659 = vector.broadcast %shift_right_logical3A_1658 : i32 to vector<16xi32>
    %shift_right_logical3A_1660 = arith.shrui %get3A_1657, %shift_right_logical3A_1659 : vector<16xi32>
    %and3A_1661 = arith.constant 127 : i32
    %and3A_1662 = vector.broadcast %and3A_1661 : i32 to vector<16xi32>
    %and3A_1663 = arith.andi %get3A_1657, %and3A_1662 : vector<16xi32>
    %broadcast_in_dim3A_1664 = arith.constant 1.000000e+00 : f32
    %broadcast_in_dim3A_1665 = vector.broadcast %broadcast_in_dim3A_1664 : f32 to vector<16xf32>
    tpu.vector_store_idx %arg21[%shift_right_logical3A_1660, %and3A_1663], %broadcast_in_dim3A_1665 {add = true} : memref<80x128xf32, #tpu.memory_space<vmem>>[vector<16xi32>, vector<16xi32>], vector<16xf32>,
    %get3A_1666 = arith.constant 16 : index
    %get3A_1667 = tpu.vector_load %arg18[%get3A_1666] {strides = array<i32>} : memref<80xi32, #tpu.memory_space<vmem>>, vector<16xi32>,
    %shift_right_logical3A_1668 = arith.constant 7 : i32
    %shift_right_logical3A_1669 = vector.broadcast %shift_right_logical3A_1668 : i32 to vector<16xi32>
    %shift_right_logical3A_1670 = arith.shrui %get3A_1667, %shift_right_logical3A_1669 : vector<16xi32>
    %and3A_1671 = arith.constant 127 : i32
    %and3A_1672 = vector.broadcast %and3A_1671 : i32 to vector<16xi32>
    %and3A_1673 = arith.andi %get3A_1667, %and3A_1672 : vector<16xi32>
    %broadcast_in_dim3A_1674 = arith.constant 1.000000e+00 : f32
    %broadcast_in_dim3A_1675 = vector.broadcast %broadcast_in_dim3A_1674 : f32 to vector<16xf32>
    tpu.vector_store_idx %arg21[%shift_right_logical3A_1670, %and3A_1673], %broadcast_in_dim3A_1675 {add = true} : memref<80x128xf32, #tpu.memory_space<vmem>>[vector<16xi32>, vector<16xi32>], vector<16xf32>,
    %get3A_1676 = arith.constant 32 : index
    %get3A_1677 = tpu.vector_load %arg18[%get3A_1676] {strides = array<i32>} : memref<80xi32, #tpu.memory_space<vmem>>, vector<16xi32>,
    %shift_right_logical3A_1678 = arith.constant 7 : i32
    %shift_right_logical3A_1679 = vector.broadcast %shift_right_logical3A_1678 : i32 to vector<16xi32>
    %shift_right_logical3A_1680 = arith.shrui %get3A_1677, %shift_right_logical3A_1679 : vector<16xi32>
    %and3A_1681 = arith.constant 127 : i32
    %and3A_1682 = vector.broadcast %and3A_1681 : i32 to vector<16xi32>
    %and3A_1683 = arith.andi %get3A_1677, %and3A_1682 : vector<16xi32>
    %broadcast_in_dim3A_1684 = arith.constant 1.000000e+00 : f32
    %broadcast_in_dim3A_1685 = vector.broadcast %broadcast_in_dim3A_1684 : f32 to vector<16xf32>
    tpu.vector_store_idx %arg21[%shift_right_logical3A_1680, %and3A_1683], %broadcast_in_dim3A_1685 {add = true} : memref<80x128xf32, #tpu.memory_space<vmem>>[vector<16xi32>, vector<16xi32>], vector<16xf32>,
    %get3A_1686 = arith.constant 48 : index
    %get3A_1687 = tpu.vector_load %arg18[%get3A_1686] {strides = array<i32>} : memref<80xi32, #tpu.memory_space<vmem>>, vector<16xi32>,
    %shift_right_logical3A_1688 = arith.constant 7 : i32
    %shift_right_logical3A_1689 = vector.broadcast %shift_right_logical3A_1688 : i32 to vector<16xi32>
    %shift_right_logical3A_1690 = arith.shrui %get3A_1687, %shift_right_logical3A_1689 : vector<16xi32>
    %and3A_1691 = arith.constant 127 : i32
    %and3A_1692 = vector.broadcast %and3A_1691 : i32 to vector<16xi32>
    %and3A_1693 = arith.andi %get3A_1687, %and3A_1692 : vector<16xi32>
    %broadcast_in_dim3A_1694 = arith.constant 1.000000e+00 : f32
    %broadcast_in_dim3A_1695 = vector.broadcast %broadcast_in_dim3A_1694 : f32 to vector<16xf32>
    tpu.vector_store_idx %arg21[%shift_right_logical3A_1690, %and3A_1693], %broadcast_in_dim3A_1695 {add = true} : memref<80x128xf32, #tpu.memory_space<vmem>>[vector<16xi32>, vector<16xi32>], vector<16xf32>,
    %get3A_1696 = arith.constant 64 : index
    %get3A_1697 = tpu.vector_load %arg18[%get3A_1696] {strides = array<i32>} : memref<80xi32, #tpu.memory_space<vmem>>, vector<16xi32>,
    %shift_right_logical3A_1698 = arith.constant 7 : i32
    %shift_right_logical3A_1699 = vector.broadcast %shift_right_logical3A_1698 : i32 to vector<16xi32>
    %shift_right_logical3A_1700 = arith.shrui %get3A_1697, %shift_right_logical3A_1699 : vector<16xi32>
    %and3A_1701 = arith.constant 127 : i32
    %and3A_1702 = vector.broadcast %and3A_1701 : i32 to vector<16xi32>
    %and3A_1703 = arith.andi %get3A_1697, %and3A_1702 : vector<16xi32>
    %broadcast_in_dim3A_1704 = arith.constant 1.000000e+00 : f32
    %broadcast_in_dim3A_1705 = vector.broadcast %broadcast_in_dim3A_1704 : f32 to vector<16xf32>
    tpu.vector_store_idx %arg21[%shift_right_logical3A_1700, %and3A_1703], %broadcast_in_dim3A_1705 {add = true} : memref<80x128xf32, #tpu.memory_space<vmem>>[vector<16xi32>, vector<16xi32>], vector<16xf32>,
    %dma_wait3A_1706 = arith.constant 0 : i32
    %dma_wait3A_1707 = arith.constant 0 : i32
    %dma_wait3A_1708 = tpu.memref_slice %arg14[%dma_wait3A_1706, %dma_wait3A_1707] : memref<10240x128xf32, #tpu.memory_space<vmem_shared>> -> memref<10240x128xf32, #tpu.memory_space<vmem_shared>>
    tpu.wait_indirect_dma semaphore(%arg30 : memref<!tpu.dma_semaphore, #tpu.memory_space<semaphore_mem>>) src(%arg17 : memref<80x128xf32, #tpu.memory_space<vmem>>) dst(%dma_wait3A_1708 : memref<10240x128xf32, #tpu.memory_space<vmem_shared>>)
    %add3A_1709 = arith.constant 3968 : i32
    %add3A_1710 = arith.addi %add3A, %add3A_1709 : i32
    %mul3A_1711 = arith.constant 80 : i32
    %mul3A_1712 = arith.muli %add3A_1710, %mul3A_1711 : i32
    %dma_wait3A_1713 = arith.constant 0 : i32
    %dma_wait3A_1714 = tpu.memref_slice %arg6[%mul3A_1712, %dma_wait3A_1713] : memref<320000x128xf32, #tpu.memory_space<hbm>> -> memref<80x128xf32, #tpu.memory_space<hbm>>
    %dma_wait3A_1715 = arith.constant 0 : i32
    %dma_wait3A_1716 = tpu.memref_slice %arg6[%mul3A_1712, %dma_wait3A_1715] : memref<320000x128xf32, #tpu.memory_space<hbm>> -> memref<80x128xf32, #tpu.memory_space<hbm>>
    tpu.wait_dma2 semaphore(%arg23 : memref<!tpu.dma_semaphore, #tpu.memory_space<semaphore_mem>>) src(%dma_wait3A_1716 : memref<80x128xf32, #tpu.memory_space<hbm>>) dst(%arg16 : memref<80x128xf32, #tpu.memory_space<vmem>>)
    %mul3A_1717 = arith.constant 80 : i32
    %mul3A_1718 = arith.muli %add3A_1710, %mul3A_1717 : i32
    %dma_wait3A_1719 = tpu.memref_slice %arg7[%mul3A_1718] : memref<320000xi32, #tpu.memory_space<hbm>> -> memref<80xi32, #tpu.memory_space<hbm>>
    %dma_wait3A_1720 = tpu.memref_slice %arg7[%mul3A_1718] : memref<320000xi32, #tpu.memory_space<hbm>> -> memref<80xi32, #tpu.memory_space<hbm>>
    tpu.wait_dma2 semaphore(%arg26 : memref<!tpu.dma_semaphore, #tpu.memory_space<semaphore_mem>>) src(%dma_wait3A_1720 : memref<80xi32, #tpu.memory_space<hbm>>) dst(%arg19 : memref<80xi32, #tpu.memory_space<vmem>>)
    %dma_start3A_1721 = arith.constant 0 : i32
    %dma_start3A_1722 = arith.constant 0 : i32
    %dma_start3A_1723 = tpu.memref_slice %arg14[%dma_start3A_1721, %dma_start3A_1722] : memref<10240x128xf32, #tpu.memory_space<vmem_shared>> -> memref<10240x128xf32, #tpu.memory_space<vmem_shared>>
    tpu.enqueue_indirect_dma source(%arg16 : memref<80x128xf32, #tpu.memory_space<vmem>>) target(%dma_start3A_1723 : memref<10240x128xf32, #tpu.memory_space<vmem_shared>>) offsets(%arg19 : memref<80xi32, #tpu.memory_space<vmem>>) semaphore(%arg29 : memref<!tpu.dma_semaphore, #tpu.memory_space<semaphore_mem>>) {add = true}
    %get3A_1724 = arith.constant 0 : index
    %get3A_1725 = tpu.vector_load %arg19[%get3A_1724] {strides = array<i32>} : memref<80xi32, #tpu.memory_space<vmem>>, vector<16xi32>,
    %shift_right_logical3A_1726 = arith.constant 7 : i32
    %shift_right_logical3A_1727 = vector.broadcast %shift_right_logical3A_1726 : i32 to vector<16xi32>
    %shift_right_logical3A_1728 = arith.shrui %get3A_1725, %shift_right_logical3A_1727 : vector<16xi32>
    %and3A_1729 = arith.constant 127 : i32
    %and3A_1730 = vector.broadcast %and3A_1729 : i32 to vector<16xi32>
    %and3A_1731 = arith.andi %get3A_1725, %and3A_1730 : vector<16xi32>
    %broadcast_in_dim3A_1732 = arith.constant 1.000000e+00 : f32
    %broadcast_in_dim3A_1733 = vector.broadcast %broadcast_in_dim3A_1732 : f32 to vector<16xf32>
    tpu.vector_store_idx %arg21[%shift_right_logical3A_1728, %and3A_1731], %broadcast_in_dim3A_1733 {add = true} : memref<80x128xf32, #tpu.memory_space<vmem>>[vector<16xi32>, vector<16xi32>], vector<16xf32>,
    %get3A_1734 = arith.constant 16 : index
    %get3A_1735 = tpu.vector_load %arg19[%get3A_1734] {strides = array<i32>} : memref<80xi32, #tpu.memory_space<vmem>>, vector<16xi32>,
    %shift_right_logical3A_1736 = arith.constant 7 : i32
    %shift_right_logical3A_1737 = vector.broadcast %shift_right_logical3A_1736 : i32 to vector<16xi32>
    %shift_right_logical3A_1738 = arith.shrui %get3A_1735, %shift_right_logical3A_1737 : vector<16xi32>
    %and3A_1739 = arith.constant 127 : i32
    %and3A_1740 = vector.broadcast %and3A_1739 : i32 to vector<16xi32>
    %and3A_1741 = arith.andi %get3A_1735, %and3A_1740 : vector<16xi32>
    %broadcast_in_dim3A_1742 = arith.constant 1.000000e+00 : f32
    %broadcast_in_dim3A_1743 = vector.broadcast %broadcast_in_dim3A_1742 : f32 to vector<16xf32>
    tpu.vector_store_idx %arg21[%shift_right_logical3A_1738, %and3A_1741], %broadcast_in_dim3A_1743 {add = true} : memref<80x128xf32, #tpu.memory_space<vmem>>[vector<16xi32>, vector<16xi32>], vector<16xf32>,
    %get3A_1744 = arith.constant 32 : index
    %get3A_1745 = tpu.vector_load %arg19[%get3A_1744] {strides = array<i32>} : memref<80xi32, #tpu.memory_space<vmem>>, vector<16xi32>,
    %shift_right_logical3A_1746 = arith.constant 7 : i32
    %shift_right_logical3A_1747 = vector.broadcast %shift_right_logical3A_1746 : i32 to vector<16xi32>
    %shift_right_logical3A_1748 = arith.shrui %get3A_1745, %shift_right_logical3A_1747 : vector<16xi32>
    %and3A_1749 = arith.constant 127 : i32
    %and3A_1750 = vector.broadcast %and3A_1749 : i32 to vector<16xi32>
    %and3A_1751 = arith.andi %get3A_1745, %and3A_1750 : vector<16xi32>
    %broadcast_in_dim3A_1752 = arith.constant 1.000000e+00 : f32
    %broadcast_in_dim3A_1753 = vector.broadcast %broadcast_in_dim3A_1752 : f32 to vector<16xf32>
    tpu.vector_store_idx %arg21[%shift_right_logical3A_1748, %and3A_1751], %broadcast_in_dim3A_1753 {add = true} : memref<80x128xf32, #tpu.memory_space<vmem>>[vector<16xi32>, vector<16xi32>], vector<16xf32>,
    %get3A_1754 = arith.constant 48 : index
    %get3A_1755 = tpu.vector_load %arg19[%get3A_1754] {strides = array<i32>} : memref<80xi32, #tpu.memory_space<vmem>>, vector<16xi32>,
    %shift_right_logical3A_1756 = arith.constant 7 : i32
    %shift_right_logical3A_1757 = vector.broadcast %shift_right_logical3A_1756 : i32 to vector<16xi32>
    %shift_right_logical3A_1758 = arith.shrui %get3A_1755, %shift_right_logical3A_1757 : vector<16xi32>
    %and3A_1759 = arith.constant 127 : i32
    %and3A_1760 = vector.broadcast %and3A_1759 : i32 to vector<16xi32>
    %and3A_1761 = arith.andi %get3A_1755, %and3A_1760 : vector<16xi32>
    %broadcast_in_dim3A_1762 = arith.constant 1.000000e+00 : f32
    %broadcast_in_dim3A_1763 = vector.broadcast %broadcast_in_dim3A_1762 : f32 to vector<16xf32>
    tpu.vector_store_idx %arg21[%shift_right_logical3A_1758, %and3A_1761], %broadcast_in_dim3A_1763 {add = true} : memref<80x128xf32, #tpu.memory_space<vmem>>[vector<16xi32>, vector<16xi32>], vector<16xf32>,
    %get3A_1764 = arith.constant 64 : index
    %get3A_1765 = tpu.vector_load %arg19[%get3A_1764] {strides = array<i32>} : memref<80xi32, #tpu.memory_space<vmem>>, vector<16xi32>,
    %shift_right_logical3A_1766 = arith.constant 7 : i32
    %shift_right_logical3A_1767 = vector.broadcast %shift_right_logical3A_1766 : i32 to vector<16xi32>
    %shift_right_logical3A_1768 = arith.shrui %get3A_1765, %shift_right_logical3A_1767 : vector<16xi32>
    %and3A_1769 = arith.constant 127 : i32
    %and3A_1770 = vector.broadcast %and3A_1769 : i32 to vector<16xi32>
    %and3A_1771 = arith.andi %get3A_1765, %and3A_1770 : vector<16xi32>
    %broadcast_in_dim3A_1772 = arith.constant 1.000000e+00 : f32
    %broadcast_in_dim3A_1773 = vector.broadcast %broadcast_in_dim3A_1772 : f32 to vector<16xf32>
    tpu.vector_store_idx %arg21[%shift_right_logical3A_1768, %and3A_1771], %broadcast_in_dim3A_1773 {add = true} : memref<80x128xf32, #tpu.memory_space<vmem>>[vector<16xi32>, vector<16xi32>], vector<16xf32>,
    %dma_wait3A_1774 = arith.constant 0 : i32
    %dma_wait3A_1775 = arith.constant 0 : i32
    %dma_wait3A_1776 = tpu.memref_slice %arg14[%dma_wait3A_1774, %dma_wait3A_1775] : memref<10240x128xf32, #tpu.memory_space<vmem_shared>> -> memref<10240x128xf32, #tpu.memory_space<vmem_shared>>
    tpu.wait_indirect_dma semaphore(%arg28 : memref<!tpu.dma_semaphore, #tpu.memory_space<semaphore_mem>>) src(%arg15 : memref<80x128xf32, #tpu.memory_space<vmem>>) dst(%dma_wait3A_1776 : memref<10240x128xf32, #tpu.memory_space<vmem_shared>>)
    %dma_wait3A_1777 = arith.constant 0 : i32
    %dma_wait3A_1778 = arith.constant 0 : i32
    %dma_wait3A_1779 = tpu.memref_slice %arg14[%dma_wait3A_1777, %dma_wait3A_1778] : memref<10240x128xf32, #tpu.memory_space<vmem_shared>> -> memref<10240x128xf32, #tpu.memory_space<vmem_shared>>
    tpu.wait_indirect_dma semaphore(%arg29 : memref<!tpu.dma_semaphore, #tpu.memory_space<semaphore_mem>>) src(%arg16 : memref<80x128xf32, #tpu.memory_space<vmem>>) dst(%dma_wait3A_1779 : memref<10240x128xf32, #tpu.memory_space<vmem_shared>>)
    %barrier3A_1780 = arith.constant 0 : index
    tpu.barrier barrier_id(%barrier3A_1780)
    %add3A_1781 = arith.constant 0 : i32
    %add3A_1782 = arith.addi %mul3A_2, %add3A_1781 : i32
    "tpu.region"() ({
      %run_scoped3A = tpu.sem_alloc : memref<!tpu.dma_semaphore, #tpu.memory_space<semaphore_mem>>
      %dma_start3A_1909 = arith.constant 0 : i32
      %dma_start3A_1910 = tpu.memref_slice %arg14[%add3A_1782, %dma_start3A_1909] : memref<10240x128xf32, #tpu.memory_space<vmem_shared>> -> memref<80x128xf32, #tpu.memory_space<vmem_shared>>
      %dma_start3A_1911 = arith.constant 0 : i32
      %dma_start3A_1912 = tpu.memref_slice %arg14[%add3A_1782, %dma_start3A_1911] : memref<10240x128xf32, #tpu.memory_space<vmem_shared>> -> memref<80x128xf32, #tpu.memory_space<vmem_shared>>
      tpu.enqueue_dma source(%dma_start3A_1912 : memref<80x128xf32, #tpu.memory_space<vmem_shared>>) target(%arg15 : memref<80x128xf32, #tpu.memory_space<vmem>>) target_semaphore(%run_scoped3A : memref<!tpu.dma_semaphore, #tpu.memory_space<semaphore_mem>>)
      %dma_wait3A_1913 = arith.constant 0 : i32
      %dma_wait3A_1914 = tpu.memref_slice %arg14[%add3A_1782, %dma_wait3A_1913] : memref<10240x128xf32, #tpu.memory_space<vmem_shared>> -> memref<80x128xf32, #tpu.memory_space<vmem_shared>>
      %dma_wait3A_1915 = arith.constant 0 : i32
      %dma_wait3A_1916 = tpu.memref_slice %arg14[%add3A_1782, %dma_wait3A_1915] : memref<10240x128xf32, #tpu.memory_space<vmem_shared>> -> memref<80x128xf32, #tpu.memory_space<vmem_shared>>
      tpu.wait_dma2 semaphore(%run_scoped3A : memref<!tpu.dma_semaphore, #tpu.memory_space<semaphore_mem>>) src(%dma_wait3A_1916 : memref<80x128xf32, #tpu.memory_space<vmem_shared>>) dst(%arg15 : memref<80x128xf32, #tpu.memory_space<vmem>>)
      tpu.yield
    }) : () -> ()
    %dma_start3A_1783 = arith.constant 0 : i32
    %dma_start3A_1784 = tpu.memref_slice %arg12[%arg0, %add3A_1782, %dma_start3A_1783] : memref<2x10240x128xf32, #tpu.memory_space<hbm>> -> memref<1x80x128xf32, #tpu.memory_space<hbm>>
    %dma_start3A_1785 = tpu.memref_squeeze %dma_start3A_1784 : memref<1x80x128xf32, #tpu.memory_space<hbm>> -> memref<80x128xf32, #tpu.memory_space<hbm>>
    %dma_start3A_1786 = arith.constant 0 : i32
    %dma_start3A_1787 = tpu.memref_slice %arg12[%arg0, %add3A_1782, %dma_start3A_1786] : memref<2x10240x128xf32, #tpu.memory_space<hbm>> -> memref<1x80x128xf32, #tpu.memory_space<hbm>>
    %dma_start3A_1788 = tpu.memref_squeeze %dma_start3A_1787 : memref<1x80x128xf32, #tpu.memory_space<hbm>> -> memref<80x128xf32, #tpu.memory_space<hbm>>
    tpu.enqueue_dma source(%arg15 : memref<80x128xf32, #tpu.memory_space<vmem>>) target(%dma_start3A_1788 : memref<80x128xf32, #tpu.memory_space<hbm>>) target_semaphore(%arg22 : memref<!tpu.dma_semaphore, #tpu.memory_space<semaphore_mem>>)
    %add3A_1789 = arith.constant 80 : i32
    %add3A_1790 = arith.addi %mul3A_2, %add3A_1789 : i32
    "tpu.region"() ({
      %run_scoped3A = tpu.sem_alloc : memref<!tpu.dma_semaphore, #tpu.memory_space<semaphore_mem>>
      %dma_start3A_1909 = arith.constant 0 : i32
      %dma_start3A_1910 = tpu.memref_slice %arg14[%add3A_1790, %dma_start3A_1909] : memref<10240x128xf32, #tpu.memory_space<vmem_shared>> -> memref<80x128xf32, #tpu.memory_space<vmem_shared>>
      %dma_start3A_1911 = arith.constant 0 : i32
      %dma_start3A_1912 = tpu.memref_slice %arg14[%add3A_1790, %dma_start3A_1911] : memref<10240x128xf32, #tpu.memory_space<vmem_shared>> -> memref<80x128xf32, #tpu.memory_space<vmem_shared>>
      tpu.enqueue_dma source(%dma_start3A_1912 : memref<80x128xf32, #tpu.memory_space<vmem_shared>>) target(%arg16 : memref<80x128xf32, #tpu.memory_space<vmem>>) target_semaphore(%run_scoped3A : memref<!tpu.dma_semaphore, #tpu.memory_space<semaphore_mem>>)
      %dma_wait3A_1913 = arith.constant 0 : i32
      %dma_wait3A_1914 = tpu.memref_slice %arg14[%add3A_1790, %dma_wait3A_1913] : memref<10240x128xf32, #tpu.memory_space<vmem_shared>> -> memref<80x128xf32, #tpu.memory_space<vmem_shared>>
      %dma_wait3A_1915 = arith.constant 0 : i32
      %dma_wait3A_1916 = tpu.memref_slice %arg14[%add3A_1790, %dma_wait3A_1915] : memref<10240x128xf32, #tpu.memory_space<vmem_shared>> -> memref<80x128xf32, #tpu.memory_space<vmem_shared>>
      tpu.wait_dma2 semaphore(%run_scoped3A : memref<!tpu.dma_semaphore, #tpu.memory_space<semaphore_mem>>) src(%dma_wait3A_1916 : memref<80x128xf32, #tpu.memory_space<vmem_shared>>) dst(%arg16 : memref<80x128xf32, #tpu.memory_space<vmem>>)
      tpu.yield
    }) : () -> ()
    %dma_start3A_1791 = arith.constant 0 : i32
    %dma_start3A_1792 = tpu.memref_slice %arg12[%arg0, %add3A_1790, %dma_start3A_1791] : memref<2x10240x128xf32, #tpu.memory_space<hbm>> -> memref<1x80x128xf32, #tpu.memory_space<hbm>>
    %dma_start3A_1793 = tpu.memref_squeeze %dma_start3A_1792 : memref<1x80x128xf32, #tpu.memory_space<hbm>> -> memref<80x128xf32, #tpu.memory_space<hbm>>
    %dma_start3A_1794 = arith.constant 0 : i32
    %dma_start3A_1795 = tpu.memref_slice %arg12[%arg0, %add3A_1790, %dma_start3A_1794] : memref<2x10240x128xf32, #tpu.memory_space<hbm>> -> memref<1x80x128xf32, #tpu.memory_space<hbm>>
    %dma_start3A_1796 = tpu.memref_squeeze %dma_start3A_1795 : memref<1x80x128xf32, #tpu.memory_space<hbm>> -> memref<80x128xf32, #tpu.memory_space<hbm>>
    tpu.enqueue_dma source(%arg16 : memref<80x128xf32, #tpu.memory_space<vmem>>) target(%dma_start3A_1796 : memref<80x128xf32, #tpu.memory_space<hbm>>) target_semaphore(%arg23 : memref<!tpu.dma_semaphore, #tpu.memory_space<semaphore_mem>>)
    %add3A_1797 = arith.constant 160 : i32
    %add3A_1798 = arith.addi %mul3A_2, %add3A_1797 : i32
    %add3A_1799 = arith.constant 0 : i32
    %add3A_1800 = arith.addi %mul3A_2, %add3A_1799 : i32
    %dma_wait3A_1801 = arith.constant 0 : i32
    %dma_wait3A_1802 = tpu.memref_slice %arg12[%arg0, %add3A_1800, %dma_wait3A_1801] : memref<2x10240x128xf32, #tpu.memory_space<hbm>> -> memref<1x80x128xf32, #tpu.memory_space<hbm>>
    %dma_wait3A_1803 = tpu.memref_squeeze %dma_wait3A_1802 : memref<1x80x128xf32, #tpu.memory_space<hbm>> -> memref<80x128xf32, #tpu.memory_space<hbm>>
    %dma_wait3A_1804 = arith.constant 0 : i32
    %dma_wait3A_1805 = tpu.memref_slice %arg12[%arg0, %add3A_1800, %dma_wait3A_1804] : memref<2x10240x128xf32, #tpu.memory_space<hbm>> -> memref<1x80x128xf32, #tpu.memory_space<hbm>>
    %dma_wait3A_1806 = tpu.memref_squeeze %dma_wait3A_1805 : memref<1x80x128xf32, #tpu.memory_space<hbm>> -> memref<80x128xf32, #tpu.memory_space<hbm>>
    tpu.wait_dma2 semaphore(%arg22 : memref<!tpu.dma_semaphore, #tpu.memory_space<semaphore_mem>>) src(%arg15 : memref<80x128xf32, #tpu.memory_space<vmem>>) dst(%dma_wait3A_1806 : memref<80x128xf32, #tpu.memory_space<hbm>>)
    "tpu.region"() ({
      %run_scoped3A = tpu.sem_alloc : memref<!tpu.dma_semaphore, #tpu.memory_space<semaphore_mem>>
      %dma_start3A_1909 = arith.constant 0 : i32
      %dma_start3A_1910 = tpu.memref_slice %arg14[%add3A_1798, %dma_start3A_1909] : memref<10240x128xf32, #tpu.memory_space<vmem_shared>> -> memref<80x128xf32, #tpu.memory_space<vmem_shared>>
      %dma_start3A_1911 = arith.constant 0 : i32
      %dma_start3A_1912 = tpu.memref_slice %arg14[%add3A_1798, %dma_start3A_1911] : memref<10240x128xf32, #tpu.memory_space<vmem_shared>> -> memref<80x128xf32, #tpu.memory_space<vmem_shared>>
      tpu.enqueue_dma source(%dma_start3A_1912 : memref<80x128xf32, #tpu.memory_space<vmem_shared>>) target(%arg15 : memref<80x128xf32, #tpu.memory_space<vmem>>) target_semaphore(%run_scoped3A : memref<!tpu.dma_semaphore, #tpu.memory_space<semaphore_mem>>)
      %dma_wait3A_1913 = arith.constant 0 : i32
      %dma_wait3A_1914 = tpu.memref_slice %arg14[%add3A_1798, %dma_wait3A_1913] : memref<10240x128xf32, #tpu.memory_space<vmem_shared>> -> memref<80x128xf32, #tpu.memory_space<vmem_shared>>
      %dma_wait3A_1915 = arith.constant 0 : i32
      %dma_wait3A_1916 = tpu.memref_slice %arg14[%add3A_1798, %dma_wait3A_1915] : memref<10240x128xf32, #tpu.memory_space<vmem_shared>> -> memref<80x128xf32, #tpu.memory_space<vmem_shared>>
      tpu.wait_dma2 semaphore(%run_scoped3A : memref<!tpu.dma_semaphore, #tpu.memory_space<semaphore_mem>>) src(%dma_wait3A_1916 : memref<80x128xf32, #tpu.memory_space<vmem_shared>>) dst(%arg15 : memref<80x128xf32, #tpu.memory_space<vmem>>)
      tpu.yield
    }) : () -> ()
    %dma_start3A_1807 = arith.constant 0 : i32
    %dma_start3A_1808 = tpu.memref_slice %arg12[%arg0, %add3A_1798, %dma_start3A_1807] : memref<2x10240x128xf32, #tpu.memory_space<hbm>> -> memref<1x80x128xf32, #tpu.memory_space<hbm>>
    %dma_start3A_1809 = tpu.memref_squeeze %dma_start3A_1808 : memref<1x80x128xf32, #tpu.memory_space<hbm>> -> memref<80x128xf32, #tpu.memory_space<hbm>>
    %dma_start3A_1810 = arith.constant 0 : i32
    %dma_start3A_1811 = tpu.memref_slice %arg12[%arg0, %add3A_1798, %dma_start3A_1810] : memref<2x10240x128xf32, #tpu.memory_space<hbm>> -> memref<1x80x128xf32, #tpu.memory_space<hbm>>
    %dma_start3A_1812 = tpu.memref_squeeze %dma_start3A_1811 : memref<1x80x128xf32, #tpu.memory_space<hbm>> -> memref<80x128xf32, #tpu.memory_space<hbm>>
    tpu.enqueue_dma source(%arg15 : memref<80x128xf32, #tpu.memory_space<vmem>>) target(%dma_start3A_1812 : memref<80x128xf32, #tpu.memory_space<hbm>>) target_semaphore(%arg22 : memref<!tpu.dma_semaphore, #tpu.memory_space<semaphore_mem>>)
    %add3A_1813 = arith.constant 240 : i32
    %add3A_1814 = arith.addi %mul3A_2, %add3A_1813 : i32
    %add3A_1815 = arith.constant 80 : i32
    %add3A_1816 = arith.addi %mul3A_2, %add3A_1815 : i32
    %dma_wait3A_1817 = arith.constant 0 : i32
    %dma_wait3A_1818 = tpu.memref_slice %arg12[%arg0, %add3A_1816, %dma_wait3A_1817] : memref<2x10240x128xf32, #tpu.memory_space<hbm>> -> memref<1x80x128xf32, #tpu.memory_space<hbm>>
    %dma_wait3A_1819 = tpu.memref_squeeze %dma_wait3A_1818 : memref<1x80x128xf32, #tpu.memory_space<hbm>> -> memref<80x128xf32, #tpu.memory_space<hbm>>
    %dma_wait3A_1820 = arith.constant 0 : i32
    %dma_wait3A_1821 = tpu.memref_slice %arg12[%arg0, %add3A_1816, %dma_wait3A_1820] : memref<2x10240x128xf32, #tpu.memory_space<hbm>> -> memref<1x80x128xf32, #tpu.memory_space<hbm>>
    %dma_wait3A_1822 = tpu.memref_squeeze %dma_wait3A_1821 : memref<1x80x128xf32, #tpu.memory_space<hbm>> -> memref<80x128xf32, #tpu.memory_space<hbm>>
    tpu.wait_dma2 semaphore(%arg23 : memref<!tpu.dma_semaphore, #tpu.memory_space<semaphore_mem>>) src(%arg16 : memref<80x128xf32, #tpu.memory_space<vmem>>) dst(%dma_wait3A_1822 : memref<80x128xf32, #tpu.memory_space<hbm>>)
    "tpu.region"() ({
      %run_scoped3A = tpu.sem_alloc : memref<!tpu.dma_semaphore, #tpu.memory_space<semaphore_mem>>
      %dma_start3A_1909 = arith.constant 0 : i32
      %dma_start3A_1910 = tpu.memref_slice %arg14[%add3A_1814, %dma_start3A_1909] : memref<10240x128xf32, #tpu.memory_space<vmem_shared>> -> memref<80x128xf32, #tpu.memory_space<vmem_shared>>
      %dma_start3A_1911 = arith.constant 0 : i32
      %dma_start3A_1912 = tpu.memref_slice %arg14[%add3A_1814, %dma_start3A_1911] : memref<10240x128xf32, #tpu.memory_space<vmem_shared>> -> memref<80x128xf32, #tpu.memory_space<vmem_shared>>
      tpu.enqueue_dma source(%dma_start3A_1912 : memref<80x128xf32, #tpu.memory_space<vmem_shared>>) target(%arg16 : memref<80x128xf32, #tpu.memory_space<vmem>>) target_semaphore(%run_scoped3A : memref<!tpu.dma_semaphore, #tpu.memory_space<semaphore_mem>>)
      %dma_wait3A_1913 = arith.constant 0 : i32
      %dma_wait3A_1914 = tpu.memref_slice %arg14[%add3A_1814, %dma_wait3A_1913] : memref<10240x128xf32, #tpu.memory_space<vmem_shared>> -> memref<80x128xf32, #tpu.memory_space<vmem_shared>>
      %dma_wait3A_1915 = arith.constant 0 : i32
      %dma_wait3A_1916 = tpu.memref_slice %arg14[%add3A_1814, %dma_wait3A_1915] : memref<10240x128xf32, #tpu.memory_space<vmem_shared>> -> memref<80x128xf32, #tpu.memory_space<vmem_shared>>
      tpu.wait_dma2 semaphore(%run_scoped3A : memref<!tpu.dma_semaphore, #tpu.memory_space<semaphore_mem>>) src(%dma_wait3A_1916 : memref<80x128xf32, #tpu.memory_space<vmem_shared>>) dst(%arg16 : memref<80x128xf32, #tpu.memory_space<vmem>>)
      tpu.yield
    }) : () -> ()
    %dma_start3A_1823 = arith.constant 0 : i32
    %dma_start3A_1824 = tpu.memref_slice %arg12[%arg0, %add3A_1814, %dma_start3A_1823] : memref<2x10240x128xf32, #tpu.memory_space<hbm>> -> memref<1x80x128xf32, #tpu.memory_space<hbm>>
    %dma_start3A_1825 = tpu.memref_squeeze %dma_start3A_1824 : memref<1x80x128xf32, #tpu.memory_space<hbm>> -> memref<80x128xf32, #tpu.memory_space<hbm>>
    %dma_start3A_1826 = arith.constant 0 : i32
    %dma_start3A_1827 = tpu.memref_slice %arg12[%arg0, %add3A_1814, %dma_start3A_1826] : memref<2x10240x128xf32, #tpu.memory_space<hbm>> -> memref<1x80x128xf32, #tpu.memory_space<hbm>>
    %dma_start3A_1828 = tpu.memref_squeeze %dma_start3A_1827 : memref<1x80x128xf32, #tpu.memory_space<hbm>> -> memref<80x128xf32, #tpu.memory_space<hbm>>
    tpu.enqueue_dma source(%arg16 : memref<80x128xf32, #tpu.memory_space<vmem>>) target(%dma_start3A_1828 : memref<80x128xf32, #tpu.memory_space<hbm>>) target_semaphore(%arg23 : memref<!tpu.dma_semaphore, #tpu.memory_space<semaphore_mem>>)
    %add3A_1829 = arith.constant 320 : i32
    %add3A_1830 = arith.addi %mul3A_2, %add3A_1829 : i32
    %add3A_1831 = arith.constant 160 : i32
    %add3A_1832 = arith.addi %mul3A_2, %add3A_1831 : i32
    %dma_wait3A_1833 = arith.constant 0 : i32
    %dma_wait3A_1834 = tpu.memref_slice %arg12[%arg0, %add3A_1832, %dma_wait3A_1833] : memref<2x10240x128xf32, #tpu.memory_space<hbm>> -> memref<1x80x128xf32, #tpu.memory_space<hbm>>
    %dma_wait3A_1835 = tpu.memref_squeeze %dma_wait3A_1834 : memref<1x80x128xf32, #tpu.memory_space<hbm>> -> memref<80x128xf32, #tpu.memory_space<hbm>>
    %dma_wait3A_1836 = arith.constant 0 : i32
    %dma_wait3A_1837 = tpu.memref_slice %arg12[%arg0, %add3A_1832, %dma_wait3A_1836] : memref<2x10240x128xf32, #tpu.memory_space<hbm>> -> memref<1x80x128xf32, #tpu.memory_space<hbm>>
    %dma_wait3A_1838 = tpu.memref_squeeze %dma_wait3A_1837 : memref<1x80x128xf32, #tpu.memory_space<hbm>> -> memref<80x128xf32, #tpu.memory_space<hbm>>
    tpu.wait_dma2 semaphore(%arg22 : memref<!tpu.dma_semaphore, #tpu.memory_space<semaphore_mem>>) src(%arg15 : memref<80x128xf32, #tpu.memory_space<vmem>>) dst(%dma_wait3A_1838 : memref<80x128xf32, #tpu.memory_space<hbm>>)
    "tpu.region"() ({
      %run_scoped3A = tpu.sem_alloc : memref<!tpu.dma_semaphore, #tpu.memory_space<semaphore_mem>>
      %dma_start3A_1909 = arith.constant 0 : i32
      %dma_start3A_1910 = tpu.memref_slice %arg14[%add3A_1830, %dma_start3A_1909] : memref<10240x128xf32, #tpu.memory_space<vmem_shared>> -> memref<80x128xf32, #tpu.memory_space<vmem_shared>>
      %dma_start3A_1911 = arith.constant 0 : i32
      %dma_start3A_1912 = tpu.memref_slice %arg14[%add3A_1830, %dma_start3A_1911] : memref<10240x128xf32, #tpu.memory_space<vmem_shared>> -> memref<80x128xf32, #tpu.memory_space<vmem_shared>>
      tpu.enqueue_dma source(%dma_start3A_1912 : memref<80x128xf32, #tpu.memory_space<vmem_shared>>) target(%arg15 : memref<80x128xf32, #tpu.memory_space<vmem>>) target_semaphore(%run_scoped3A : memref<!tpu.dma_semaphore, #tpu.memory_space<semaphore_mem>>)
      %dma_wait3A_1913 = arith.constant 0 : i32
      %dma_wait3A_1914 = tpu.memref_slice %arg14[%add3A_1830, %dma_wait3A_1913] : memref<10240x128xf32, #tpu.memory_space<vmem_shared>> -> memref<80x128xf32, #tpu.memory_space<vmem_shared>>
      %dma_wait3A_1915 = arith.constant 0 : i32
      %dma_wait3A_1916 = tpu.memref_slice %arg14[%add3A_1830, %dma_wait3A_1915] : memref<10240x128xf32, #tpu.memory_space<vmem_shared>> -> memref<80x128xf32, #tpu.memory_space<vmem_shared>>
      tpu.wait_dma2 semaphore(%run_scoped3A : memref<!tpu.dma_semaphore, #tpu.memory_space<semaphore_mem>>) src(%dma_wait3A_1916 : memref<80x128xf32, #tpu.memory_space<vmem_shared>>) dst(%arg15 : memref<80x128xf32, #tpu.memory_space<vmem>>)
      tpu.yield
    }) : () -> ()
    %dma_start3A_1839 = arith.constant 0 : i32
    %dma_start3A_1840 = tpu.memref_slice %arg12[%arg0, %add3A_1830, %dma_start3A_1839] : memref<2x10240x128xf32, #tpu.memory_space<hbm>> -> memref<1x80x128xf32, #tpu.memory_space<hbm>>
    %dma_start3A_1841 = tpu.memref_squeeze %dma_start3A_1840 : memref<1x80x128xf32, #tpu.memory_space<hbm>> -> memref<80x128xf32, #tpu.memory_space<hbm>>
    %dma_start3A_1842 = arith.constant 0 : i32
    %dma_start3A_1843 = tpu.memref_slice %arg12[%arg0, %add3A_1830, %dma_start3A_1842] : memref<2x10240x128xf32, #tpu.memory_space<hbm>> -> memref<1x80x128xf32, #tpu.memory_space<hbm>>
    %dma_start3A_1844 = tpu.memref_squeeze %dma_start3A_1843 : memref<1x80x128xf32, #tpu.memory_space<hbm>> -> memref<80x128xf32, #tpu.memory_space<hbm>>
    tpu.enqueue_dma source(%arg15 : memref<80x128xf32, #tpu.memory_space<vmem>>) target(%dma_start3A_1844 : memref<80x128xf32, #tpu.memory_space<hbm>>) target_semaphore(%arg22 : memref<!tpu.dma_semaphore, #tpu.memory_space<semaphore_mem>>)
    %add3A_1845 = arith.constant 400 : i32
    %add3A_1846 = arith.addi %mul3A_2, %add3A_1845 : i32
    %add3A_1847 = arith.constant 240 : i32
    %add3A_1848 = arith.addi %mul3A_2, %add3A_1847 : i32
    %dma_wait3A_1849 = arith.constant 0 : i32
    %dma_wait3A_1850 = tpu.memref_slice %arg12[%arg0, %add3A_1848, %dma_wait3A_1849] : memref<2x10240x128xf32, #tpu.memory_space<hbm>> -> memref<1x80x128xf32, #tpu.memory_space<hbm>>
    %dma_wait3A_1851 = tpu.memref_squeeze %dma_wait3A_1850 : memref<1x80x128xf32, #tpu.memory_space<hbm>> -> memref<80x128xf32, #tpu.memory_space<hbm>>
    %dma_wait3A_1852 = arith.constant 0 : i32
    %dma_wait3A_1853 = tpu.memref_slice %arg12[%arg0, %add3A_1848, %dma_wait3A_1852] : memref<2x10240x128xf32, #tpu.memory_space<hbm>> -> memref<1x80x128xf32, #tpu.memory_space<hbm>>
    %dma_wait3A_1854 = tpu.memref_squeeze %dma_wait3A_1853 : memref<1x80x128xf32, #tpu.memory_space<hbm>> -> memref<80x128xf32, #tpu.memory_space<hbm>>
    tpu.wait_dma2 semaphore(%arg23 : memref<!tpu.dma_semaphore, #tpu.memory_space<semaphore_mem>>) src(%arg16 : memref<80x128xf32, #tpu.memory_space<vmem>>) dst(%dma_wait3A_1854 : memref<80x128xf32, #tpu.memory_space<hbm>>)
    "tpu.region"() ({
      %run_scoped3A = tpu.sem_alloc : memref<!tpu.dma_semaphore, #tpu.memory_space<semaphore_mem>>
      %dma_start3A_1909 = arith.constant 0 : i32
      %dma_start3A_1910 = tpu.memref_slice %arg14[%add3A_1846, %dma_start3A_1909] : memref<10240x128xf32, #tpu.memory_space<vmem_shared>> -> memref<80x128xf32, #tpu.memory_space<vmem_shared>>
      %dma_start3A_1911 = arith.constant 0 : i32
      %dma_start3A_1912 = tpu.memref_slice %arg14[%add3A_1846, %dma_start3A_1911] : memref<10240x128xf32, #tpu.memory_space<vmem_shared>> -> memref<80x128xf32, #tpu.memory_space<vmem_shared>>
      tpu.enqueue_dma source(%dma_start3A_1912 : memref<80x128xf32, #tpu.memory_space<vmem_shared>>) target(%arg16 : memref<80x128xf32, #tpu.memory_space<vmem>>) target_semaphore(%run_scoped3A : memref<!tpu.dma_semaphore, #tpu.memory_space<semaphore_mem>>)
      %dma_wait3A_1913 = arith.constant 0 : i32
      %dma_wait3A_1914 = tpu.memref_slice %arg14[%add3A_1846, %dma_wait3A_1913] : memref<10240x128xf32, #tpu.memory_space<vmem_shared>> -> memref<80x128xf32, #tpu.memory_space<vmem_shared>>
      %dma_wait3A_1915 = arith.constant 0 : i32
      %dma_wait3A_1916 = tpu.memref_slice %arg14[%add3A_1846, %dma_wait3A_1915] : memref<10240x128xf32, #tpu.memory_space<vmem_shared>> -> memref<80x128xf32, #tpu.memory_space<vmem_shared>>
      tpu.wait_dma2 semaphore(%run_scoped3A : memref<!tpu.dma_semaphore, #tpu.memory_space<semaphore_mem>>) src(%dma_wait3A_1916 : memref<80x128xf32, #tpu.memory_space<vmem_shared>>) dst(%arg16 : memref<80x128xf32, #tpu.memory_space<vmem>>)
      tpu.yield
    }) : () -> ()
    %dma_start3A_1855 = arith.constant 0 : i32
    %dma_start3A_1856 = tpu.memref_slice %arg12[%arg0, %add3A_1846, %dma_start3A_1855] : memref<2x10240x128xf32, #tpu.memory_space<hbm>> -> memref<1x80x128xf32, #tpu.memory_space<hbm>>
    %dma_start3A_1857 = tpu.memref_squeeze %dma_start3A_1856 : memref<1x80x128xf32, #tpu.memory_space<hbm>> -> memref<80x128xf32, #tpu.memory_space<hbm>>
    %dma_start3A_1858 = arith.constant 0 : i32
    %dma_start3A_1859 = tpu.memref_slice %arg12[%arg0, %add3A_1846, %dma_start3A_1858] : memref<2x10240x128xf32, #tpu.memory_space<hbm>> -> memref<1x80x128xf32, #tpu.memory_space<hbm>>
    %dma_start3A_1860 = tpu.memref_squeeze %dma_start3A_1859 : memref<1x80x128xf32, #tpu.memory_space<hbm>> -> memref<80x128xf32, #tpu.memory_space<hbm>>
    tpu.enqueue_dma source(%arg16 : memref<80x128xf32, #tpu.memory_space<vmem>>) target(%dma_start3A_1860 : memref<80x128xf32, #tpu.memory_space<hbm>>) target_semaphore(%arg23 : memref<!tpu.dma_semaphore, #tpu.memory_space<semaphore_mem>>)
    %add3A_1861 = arith.constant 480 : i32
    %add3A_1862 = arith.addi %mul3A_2, %add3A_1861 : i32
    %add3A_1863 = arith.constant 320 : i32
    %add3A_1864 = arith.addi %mul3A_2, %add3A_1863 : i32
    %dma_wait3A_1865 = arith.constant 0 : i32
    %dma_wait3A_1866 = tpu.memref_slice %arg12[%arg0, %add3A_1864, %dma_wait3A_1865] : memref<2x10240x128xf32, #tpu.memory_space<hbm>> -> memref<1x80x128xf32, #tpu.memory_space<hbm>>
    %dma_wait3A_1867 = tpu.memref_squeeze %dma_wait3A_1866 : memref<1x80x128xf32, #tpu.memory_space<hbm>> -> memref<80x128xf32, #tpu.memory_space<hbm>>
    %dma_wait3A_1868 = arith.constant 0 : i32
    %dma_wait3A_1869 = tpu.memref_slice %arg12[%arg0, %add3A_1864, %dma_wait3A_1868] : memref<2x10240x128xf32, #tpu.memory_space<hbm>> -> memref<1x80x128xf32, #tpu.memory_space<hbm>>
    %dma_wait3A_1870 = tpu.memref_squeeze %dma_wait3A_1869 : memref<1x80x128xf32, #tpu.memory_space<hbm>> -> memref<80x128xf32, #tpu.memory_space<hbm>>
    tpu.wait_dma2 semaphore(%arg22 : memref<!tpu.dma_semaphore, #tpu.memory_space<semaphore_mem>>) src(%arg15 : memref<80x128xf32, #tpu.memory_space<vmem>>) dst(%dma_wait3A_1870 : memref<80x128xf32, #tpu.memory_space<hbm>>)
    "tpu.region"() ({
      %run_scoped3A = tpu.sem_alloc : memref<!tpu.dma_semaphore, #tpu.memory_space<semaphore_mem>>
      %dma_start3A_1909 = arith.constant 0 : i32
      %dma_start3A_1910 = tpu.memref_slice %arg14[%add3A_1862, %dma_start3A_1909] : memref<10240x128xf32, #tpu.memory_space<vmem_shared>> -> memref<80x128xf32, #tpu.memory_space<vmem_shared>>
      %dma_start3A_1911 = arith.constant 0 : i32
      %dma_start3A_1912 = tpu.memref_slice %arg14[%add3A_1862, %dma_start3A_1911] : memref<10240x128xf32, #tpu.memory_space<vmem_shared>> -> memref<80x128xf32, #tpu.memory_space<vmem_shared>>
      tpu.enqueue_dma source(%dma_start3A_1912 : memref<80x128xf32, #tpu.memory_space<vmem_shared>>) target(%arg15 : memref<80x128xf32, #tpu.memory_space<vmem>>) target_semaphore(%run_scoped3A : memref<!tpu.dma_semaphore, #tpu.memory_space<semaphore_mem>>)
      %dma_wait3A_1913 = arith.constant 0 : i32
      %dma_wait3A_1914 = tpu.memref_slice %arg14[%add3A_1862, %dma_wait3A_1913] : memref<10240x128xf32, #tpu.memory_space<vmem_shared>> -> memref<80x128xf32, #tpu.memory_space<vmem_shared>>
      %dma_wait3A_1915 = arith.constant 0 : i32
      %dma_wait3A_1916 = tpu.memref_slice %arg14[%add3A_1862, %dma_wait3A_1915] : memref<10240x128xf32, #tpu.memory_space<vmem_shared>> -> memref<80x128xf32, #tpu.memory_space<vmem_shared>>
      tpu.wait_dma2 semaphore(%run_scoped3A : memref<!tpu.dma_semaphore, #tpu.memory_space<semaphore_mem>>) src(%dma_wait3A_1916 : memref<80x128xf32, #tpu.memory_space<vmem_shared>>) dst(%arg15 : memref<80x128xf32, #tpu.memory_space<vmem>>)
      tpu.yield
    }) : () -> ()
    %dma_start3A_1871 = arith.constant 0 : i32
    %dma_start3A_1872 = tpu.memref_slice %arg12[%arg0, %add3A_1862, %dma_start3A_1871] : memref<2x10240x128xf32, #tpu.memory_space<hbm>> -> memref<1x80x128xf32, #tpu.memory_space<hbm>>
    %dma_start3A_1873 = tpu.memref_squeeze %dma_start3A_1872 : memref<1x80x128xf32, #tpu.memory_space<hbm>> -> memref<80x128xf32, #tpu.memory_space<hbm>>
    %dma_start3A_1874 = arith.constant 0 : i32
    %dma_start3A_1875 = tpu.memref_slice %arg12[%arg0, %add3A_1862, %dma_start3A_1874] : memref<2x10240x128xf32, #tpu.memory_space<hbm>> -> memref<1x80x128xf32, #tpu.memory_space<hbm>>
    %dma_start3A_1876 = tpu.memref_squeeze %dma_start3A_1875 : memref<1x80x128xf32, #tpu.memory_space<hbm>> -> memref<80x128xf32, #tpu.memory_space<hbm>>
    tpu.enqueue_dma source(%arg15 : memref<80x128xf32, #tpu.memory_space<vmem>>) target(%dma_start3A_1876 : memref<80x128xf32, #tpu.memory_space<hbm>>) target_semaphore(%arg22 : memref<!tpu.dma_semaphore, #tpu.memory_space<semaphore_mem>>)
    %add3A_1877 = arith.constant 560 : i32
    %add3A_1878 = arith.addi %mul3A_2, %add3A_1877 : i32
    %add3A_1879 = arith.constant 400 : i32
    %add3A_1880 = arith.addi %mul3A_2, %add3A_1879 : i32
    %dma_wait3A_1881 = arith.constant 0 : i32
    %dma_wait3A_1882 = tpu.memref_slice %arg12[%arg0, %add3A_1880, %dma_wait3A_1881] : memref<2x10240x128xf32, #tpu.memory_space<hbm>> -> memref<1x80x128xf32, #tpu.memory_space<hbm>>
    %dma_wait3A_1883 = tpu.memref_squeeze %dma_wait3A_1882 : memref<1x80x128xf32, #tpu.memory_space<hbm>> -> memref<80x128xf32, #tpu.memory_space<hbm>>
    %dma_wait3A_1884 = arith.constant 0 : i32
    %dma_wait3A_1885 = tpu.memref_slice %arg12[%arg0, %add3A_1880, %dma_wait3A_1884] : memref<2x10240x128xf32, #tpu.memory_space<hbm>> -> memref<1x80x128xf32, #tpu.memory_space<hbm>>
    %dma_wait3A_1886 = tpu.memref_squeeze %dma_wait3A_1885 : memref<1x80x128xf32, #tpu.memory_space<hbm>> -> memref<80x128xf32, #tpu.memory_space<hbm>>
    tpu.wait_dma2 semaphore(%arg23 : memref<!tpu.dma_semaphore, #tpu.memory_space<semaphore_mem>>) src(%arg16 : memref<80x128xf32, #tpu.memory_space<vmem>>) dst(%dma_wait3A_1886 : memref<80x128xf32, #tpu.memory_space<hbm>>)
    "tpu.region"() ({
      %run_scoped3A = tpu.sem_alloc : memref<!tpu.dma_semaphore, #tpu.memory_space<semaphore_mem>>
      %dma_start3A_1909 = arith.constant 0 : i32
      %dma_start3A_1910 = tpu.memref_slice %arg14[%add3A_1878, %dma_start3A_1909] : memref<10240x128xf32, #tpu.memory_space<vmem_shared>> -> memref<80x128xf32, #tpu.memory_space<vmem_shared>>
      %dma_start3A_1911 = arith.constant 0 : i32
      %dma_start3A_1912 = tpu.memref_slice %arg14[%add3A_1878, %dma_start3A_1911] : memref<10240x128xf32, #tpu.memory_space<vmem_shared>> -> memref<80x128xf32, #tpu.memory_space<vmem_shared>>
      tpu.enqueue_dma source(%dma_start3A_1912 : memref<80x128xf32, #tpu.memory_space<vmem_shared>>) target(%arg16 : memref<80x128xf32, #tpu.memory_space<vmem>>) target_semaphore(%run_scoped3A : memref<!tpu.dma_semaphore, #tpu.memory_space<semaphore_mem>>)
      %dma_wait3A_1913 = arith.constant 0 : i32
      %dma_wait3A_1914 = tpu.memref_slice %arg14[%add3A_1878, %dma_wait3A_1913] : memref<10240x128xf32, #tpu.memory_space<vmem_shared>> -> memref<80x128xf32, #tpu.memory_space<vmem_shared>>
      %dma_wait3A_1915 = arith.constant 0 : i32
      %dma_wait3A_1916 = tpu.memref_slice %arg14[%add3A_1878, %dma_wait3A_1915] : memref<10240x128xf32, #tpu.memory_space<vmem_shared>> -> memref<80x128xf32, #tpu.memory_space<vmem_shared>>
      tpu.wait_dma2 semaphore(%run_scoped3A : memref<!tpu.dma_semaphore, #tpu.memory_space<semaphore_mem>>) src(%dma_wait3A_1916 : memref<80x128xf32, #tpu.memory_space<vmem_shared>>) dst(%arg16 : memref<80x128xf32, #tpu.memory_space<vmem>>)
      tpu.yield
    }) : () -> ()
    %dma_start3A_1887 = arith.constant 0 : i32
    %dma_start3A_1888 = tpu.memref_slice %arg12[%arg0, %add3A_1878, %dma_start3A_1887] : memref<2x10240x128xf32, #tpu.memory_space<hbm>> -> memref<1x80x128xf32, #tpu.memory_space<hbm>>
    %dma_start3A_1889 = tpu.memref_squeeze %dma_start3A_1888 : memref<1x80x128xf32, #tpu.memory_space<hbm>> -> memref<80x128xf32, #tpu.memory_space<hbm>>
    %dma_start3A_1890 = arith.constant 0 : i32
    %dma_start3A_1891 = tpu.memref_slice %arg12[%arg0, %add3A_1878, %dma_start3A_1890] : memref<2x10240x128xf32, #tpu.memory_space<hbm>> -> memref<1x80x128xf32, #tpu.memory_space<hbm>>
    %dma_start3A_1892 = tpu.memref_squeeze %dma_start3A_1891 : memref<1x80x128xf32, #tpu.memory_space<hbm>> -> memref<80x128xf32, #tpu.memory_space<hbm>>
    tpu.enqueue_dma source(%arg16 : memref<80x128xf32, #tpu.memory_space<vmem>>) target(%dma_start3A_1892 : memref<80x128xf32, #tpu.memory_space<hbm>>) target_semaphore(%arg23 : memref<!tpu.dma_semaphore, #tpu.memory_space<semaphore_mem>>)
    %add3A_1893 = arith.constant 480 : i32
    %add3A_1894 = arith.addi %mul3A_2, %add3A_1893 : i32
    %dma_wait3A_1895 = arith.constant 0 : i32
    %dma_wait3A_1896 = tpu.memref_slice %arg12[%arg0, %add3A_1894, %dma_wait3A_1895] : memref<2x10240x128xf32, #tpu.memory_space<hbm>> -> memref<1x80x128xf32, #tpu.memory_space<hbm>>
    %dma_wait3A_1897 = tpu.memref_squeeze %dma_wait3A_1896 : memref<1x80x128xf32, #tpu.memory_space<hbm>> -> memref<80x128xf32, #tpu.memory_space<hbm>>
    %dma_wait3A_1898 = arith.constant 0 : i32
    %dma_wait3A_1899 = tpu.memref_slice %arg12[%arg0, %add3A_1894, %dma_wait3A_1898] : memref<2x10240x128xf32, #tpu.memory_space<hbm>> -> memref<1x80x128xf32, #tpu.memory_space<hbm>>
    %dma_wait3A_1900 = tpu.memref_squeeze %dma_wait3A_1899 : memref<1x80x128xf32, #tpu.memory_space<hbm>> -> memref<80x128xf32, #tpu.memory_space<hbm>>
    tpu.wait_dma2 semaphore(%arg22 : memref<!tpu.dma_semaphore, #tpu.memory_space<semaphore_mem>>) src(%arg15 : memref<80x128xf32, #tpu.memory_space<vmem>>) dst(%dma_wait3A_1900 : memref<80x128xf32, #tpu.memory_space<hbm>>)
    %add3A_1901 = arith.constant 560 : i32
    %add3A_1902 = arith.addi %mul3A_2, %add3A_1901 : i32
    %dma_wait3A_1903 = arith.constant 0 : i32
    %dma_wait3A_1904 = tpu.memref_slice %arg12[%arg0, %add3A_1902, %dma_wait3A_1903] : memref<2x10240x128xf32, #tpu.memory_space<hbm>> -> memref<1x80x128xf32, #tpu.memory_space<hbm>>
    %dma_wait3A_1905 = tpu.memref_squeeze %dma_wait3A_1904 : memref<1x80x128xf32, #tpu.memory_space<hbm>> -> memref<80x128xf32, #tpu.memory_space<hbm>>
    %dma_wait3A_1906 = arith.constant 0 : i32
    %dma_wait3A_1907 = tpu.memref_slice %arg12[%arg0, %add3A_1902, %dma_wait3A_1906] : memref<2x10240x128xf32, #tpu.memory_space<hbm>> -> memref<1x80x128xf32, #tpu.memory_space<hbm>>
    %dma_wait3A_1908 = tpu.memref_squeeze %dma_wait3A_1907 : memref<1x80x128xf32, #tpu.memory_space<hbm>> -> memref<80x128xf32, #tpu.memory_space<hbm>>
    tpu.wait_dma2 semaphore(%arg23 : memref<!tpu.dma_semaphore, #tpu.memory_space<semaphore_mem>>) src(%arg16 : memref<80x128xf32, #tpu.memory_space<vmem>>) dst(%dma_wait3A_1908 : memref<80x128xf32, #tpu.memory_space<hbm>>)
    "tpu.region"() ({
      %run_scoped3A = tpu.sem_alloc : memref<!tpu.dma_semaphore, #tpu.memory_space<semaphore_mem>>
      %dma_start3A_1909 = arith.constant 0 : i32
      %dma_start3A_1910 = arith.constant 0 : i32
      %dma_start3A_1911 = tpu.memref_slice %arg13[%add3A, %dma_start3A_1909, %dma_start3A_1910] : memref<32x80x128xf32, #tpu.memory_space<hbm>> -> memref<1x80x128xf32, #tpu.memory_space<hbm>>
      %dma_start3A_1912 = tpu.memref_squeeze %dma_start3A_1911 : memref<1x80x128xf32, #tpu.memory_space<hbm>> -> memref<80x128xf32, #tpu.memory_space<hbm>>
      %dma_start3A_1913 = arith.constant 0 : i32
      %dma_start3A_1914 = arith.constant 0 : i32
      %dma_start3A_1915 = tpu.memref_slice %arg13[%add3A, %dma_start3A_1913, %dma_start3A_1914] : memref<32x80x128xf32, #tpu.memory_space<hbm>> -> memref<1x80x128xf32, #tpu.memory_space<hbm>>
      %dma_start3A_1916 = tpu.memref_squeeze %dma_start3A_1915 : memref<1x80x128xf32, #tpu.memory_space<hbm>> -> memref<80x128xf32, #tpu.memory_space<hbm>>
      tpu.enqueue_dma source(%arg21 : memref<80x128xf32, #tpu.memory_space<vmem>>) target(%dma_start3A_1916 : memref<80x128xf32, #tpu.memory_space<hbm>>) target_semaphore(%run_scoped3A : memref<!tpu.dma_semaphore, #tpu.memory_space<semaphore_mem>>)
      %dma_wait3A_1917 = arith.constant 0 : i32
      %dma_wait3A_1918 = arith.constant 0 : i32
      %dma_wait3A_1919 = tpu.memref_slice %arg13[%add3A, %dma_wait3A_1917, %dma_wait3A_1918] : memref<32x80x128xf32, #tpu.memory_space<hbm>> -> memref<1x80x128xf32, #tpu.memory_space<hbm>>
      %dma_wait3A_1920 = tpu.memref_squeeze %dma_wait3A_1919 : memref<1x80x128xf32, #tpu.memory_space<hbm>> -> memref<80x128xf32, #tpu.memory_space<hbm>>
      %dma_wait3A_1921 = arith.constant 0 : i32
      %dma_wait3A_1922 = arith.constant 0 : i32
      %dma_wait3A_1923 = tpu.memref_slice %arg13[%add3A, %dma_wait3A_1921, %dma_wait3A_1922] : memref<32x80x128xf32, #tpu.memory_space<hbm>> -> memref<1x80x128xf32, #tpu.memory_space<hbm>>
      %dma_wait3A_1924 = tpu.memref_squeeze %dma_wait3A_1923 : memref<1x80x128xf32, #tpu.memory_space<hbm>> -> memref<80x128xf32, #tpu.memory_space<hbm>>
      tpu.wait_dma2 semaphore(%run_scoped3A : memref<!tpu.dma_semaphore, #tpu.memory_space<semaphore_mem>>) src(%arg21 : memref<80x128xf32, #tpu.memory_space<vmem>>) dst(%dma_wait3A_1924 : memref<80x128xf32, #tpu.memory_space<hbm>>)
      tpu.yield
    }) : () -> ()
    return
  }
}

</mosaic_0001>

<sc_bundles>
// kernel: _sc_segment_sums.3.cloned.1.call-start
scs
__scs_entry_jumppad:
0x0: {  	(pc) =	sbr.rel $0x88, $3  }
0x1: {  	(tag) =	ssettag $0x0;
	lr =	simm.s32 $0x1  }
0x2: {  	[smem:$0x3F9B] =	sst lr;
	_ =	strace $0xD0000000  }
0x3: {  	_ = 	snop  }
0x4: {  	_ = 	snop  }
0x5: {  	_ = 	snop  }
0x6: {  	_ = 	snop  }
0x7: {  	_ = 	snop  }
__scs_overlays_trampoline_lowered:
0x8: {  	[smem:$0x3FAA] =	sst s0  }
0x9: {  	[smem:$0x3FAB] =	sst s1  }
0xa: {  	[smem:$0x3FAC] =	sst s2  }
0xb: {  	[smem:$0x3FAD] =	sst s3  }
0xc: {  	[smem:$0x3FAE] =	sst s4  }
0xd: {  	[smem:$0x3FAF] =	sst s5  }
0xe: {  	[smem:$0x3FB0] =	sst s6  }
0xf: {  	[smem:$0x3FB1] =	sst s7  }
0x10: {  	[smem:$0x3FB2] =	sst s8  }
0x11: {  	[smem:$0x3FB3] =	sst s9;
	s0 =	simm.s32 @!p0 $0x0  }
0x12: {  	s1 =	sld [smem:$0x3F99];
	s0 =	simm.s32 @p0 $0x1  }
0x13: {  	[smem:$0x3FB4] =	sst s0;
	s0 =	simm.s32 @!p1 $0x0  }
0x14: {  	s2 =	sld [smem:$0x3F98];
	s0 =	simm.s32 @p1 $0x1  }
0x15: {  	[smem:$0x3FB5] =	sst s0;
	s0 =	simm.s32 @!p2 $0x0  }
0x16: {  	s3 =	sld [smem:$0x3FDB];
	s0 =	simm.s32 @p2 $0x1  }
0x17: {  	s4 =	simm.s32 $0x1BF5;
	[smem:$0x3FB7] =	sst s0  }
0x18: {  	s0 =	sld [smem:$0x3F9A];
	_ =	swait.ge [sflag:s4], $0x0  }
0x19: {  	s7 =	sld [smem:$0x3F9B]  }
0x1a: {  	s8 =	sadd.s32 $0xFFFFE003, lr  }
0x1b: {  	s9 =	sadd.s32 $0xFFFFFEF7, lr;
	s5 =	simm.s32 $0xFFFFFFFF;
	p2 =	slt.u32 s8, $0xFFFFF086  }
0x1c: {  	p1 =	slt.u32 s9, $0xF7A;
	s5 =	simm.s32 @!p2 $0x0  }
0x1d: {  	s5 =	simm.s32 @p1 $0x1;
	p0 =	seq.s32 s7, s2  }
0x1e: {  	s7 =	smul.u32 @!p0 $0xF7A, s2;
	p2 =	seq.s32 @!p0 s5, $0x0  }
0x1f: {  	s9 =	smul.u32 $0xF7A, s1;
	s8 =	simm.s32 @!p0 $0x1BF5;
	p2 =	por !p2, p0  }
0x20: {  	[sflag:s8] =	ssyncset.s32 @!p0 $0xFFFFF086;
	s6 =	sadd.s32 @!p0 s3, s7;
	s7 =	simm.s32 @!p0 $0x108  }
0x21: {  	s3 =	sadd.s32 s3, s9;
	s6 =	sadd.s32 @!p0 $0x88, s6;
	s7 =	simm.s32 @p2 $0x1082  }
0x22: {  	[simem:s7], [sflag:s8] =	dma.local @!p0 [hbm:s6], $0xF7A  }
0x23: {  	s9 =	sor.u32 $0xD0000000, s2;
	s6 =	simm.s32 $0x108;
	_ =	swait.ge @!p0 [sflag:s8], $0x0  }
0x24: {  	s3 =	sadd.s32 $0x88, s3;
	s6 =	simm.s32 @!p1 $0x1082;
	[sflag:s4] =	ssyncset.s32 $0xFFFFF086  }
0x25: {  	[simem:s6], [sflag:s4] =	dma.local [hbm:s3], $0xF7A  }
0x26: {  	[smem:$0x3F9B] =	sst s1;
	(tag) =	ssettag s2;
	_ =	strace s9  }
0x27: {  	s1 =	sld [smem:$0x3FAB]  }
0x28: {  	s2 =	sld [smem:$0x3FAC]  }
0x29: {  	s4 =	sld [smem:$0x3FAE]  }
0x2a: {  	p0 =	seq.s32 s5, $0x0;
	s5 =	sld [smem:$0x3FAF]  }
0x2b: {  	s6 =	sld [smem:$0x3FB0]  }
0x2c: {  	s7 =	sld [smem:$0x3FB1]  }
0x2d: {  	s3 =	simm.s32 $0x108;
	s8 =	sld [smem:$0x3FB2]  }
0x2e: {  	s3 =	simm.s32 @!p0 $0x1082;
	s9 =	sld [smem:$0x3FB3]  }
0x2f: {  	lr =	sadd.s32 s0, s3;
	s0 =	sld [smem:$0x3FAA]  }
0x30: {  	s3 =	sld [smem:$0x3FAD]  }
0x31: {  	[smem:$0x3FB6] =	sst s10  }
0x32: {  	s10 =	sld [smem:$0x3FB4];
	_ =	sdelay $0x3  }
0x33: {  	p0 =	seq.s32 s10, $0x1;
	s10 =	sld [smem:$0x3FB6];
	_ =	sdelay $0x3  }
0x34: {  	[smem:$0x3FB6] =	sst s10  }
0x35: {  	s10 =	sld [smem:$0x3FB5];
	_ =	sdelay $0x3  }
0x36: {  	p1 =	seq.s32 s10, $0x1;
	s10 =	sld [smem:$0x3FB6];
	_ =	sdelay $0x3  }
0x37: {  	[smem:$0x3FB6] =	sst s10  }
0x38: {  	s10 =	sld [smem:$0x3FB7]  }
0x39: {  	_ = 	snop;
	(pc) =	sbr.ind lr, $3  }
0x3a: {  	_ = 	snop  }
0x3b: {  	_ = 	snop  }
0x3c: {  	p2 =	seq.s32 s10, $0x1;
	s10 =	sld [smem:$0x3FB6]  }
0x3d: {  	_ =	shalt  }
0x3e: {  	_ =	shalt  }
0x3f: {  	_ =	shalt  }
0x40: {  	_ =	shalt  }
0x41: {  	_ =	shalt  }
0x42: {  	_ =	shalt  }
0x43: {  	_ =	shalt  }
0x44: {  	_ =	shalt  }
0x45: {  	_ =	shalt  }
0x46: {  	_ =	shalt  }
0x47: {  	_ =	shalt  }
0x48: {  	_ =	shalt  }
0x49: {  	_ =	shalt  }
0x4a: {  	_ =	shalt  }
0x4b: {  	_ =	shalt  }
0x4c: {  	_ =	shalt  }
0x4d: {  	_ =	shalt  }
0x4e: {  	_ =	shalt  }
0x4f: {  	_ =	shalt  }
0x50: {  	_ =	shalt  }
0x51: {  	_ =	shalt  }
0x52: {  	_ =	shalt  }
0x53: {  	_ =	shalt  }
0x54: {  	_ =	shalt  }
0x55: {  	_ =	shalt  }
0x56: {  	_ =	shalt  }
0x57: {  	_ =	shalt  }
0x58: {  	_ =	shalt  }
0x59: {  	_ =	shalt  }
0x5a: {  	_ =	shalt  }
0x5b: {  	_ =	shalt  }
0x5c: {  	_ =	shalt  }
0x5d: {  	_ =	shalt  }
0x5e: {  	_ =	shalt  }
0x5f: {  	_ =	shalt  }
0x60: {  	_ =	shalt  }
0x61: {  	_ =	shalt  }
0x62: {  	_ =	shalt  }
0x63: {  	_ =	shalt  }
0x64: {  	_ =	shalt  }
0x65: {  	_ =	shalt  }
0x66: {  	_ =	shalt  }
0x67: {  	_ =	shalt  }
0x68: {  	_ =	shalt  }
0x69: {  	_ =	shalt  }
0x6a: {  	_ =	shalt  }
0x6b: {  	_ =	shalt  }
0x6c: {  	_ =	shalt  }
0x6d: {  	_ =	shalt  }
0x6e: {  	_ =	shalt  }
0x6f: {  	_ =	shalt  }
0x70: {  	_ =	shalt  }
0x71: {  	_ =	shalt  }
0x72: {  	_ =	shalt  }
0x73: {  	_ =	shalt  }
0x74: {  	_ =	shalt  }
0x75: {  	_ =	shalt  }
0x76: {  	_ =	shalt  }
0x77: {  	_ =	shalt  }
0x78: {  	_ =	shalt  }
0x79: {  	_ =	shalt  }
0x7a: {  	_ =	shalt  }
0x7b: {  	_ =	shalt  }
0x7c: {  	_ =	shalt  }
0x7d: {  	_ =	shalt  }
0x7e: {  	_ =	shalt  }
0x7f: {  	_ =	shalt  }
0x80: {  	_ =	shalt  }
0x81: {  	_ =	shalt  }
0x82: {  	_ =	shalt  }
0x83: {  	_ =	shalt  }
0x84: {  	_ =	shalt  }
0x85: {  	_ =	shalt  }
0x86: {  	_ =	shalt  }
0x87: {  	_ =	shalt  }
.Lfunc_end0:
.L_simem_size_0:
called_computation_lowered:
.L_overlay_start_0:
0x88: {  	s2 =	sld [smem:$0x3FD9]  }
0x89: {  	s3 =	sld [smem:$0x3FFE];
	_ =	sdelay $0x1  }
0x8a: {  	s1 =	srdreg.scid  }
0x8b: {  	s0 =	sand.u32 $0x1, s1  }
0x8c: {  	s28 =	sshll.u32 s0, $0xA;
	s2 =	sadd.s32 s3, s2  }
0x8d: {  	s2 =	sadd.s32 s2, s28  }
0x8e: {  	[smem:$0x3FC2] =	sst s2  }
0x8f: {  	_ = 	snop  }
0x90: {  	s2 =	sld [smem:$0x3FC9]  }
0x91: {  	s29 =	sld [smem:$0x3FC8]  }
0x92: {  	s4 =	sld [smem:$0x3FC7]  }
0x93: {  	s5 =	sld [smem:$0x3FD0]  }
0x94: {  	s6 =	sld [smem:$0x3FC6]  }
0x95: {  	s7 =	sld [smem:$0x3FC5]  }
0x96: {  	s9 =	simm.s32 $0xA;
	s10 =	simm.s32 $0x10;
	s8 =	sld [smem:$0x3FC4]  }
0x97: {  	[smem:s10], [sflag:s9] =	dma.local [hbm:s5], $0x1  }
0x98: {  	_ =	swait.eq [sflag:s9], $0x1  }
0x99: {  	s30 =	sld [smem:$0x10]  }
0x9a: {  	s31 =	sld [smem:$0x11]  }
0x9b: {  	s11 =	sld [smem:$0x12]  }
0x9c: {  	s12 =	sld [smem:$0x13];
	[sflag:s9] =	ssyncset.done $0x0  }
0x9d: {  	s13 =	sld [smem:$0x14];
	[sflag:s9] =	ssyncadd.s32 $0xFFFFFFFF  }
0x9e: {  	s19 =	sld [smem:$0x15];
	(tm) =	ssettm $0x1  }
0x9f: {  	s14 =	sld [smem:$0x3FFB];
	_ =	sdelay $0x3  }
0xa0: {  	_ =	strace s14  }
0xa1: {  	s14 =	sld [smem:$0x3FFC];
	_ =	sdelay $0x3  }
0xa2: {  	_ =	strace s14  }
0xa3: {  	s14 =	sld [smem:$0x3FFD];
	_ =	sdelay $0x3  }
0xa4: {  	_ =	strace s14  }
0xa5: {  	_ =	strace $0x8FFFFFFF  }
0xa6: {  	s20 =	sld [smem:$0x3FDB];
	_ =	sdelay $0x1  }
0xa7: {  	s15 =	simm.s32 $_scs_section_size  }
0xa8: {  	s16 =	simm.s32 $_size__tile_overlayer_lowered;
	s17 =	simm.s32 $_tile_overlayer_lowered  }
0xa9: {  	s23 =	simm.s32 $0x1BFF;
	s22 =	sshll.u32 s17, $0x1;
	s14 =	sadd.s32 s15, s20  }
0xaa: {  	s18 =	simm.s32 $0x0;
	s21 =	sshll.u32 s16, $0x1;
	s16 =	sadd.s32 s22, s14  }
0xab: {  	[timem:s18], [sflag:s23] =	dma.local [hbm:s16], s21  }
0xac: {  	_ =	swait.ge [sflag:s23], s21  }
0xad: {  	s15 =	ssub.s32 $0x0, s21;
	[sflag:s23] =	ssyncset.done $0x0  }
0xae: {  	[sflag:s23] =	ssyncadd.s32 s15;
	_ =	sdelay $0x1  }
0xaf: {  	s24 =	simm.s32 $0x1B8B  }
0xb0: {  	_ =	swait.ge [sflag:s24], $0x1  }
0xb1: {  	[sflag:s24] =	ssyncset.done $0x0  }
0xb2: {  	s25 =	simm.s32 $0x1B8E;
	[sflag:s24] =	ssyncadd.s32 $0xFFFFFFFF  }
0xb3: {  	s26 =	simm.s32 $execute0_lowered;
	[smem:$0x3FD2] =	sst s25  }
0xb4: {  	s15 =	sshll.u32 s26, $0x1;
	_ =	strace $0x80000046;
	[dreg:$0x1] =	wrdreg $0xFFFFFFFF  }
0xb5: {  	s28 =	simm.s32 $_size_execute0_lowered;
	s14 =	sadd.s32 s14, s15;
	[dreg:$0x0] =	wrdreg $0x0  }
0xb6: {  	s15 =	sshll.u32 s28, $0x1;
	[dreg:$0x2] =	wrdreg s14  }
0xb7: {  	[dreg:$0x3] =	wrdreg s15  }
0xb8: {  	[dreg:$0x4] =	wrdreg $0xC0  }
0xb9: {  	_ =	task [dreg:s18], $0x5FFFF  }
0xba: {  	[dreg:$0x1] =	wrdreg $0xFFFFFFFF  }
0xbb: {  	[dreg:$0x0] =	wrdreg $0x60  }
0xbc: {  	[dreg:$0x2] =	wrdreg s2  }
0xbd: {  	[dreg:$0x3] =	wrdreg s29  }
0xbe: {  	[dreg:$0x4] =	wrdreg s4  }
0xbf: {  	[dreg:$0x5] =	wrdreg s6  }
0xc0: {  	[dreg:$0x6] =	wrdreg s7  }
0xc1: {  	[dreg:$0x7] =	wrdreg s8  }
0xc2: {  	[dreg:$0x8] =	wrdreg s30  }
0xc3: {  	[dreg:$0x9] =	wrdreg s31  }
0xc4: {  	[dreg:$0xa] =	wrdreg s11  }
0xc5: {  	[dreg:$0xb] =	wrdreg s12  }
0xc6: {  	[dreg:$0xc] =	wrdreg s13  }
0xc7: {  	[dreg:$0xd] =	wrdreg s19  }
0xc8: {  	[dreg:$0xe] =	wrdreg $0x0  }
0xc9: {  	[dreg:$0xf] =	wrdreg $0x9  }
0xca: {  	_ =	task.clear_ibuf [dreg:s18], $0x10FFFF;
	_ =	strace $0x90000046  }
0xcb: {  	s29 =	simm.s32 $0x9;
	_ =	strace $0x80000048  }
0xcc: {  	_ =	swait.ge [sflag:s29], $0x1  }
0xcd: {  	[sflag:s29] =	ssyncadd.s32 $0xFFFFFFFF  }
0xce: {  	_ =	strace $0x90000048  }
0xcf: {  	_ =	sfence  }
0xd0: {  	s30 =	sld [smem:$0x0];
	_ =	sdelay $0x2  }
0xd1: {  	s31 =	sshll.u32 s1, $0xD;
	s1 =	sshrl.u32 s1, $0x2  }
0xd2: {  	s3 =	sand.u32 $0x4000, s31;
	s1 =	sadd.s32 s1, s30  }
0xd3: {  	s0 =	sor.u32 s3, s0;
	s1 =	sshll.u32 s1, $0x11  }
0xd4: {  	s0 =	sor.u32 s1, s0  }
0xd5: {  	s0 =	sadd.s32 $0x8F2B, s0  }
0xd6: {  	[sflag:s0] =	ssyncadd.remote.s32 $0x1  }
0xd7: {  	_ =	sfence.sel $0xFFFF  }
0xd8: {  	[dreg:$0x0] =	wrdreg $0xFFFFFFFF;
	(pc) =	sbr.abs _section_cstart, $3  }
0xd9: {  	[dreg:$0x1] =	wrdreg $0xFFFFFFFF  }
0xda: {  	_ =	task.clear_ibuf [dreg:s18], $0x2FFFF;
	_ =	strace $0x9FFFFFFF  }
0xdb: {  	(tm) =	ssettm $0x7FFFFFFF  }
tec
execute0_lowered:
.L_overlay_start_1:
0x0: {  	(tag) =	ssettag $0x1  }
0x1: {  	s0 =	srdreg.scid;
	s9 =	rddreg [dreg:$0x6]  }
0x2: {  	s10 =	rddreg [dreg:$0x8];
	s21 =	stileid.u32  }
0x3: {  	s0 =	sand.u32 $0x1, s0;
	s3 =	sshll.u32 s21, $0x1;
	s8 =	smul.u32 $0x14000, s21  }
0x4: {  	s1 =	ssub.s32 $0x2, s0;
	s13 =	sor.u32 s0, s3;
	s11 =	smul.u32 $0x140000, s0  }
0x5: {  	s2 =	sshrl.u32 s1, $0x1;
	s3 =	sadd.s32 $0x5000, s8;
	s4 =	sadd.s32 $0x7800, s8  }
0x6: {  	s5 =	sadd.s32 $0xA000, s8;
	s6 =	sadd.s32 $0xC800, s8;
	s7 =	sadd.s32 $0xF000, s8  }
0x7: {  	s1 =	ssub.s32 s1, s2;
	s2 =	sor.u32 $0x2800, s8;
	s12 =	sadd.s32 s8, s11  }
0x8: {  	s8 =	sadd.s32 $0x11800, s8;
	s16 =	sadd.s32 s11, s4;
	s12 =	sshrl.u32 s12, $0x3  }
0x9: {  	s17 =	sadd.s32 s11, s5;
	s16 =	sshrl.u32 s16, $0x3;
	s15 =	sadd.s32 s9, s12  }
0xa: {  	s17 =	sshrl.u32 s17, $0x3;
	s20 =	sadd.s32 s9, s16;
	[dreg:$0xe] =	wrdreg s15  }
0xb: {  	s14 =	sadd.s32 s11, s2;
	s22 =	sadd.s32 s9, s17;
	[dreg:$0x11] =	wrdreg s20  }
0xc: {  	s14 =	sshrl.u32 s14, $0x3;
	s25 =	sadd.s32 s10, s12;
	[dreg:$0x12] =	wrdreg s22  }
0xd: {  	s19 =	sadd.s32 s11, s3;
	s18 =	sadd.s32 s9, s14;
	[dreg:$0x16] =	wrdreg s25  }
0xe: {  	s15 =	sshrl.u32 s19, $0x3;
	s26 =	sadd.s32 s10, s14;
	[dreg:$0xf] =	wrdreg s18  }
0xf: {  	s19 =	sadd.s32 s11, s7;
	s18 =	sadd.s32 s9, s15;
	[dreg:$0x17] =	wrdreg s26  }
0x10: {  	s19 =	sshrl.u32 s19, $0x3;
	s22 =	sadd.s32 s10, s15;
	[dreg:$0x10] =	wrdreg s18  }
0x11: {  	s23 =	sadd.s32 s11, s6;
	s24 =	sadd.s32 s9, s19;
	[dreg:$0x18] =	wrdreg s22  }
0x12: {  	s18 =	sshrl.u32 s23, $0x3;
	s23 =	sadd.s32 s10, s16;
	[dreg:$0x14] =	wrdreg s24  }
0x13: {  	s11 =	sadd.s32 s11, s8;
	s26 =	sadd.s32 s10, s19;
	[dreg:$0x19] =	wrdreg s23  }
0x14: {  	s11 =	sshrl.u32 s11, $0x3;
	s20 =	sadd.s32 s9, s18;
	[dreg:$0x1c] =	wrdreg s26  }
0x15: {  	s9 =	sadd.s32 s9, s11;
	[dreg:$0x13] =	wrdreg s20  }
0x16: {  	[dreg:$0x15] =	wrdreg s9  }
0x17: {  	s24 =	sadd.s32 s10, s17;
	s9 =	rddreg [dreg:$0xa]  }
0x18: {  	s25 =	sadd.s32 s10, s18;
	[dreg:$0x1a] =	wrdreg s24  }
0x19: {  	s10 =	sadd.s32 s10, s11;
	[dreg:$0x1b] =	wrdreg s25  }
0x1a: {  	[dreg:$0x1d] =	wrdreg s10  }
0x1b: {  	s10 =	rddreg [dreg:$0x1];
	s12 =	sadd.s32 s9, s12  }
0x1c: {  	s14 =	sadd.s32 s9, s14;
	[dreg:$0x1e] =	wrdreg s12  }
0x1d: {  	s15 =	sadd.s32 s9, s15;
	[dreg:$0x1f] =	wrdreg s14  }
0x1e: {  	s16 =	sadd.s32 s9, s16;
	[smem:$0x7CE] =	sst s15  }
0x1f: {  	s17 =	sadd.s32 s9, s17;
	[smem:$0x7CF] =	sst s16  }
0x20: {  	s18 =	sadd.s32 s9, s18;
	[smem:$0x7D0] =	sst s17  }
0x21: {  	s22 =	sadd.s32 s9, s19;
	[smem:$0x7D1] =	sst s18  }
0x22: {  	s23 =	smul.u32 $0xA, s13;
	s9 =	sadd.s32 s9, s11;
	[smem:$0x7D2] =	sst s22  }
0x23: {  	s20 =	smul.u32 $0x50, s13;
	[smem:$0x7D3] =	sst s9  }
0x24: {  	s24 =	sadd.s32 s10, s23;
	s9 =	rddreg [dreg:$0x3]  }
0x25: {  	s14 =	sadd.s32 $0xA00, s20;
	s15 =	sadd.s32 $0x1400, s20;
	s12 =	rddreg [dreg:$0x5]  }
0x26: {  	s16 =	sadd.s32 $0x1E00, s20;
	[smem:$0x7D4] =	sst s24;
	s26 =	sadd.s32 s9, s23  }
0x27: {  	s25 =	sshrl.u32 s14, $0x3;
	s11 =	sadd.s32 s12, s23;
	[smem:$0x7D5] =	sst s26  }
0x28: {  	s17 =	sadd.s32 $0x2800, s20;
	[smem:$0x7D6] =	sst s11;
	s20 =	sadd.s32 s10, s25  }
0x29: {  	s23 =	sadd.s32 s9, s25;
	[smem:$0x7D7] =	sst s20  }
0x2a: {  	s22 =	sshrl.u32 s15, $0x3;
	s18 =	sadd.s32 s12, s25;
	[smem:$0x7D8] =	sst s23  }
0x2b: {  	s24 =	sadd.s32 s10, s22;
	[smem:$0x7D9] =	sst s18  }
0x2c: {  	s25 =	sadd.s32 s9, s22;
	[smem:$0x7DA] =	sst s24  }
0x2d: {  	s11 =	sadd.s32 s12, s22;
	s26 =	sshrl.u32 s16, $0x3;
	[smem:$0x7DB] =	sst s25  }
0x2e: {  	[smem:$0x7DC] =	sst s11;
	s20 =	sadd.s32 s10, s26  }
0x2f: {  	s23 =	sadd.s32 s9, s26;
	[smem:$0x7DD] =	sst s20  }
0x30: {  	s22 =	sshrl.u32 s17, $0x3;
	s11 =	sadd.s32 s12, s26;
	[smem:$0x7DE] =	sst s23  }
0x31: {  	s24 =	sadd.s32 s10, s22;
	[smem:$0x7DF] =	sst s11  }
0x32: {  	s26 =	sadd.s32 s9, s22;
	[smem:$0x7E0] =	sst s24  }
0x33: {  	s18 =	sadd.s32 s12, s22;
	[smem:$0x7E1] =	sst s26  }
0x34: {  	s13 =	smul.u32 $0x500, s13;
	[smem:$0x7E2] =	sst s18  }
0x35: {  	s25 =	smul.u32 $0x14, s21;
	s18 =	rddreg [dreg:$0x0]  }
0x36: {  	s14 =	sshll.u32 s14, $0x4;
	s20 =	smul.u32 $0xA, s0;
	s23 =	rddreg [dreg:$0x7]  }
0x37: {  	s24 =	rddreg [dreg:$0x9];
	s10 =	sadd.s32 s25, s10;
	s22 =	sadd.s32 s25, s9  }
0x38: {  	s9 =	simm.s32 $0x0;
	s12 =	sadd.s32 s25, s12;
	s25 =	rddreg [dreg:$0xb]  }
0x39: {  	s19 =	sadd.s32 s23, s13;
	s23 =	sadd.s32 s18, s14;
	[smem:$0x7FF] =	sst s9  }
0x3a: {  	s10 =	sadd.s32 s20, s10;
	s11 =	sadd.s32 s20, s22;
	[smem:$0x7E3] =	sst s19  }
0x3b: {  	s12 =	sadd.s32 s20, s12;
	s20 =	sadd.s32 s24, s13;
	[smem:$0x7E9] =	sst s23  }
0x3c: {  	s19 =	sadd.s32 s25, s13;
	[smem:$0x7E4] =	sst s20  }
0x3d: {  	[smem:$0x7E5] =	sst s19  }
0x3e: {  	s19 =	rddreg [dreg:$0x2]  }
0x3f: {  	s16 =	sshll.u32 s16, $0x4;
	s22 =	sadd.s32 s18, s13;
	s20 =	rddreg [dreg:$0x4]  }
0x40: {  	[smem:$0x7E6] =	sst s22;
	s22 =	sadd.s32 s18, s16  }
0x41: {  	s26 =	sadd.s32 s19, s13;
	[smem:$0x7EF] =	sst s22  }
0x42: {  	s13 =	sadd.s32 s20, s13;
	[smem:$0x7E7] =	sst s26  }
0x43: {  	s24 =	sadd.s32 s19, s14;
	[smem:$0x7E8] =	sst s13  }
0x44: {  	s15 =	sshll.u32 s15, $0x4;
	s25 =	sadd.s32 s20, s14;
	[smem:$0x7EA] =	sst s24  }
0x45: {  	s14 =	sadd.s32 s19, s15;
	[smem:$0x7EB] =	sst s25  }
0x46: {  	s23 =	sadd.s32 s19, s16;
	[smem:$0x7ED] =	sst s14  }
0x47: {  	s28 =	simm.s32 $0x1B980;
	s26 =	sadd.s32 s18, s15;
	[smem:$0x7F0] =	sst s23  }
0x48: {  	s29 =	simm.s32 $0x1B900;
	s15 =	sadd.s32 s20, s15;
	[smem:$0x7EC] =	sst s26  }
0x49: {  	s17 =	sshll.u32 s17, $0x4;
	s24 =	sadd.s32 s20, s16;
	[smem:$0x7EE] =	sst s15  }
0x4a: {  	s30 =	simm.s32 $0x2;
	s25 =	sadd.s32 s18, s17;
	[smem:$0x7F1] =	sst s24  }
0x4b: {  	s16 =	sadd.s32 s20, s17;
	[smem:$0x7F2] =	sst s25;
	s26 =	smul.u32 $0xA00, s21  }
0x4c: {  	s15 =	sadd.s32 s19, s17;
	[smem:$0x7F4] =	sst s16;
	s17 =	smul.u32 $0x50000, s21  }
0x4d: {  	s31 =	simm.s32 $0x5;
	s21 =	smul.u32 $0x500, s0;
	s0 =	rddreg [dreg:$0xc]  }
0x4e: {  	s1 =	smax.u32 s1, $0x1;
	s16 =	simm.s32 $0xA;
	[smem:$0x7F3] =	sst s15  }
0x4f: {  	s2 =	sadd.s32 s2, s0;
	s23 =	sadd.s32 s3, s0;
	s4 =	sadd.s32 s4, s0  }
0x50: {  	s5 =	sadd.s32 s5, s0;
	s6 =	sadd.s32 s6, s0;
	s7 =	sadd.s32 s7, s0  }
0x51: {  	s8 =	sadd.s32 s8, s0;
	_ =	strace $0x80000047;
	[smem:$0x7F6] =	sst s2  }
0x52: {  	s18 =	sadd.s32 s26, s18;
	s22 =	sadd.s32 s26, s19;
	[smem:$0x7F7] =	sst s23  }
0x53: {  	s13 =	sadd.s32 s26, s20;
	s14 =	sshrl.u32 s17, $0x2;
	[smem:$0x7F8] =	sst s1  }
0x54: {  	s19 =	simm.s32 $0x8;
	s20 =	simm.s32 $0x14000;
	[smem:$0x7FC] =	sst s4  }
0x55: {  	s23 =	simm.s32 $0x1B880;
	s1 =	simm.s32 $0x0;
	[smem:$0x7FD] =	sst s5  }
0x56: {  	s15 =	sadd.s32 s21, s18;
	s17 =	sadd.s32 s21, s22;
	s13 =	sadd.s32 s21, s13  }
0x57: {  	s14 =	sadd.s32 s14, s0;
	s18 =	simm.s32 $0x7;
	s21 =	simm.s32 $0x1B800  }
0x58: {  	s22 =	simm.s32 $0x16800;
	[smem:$0x7F5] =	sst s14;
	s24 =	sadd.s32 $0x46000, s15  }
0x59: {  	s25 =	sadd.s32 $0x46000, s17;
	s26 =	sadd.s32 $0x46000, s13;
	[smem:$0x7F9] =	sst s24  }
0x5a: {  	s17 =	simm.s32 $0x19000;
	s13 =	simm.s32 $0x3;
	[smem:$0x7FA] =	sst s25  }
0x5b: {  	s14 =	simm.s32 $0x6;
	s15 =	simm.s32 $0x9;
	[smem:$0x7FB] =	sst s26  }
0x5c: {  	v0 =	vimm.f32 $0.0e+00;
	v1 =	vimm.f32 $1.000000000e+00;
	s24 =	simm.s32 $0x1;
	s25 =	simm.s32 $0x4;
	s26 =	simm.s32 $0x50  }
.LBB2_1:
0x5d: {  	s2 =	simm.s32 $0x0;
	s3 =	simm.s32 $0x200  }
.LBB2_2:
0x5e: {  	p0 =	sne.s32 s3, $0x9E00;
	[tilespmem:s2+$0x1B9F0] =	vst v0  }
0x5f: {  	[tilespmem:s2+$0x19000] =	vst v0  }
0x60: {  	[tilespmem:s2+$0x1B980] =	vst v0  }
0x61: {  	[tilespmem:s2+$0x19010] =	vst v0  }
0x62: {  	[tilespmem:s2+$0x1B990] =	vst v0  }
0x63: {  	[tilespmem:s2+$0x19020] =	vst v0  }
0x64: {  	[tilespmem:s2+$0x1B9A0] =	vst v0  }
0x65: {  	[tilespmem:s2+$0x19030] =	vst v0  }
0x66: {  	[tilespmem:s2+$0x1B9B0] =	vst v0  }
0x67: {  	[tilespmem:s2+$0x19040] =	vst v0  }
0x68: {  	[tilespmem:s2+$0x1B9C0] =	vst v0  }
.Ltmp0:
0x69: {  	[tilespmem:s2+$0x19050] =	vst v0;
	(pc) =	sbr.rel @p0 .LBB2_2-.Ltmp0, $4  }
0x6a: {  	[tilespmem:s2+$0x1B9D0] =	vst v0  }
0x6b: {  	[tilespmem:s2+$0x19060] =	vst v0  }
0x6c: {  	[tilespmem:s2+$0x1B9E0] =	vst v0  }
0x6d: {  	[tilespmem:s2+$0x19070] =	vst v0;
	s2 =	sshra.s32 s3, $0x2;
	s3 =	sadd.s32 $0x200, s3  }
0x6e: {  	[tilespmem:s2+$0x1B9F0] =	vst v0  }
0x6f: {  	[tilespmem:s2+$0x19000] =	vst v0  }
0x70: {  	[tilespmem:s2+$0x1B980] =	vst v0  }
0x71: {  	[tilespmem:s2+$0x19010] =	vst v0  }
0x72: {  	[tilespmem:s2+$0x1B990] =	vst v0  }
0x73: {  	[tilespmem:s2+$0x19020] =	vst v0  }
0x74: {  	[tilespmem:s2+$0x1B9A0] =	vst v0  }
0x75: {  	[tilespmem:s2+$0x19030] =	vst v0  }
0x76: {  	[tilespmem:s2+$0x1B9B0] =	vst v0  }
0x77: {  	[tilespmem:s2+$0x19040] =	vst v0  }
0x78: {  	[tilespmem:s2+$0x1B9C0] =	vst v0  }
0x79: {  	[tilespmem:s2+$0x19050] =	vst v0  }
0x7a: {  	[tilespmem:s2+$0x1B9D0] =	vst v0  }
0x7b: {  	[tilespmem:s2+$0x19060] =	vst v0;
	s3 =	sld [smem:$0x7F5]  }
0x7c: {  	[tilespmem:s2+$0x1B9E0] =	vst v0  }
0x7d: {  	[tilespmem:s2+$0x19070] =	vst v0  }
0x7e: {  	[spmem:s3] =	stream.linear.scatter [tilespmem:s17], [sflag:$0x7], $0x2800, $0x38;
	[tilespmem:$0x1E180] =	vst v63  }
0x7f: {  	s3 =	sld [smem:$0x7F6];
	_ =	sdelay $0x2  }
0x80: {  	[spmem:s3] =	stream.linear.scatter [tilespmem:s17], [sflag:$0x8], $0x2800, $0x38;
	[tilespmem:$0x1E180] =	vst v63  }
0x81: {  	s3 =	sld [smem:$0x7F7];
	_ =	sdelay $0x2  }
0x82: {  	[spmem:s3] =	stream.linear.scatter [tilespmem:s17], [sflag:$0x7], $0x2800, $0x38;
	[tilespmem:$0x1E180] =	vst v63  }
0x83: {  	_ = 	snop  }
0x84: {  	[spmem:s4] =	stream.linear.scatter [tilespmem:s17], [sflag:$0x8], $0x2800, $0x38;
	[tilespmem:$0x1E180] =	vst v63  }
0x85: {  	_ = 	snop  }
0x86: {  	[spmem:s5] =	stream.linear.scatter [tilespmem:s17], [sflag:$0x7], $0x2800, $0x38;
	[tilespmem:$0x1E180] =	vst v63  }
0x87: {  	_ = 	snop  }
0x88: {  	[spmem:s6] =	stream.linear.scatter [tilespmem:s17], [sflag:$0x8], $0x2800, $0x38;
	[tilespmem:$0x1E180] =	vst v63  }
0x89: {  	_ = 	snop  }
0x8a: {  	[spmem:s7] =	stream.linear.scatter [tilespmem:s17], [sflag:$0x7], $0x2800, $0x38;
	[tilespmem:$0x1E180] =	vst v63  }
0x8b: {  	_ = 	snop  }
0x8c: {  	[spmem:s8] =	stream.linear.scatter [tilespmem:s17], [sflag:$0x8], $0x2800, $0x38;
	[tilespmem:$0x1E180] =	vst v63  }
0x8d: {  	_ =	swait.ge [sflag:s18], $0x2800  }
0x8e: {  	[sflag:s18] =	ssyncset.done $0x0  }
0x8f: {  	[sflag:s18] =	ssyncadd.s32 $0xFFFFD800  }
0x90: {  	_ =	swait.ge [sflag:s19], $0x2800  }
0x91: {  	[sflag:s19] =	ssyncset.done $0x0  }
0x92: {  	[sflag:s19] =	ssyncadd.s32 $0xFFFFD800  }
0x93: {  	_ =	swait.ge [sflag:s18], $0x2800  }
0x94: {  	[sflag:s18] =	ssyncset.done $0x0  }
0x95: {  	[sflag:s18] =	ssyncadd.s32 $0xFFFFD800  }
0x96: {  	_ =	swait.ge [sflag:s19], $0x2800  }
0x97: {  	[sflag:s19] =	ssyncset.done $0x0  }
0x98: {  	[sflag:s19] =	ssyncadd.s32 $0xFFFFD800  }
0x99: {  	_ =	swait.ge [sflag:s18], $0x2800  }
0x9a: {  	[sflag:s18] =	ssyncset.done $0x0  }
0x9b: {  	[sflag:s18] =	ssyncadd.s32 $0xFFFFD800  }
0x9c: {  	_ =	swait.ge [sflag:s19], $0x2800  }
0x9d: {  	[sflag:s19] =	ssyncset.done $0x0  }
0x9e: {  	[sflag:s19] =	ssyncadd.s32 $0xFFFFD800  }
0x9f: {  	_ =	swait.ge [sflag:s18], $0x2800  }
0xa0: {  	[sflag:s18] =	ssyncset.done $0x0  }
0xa1: {  	[sflag:s18] =	ssyncadd.s32 $0xFFFFD800  }
0xa2: {  	_ =	swait.ge [sflag:s19], $0x2800  }
0xa3: {  	[sflag:s19] =	ssyncset.done $0x0  }
0xa4: {  	[sflag:s19] =	ssyncadd.s32 $0xFFFFD800  }
0xa5: {  	[bflag:$0x0] =	sbarrier.arrive $0xFFFF  }
0xa6: {  	s3 =	sld [smem:$0x7E6];
	_ =	sdelay $0x1  }
0xa7: {  	s2 =	simm.s32 $0x0;
	s5 =	sld [smem:$0x7D4]  }
0xa8: {  	[tilespmem:s20], [sflag:$0x1] =	stream.linear.gather [hbm4b:s3+s2], $0x2800, $0x38;
	[tilespmem:$0x1E180] =	vst v63  }
0xa9: {  	s4 =	sld [smem:$0x7E9]  }
0xaa: {  	[tilespmem:s21], [sflag:$0x4] =	stream.linear.gather [hbm4b:s5+s2], $0x50, $0x38;
	[tilespmem:$0x1E180] =	vst v63  }
0xab: {  	s5 =	sld [smem:$0x7D7]  }
0xac: {  	[tilespmem:s22], [sflag:$0x2] =	stream.linear.gather [hbm4b:s4+s2], $0x2800, $0x38;
	[tilespmem:$0x1E180] =	vst v63  }
0xad: {  	_ = 	snop  }
0xae: {  	[tilespmem:s23], [sflag:$0x5] =	stream.linear.gather [hbm4b:s5+s2], $0x50, $0x38;
	[tilespmem:$0x1E180] =	vst v63  }
0xaf: {  	_ =	swait.ge [sflag:s24], $0x2800  }
0xb0: {  	[sflag:s24] =	ssyncset.done $0x0  }
0xb1: {  	[sflag:s24] =	ssyncadd.s32 $0xFFFFD800  }
0xb2: {  	_ =	swait.ge [sflag:s25], $0x50  }
0xb3: {  	[sflag:s25] =	ssyncset.done $0x0  }
0xb4: {  	[sflag:s25] =	ssyncadd.s32 $0xFFFFFFB0  }
0xb5: {  	[spmem:s0] =	stream.indirect.scatter.add.f32 [tilespmem:s20], [sflag:$0x7], $0x80, s21, s26, $0xb8;
	[tilespmem:$0x1E180] =	vst v63  }
0xb6: {  	v2 =	vld [tilespmem:$0x1B800];
	_ =	sdelay $0x7  }
0xb7: {  	[tilespmem:v2+s28+$0x0] =	vst.idx.add.f32.msk $0xffff, v1  }
0xb8: {  	v2 =	vld [tilespmem:$0x1B810];
	_ =	sdelay $0x7  }
0xb9: {  	[tilespmem:v2+s28+$0x0] =	vst.idx.add.f32.msk $0xffff, v1  }
0xba: {  	v2 =	vld [tilespmem:$0x1B820];
	_ =	sdelay $0x7  }
0xbb: {  	[tilespmem:v2+s28+$0x0] =	vst.idx.add.f32.msk $0xffff, v1  }
0xbc: {  	v2 =	vld [tilespmem:$0x1B830];
	_ =	sdelay $0x7  }
0xbd: {  	[tilespmem:v2+s28+$0x0] =	vst.idx.add.f32.msk $0xffff, v1  }
0xbe: {  	v2 =	vld [tilespmem:$0x1B840];
	_ =	sdelay $0x5  }
0xbf: {  	s4 =	sld [smem:$0x7EC];
	_ =	sdelay $0x1  }
0xc0: {  	s5 =	sld [smem:$0x7DA];
	[tilespmem:v2+s28+$0x0] =	vst.idx.add.f32.msk $0xffff, v1  }
0xc1: {  	[tilespmem:s17], [sflag:$0x3] =	stream.linear.gather [hbm4b:s4+s2], $0x2800, $0x38;
	[tilespmem:$0x1E180] =	vst v63  }
0xc2: {  	_ = 	snop  }
0xc3: {  	[tilespmem:s29], [sflag:$0x6] =	stream.linear.gather [hbm4b:s5+s2], $0x50, $0x38;
	[tilespmem:$0x1E180] =	vst v63  }
0xc4: {  	_ =	swait.ge [sflag:s30], $0x2800  }
0xc5: {  	[sflag:s30] =	ssyncset.done $0x0  }
0xc6: {  	[sflag:s30] =	ssyncadd.s32 $0xFFFFD800  }
0xc7: {  	_ =	swait.ge [sflag:s31], $0x50  }
0xc8: {  	[sflag:s31] =	ssyncset.done $0x0  }
0xc9: {  	[sflag:s31] =	ssyncadd.s32 $0xFFFFFFB0  }
0xca: {  	[spmem:s0] =	stream.indirect.scatter.add.f32 [tilespmem:s22], [sflag:$0x8], $0x80, s23, s26, $0xb8;
	[tilespmem:$0x1E180] =	vst v63  }
0xcb: {  	v2 =	vld [tilespmem:$0x1B880];
	_ =	sdelay $0x7  }
0xcc: {  	[tilespmem:v2+s28+$0x0] =	vst.idx.add.f32.msk $0xffff, v1  }
0xcd: {  	v2 =	vld [tilespmem:$0x1B890];
	_ =	sdelay $0x7  }
0xce: {  	[tilespmem:v2+s28+$0x0] =	vst.idx.add.f32.msk $0xffff, v1  }
0xcf: {  	v2 =	vld [tilespmem:$0x1B8A0];
	_ =	sdelay $0x7  }
0xd0: {  	[tilespmem:v2+s28+$0x0] =	vst.idx.add.f32.msk $0xffff, v1  }
0xd1: {  	v2 =	vld [tilespmem:$0x1B8B0];
	_ =	sdelay $0x7  }
0xd2: {  	[tilespmem:v2+s28+$0x0] =	vst.idx.add.f32.msk $0xffff, v1  }
0xd3: {  	v2 =	vld [tilespmem:$0x1B8C0];
	_ =	sdelay $0x7  }
0xd4: {  	[tilespmem:v2+s28+$0x0] =	vst.idx.add.f32.msk $0xffff, v1  }
0xd5: {  	_ =	swait.ge [sflag:s18], $0x2800  }
0xd6: {  	s4 =	sld [smem:$0x7EF]  }
0xd7: {  	[sflag:s18] =	ssyncset.done $0x0  }
0xd8: {  	s5 =	sld [smem:$0x7DD];
	[sflag:s18] =	ssyncadd.s32 $0xFFFFD800  }
0xd9: {  	[tilespmem:s20], [sflag:$0x1] =	stream.linear.gather [hbm4b:s4+s2], $0x2800, $0x38;
	[tilespmem:$0x1E180] =	vst v63  }
0xda: {  	_ = 	snop  }
0xdb: {  	[tilespmem:s21], [sflag:$0x4] =	stream.linear.gather [hbm4b:s5+s2], $0x50, $0x38;
	[tilespmem:$0x1E180] =	vst v63  }
0xdc: {  	_ =	swait.ge [sflag:s13], $0x2800  }
0xdd: {  	[sflag:s13] =	ssyncset.done $0x0  }
0xde: {  	[sflag:s13] =	ssyncadd.s32 $0xFFFFD800  }
0xdf: {  	_ =	swait.ge [sflag:s14], $0x50  }
0xe0: {  	[sflag:s14] =	ssyncset.done $0x0  }
0xe1: {  	[sflag:s14] =	ssyncadd.s32 $0xFFFFFFB0  }
0xe2: {  	[spmem:s0] =	stream.indirect.scatter.add.f32 [tilespmem:s17], [sflag:$0x9], $0x80, s29, s26, $0xb8;
	[tilespmem:$0x1E180] =	vst v63  }
0xe3: {  	v2 =	vld [tilespmem:$0x1B900];
	_ =	sdelay $0x7  }
0xe4: {  	[tilespmem:v2+s28+$0x0] =	vst.idx.add.f32.msk $0xffff, v1  }
0xe5: {  	v2 =	vld [tilespmem:$0x1B910];
	_ =	sdelay $0x7  }
0xe6: {  	[tilespmem:v2+s28+$0x0] =	vst.idx.add.f32.msk $0xffff, v1  }
0xe7: {  	v2 =	vld [tilespmem:$0x1B920];
	_ =	sdelay $0x7  }
0xe8: {  	[tilespmem:v2+s28+$0x0] =	vst.idx.add.f32.msk $0xffff, v1  }
0xe9: {  	v2 =	vld [tilespmem:$0x1B930];
	_ =	sdelay $0x7  }
0xea: {  	[tilespmem:v2+s28+$0x0] =	vst.idx.add.f32.msk $0xffff, v1  }
0xeb: {  	v2 =	vld [tilespmem:$0x1B940];
	_ =	sdelay $0x7  }
0xec: {  	[tilespmem:v2+s28+$0x0] =	vst.idx.add.f32.msk $0xffff, v1  }
0xed: {  	_ =	swait.ge [sflag:s19], $0x2800  }
0xee: {  	s4 =	sld [smem:$0x7F2]  }
0xef: {  	[sflag:s19] =	ssyncset.done $0x0  }
0xf0: {  	s5 =	sld [smem:$0x7E0];
	[sflag:s19] =	ssyncadd.s32 $0xFFFFD800  }
0xf1: {  	[tilespmem:s22], [sflag:$0x2] =	stream.linear.gather [hbm4b:s4+s2], $0x2800, $0x38;
	[tilespmem:$0x1E180] =	vst v63  }
0xf2: {  	s3 =	sld [smem:$0x7F9]  }
0xf3: {  	[tilespmem:s23], [sflag:$0x5] =	stream.linear.gather [hbm4b:s5+s2], $0x50, $0x38;
	[tilespmem:$0x1E180] =	vst v63  }
.LBB2_4:
0xf4: {  	_ =	swait.ge [sflag:s24], $0x2800  }
0xf5: {  	[sflag:s24] =	ssyncset.done $0x0  }
0xf6: {  	[sflag:s24] =	ssyncadd.s32 $0xFFFFD800  }
0xf7: {  	_ =	swait.ge [sflag:s25], $0x50  }
0xf8: {  	[sflag:s25] =	ssyncset.done $0x0  }
0xf9: {  	[sflag:s25] =	ssyncadd.s32 $0xFFFFFFB0  }
0xfa: {  	[spmem:s0] =	stream.indirect.scatter.add.f32 [tilespmem:s20], [sflag:$0x7], $0x80, s21, s26, $0xb8;
	[tilespmem:$0x1E180] =	vst v63  }
0xfb: {  	v2 =	vld [tilespmem:$0x1B800];
	_ =	sdelay $0x7  }
0xfc: {  	[tilespmem:v2+s28+$0x0] =	vst.idx.add.f32.msk $0xffff, v1  }
0xfd: {  	v2 =	vld [tilespmem:$0x1B810];
	_ =	sdelay $0x7  }
0xfe: {  	[tilespmem:v2+s28+$0x0] =	vst.idx.add.f32.msk $0xffff, v1  }
0xff: {  	v2 =	vld [tilespmem:$0x1B820];
	_ =	sdelay $0x7  }
0x100: {  	[tilespmem:v2+s28+$0x0] =	vst.idx.add.f32.msk $0xffff, v1  }
0x101: {  	v2 =	vld [tilespmem:$0x1B830];
	_ =	sdelay $0x7  }
0x102: {  	[tilespmem:v2+s28+$0x0] =	vst.idx.add.f32.msk $0xffff, v1  }
0x103: {  	v2 =	vld [tilespmem:$0x1B840];
	_ =	sdelay $0x7  }
0x104: {  	[tilespmem:v2+s28+$0x0] =	vst.idx.add.f32.msk $0xffff, v1  }
0x105: {  	_ =	swait.ge [sflag:s15], $0x2800  }
0x106: {  	[sflag:s15] =	ssyncset.done $0x0  }
0x107: {  	s4 =	sadd.s32 $0xFFFEC000, s3;
	[sflag:s15] =	ssyncadd.s32 $0xFFFFD800  }
0x108: {  	[tilespmem:s17], [sflag:$0x3] =	stream.linear.gather [hbm4b:s4+s9], $0x2800, $0x38;
	[tilespmem:$0x1E180] =	vst v63  }
0x109: {  	s4 =	sadd.s32 s2, s10  }
0x10a: {  	s5 =	sadd.s32 $0x640, s4  }
0x10b: {  	[tilespmem:s29], [sflag:$0x6] =	stream.linear.gather [hbm4b:s5+s9], $0x50, $0x38;
	[tilespmem:$0x1E180] =	vst v63  }
0x10c: {  	_ =	swait.ge [sflag:s30], $0x2800  }
0x10d: {  	[sflag:s30] =	ssyncset.done $0x0  }
0x10e: {  	[sflag:s30] =	ssyncadd.s32 $0xFFFFD800  }
0x10f: {  	_ =	swait.ge [sflag:s31], $0x50  }
0x110: {  	[sflag:s31] =	ssyncset.done $0x0  }
0x111: {  	[sflag:s31] =	ssyncadd.s32 $0xFFFFFFB0  }
0x112: {  	[spmem:s0] =	stream.indirect.scatter.add.f32 [tilespmem:s22], [sflag:$0x8], $0x80, s23, s26, $0xb8;
	[tilespmem:$0x1E180] =	vst v63  }
0x113: {  	v2 =	vld [tilespmem:$0x1B880];
	_ =	sdelay $0x7  }
0x114: {  	[tilespmem:v2+s28+$0x0] =	vst.idx.add.f32.msk $0xffff, v1  }
0x115: {  	v2 =	vld [tilespmem:$0x1B890];
	_ =	sdelay $0x7  }
0x116: {  	[tilespmem:v2+s28+$0x0] =	vst.idx.add.f32.msk $0xffff, v1  }
0x117: {  	v2 =	vld [tilespmem:$0x1B8A0];
	_ =	sdelay $0x7  }
0x118: {  	[tilespmem:v2+s28+$0x0] =	vst.idx.add.f32.msk $0xffff, v1  }
0x119: {  	v2 =	vld [tilespmem:$0x1B8B0];
	_ =	sdelay $0x7  }
0x11a: {  	[tilespmem:v2+s28+$0x0] =	vst.idx.add.f32.msk $0xffff, v1  }
0x11b: {  	v2 =	vld [tilespmem:$0x1B8C0];
	_ =	sdelay $0x7  }
0x11c: {  	[tilespmem:v2+s28+$0x0] =	vst.idx.add.f32.msk $0xffff, v1  }
0x11d: {  	_ =	swait.ge [sflag:s18], $0x2800  }
0x11e: {  	[sflag:s18] =	ssyncset.done $0x0  }
0x11f: {  	s5 =	sadd.s32 $0xFFFF6000, s3;
	[sflag:s18] =	ssyncadd.s32 $0xFFFFD800  }
0x120: {  	[tilespmem:s20], [sflag:$0x1] =	stream.linear.gather [hbm4b:s5+s9], $0x2800, $0x38;
	[tilespmem:$0x1E180] =	vst v63  }
0x121: {  	s5 =	sadd.s32 $0x780, s4  }
0x122: {  	[tilespmem:s21], [sflag:$0x4] =	stream.linear.gather [hbm4b:s5+s9], $0x50, $0x38;
	[tilespmem:$0x1E180] =	vst v63  }
0x123: {  	_ =	swait.ge [sflag:s13], $0x2800  }
0x124: {  	[sflag:s13] =	ssyncset.done $0x0  }
0x125: {  	[sflag:s13] =	ssyncadd.s32 $0xFFFFD800  }
0x126: {  	_ =	swait.ge [sflag:s14], $0x50  }
0x127: {  	[sflag:s14] =	ssyncset.done $0x0  }
0x128: {  	[sflag:s14] =	ssyncadd.s32 $0xFFFFFFB0  }
0x129: {  	[spmem:s0] =	stream.indirect.scatter.add.f32 [tilespmem:s17], [sflag:$0x9], $0x80, s29, s26, $0xb8;
	[tilespmem:$0x1E180] =	vst v63  }
0x12a: {  	v2 =	vld [tilespmem:$0x1B900];
	_ =	sdelay $0x7  }
0x12b: {  	[tilespmem:v2+s28+$0x0] =	vst.idx.add.f32.msk $0xffff, v1  }
0x12c: {  	v2 =	vld [tilespmem:$0x1B910];
	_ =	sdelay $0x7  }
0x12d: {  	[tilespmem:v2+s28+$0x0] =	vst.idx.add.f32.msk $0xffff, v1  }
0x12e: {  	v2 =	vld [tilespmem:$0x1B920];
	_ =	sdelay $0x7  }
0x12f: {  	[tilespmem:v2+s28+$0x0] =	vst.idx.add.f32.msk $0xffff, v1  }
0x130: {  	v2 =	vld [tilespmem:$0x1B930];
	_ =	sdelay $0x7  }
0x131: {  	[tilespmem:v2+s28+$0x0] =	vst.idx.add.f32.msk $0xffff, v1  }
0x132: {  	v2 =	vld [tilespmem:$0x1B940];
	_ =	sdelay $0x7  }
0x133: {  	[tilespmem:v2+s28+$0x0] =	vst.idx.add.f32.msk $0xffff, v1  }
0x134: {  	p0 =	sne.s32 s2, $0x9240;
	_ =	swait.ge [sflag:s19], $0x2800  }
.Ltmp1:
0x135: {  	[sflag:s19] =	ssyncset.done $0x0;
	(pc) =	sbr.rel @p0 .LBB2_4-.Ltmp1, $4  }
0x136: {  	[sflag:s19] =	ssyncadd.s32 $0xFFFFD800  }
0x137: {  	[tilespmem:s22], [sflag:$0x2] =	stream.linear.gather [hbm4b:s3+s9], $0x2800, $0x38;
	[tilespmem:$0x1E180] =	vst v63  }
0x138: {  	s2 =	sadd.s32 $0x3C0, s2;
	s4 =	sadd.s32 $0x8C0, s4;
	s3 =	sadd.s32 $0x1E000, s3  }
0x139: {  	[tilespmem:s23], [sflag:$0x5] =	stream.linear.gather [hbm4b:s4+s9], $0x50, $0x38;
	[tilespmem:$0x1E180] =	vst v63  }
0x13a: {  	_ =	swait.ge [sflag:s24], $0x2800  }
0x13b: {  	[sflag:s24] =	ssyncset.done $0x0  }
0x13c: {  	[sflag:s24] =	ssyncadd.s32 $0xFFFFD800  }
0x13d: {  	_ =	swait.ge [sflag:s25], $0x50  }
0x13e: {  	[sflag:s25] =	ssyncset.done $0x0  }
0x13f: {  	[sflag:s25] =	ssyncadd.s32 $0xFFFFFFB0  }
0x140: {  	[spmem:s0] =	stream.indirect.scatter.add.f32 [tilespmem:s20], [sflag:$0x7], $0x80, s21, s26, $0xb8;
	[tilespmem:$0x1E180] =	vst v63  }
0x141: {  	v2 =	vld [tilespmem:$0x1B800];
	_ =	sdelay $0x7  }
0x142: {  	[tilespmem:v2+s28+$0x0] =	vst.idx.add.f32.msk $0xffff, v1  }
0x143: {  	v2 =	vld [tilespmem:$0x1B810];
	_ =	sdelay $0x7  }
0x144: {  	[tilespmem:v2+s28+$0x0] =	vst.idx.add.f32.msk $0xffff, v1  }
0x145: {  	v2 =	vld [tilespmem:$0x1B820];
	_ =	sdelay $0x7  }
0x146: {  	[tilespmem:v2+s28+$0x0] =	vst.idx.add.f32.msk $0xffff, v1  }
0x147: {  	v2 =	vld [tilespmem:$0x1B830];
	_ =	sdelay $0x7  }
0x148: {  	[tilespmem:v2+s28+$0x0] =	vst.idx.add.f32.msk $0xffff, v1  }
0x149: {  	v2 =	vld [tilespmem:$0x1B840];
	_ =	sdelay $0x7  }
0x14a: {  	[tilespmem:v2+s28+$0x0] =	vst.idx.add.f32.msk $0xffff, v1  }
0x14b: {  	_ =	swait.ge [sflag:s15], $0x2800  }
0x14c: {  	[sflag:s15] =	ssyncset.done $0x0  }
0x14d: {  	[sflag:s15] =	ssyncadd.s32 $0xFFFFD800  }
0x14e: {  	_ =	swait.ge [sflag:s30], $0x2800  }
0x14f: {  	[sflag:s30] =	ssyncset.done $0x0  }
0x150: {  	[sflag:s30] =	ssyncadd.s32 $0xFFFFD800  }
0x151: {  	_ =	swait.ge [sflag:s31], $0x50  }
0x152: {  	[sflag:s31] =	ssyncset.done $0x0  }
0x153: {  	[sflag:s31] =	ssyncadd.s32 $0xFFFFFFB0  }
0x154: {  	[spmem:s0] =	stream.indirect.scatter.add.f32 [tilespmem:s22], [sflag:$0x8], $0x80, s23, s26, $0xb8;
	[tilespmem:$0x1E180] =	vst v63  }
0x155: {  	v2 =	vld [tilespmem:$0x1B880];
	_ =	sdelay $0x7  }
0x156: {  	[tilespmem:v2+s28+$0x0] =	vst.idx.add.f32.msk $0xffff, v1  }
0x157: {  	v2 =	vld [tilespmem:$0x1B890];
	_ =	sdelay $0x7  }
0x158: {  	[tilespmem:v2+s28+$0x0] =	vst.idx.add.f32.msk $0xffff, v1  }
0x159: {  	v2 =	vld [tilespmem:$0x1B8A0];
	_ =	sdelay $0x7  }
0x15a: {  	[tilespmem:v2+s28+$0x0] =	vst.idx.add.f32.msk $0xffff, v1  }
0x15b: {  	v2 =	vld [tilespmem:$0x1B8B0];
	_ =	sdelay $0x7  }
0x15c: {  	[tilespmem:v2+s28+$0x0] =	vst.idx.add.f32.msk $0xffff, v1  }
0x15d: {  	v2 =	vld [tilespmem:$0x1B8C0];
	_ =	sdelay $0x7  }
0x15e: {  	[tilespmem:v2+s28+$0x0] =	vst.idx.add.f32.msk $0xffff, v1  }
0x15f: {  	_ =	swait.ge [sflag:s18], $0x2800  }
0x160: {  	[sflag:s18] =	ssyncset.done $0x0  }
0x161: {  	[sflag:s18] =	ssyncadd.s32 $0xFFFFD800  }
0x162: {  	_ =	swait.ge [sflag:s19], $0x2800  }
0x163: {  	[sflag:s19] =	ssyncset.done $0x0  }
0x164: {  	[sflag:s19] =	ssyncadd.s32 $0xFFFFD800  }
0x165: {  	[bflag:$0x0] =	sbarrier.arrive $0xFFFF  }
0x166: {  	s2 =	sld [smem:$0x7F5];
	_ =	sdelay $0x2  }
0x167: {  	[tilespmem:s20], [sflag:$0xA] =	stream.linear.gather [spmem:s2], $0x2800, $0x38;
	[tilespmem:$0x1E180] =	vst v63  }
0x168: {  	_ =	swait.ge [sflag:s16], $0x2800  }
0x169: {  	[sflag:s16] =	ssyncset.done $0x0;
	s3 =	rddreg [dreg:$0xe]  }
0x16a: {  	s2 =	simm.s32 $0x0;
	s5 =	sld [smem:$0x7F6];
	[sflag:s16] =	ssyncadd.s32 $0xFFFFD800  }
0x16b: {  	[hbm4b:s3+s2] =	stream.linear.scatter [tilespmem:s20], [sflag:$0x1], $0x2800, $0x38;
	[tilespmem:$0x1E180] =	vst v63  }
0x16c: {  	_ = 	snop  }
0x16d: {  	[tilespmem:s22], [sflag:$0xA] =	stream.linear.gather [spmem:s5], $0x2800, $0x38;
	[tilespmem:$0x1E180] =	vst v63  }
0x16e: {  	_ =	swait.ge [sflag:s16], $0x2800  }
0x16f: {  	[sflag:s16] =	ssyncset.done $0x0  }
0x170: {  	s4 =	rddreg [dreg:$0xf];
	[sflag:s16] =	ssyncadd.s32 $0xFFFFD800  }
0x171: {  	[hbm4b:s4+s2] =	stream.linear.scatter [tilespmem:s22], [sflag:$0x2], $0x2800, $0x38;
	[tilespmem:$0x1E180] =	vst v63  }
0x172: {  	_ =	swait.ge [sflag:s24], $0x2800  }
0x173: {  	s5 =	sld [smem:$0x7F7]  }
0x174: {  	[sflag:s24] =	ssyncset.done $0x0  }
0x175: {  	[sflag:s24] =	ssyncadd.s32 $0xFFFFD800  }
0x176: {  	[tilespmem:s20], [sflag:$0xA] =	stream.linear.gather [spmem:s5], $0x2800, $0x38;
	[tilespmem:$0x1E180] =	vst v63  }
0x177: {  	_ =	swait.ge [sflag:s16], $0x2800  }
0x178: {  	[sflag:s16] =	ssyncset.done $0x0  }
0x179: {  	s4 =	rddreg [dreg:$0x10];
	[sflag:s16] =	ssyncadd.s32 $0xFFFFD800  }
0x17a: {  	[hbm4b:s4+s2] =	stream.linear.scatter [tilespmem:s20], [sflag:$0x1], $0x2800, $0x38;
	[tilespmem:$0x1E180] =	vst v63  }
0x17b: {  	_ =	swait.ge [sflag:s30], $0x2800  }
0x17c: {  	s4 =	sld [smem:$0x7FC]  }
0x17d: {  	[sflag:s30] =	ssyncset.done $0x0  }
0x17e: {  	[sflag:s30] =	ssyncadd.s32 $0xFFFFD800  }
0x17f: {  	[tilespmem:s22], [sflag:$0xA] =	stream.linear.gather [spmem:s4], $0x2800, $0x38;
	[tilespmem:$0x1E180] =	vst v63  }
0x180: {  	_ =	swait.ge [sflag:s16], $0x2800  }
0x181: {  	[sflag:s16] =	ssyncset.done $0x0  }
0x182: {  	s5 =	rddreg [dreg:$0x11];
	[sflag:s16] =	ssyncadd.s32 $0xFFFFD800  }
0x183: {  	[hbm4b:s5+s2] =	stream.linear.scatter [tilespmem:s22], [sflag:$0x2], $0x2800, $0x38;
	[tilespmem:$0x1E180] =	vst v63  }
0x184: {  	_ =	swait.ge [sflag:s24], $0x2800  }
0x185: {  	s5 =	sld [smem:$0x7FD]  }
0x186: {  	[sflag:s24] =	ssyncset.done $0x0  }
0x187: {  	[sflag:s24] =	ssyncadd.s32 $0xFFFFD800  }
0x188: {  	[tilespmem:s20], [sflag:$0xA] =	stream.linear.gather [spmem:s5], $0x2800, $0x38;
	[tilespmem:$0x1E180] =	vst v63  }
0x189: {  	_ =	swait.ge [sflag:s16], $0x2800  }
0x18a: {  	[sflag:s16] =	ssyncset.done $0x0  }
0x18b: {  	s3 =	rddreg [dreg:$0x12];
	[sflag:s16] =	ssyncadd.s32 $0xFFFFD800  }
0x18c: {  	[hbm4b:s3+s2] =	stream.linear.scatter [tilespmem:s20], [sflag:$0x1], $0x2800, $0x38;
	[tilespmem:$0x1E180] =	vst v63  }
0x18d: {  	_ =	swait.ge [sflag:s30], $0x2800  }
0x18e: {  	[sflag:s30] =	ssyncset.done $0x0  }
0x18f: {  	[sflag:s30] =	ssyncadd.s32 $0xFFFFD800  }
0x190: {  	[tilespmem:s22], [sflag:$0xA] =	stream.linear.gather [spmem:s6], $0x2800, $0x38;
	[tilespmem:$0x1E180] =	vst v63  }
0x191: {  	_ =	swait.ge [sflag:s16], $0x2800  }
0x192: {  	[sflag:s16] =	ssyncset.done $0x0  }
0x193: {  	s3 =	rddreg [dreg:$0x13];
	[sflag:s16] =	ssyncadd.s32 $0xFFFFD800  }
0x194: {  	[hbm4b:s3+s2] =	stream.linear.scatter [tilespmem:s22], [sflag:$0x2], $0x2800, $0x38;
	[tilespmem:$0x1E180] =	vst v63  }
0x195: {  	_ =	swait.ge [sflag:s24], $0x2800  }
0x196: {  	[sflag:s24] =	ssyncset.done $0x0  }
0x197: {  	[sflag:s24] =	ssyncadd.s32 $0xFFFFD800  }
0x198: {  	[tilespmem:s20], [sflag:$0xA] =	stream.linear.gather [spmem:s7], $0x2800, $0x38;
	[tilespmem:$0x1E180] =	vst v63  }
0x199: {  	_ =	swait.ge [sflag:s16], $0x2800  }
0x19a: {  	[sflag:s16] =	ssyncset.done $0x0  }
0x19b: {  	s3 =	rddreg [dreg:$0x14];
	[sflag:s16] =	ssyncadd.s32 $0xFFFFD800  }
0x19c: {  	[hbm4b:s3+s2] =	stream.linear.scatter [tilespmem:s20], [sflag:$0x1], $0x2800, $0x38;
	[tilespmem:$0x1E180] =	vst v63  }
0x19d: {  	_ =	swait.ge [sflag:s30], $0x2800  }
0x19e: {  	[sflag:s30] =	ssyncset.done $0x0  }
0x19f: {  	[sflag:s30] =	ssyncadd.s32 $0xFFFFD800  }
0x1a0: {  	[tilespmem:s22], [sflag:$0xA] =	stream.linear.gather [spmem:s8], $0x2800, $0x38;
	[tilespmem:$0x1E180] =	vst v63  }
0x1a1: {  	_ =	swait.ge [sflag:s16], $0x2800  }
0x1a2: {  	[sflag:s16] =	ssyncset.done $0x0  }
0x1a3: {  	s3 =	rddreg [dreg:$0x15];
	[sflag:s16] =	ssyncadd.s32 $0xFFFFD800  }
0x1a4: {  	[hbm4b:s3+s2] =	stream.linear.scatter [tilespmem:s22], [sflag:$0x2], $0x2800, $0x38;
	[tilespmem:$0x1E180] =	vst v63  }
0x1a5: {  	_ =	swait.ge [sflag:s24], $0x2800  }
0x1a6: {  	[sflag:s24] =	ssyncset.done $0x0  }
0x1a7: {  	[sflag:s24] =	ssyncadd.s32 $0xFFFFD800  }
0x1a8: {  	_ =	swait.ge [sflag:s30], $0x2800  }
0x1a9: {  	s3 =	sld [smem:$0x7E3]  }
0x1aa: {  	[sflag:s30] =	ssyncset.done $0x0  }
0x1ab: {  	[sflag:s30] =	ssyncadd.s32 $0xFFFFD800  }
0x1ac: {  	[hbm4b:s3+s2] =	stream.linear.scatter [tilespmem:s28], [sflag:$0xA], $0x2800, $0x38;
	[tilespmem:$0x1E180] =	vst v63  }
0x1ad: {  	_ =	swait.ge [sflag:s16], $0x2800  }
0x1ae: {  	[sflag:s16] =	ssyncset.done $0x0  }
0x1af: {  	s2 =	simm.s32 $0x0;
	s3 =	simm.s32 $0x200;
	[sflag:s16] =	ssyncadd.s32 $0xFFFFD800  }
.LBB2_6:
0x1b0: {  	p0 =	sne.s32 s3, $0x9E00;
	[tilespmem:s2+$0x1B9F0] =	vst v0  }
0x1b1: {  	[tilespmem:s2+$0x19000] =	vst v0  }
0x1b2: {  	[tilespmem:s2+$0x1B980] =	vst v0  }
0x1b3: {  	[tilespmem:s2+$0x19010] =	vst v0  }
0x1b4: {  	[tilespmem:s2+$0x1B990] =	vst v0  }
0x1b5: {  	[tilespmem:s2+$0x19020] =	vst v0  }
0x1b6: {  	[tilespmem:s2+$0x1B9A0] =	vst v0  }
0x1b7: {  	[tilespmem:s2+$0x19030] =	vst v0  }
0x1b8: {  	[tilespmem:s2+$0x1B9B0] =	vst v0  }
0x1b9: {  	[tilespmem:s2+$0x19040] =	vst v0  }
0x1ba: {  	[tilespmem:s2+$0x1B9C0] =	vst v0  }
.Ltmp2:
0x1bb: {  	[tilespmem:s2+$0x19050] =	vst v0;
	(pc) =	sbr.rel @p0 .LBB2_6-.Ltmp2, $4  }
0x1bc: {  	[tilespmem:s2+$0x1B9D0] =	vst v0  }
0x1bd: {  	[tilespmem:s2+$0x19060] =	vst v0  }
0x1be: {  	[tilespmem:s2+$0x1B9E0] =	vst v0  }
0x1bf: {  	[tilespmem:s2+$0x19070] =	vst v0;
	s2 =	sshra.s32 s3, $0x2;
	s3 =	sadd.s32 $0x200, s3  }
0x1c0: {  	[tilespmem:s2+$0x1B9F0] =	vst v0  }
0x1c1: {  	[tilespmem:s2+$0x19000] =	vst v0  }
0x1c2: {  	[tilespmem:s2+$0x1B980] =	vst v0  }
0x1c3: {  	[tilespmem:s2+$0x19010] =	vst v0  }
0x1c4: {  	[tilespmem:s2+$0x1B990] =	vst v0  }
0x1c5: {  	[tilespmem:s2+$0x19020] =	vst v0  }
0x1c6: {  	[tilespmem:s2+$0x1B9A0] =	vst v0  }
0x1c7: {  	[tilespmem:s2+$0x19030] =	vst v0  }
0x1c8: {  	[tilespmem:s2+$0x1B9B0] =	vst v0  }
0x1c9: {  	[tilespmem:s2+$0x19040] =	vst v0  }
0x1ca: {  	[tilespmem:s2+$0x1B9C0] =	vst v0  }
0x1cb: {  	[tilespmem:s2+$0x19050] =	vst v0  }
0x1cc: {  	[tilespmem:s2+$0x1B9D0] =	vst v0  }
0x1cd: {  	[tilespmem:s2+$0x19060] =	vst v0;
	s3 =	sld [smem:$0x7F5]  }
0x1ce: {  	[tilespmem:s2+$0x1B9E0] =	vst v0  }
0x1cf: {  	[tilespmem:s2+$0x19070] =	vst v0  }
0x1d0: {  	[spmem:s3] =	stream.linear.scatter [tilespmem:s17], [sflag:$0x7], $0x2800, $0x38;
	[tilespmem:$0x1E180] =	vst v63  }
0x1d1: {  	s3 =	sld [smem:$0x7F6];
	_ =	sdelay $0x2  }
0x1d2: {  	[spmem:s3] =	stream.linear.scatter [tilespmem:s17], [sflag:$0x8], $0x2800, $0x38;
	[tilespmem:$0x1E180] =	vst v63  }
0x1d3: {  	s3 =	sld [smem:$0x7F7];
	_ =	sdelay $0x2  }
0x1d4: {  	[spmem:s3] =	stream.linear.scatter [tilespmem:s17], [sflag:$0x7], $0x2800, $0x38;
	[tilespmem:$0x1E180] =	vst v63  }
0x1d5: {  	_ = 	snop  }
0x1d6: {  	[spmem:s4] =	stream.linear.scatter [tilespmem:s17], [sflag:$0x8], $0x2800, $0x38;
	[tilespmem:$0x1E180] =	vst v63  }
0x1d7: {  	_ = 	snop  }
0x1d8: {  	[spmem:s5] =	stream.linear.scatter [tilespmem:s17], [sflag:$0x7], $0x2800, $0x38;
	[tilespmem:$0x1E180] =	vst v63  }
0x1d9: {  	_ = 	snop  }
0x1da: {  	[spmem:s6] =	stream.linear.scatter [tilespmem:s17], [sflag:$0x8], $0x2800, $0x38;
	[tilespmem:$0x1E180] =	vst v63  }
0x1db: {  	_ = 	snop  }
0x1dc: {  	[spmem:s7] =	stream.linear.scatter [tilespmem:s17], [sflag:$0x7], $0x2800, $0x38;
	[tilespmem:$0x1E180] =	vst v63  }
0x1dd: {  	_ = 	snop  }
0x1de: {  	[spmem:s8] =	stream.linear.scatter [tilespmem:s17], [sflag:$0x8], $0x2800, $0x38;
	[tilespmem:$0x1E180] =	vst v63  }
0x1df: {  	_ =	swait.ge [sflag:s18], $0x2800  }
0x1e0: {  	[sflag:s18] =	ssyncset.done $0x0  }
0x1e1: {  	[sflag:s18] =	ssyncadd.s32 $0xFFFFD800  }
0x1e2: {  	_ =	swait.ge [sflag:s19], $0x2800  }
0x1e3: {  	[sflag:s19] =	ssyncset.done $0x0  }
0x1e4: {  	[sflag:s19] =	ssyncadd.s32 $0xFFFFD800  }
0x1e5: {  	_ =	swait.ge [sflag:s18], $0x2800  }
0x1e6: {  	[sflag:s18] =	ssyncset.done $0x0  }
0x1e7: {  	[sflag:s18] =	ssyncadd.s32 $0xFFFFD800  }
0x1e8: {  	_ =	swait.ge [sflag:s19], $0x2800  }
0x1e9: {  	[sflag:s19] =	ssyncset.done $0x0  }
0x1ea: {  	[sflag:s19] =	ssyncadd.s32 $0xFFFFD800  }
0x1eb: {  	_ =	swait.ge [sflag:s18], $0x2800  }
0x1ec: {  	[sflag:s18] =	ssyncset.done $0x0  }
0x1ed: {  	[sflag:s18] =	ssyncadd.s32 $0xFFFFD800  }
0x1ee: {  	_ =	swait.ge [sflag:s19], $0x2800  }
0x1ef: {  	[sflag:s19] =	ssyncset.done $0x0  }
0x1f0: {  	[sflag:s19] =	ssyncadd.s32 $0xFFFFD800  }
0x1f1: {  	_ =	swait.ge [sflag:s18], $0x2800  }
0x1f2: {  	[sflag:s18] =	ssyncset.done $0x0  }
0x1f3: {  	[sflag:s18] =	ssyncadd.s32 $0xFFFFD800  }
0x1f4: {  	_ =	swait.ge [sflag:s19], $0x2800  }
0x1f5: {  	[sflag:s19] =	ssyncset.done $0x0  }
0x1f6: {  	[sflag:s19] =	ssyncadd.s32 $0xFFFFD800  }
0x1f7: {  	[bflag:$0x0] =	sbarrier.arrive $0xFFFF  }
0x1f8: {  	s3 =	sld [smem:$0x7E7];
	_ =	sdelay $0x1  }
0x1f9: {  	s2 =	simm.s32 $0x0;
	s5 =	sld [smem:$0x7D5]  }
0x1fa: {  	[tilespmem:s20], [sflag:$0x1] =	stream.linear.gather [hbm4b:s3+s2], $0x2800, $0x38;
	[tilespmem:$0x1E180] =	vst v63  }
0x1fb: {  	s4 =	sld [smem:$0x7EA]  }
0x1fc: {  	[tilespmem:s21], [sflag:$0x4] =	stream.linear.gather [hbm4b:s5+s2], $0x50, $0x38;
	[tilespmem:$0x1E180] =	vst v63  }
0x1fd: {  	s5 =	sld [smem:$0x7D8]  }
0x1fe: {  	[tilespmem:s22], [sflag:$0x2] =	stream.linear.gather [hbm4b:s4+s2], $0x2800, $0x38;
	[tilespmem:$0x1E180] =	vst v63  }
0x1ff: {  	_ = 	snop  }
0x200: {  	[tilespmem:s23], [sflag:$0x5] =	stream.linear.gather [hbm4b:s5+s2], $0x50, $0x38;
	[tilespmem:$0x1E180] =	vst v63  }
0x201: {  	_ =	swait.ge [sflag:s24], $0x2800  }
0x202: {  	[sflag:s24] =	ssyncset.done $0x0  }
0x203: {  	[sflag:s24] =	ssyncadd.s32 $0xFFFFD800  }
0x204: {  	_ =	swait.ge [sflag:s25], $0x50  }
0x205: {  	[sflag:s25] =	ssyncset.done $0x0  }
0x206: {  	[sflag:s25] =	ssyncadd.s32 $0xFFFFFFB0  }
0x207: {  	[spmem:s0] =	stream.indirect.scatter.add.f32 [tilespmem:s20], [sflag:$0x7], $0x80, s21, s26, $0xb8;
	[tilespmem:$0x1E180] =	vst v63  }
0x208: {  	v2 =	vld [tilespmem:$0x1B800];
	_ =	sdelay $0x7  }
0x209: {  	[tilespmem:v2+s28+$0x0] =	vst.idx.add.f32.msk $0xffff, v1  }
0x20a: {  	v2 =	vld [tilespmem:$0x1B810];
	_ =	sdelay $0x7  }
0x20b: {  	[tilespmem:v2+s28+$0x0] =	vst.idx.add.f32.msk $0xffff, v1  }
0x20c: {  	v2 =	vld [tilespmem:$0x1B820];
	_ =	sdelay $0x7  }
0x20d: {  	[tilespmem:v2+s28+$0x0] =	vst.idx.add.f32.msk $0xffff, v1  }
0x20e: {  	v2 =	vld [tilespmem:$0x1B830];
	_ =	sdelay $0x7  }
0x20f: {  	[tilespmem:v2+s28+$0x0] =	vst.idx.add.f32.msk $0xffff, v1  }
0x210: {  	v2 =	vld [tilespmem:$0x1B840];
	_ =	sdelay $0x5  }
0x211: {  	s4 =	sld [smem:$0x7ED];
	_ =	sdelay $0x1  }
0x212: {  	s5 =	sld [smem:$0x7DB];
	[tilespmem:v2+s28+$0x0] =	vst.idx.add.f32.msk $0xffff, v1  }
0x213: {  	[tilespmem:s17], [sflag:$0x3] =	stream.linear.gather [hbm4b:s4+s2], $0x2800, $0x38;
	[tilespmem:$0x1E180] =	vst v63  }
0x214: {  	_ = 	snop  }
0x215: {  	[tilespmem:s29], [sflag:$0x6] =	stream.linear.gather [hbm4b:s5+s2], $0x50, $0x38;
	[tilespmem:$0x1E180] =	vst v63  }
0x216: {  	_ =	swait.ge [sflag:s30], $0x2800  }
0x217: {  	[sflag:s30] =	ssyncset.done $0x0  }
0x218: {  	[sflag:s30] =	ssyncadd.s32 $0xFFFFD800  }
0x219: {  	_ =	swait.ge [sflag:s31], $0x50  }
0x21a: {  	[sflag:s31] =	ssyncset.done $0x0  }
0x21b: {  	[sflag:s31] =	ssyncadd.s32 $0xFFFFFFB0  }
0x21c: {  	[spmem:s0] =	stream.indirect.scatter.add.f32 [tilespmem:s22], [sflag:$0x8], $0x80, s23, s26, $0xb8;
	[tilespmem:$0x1E180] =	vst v63  }
0x21d: {  	v2 =	vld [tilespmem:$0x1B880];
	_ =	sdelay $0x7  }
0x21e: {  	[tilespmem:v2+s28+$0x0] =	vst.idx.add.f32.msk $0xffff, v1  }
0x21f: {  	v2 =	vld [tilespmem:$0x1B890];
	_ =	sdelay $0x7  }
0x220: {  	[tilespmem:v2+s28+$0x0] =	vst.idx.add.f32.msk $0xffff, v1  }
0x221: {  	v2 =	vld [tilespmem:$0x1B8A0];
	_ =	sdelay $0x7  }
0x222: {  	[tilespmem:v2+s28+$0x0] =	vst.idx.add.f32.msk $0xffff, v1  }
0x223: {  	v2 =	vld [tilespmem:$0x1B8B0];
	_ =	sdelay $0x7  }
0x224: {  	[tilespmem:v2+s28+$0x0] =	vst.idx.add.f32.msk $0xffff, v1  }
0x225: {  	v2 =	vld [tilespmem:$0x1B8C0];
	_ =	sdelay $0x7  }
0x226: {  	[tilespmem:v2+s28+$0x0] =	vst.idx.add.f32.msk $0xffff, v1  }
0x227: {  	_ =	swait.ge [sflag:s18], $0x2800  }
0x228: {  	s4 =	sld [smem:$0x7F0]  }
0x229: {  	[sflag:s18] =	ssyncset.done $0x0  }
0x22a: {  	s5 =	sld [smem:$0x7DE];
	[sflag:s18] =	ssyncadd.s32 $0xFFFFD800  }
0x22b: {  	[tilespmem:s20], [sflag:$0x1] =	stream.linear.gather [hbm4b:s4+s2], $0x2800, $0x38;
	[tilespmem:$0x1E180] =	vst v63  }
0x22c: {  	_ = 	snop  }
0x22d: {  	[tilespmem:s21], [sflag:$0x4] =	stream.linear.gather [hbm4b:s5+s2], $0x50, $0x38;
	[tilespmem:$0x1E180] =	vst v63  }
0x22e: {  	_ =	swait.ge [sflag:s13], $0x2800  }
0x22f: {  	[sflag:s13] =	ssyncset.done $0x0  }
0x230: {  	[sflag:s13] =	ssyncadd.s32 $0xFFFFD800  }
0x231: {  	_ =	swait.ge [sflag:s14], $0x50  }
0x232: {  	[sflag:s14] =	ssyncset.done $0x0  }
0x233: {  	[sflag:s14] =	ssyncadd.s32 $0xFFFFFFB0  }
0x234: {  	[spmem:s0] =	stream.indirect.scatter.add.f32 [tilespmem:s17], [sflag:$0x9], $0x80, s29, s26, $0xb8;
	[tilespmem:$0x1E180] =	vst v63  }
0x235: {  	v2 =	vld [tilespmem:$0x1B900];
	_ =	sdelay $0x7  }
0x236: {  	[tilespmem:v2+s28+$0x0] =	vst.idx.add.f32.msk $0xffff, v1  }
0x237: {  	v2 =	vld [tilespmem:$0x1B910];
	_ =	sdelay $0x7  }
0x238: {  	[tilespmem:v2+s28+$0x0] =	vst.idx.add.f32.msk $0xffff, v1  }
0x239: {  	v2 =	vld [tilespmem:$0x1B920];
	_ =	sdelay $0x7  }
0x23a: {  	[tilespmem:v2+s28+$0x0] =	vst.idx.add.f32.msk $0xffff, v1  }
0x23b: {  	v2 =	vld [tilespmem:$0x1B930];
	_ =	sdelay $0x7  }
0x23c: {  	[tilespmem:v2+s28+$0x0] =	vst.idx.add.f32.msk $0xffff, v1  }
0x23d: {  	v2 =	vld [tilespmem:$0x1B940];
	_ =	sdelay $0x7  }
0x23e: {  	[tilespmem:v2+s28+$0x0] =	vst.idx.add.f32.msk $0xffff, v1  }
0x23f: {  	_ =	swait.ge [sflag:s19], $0x2800  }
0x240: {  	s4 =	sld [smem:$0x7F3]  }
0x241: {  	[sflag:s19] =	ssyncset.done $0x0  }
0x242: {  	s5 =	sld [smem:$0x7E1];
	[sflag:s19] =	ssyncadd.s32 $0xFFFFD800  }
0x243: {  	[tilespmem:s22], [sflag:$0x2] =	stream.linear.gather [hbm4b:s4+s2], $0x2800, $0x38;
	[tilespmem:$0x1E180] =	vst v63  }
0x244: {  	s3 =	sld [smem:$0x7FA]  }
0x245: {  	[tilespmem:s23], [sflag:$0x5] =	stream.linear.gather [hbm4b:s5+s2], $0x50, $0x38;
	[tilespmem:$0x1E180] =	vst v63  }
.LBB2_8:
0x246: {  	_ =	swait.ge [sflag:s24], $0x2800  }
0x247: {  	[sflag:s24] =	ssyncset.done $0x0  }
0x248: {  	[sflag:s24] =	ssyncadd.s32 $0xFFFFD800  }
0x249: {  	_ =	swait.ge [sflag:s25], $0x50  }
0x24a: {  	[sflag:s25] =	ssyncset.done $0x0  }
0x24b: {  	[sflag:s25] =	ssyncadd.s32 $0xFFFFFFB0  }
0x24c: {  	[spmem:s0] =	stream.indirect.scatter.add.f32 [tilespmem:s20], [sflag:$0x7], $0x80, s21, s26, $0xb8;
	[tilespmem:$0x1E180] =	vst v63  }
0x24d: {  	v2 =	vld [tilespmem:$0x1B800];
	_ =	sdelay $0x7  }
0x24e: {  	[tilespmem:v2+s28+$0x0] =	vst.idx.add.f32.msk $0xffff, v1  }
0x24f: {  	v2 =	vld [tilespmem:$0x1B810];
	_ =	sdelay $0x7  }
0x250: {  	[tilespmem:v2+s28+$0x0] =	vst.idx.add.f32.msk $0xffff, v1  }
0x251: {  	v2 =	vld [tilespmem:$0x1B820];
	_ =	sdelay $0x7  }
0x252: {  	[tilespmem:v2+s28+$0x0] =	vst.idx.add.f32.msk $0xffff, v1  }
0x253: {  	v2 =	vld [tilespmem:$0x1B830];
	_ =	sdelay $0x7  }
0x254: {  	[tilespmem:v2+s28+$0x0] =	vst.idx.add.f32.msk $0xffff, v1  }
0x255: {  	v2 =	vld [tilespmem:$0x1B840];
	_ =	sdelay $0x7  }
0x256: {  	[tilespmem:v2+s28+$0x0] =	vst.idx.add.f32.msk $0xffff, v1  }
0x257: {  	_ =	swait.ge [sflag:s15], $0x2800  }
0x258: {  	[sflag:s15] =	ssyncset.done $0x0  }
0x259: {  	s4 =	sadd.s32 $0xFFFEC000, s3;
	[sflag:s15] =	ssyncadd.s32 $0xFFFFD800  }
0x25a: {  	[tilespmem:s17], [sflag:$0x3] =	stream.linear.gather [hbm4b:s4+s9], $0x2800, $0x38;
	[tilespmem:$0x1E180] =	vst v63  }
0x25b: {  	s4 =	sadd.s32 s2, s11  }
0x25c: {  	s5 =	sadd.s32 $0x640, s4  }
0x25d: {  	[tilespmem:s29], [sflag:$0x6] =	stream.linear.gather [hbm4b:s5+s9], $0x50, $0x38;
	[tilespmem:$0x1E180] =	vst v63  }
0x25e: {  	_ =	swait.ge [sflag:s30], $0x2800  }
0x25f: {  	[sflag:s30] =	ssyncset.done $0x0  }
0x260: {  	[sflag:s30] =	ssyncadd.s32 $0xFFFFD800  }
0x261: {  	_ =	swait.ge [sflag:s31], $0x50  }
0x262: {  	[sflag:s31] =	ssyncset.done $0x0  }
0x263: {  	[sflag:s31] =	ssyncadd.s32 $0xFFFFFFB0  }
0x264: {  	[spmem:s0] =	stream.indirect.scatter.add.f32 [tilespmem:s22], [sflag:$0x8], $0x80, s23, s26, $0xb8;
	[tilespmem:$0x1E180] =	vst v63  }
0x265: {  	v2 =	vld [tilespmem:$0x1B880];
	_ =	sdelay $0x7  }
0x266: {  	[tilespmem:v2+s28+$0x0] =	vst.idx.add.f32.msk $0xffff, v1  }
0x267: {  	v2 =	vld [tilespmem:$0x1B890];
	_ =	sdelay $0x7  }
0x268: {  	[tilespmem:v2+s28+$0x0] =	vst.idx.add.f32.msk $0xffff, v1  }
0x269: {  	v2 =	vld [tilespmem:$0x1B8A0];
	_ =	sdelay $0x7  }
0x26a: {  	[tilespmem:v2+s28+$0x0] =	vst.idx.add.f32.msk $0xffff, v1  }
0x26b: {  	v2 =	vld [tilespmem:$0x1B8B0];
	_ =	sdelay $0x7  }
0x26c: {  	[tilespmem:v2+s28+$0x0] =	vst.idx.add.f32.msk $0xffff, v1  }
0x26d: {  	v2 =	vld [tilespmem:$0x1B8C0];
	_ =	sdelay $0x7  }
0x26e: {  	[tilespmem:v2+s28+$0x0] =	vst.idx.add.f32.msk $0xffff, v1  }
0x26f: {  	_ =	swait.ge [sflag:s18], $0x2800  }
0x270: {  	[sflag:s18] =	ssyncset.done $0x0  }
0x271: {  	s5 =	sadd.s32 $0xFFFF6000, s3;
	[sflag:s18] =	ssyncadd.s32 $0xFFFFD800  }
0x272: {  	[tilespmem:s20], [sflag:$0x1] =	stream.linear.gather [hbm4b:s5+s9], $0x2800, $0x38;
	[tilespmem:$0x1E180] =	vst v63  }
0x273: {  	s5 =	sadd.s32 $0x780, s4  }
0x274: {  	[tilespmem:s21], [sflag:$0x4] =	stream.linear.gather [hbm4b:s5+s9], $0x50, $0x38;
	[tilespmem:$0x1E180] =	vst v63  }
0x275: {  	_ =	swait.ge [sflag:s13], $0x2800  }
0x276: {  	[sflag:s13] =	ssyncset.done $0x0  }
0x277: {  	[sflag:s13] =	ssyncadd.s32 $0xFFFFD800  }
0x278: {  	_ =	swait.ge [sflag:s14], $0x50  }
0x279: {  	[sflag:s14] =	ssyncset.done $0x0  }
0x27a: {  	[sflag:s14] =	ssyncadd.s32 $0xFFFFFFB0  }
0x27b: {  	[spmem:s0] =	stream.indirect.scatter.add.f32 [tilespmem:s17], [sflag:$0x9], $0x80, s29, s26, $0xb8;
	[tilespmem:$0x1E180] =	vst v63  }
0x27c: {  	v2 =	vld [tilespmem:$0x1B900];
	_ =	sdelay $0x7  }
0x27d: {  	[tilespmem:v2+s28+$0x0] =	vst.idx.add.f32.msk $0xffff, v1  }
0x27e: {  	v2 =	vld [tilespmem:$0x1B910];
	_ =	sdelay $0x7  }
0x27f: {  	[tilespmem:v2+s28+$0x0] =	vst.idx.add.f32.msk $0xffff, v1  }
0x280: {  	v2 =	vld [tilespmem:$0x1B920];
	_ =	sdelay $0x7  }
0x281: {  	[tilespmem:v2+s28+$0x0] =	vst.idx.add.f32.msk $0xffff, v1  }
0x282: {  	v2 =	vld [tilespmem:$0x1B930];
	_ =	sdelay $0x7  }
0x283: {  	[tilespmem:v2+s28+$0x0] =	vst.idx.add.f32.msk $0xffff, v1  }
0x284: {  	v2 =	vld [tilespmem:$0x1B940];
	_ =	sdelay $0x7  }
0x285: {  	[tilespmem:v2+s28+$0x0] =	vst.idx.add.f32.msk $0xffff, v1  }
0x286: {  	p0 =	sne.s32 s2, $0x9240;
	_ =	swait.ge [sflag:s19], $0x2800  }
.Ltmp3:
0x287: {  	[sflag:s19] =	ssyncset.done $0x0;
	(pc) =	sbr.rel @p0 .LBB2_8-.Ltmp3, $4  }
0x288: {  	[sflag:s19] =	ssyncadd.s32 $0xFFFFD800  }
0x289: {  	[tilespmem:s22], [sflag:$0x2] =	stream.linear.gather [hbm4b:s3+s9], $0x2800, $0x38;
	[tilespmem:$0x1E180] =	vst v63  }
0x28a: {  	s2 =	sadd.s32 $0x3C0, s2;
	s4 =	sadd.s32 $0x8C0, s4;
	s3 =	sadd.s32 $0x1E000, s3  }
0x28b: {  	[tilespmem:s23], [sflag:$0x5] =	stream.linear.gather [hbm4b:s4+s9], $0x50, $0x38;
	[tilespmem:$0x1E180] =	vst v63  }
0x28c: {  	_ =	swait.ge [sflag:s24], $0x2800  }
0x28d: {  	[sflag:s24] =	ssyncset.done $0x0  }
0x28e: {  	[sflag:s24] =	ssyncadd.s32 $0xFFFFD800  }
0x28f: {  	_ =	swait.ge [sflag:s25], $0x50  }
0x290: {  	[sflag:s25] =	ssyncset.done $0x0  }
0x291: {  	[sflag:s25] =	ssyncadd.s32 $0xFFFFFFB0  }
0x292: {  	[spmem:s0] =	stream.indirect.scatter.add.f32 [tilespmem:s20], [sflag:$0x7], $0x80, s21, s26, $0xb8;
	[tilespmem:$0x1E180] =	vst v63  }
0x293: {  	v2 =	vld [tilespmem:$0x1B800];
	_ =	sdelay $0x7  }
0x294: {  	[tilespmem:v2+s28+$0x0] =	vst.idx.add.f32.msk $0xffff, v1  }
0x295: {  	v2 =	vld [tilespmem:$0x1B810];
	_ =	sdelay $0x7  }
0x296: {  	[tilespmem:v2+s28+$0x0] =	vst.idx.add.f32.msk $0xffff, v1  }
0x297: {  	v2 =	vld [tilespmem:$0x1B820];
	_ =	sdelay $0x7  }
0x298: {  	[tilespmem:v2+s28+$0x0] =	vst.idx.add.f32.msk $0xffff, v1  }
0x299: {  	v2 =	vld [tilespmem:$0x1B830];
	_ =	sdelay $0x7  }
0x29a: {  	[tilespmem:v2+s28+$0x0] =	vst.idx.add.f32.msk $0xffff, v1  }
0x29b: {  	v2 =	vld [tilespmem:$0x1B840];
	_ =	sdelay $0x7  }
0x29c: {  	[tilespmem:v2+s28+$0x0] =	vst.idx.add.f32.msk $0xffff, v1  }
0x29d: {  	_ =	swait.ge [sflag:s15], $0x2800  }
0x29e: {  	[sflag:s15] =	ssyncset.done $0x0  }
0x29f: {  	[sflag:s15] =	ssyncadd.s32 $0xFFFFD800  }
0x2a0: {  	_ =	swait.ge [sflag:s30], $0x2800  }
0x2a1: {  	[sflag:s30] =	ssyncset.done $0x0  }
0x2a2: {  	[sflag:s30] =	ssyncadd.s32 $0xFFFFD800  }
0x2a3: {  	_ =	swait.ge [sflag:s31], $0x50  }
0x2a4: {  	[sflag:s31] =	ssyncset.done $0x0  }
0x2a5: {  	[sflag:s31] =	ssyncadd.s32 $0xFFFFFFB0  }
0x2a6: {  	[spmem:s0] =	stream.indirect.scatter.add.f32 [tilespmem:s22], [sflag:$0x8], $0x80, s23, s26, $0xb8;
	[tilespmem:$0x1E180] =	vst v63  }
0x2a7: {  	v2 =	vld [tilespmem:$0x1B880];
	_ =	sdelay $0x7  }
0x2a8: {  	[tilespmem:v2+s28+$0x0] =	vst.idx.add.f32.msk $0xffff, v1  }
0x2a9: {  	v2 =	vld [tilespmem:$0x1B890];
	_ =	sdelay $0x7  }
0x2aa: {  	[tilespmem:v2+s28+$0x0] =	vst.idx.add.f32.msk $0xffff, v1  }
0x2ab: {  	v2 =	vld [tilespmem:$0x1B8A0];
	_ =	sdelay $0x7  }
0x2ac: {  	[tilespmem:v2+s28+$0x0] =	vst.idx.add.f32.msk $0xffff, v1  }
0x2ad: {  	v2 =	vld [tilespmem:$0x1B8B0];
	_ =	sdelay $0x7  }
0x2ae: {  	[tilespmem:v2+s28+$0x0] =	vst.idx.add.f32.msk $0xffff, v1  }
0x2af: {  	v2 =	vld [tilespmem:$0x1B8C0];
	_ =	sdelay $0x7  }
0x2b0: {  	[tilespmem:v2+s28+$0x0] =	vst.idx.add.f32.msk $0xffff, v1  }
0x2b1: {  	_ =	swait.ge [sflag:s18], $0x2800  }
0x2b2: {  	[sflag:s18] =	ssyncset.done $0x0  }
0x2b3: {  	[sflag:s18] =	ssyncadd.s32 $0xFFFFD800  }
0x2b4: {  	_ =	swait.ge [sflag:s19], $0x2800  }
0x2b5: {  	[sflag:s19] =	ssyncset.done $0x0  }
0x2b6: {  	[sflag:s19] =	ssyncadd.s32 $0xFFFFD800  }
0x2b7: {  	[bflag:$0x0] =	sbarrier.arrive $0xFFFF  }
0x2b8: {  	s2 =	sld [smem:$0x7F5];
	_ =	sdelay $0x2  }
0x2b9: {  	[tilespmem:s20], [sflag:$0xA] =	stream.linear.gather [spmem:s2], $0x2800, $0x38;
	[tilespmem:$0x1E180] =	vst v63  }
0x2ba: {  	_ =	swait.ge [sflag:s16], $0x2800  }
0x2bb: {  	[sflag:s16] =	ssyncset.done $0x0;
	s3 =	rddreg [dreg:$0x16]  }
0x2bc: {  	s2 =	simm.s32 $0x0;
	s5 =	sld [smem:$0x7F6];
	[sflag:s16] =	ssyncadd.s32 $0xFFFFD800  }
0x2bd: {  	[hbm4b:s3+s2] =	stream.linear.scatter [tilespmem:s20], [sflag:$0x1], $0x2800, $0x38;
	[tilespmem:$0x1E180] =	vst v63  }
0x2be: {  	_ = 	snop  }
0x2bf: {  	[tilespmem:s22], [sflag:$0xA] =	stream.linear.gather [spmem:s5], $0x2800, $0x38;
	[tilespmem:$0x1E180] =	vst v63  }
0x2c0: {  	_ =	swait.ge [sflag:s16], $0x2800  }
0x2c1: {  	[sflag:s16] =	ssyncset.done $0x0  }
0x2c2: {  	s4 =	rddreg [dreg:$0x17];
	[sflag:s16] =	ssyncadd.s32 $0xFFFFD800  }
0x2c3: {  	[hbm4b:s4+s2] =	stream.linear.scatter [tilespmem:s22], [sflag:$0x2], $0x2800, $0x38;
	[tilespmem:$0x1E180] =	vst v63  }
0x2c4: {  	_ =	swait.ge [sflag:s24], $0x2800  }
0x2c5: {  	s5 =	sld [smem:$0x7F7]  }
0x2c6: {  	[sflag:s24] =	ssyncset.done $0x0  }
0x2c7: {  	[sflag:s24] =	ssyncadd.s32 $0xFFFFD800  }
0x2c8: {  	[tilespmem:s20], [sflag:$0xA] =	stream.linear.gather [spmem:s5], $0x2800, $0x38;
	[tilespmem:$0x1E180] =	vst v63  }
0x2c9: {  	_ =	swait.ge [sflag:s16], $0x2800  }
0x2ca: {  	[sflag:s16] =	ssyncset.done $0x0  }
0x2cb: {  	s4 =	rddreg [dreg:$0x18];
	[sflag:s16] =	ssyncadd.s32 $0xFFFFD800  }
0x2cc: {  	[hbm4b:s4+s2] =	stream.linear.scatter [tilespmem:s20], [sflag:$0x1], $0x2800, $0x38;
	[tilespmem:$0x1E180] =	vst v63  }
0x2cd: {  	_ =	swait.ge [sflag:s30], $0x2800  }
0x2ce: {  	s4 =	sld [smem:$0x7FC]  }
0x2cf: {  	[sflag:s30] =	ssyncset.done $0x0  }
0x2d0: {  	[sflag:s30] =	ssyncadd.s32 $0xFFFFD800  }
0x2d1: {  	[tilespmem:s22], [sflag:$0xA] =	stream.linear.gather [spmem:s4], $0x2800, $0x38;
	[tilespmem:$0x1E180] =	vst v63  }
0x2d2: {  	_ =	swait.ge [sflag:s16], $0x2800  }
0x2d3: {  	[sflag:s16] =	ssyncset.done $0x0  }
0x2d4: {  	s5 =	rddreg [dreg:$0x19];
	[sflag:s16] =	ssyncadd.s32 $0xFFFFD800  }
0x2d5: {  	[hbm4b:s5+s2] =	stream.linear.scatter [tilespmem:s22], [sflag:$0x2], $0x2800, $0x38;
	[tilespmem:$0x1E180] =	vst v63  }
0x2d6: {  	_ =	swait.ge [sflag:s24], $0x2800  }
0x2d7: {  	s5 =	sld [smem:$0x7FD]  }
0x2d8: {  	[sflag:s24] =	ssyncset.done $0x0  }
0x2d9: {  	[sflag:s24] =	ssyncadd.s32 $0xFFFFD800  }
0x2da: {  	[tilespmem:s20], [sflag:$0xA] =	stream.linear.gather [spmem:s5], $0x2800, $0x38;
	[tilespmem:$0x1E180] =	vst v63  }
0x2db: {  	_ =	swait.ge [sflag:s16], $0x2800  }
0x2dc: {  	[sflag:s16] =	ssyncset.done $0x0  }
0x2dd: {  	s3 =	rddreg [dreg:$0x1a];
	[sflag:s16] =	ssyncadd.s32 $0xFFFFD800  }
0x2de: {  	[hbm4b:s3+s2] =	stream.linear.scatter [tilespmem:s20], [sflag:$0x1], $0x2800, $0x38;
	[tilespmem:$0x1E180] =	vst v63  }
0x2df: {  	_ =	swait.ge [sflag:s30], $0x2800  }
0x2e0: {  	[sflag:s30] =	ssyncset.done $0x0  }
0x2e1: {  	[sflag:s30] =	ssyncadd.s32 $0xFFFFD800  }
0x2e2: {  	[tilespmem:s22], [sflag:$0xA] =	stream.linear.gather [spmem:s6], $0x2800, $0x38;
	[tilespmem:$0x1E180] =	vst v63  }
0x2e3: {  	_ =	swait.ge [sflag:s16], $0x2800  }
0x2e4: {  	[sflag:s16] =	ssyncset.done $0x0  }
0x2e5: {  	s3 =	rddreg [dreg:$0x1b];
	[sflag:s16] =	ssyncadd.s32 $0xFFFFD800  }
0x2e6: {  	[hbm4b:s3+s2] =	stream.linear.scatter [tilespmem:s22], [sflag:$0x2], $0x2800, $0x38;
	[tilespmem:$0x1E180] =	vst v63  }
0x2e7: {  	_ =	swait.ge [sflag:s24], $0x2800  }
0x2e8: {  	[sflag:s24] =	ssyncset.done $0x0  }
0x2e9: {  	[sflag:s24] =	ssyncadd.s32 $0xFFFFD800  }
0x2ea: {  	[tilespmem:s20], [sflag:$0xA] =	stream.linear.gather [spmem:s7], $0x2800, $0x38;
	[tilespmem:$0x1E180] =	vst v63  }
0x2eb: {  	_ =	swait.ge [sflag:s16], $0x2800  }
0x2ec: {  	[sflag:s16] =	ssyncset.done $0x0  }
0x2ed: {  	s3 =	rddreg [dreg:$0x1c];
	[sflag:s16] =	ssyncadd.s32 $0xFFFFD800  }
0x2ee: {  	[hbm4b:s3+s2] =	stream.linear.scatter [tilespmem:s20], [sflag:$0x1], $0x2800, $0x38;
	[tilespmem:$0x1E180] =	vst v63  }
0x2ef: {  	_ =	swait.ge [sflag:s30], $0x2800  }
0x2f0: {  	[sflag:s30] =	ssyncset.done $0x0  }
0x2f1: {  	[sflag:s30] =	ssyncadd.s32 $0xFFFFD800  }
0x2f2: {  	[tilespmem:s22], [sflag:$0xA] =	stream.linear.gather [spmem:s8], $0x2800, $0x38;
	[tilespmem:$0x1E180] =	vst v63  }
0x2f3: {  	_ =	swait.ge [sflag:s16], $0x2800  }
0x2f4: {  	[sflag:s16] =	ssyncset.done $0x0  }
0x2f5: {  	s3 =	rddreg [dreg:$0x1d];
	[sflag:s16] =	ssyncadd.s32 $0xFFFFD800  }
0x2f6: {  	[hbm4b:s3+s2] =	stream.linear.scatter [tilespmem:s22], [sflag:$0x2], $0x2800, $0x38;
	[tilespmem:$0x1E180] =	vst v63  }
0x2f7: {  	_ =	swait.ge [sflag:s24], $0x2800  }
0x2f8: {  	[sflag:s24] =	ssyncset.done $0x0  }
0x2f9: {  	[sflag:s24] =	ssyncadd.s32 $0xFFFFD800  }
0x2fa: {  	_ =	swait.ge [sflag:s30], $0x2800  }
0x2fb: {  	s3 =	sld [smem:$0x7E4]  }
0x2fc: {  	[sflag:s30] =	ssyncset.done $0x0  }
0x2fd: {  	[sflag:s30] =	ssyncadd.s32 $0xFFFFD800  }
0x2fe: {  	[hbm4b:s3+s2] =	stream.linear.scatter [tilespmem:s28], [sflag:$0xA], $0x2800, $0x38;
	[tilespmem:$0x1E180] =	vst v63  }
0x2ff: {  	_ =	swait.ge [sflag:s16], $0x2800  }
0x300: {  	[sflag:s16] =	ssyncset.done $0x0  }
0x301: {  	s2 =	simm.s32 $0x0;
	s3 =	simm.s32 $0x200;
	[sflag:s16] =	ssyncadd.s32 $0xFFFFD800  }
.LBB2_10:
0x302: {  	p0 =	sne.s32 s3, $0x9E00;
	[tilespmem:s2+$0x1B9F0] =	vst v0  }
0x303: {  	[tilespmem:s2+$0x19000] =	vst v0  }
0x304: {  	[tilespmem:s2+$0x1B980] =	vst v0  }
0x305: {  	[tilespmem:s2+$0x19010] =	vst v0  }
0x306: {  	[tilespmem:s2+$0x1B990] =	vst v0  }
0x307: {  	[tilespmem:s2+$0x19020] =	vst v0  }
0x308: {  	[tilespmem:s2+$0x1B9A0] =	vst v0  }
0x309: {  	[tilespmem:s2+$0x19030] =	vst v0  }
0x30a: {  	[tilespmem:s2+$0x1B9B0] =	vst v0  }
0x30b: {  	[tilespmem:s2+$0x19040] =	vst v0  }
0x30c: {  	[tilespmem:s2+$0x1B9C0] =	vst v0  }
.Ltmp4:
0x30d: {  	[tilespmem:s2+$0x19050] =	vst v0;
	(pc) =	sbr.rel @p0 .LBB2_10-.Ltmp4, $4  }
0x30e: {  	[tilespmem:s2+$0x1B9D0] =	vst v0  }
0x30f: {  	[tilespmem:s2+$0x19060] =	vst v0  }
0x310: {  	[tilespmem:s2+$0x1B9E0] =	vst v0  }
0x311: {  	[tilespmem:s2+$0x19070] =	vst v0;
	s2 =	sshra.s32 s3, $0x2;
	s3 =	sadd.s32 $0x200, s3  }
0x312: {  	[tilespmem:s2+$0x1B9F0] =	vst v0  }
0x313: {  	[tilespmem:s2+$0x19000] =	vst v0  }
0x314: {  	[tilespmem:s2+$0x1B980] =	vst v0  }
0x315: {  	[tilespmem:s2+$0x19010] =	vst v0  }
0x316: {  	[tilespmem:s2+$0x1B990] =	vst v0  }
0x317: {  	[tilespmem:s2+$0x19020] =	vst v0  }
0x318: {  	[tilespmem:s2+$0x1B9A0] =	vst v0  }
0x319: {  	[tilespmem:s2+$0x19030] =	vst v0  }
0x31a: {  	[tilespmem:s2+$0x1B9B0] =	vst v0  }
0x31b: {  	[tilespmem:s2+$0x19040] =	vst v0  }
0x31c: {  	[tilespmem:s2+$0x1B9C0] =	vst v0  }
0x31d: {  	[tilespmem:s2+$0x19050] =	vst v0  }
0x31e: {  	[tilespmem:s2+$0x1B9D0] =	vst v0  }
0x31f: {  	[tilespmem:s2+$0x19060] =	vst v0;
	s3 =	sld [smem:$0x7F5]  }
0x320: {  	[tilespmem:s2+$0x1B9E0] =	vst v0  }
0x321: {  	[tilespmem:s2+$0x19070] =	vst v0  }
0x322: {  	[spmem:s3] =	stream.linear.scatter [tilespmem:s17], [sflag:$0x7], $0x2800, $0x38;
	[tilespmem:$0x1E180] =	vst v63  }
0x323: {  	s3 =	sld [smem:$0x7F6];
	_ =	sdelay $0x2  }
0x324: {  	[spmem:s3] =	stream.linear.scatter [tilespmem:s17], [sflag:$0x8], $0x2800, $0x38;
	[tilespmem:$0x1E180] =	vst v63  }
0x325: {  	s3 =	sld [smem:$0x7F7];
	_ =	sdelay $0x2  }
0x326: {  	[spmem:s3] =	stream.linear.scatter [tilespmem:s17], [sflag:$0x7], $0x2800, $0x38;
	[tilespmem:$0x1E180] =	vst v63  }
0x327: {  	_ = 	snop  }
0x328: {  	[spmem:s4] =	stream.linear.scatter [tilespmem:s17], [sflag:$0x8], $0x2800, $0x38;
	[tilespmem:$0x1E180] =	vst v63  }
0x329: {  	_ = 	snop  }
0x32a: {  	[spmem:s5] =	stream.linear.scatter [tilespmem:s17], [sflag:$0x7], $0x2800, $0x38;
	[tilespmem:$0x1E180] =	vst v63  }
0x32b: {  	_ = 	snop  }
0x32c: {  	[spmem:s6] =	stream.linear.scatter [tilespmem:s17], [sflag:$0x8], $0x2800, $0x38;
	[tilespmem:$0x1E180] =	vst v63  }
0x32d: {  	_ = 	snop  }
0x32e: {  	[spmem:s7] =	stream.linear.scatter [tilespmem:s17], [sflag:$0x7], $0x2800, $0x38;
	[tilespmem:$0x1E180] =	vst v63  }
0x32f: {  	_ = 	snop  }
0x330: {  	[spmem:s8] =	stream.linear.scatter [tilespmem:s17], [sflag:$0x8], $0x2800, $0x38;
	[tilespmem:$0x1E180] =	vst v63  }
0x331: {  	_ =	swait.ge [sflag:s18], $0x2800  }
0x332: {  	[sflag:s18] =	ssyncset.done $0x0  }
0x333: {  	[sflag:s18] =	ssyncadd.s32 $0xFFFFD800  }
0x334: {  	_ =	swait.ge [sflag:s19], $0x2800  }
0x335: {  	[sflag:s19] =	ssyncset.done $0x0  }
0x336: {  	[sflag:s19] =	ssyncadd.s32 $0xFFFFD800  }
0x337: {  	_ =	swait.ge [sflag:s18], $0x2800  }
0x338: {  	[sflag:s18] =	ssyncset.done $0x0  }
0x339: {  	[sflag:s18] =	ssyncadd.s32 $0xFFFFD800  }
0x33a: {  	_ =	swait.ge [sflag:s19], $0x2800  }
0x33b: {  	[sflag:s19] =	ssyncset.done $0x0  }
0x33c: {  	[sflag:s19] =	ssyncadd.s32 $0xFFFFD800  }
0x33d: {  	_ =	swait.ge [sflag:s18], $0x2800  }
0x33e: {  	[sflag:s18] =	ssyncset.done $0x0  }
0x33f: {  	[sflag:s18] =	ssyncadd.s32 $0xFFFFD800  }
0x340: {  	_ =	swait.ge [sflag:s19], $0x2800  }
0x341: {  	[sflag:s19] =	ssyncset.done $0x0  }
0x342: {  	[sflag:s19] =	ssyncadd.s32 $0xFFFFD800  }
0x343: {  	_ =	swait.ge [sflag:s18], $0x2800  }
0x344: {  	[sflag:s18] =	ssyncset.done $0x0  }
0x345: {  	[sflag:s18] =	ssyncadd.s32 $0xFFFFD800  }
0x346: {  	_ =	swait.ge [sflag:s19], $0x2800  }
0x347: {  	[sflag:s19] =	ssyncset.done $0x0  }
0x348: {  	[sflag:s19] =	ssyncadd.s32 $0xFFFFD800  }
0x349: {  	[bflag:$0x0] =	sbarrier.arrive $0xFFFF  }
0x34a: {  	s3 =	sld [smem:$0x7E8];
	_ =	sdelay $0x1  }
0x34b: {  	s2 =	simm.s32 $0x0;
	s5 =	sld [smem:$0x7D6]  }
0x34c: {  	[tilespmem:s20], [sflag:$0x1] =	stream.linear.gather [hbm4b:s3+s2], $0x2800, $0x38;
	[tilespmem:$0x1E180] =	vst v63  }
0x34d: {  	s4 =	sld [smem:$0x7EB]  }
0x34e: {  	[tilespmem:s21], [sflag:$0x4] =	stream.linear.gather [hbm4b:s5+s2], $0x50, $0x38;
	[tilespmem:$0x1E180] =	vst v63  }
0x34f: {  	s5 =	sld [smem:$0x7D9]  }
0x350: {  	[tilespmem:s22], [sflag:$0x2] =	stream.linear.gather [hbm4b:s4+s2], $0x2800, $0x38;
	[tilespmem:$0x1E180] =	vst v63  }
0x351: {  	_ = 	snop  }
0x352: {  	[tilespmem:s23], [sflag:$0x5] =	stream.linear.gather [hbm4b:s5+s2], $0x50, $0x38;
	[tilespmem:$0x1E180] =	vst v63  }
0x353: {  	_ =	swait.ge [sflag:s24], $0x2800  }
0x354: {  	[sflag:s24] =	ssyncset.done $0x0  }
0x355: {  	[sflag:s24] =	ssyncadd.s32 $0xFFFFD800  }
0x356: {  	_ =	swait.ge [sflag:s25], $0x50  }
0x357: {  	[sflag:s25] =	ssyncset.done $0x0  }
0x358: {  	[sflag:s25] =	ssyncadd.s32 $0xFFFFFFB0  }
0x359: {  	[spmem:s0] =	stream.indirect.scatter.add.f32 [tilespmem:s20], [sflag:$0x7], $0x80, s21, s26, $0xb8;
	[tilespmem:$0x1E180] =	vst v63  }
0x35a: {  	v2 =	vld [tilespmem:$0x1B800];
	_ =	sdelay $0x7  }
0x35b: {  	[tilespmem:v2+s28+$0x0] =	vst.idx.add.f32.msk $0xffff, v1  }
0x35c: {  	v2 =	vld [tilespmem:$0x1B810];
	_ =	sdelay $0x7  }
0x35d: {  	[tilespmem:v2+s28+$0x0] =	vst.idx.add.f32.msk $0xffff, v1  }
0x35e: {  	v2 =	vld [tilespmem:$0x1B820];
	_ =	sdelay $0x7  }
0x35f: {  	[tilespmem:v2+s28+$0x0] =	vst.idx.add.f32.msk $0xffff, v1  }
0x360: {  	v2 =	vld [tilespmem:$0x1B830];
	_ =	sdelay $0x7  }
0x361: {  	[tilespmem:v2+s28+$0x0] =	vst.idx.add.f32.msk $0xffff, v1  }
0x362: {  	v2 =	vld [tilespmem:$0x1B840];
	_ =	sdelay $0x5  }
0x363: {  	s4 =	sld [smem:$0x7EE];
	_ =	sdelay $0x1  }
0x364: {  	s5 =	sld [smem:$0x7DC];
	[tilespmem:v2+s28+$0x0] =	vst.idx.add.f32.msk $0xffff, v1  }
0x365: {  	[tilespmem:s17], [sflag:$0x3] =	stream.linear.gather [hbm4b:s4+s2], $0x2800, $0x38;
	[tilespmem:$0x1E180] =	vst v63  }
0x366: {  	_ = 	snop  }
0x367: {  	[tilespmem:s29], [sflag:$0x6] =	stream.linear.gather [hbm4b:s5+s2], $0x50, $0x38;
	[tilespmem:$0x1E180] =	vst v63  }
0x368: {  	_ =	swait.ge [sflag:s30], $0x2800  }
0x369: {  	[sflag:s30] =	ssyncset.done $0x0  }
0x36a: {  	[sflag:s30] =	ssyncadd.s32 $0xFFFFD800  }
0x36b: {  	_ =	swait.ge [sflag:s31], $0x50  }
0x36c: {  	[sflag:s31] =	ssyncset.done $0x0  }
0x36d: {  	[sflag:s31] =	ssyncadd.s32 $0xFFFFFFB0  }
0x36e: {  	[spmem:s0] =	stream.indirect.scatter.add.f32 [tilespmem:s22], [sflag:$0x8], $0x80, s23, s26, $0xb8;
	[tilespmem:$0x1E180] =	vst v63  }
0x36f: {  	v2 =	vld [tilespmem:$0x1B880];
	_ =	sdelay $0x7  }
0x370: {  	[tilespmem:v2+s28+$0x0] =	vst.idx.add.f32.msk $0xffff, v1  }
0x371: {  	v2 =	vld [tilespmem:$0x1B890];
	_ =	sdelay $0x7  }
0x372: {  	[tilespmem:v2+s28+$0x0] =	vst.idx.add.f32.msk $0xffff, v1  }
0x373: {  	v2 =	vld [tilespmem:$0x1B8A0];
	_ =	sdelay $0x7  }
0x374: {  	[tilespmem:v2+s28+$0x0] =	vst.idx.add.f32.msk $0xffff, v1  }
0x375: {  	v2 =	vld [tilespmem:$0x1B8B0];
	_ =	sdelay $0x7  }
0x376: {  	[tilespmem:v2+s28+$0x0] =	vst.idx.add.f32.msk $0xffff, v1  }
0x377: {  	v2 =	vld [tilespmem:$0x1B8C0];
	_ =	sdelay $0x7  }
0x378: {  	[tilespmem:v2+s28+$0x0] =	vst.idx.add.f32.msk $0xffff, v1  }
0x379: {  	_ =	swait.ge [sflag:s18], $0x2800  }
0x37a: {  	s4 =	sld [smem:$0x7F1]  }
0x37b: {  	[sflag:s18] =	ssyncset.done $0x0  }
0x37c: {  	s5 =	sld [smem:$0x7DF];
	[sflag:s18] =	ssyncadd.s32 $0xFFFFD800  }
0x37d: {  	[tilespmem:s20], [sflag:$0x1] =	stream.linear.gather [hbm4b:s4+s2], $0x2800, $0x38;
	[tilespmem:$0x1E180] =	vst v63  }
0x37e: {  	_ = 	snop  }
0x37f: {  	[tilespmem:s21], [sflag:$0x4] =	stream.linear.gather [hbm4b:s5+s2], $0x50, $0x38;
	[tilespmem:$0x1E180] =	vst v63  }
0x380: {  	_ =	swait.ge [sflag:s13], $0x2800  }
0x381: {  	[sflag:s13] =	ssyncset.done $0x0  }
0x382: {  	[sflag:s13] =	ssyncadd.s32 $0xFFFFD800  }
0x383: {  	_ =	swait.ge [sflag:s14], $0x50  }
0x384: {  	[sflag:s14] =	ssyncset.done $0x0  }
0x385: {  	[sflag:s14] =	ssyncadd.s32 $0xFFFFFFB0  }
0x386: {  	[spmem:s0] =	stream.indirect.scatter.add.f32 [tilespmem:s17], [sflag:$0x9], $0x80, s29, s26, $0xb8;
	[tilespmem:$0x1E180] =	vst v63  }
0x387: {  	v2 =	vld [tilespmem:$0x1B900];
	_ =	sdelay $0x7  }
0x388: {  	[tilespmem:v2+s28+$0x0] =	vst.idx.add.f32.msk $0xffff, v1  }
0x389: {  	v2 =	vld [tilespmem:$0x1B910];
	_ =	sdelay $0x7  }
0x38a: {  	[tilespmem:v2+s28+$0x0] =	vst.idx.add.f32.msk $0xffff, v1  }
0x38b: {  	v2 =	vld [tilespmem:$0x1B920];
	_ =	sdelay $0x7  }
0x38c: {  	[tilespmem:v2+s28+$0x0] =	vst.idx.add.f32.msk $0xffff, v1  }
0x38d: {  	v2 =	vld [tilespmem:$0x1B930];
	_ =	sdelay $0x7  }
0x38e: {  	[tilespmem:v2+s28+$0x0] =	vst.idx.add.f32.msk $0xffff, v1  }
0x38f: {  	v2 =	vld [tilespmem:$0x1B940];
	_ =	sdelay $0x7  }
0x390: {  	[tilespmem:v2+s28+$0x0] =	vst.idx.add.f32.msk $0xffff, v1  }
0x391: {  	_ =	swait.ge [sflag:s19], $0x2800  }
0x392: {  	s4 =	sld [smem:$0x7F4]  }
0x393: {  	[sflag:s19] =	ssyncset.done $0x0  }
0x394: {  	s5 =	sld [smem:$0x7E2];
	[sflag:s19] =	ssyncadd.s32 $0xFFFFD800  }
0x395: {  	[tilespmem:s22], [sflag:$0x2] =	stream.linear.gather [hbm4b:s4+s2], $0x2800, $0x38;
	[tilespmem:$0x1E180] =	vst v63  }
0x396: {  	s3 =	sld [smem:$0x7FB]  }
0x397: {  	[tilespmem:s23], [sflag:$0x5] =	stream.linear.gather [hbm4b:s5+s2], $0x50, $0x38;
	[tilespmem:$0x1E180] =	vst v63  }
.LBB2_12:
0x398: {  	_ =	swait.ge [sflag:s24], $0x2800  }
0x399: {  	[sflag:s24] =	ssyncset.done $0x0  }
0x39a: {  	[sflag:s24] =	ssyncadd.s32 $0xFFFFD800  }
0x39b: {  	_ =	swait.ge [sflag:s25], $0x50  }
0x39c: {  	[sflag:s25] =	ssyncset.done $0x0  }
0x39d: {  	[sflag:s25] =	ssyncadd.s32 $0xFFFFFFB0  }
0x39e: {  	[spmem:s0] =	stream.indirect.scatter.add.f32 [tilespmem:s20], [sflag:$0x7], $0x80, s21, s26, $0xb8;
	[tilespmem:$0x1E180] =	vst v63  }
0x39f: {  	v2 =	vld [tilespmem:$0x1B800];
	_ =	sdelay $0x7  }
0x3a0: {  	[tilespmem:v2+s28+$0x0] =	vst.idx.add.f32.msk $0xffff, v1  }
0x3a1: {  	v2 =	vld [tilespmem:$0x1B810];
	_ =	sdelay $0x7  }
0x3a2: {  	[tilespmem:v2+s28+$0x0] =	vst.idx.add.f32.msk $0xffff, v1  }
0x3a3: {  	v2 =	vld [tilespmem:$0x1B820];
	_ =	sdelay $0x7  }
0x3a4: {  	[tilespmem:v2+s28+$0x0] =	vst.idx.add.f32.msk $0xffff, v1  }
0x3a5: {  	v2 =	vld [tilespmem:$0x1B830];
	_ =	sdelay $0x7  }
0x3a6: {  	[tilespmem:v2+s28+$0x0] =	vst.idx.add.f32.msk $0xffff, v1  }
0x3a7: {  	v2 =	vld [tilespmem:$0x1B840];
	_ =	sdelay $0x7  }
0x3a8: {  	[tilespmem:v2+s28+$0x0] =	vst.idx.add.f32.msk $0xffff, v1  }
0x3a9: {  	_ =	swait.ge [sflag:s15], $0x2800  }
0x3aa: {  	[sflag:s15] =	ssyncset.done $0x0  }
0x3ab: {  	s4 =	sadd.s32 $0xFFFEC000, s3;
	[sflag:s15] =	ssyncadd.s32 $0xFFFFD800  }
0x3ac: {  	[tilespmem:s17], [sflag:$0x3] =	stream.linear.gather [hbm4b:s4+s9], $0x2800, $0x38;
	[tilespmem:$0x1E180] =	vst v63  }
0x3ad: {  	s4 =	sadd.s32 s2, s12  }
0x3ae: {  	s5 =	sadd.s32 $0x640, s4  }
0x3af: {  	[tilespmem:s29], [sflag:$0x6] =	stream.linear.gather [hbm4b:s5+s9], $0x50, $0x38;
	[tilespmem:$0x1E180] =	vst v63  }
0x3b0: {  	_ =	swait.ge [sflag:s30], $0x2800  }
0x3b1: {  	[sflag:s30] =	ssyncset.done $0x0  }
0x3b2: {  	[sflag:s30] =	ssyncadd.s32 $0xFFFFD800  }
0x3b3: {  	_ =	swait.ge [sflag:s31], $0x50  }
0x3b4: {  	[sflag:s31] =	ssyncset.done $0x0  }
0x3b5: {  	[sflag:s31] =	ssyncadd.s32 $0xFFFFFFB0  }
0x3b6: {  	[spmem:s0] =	stream.indirect.scatter.add.f32 [tilespmem:s22], [sflag:$0x8], $0x80, s23, s26, $0xb8;
	[tilespmem:$0x1E180] =	vst v63  }
0x3b7: {  	v2 =	vld [tilespmem:$0x1B880];
	_ =	sdelay $0x7  }
0x3b8: {  	[tilespmem:v2+s28+$0x0] =	vst.idx.add.f32.msk $0xffff, v1  }
0x3b9: {  	v2 =	vld [tilespmem:$0x1B890];
	_ =	sdelay $0x7  }
0x3ba: {  	[tilespmem:v2+s28+$0x0] =	vst.idx.add.f32.msk $0xffff, v1  }
0x3bb: {  	v2 =	vld [tilespmem:$0x1B8A0];
	_ =	sdelay $0x7  }
0x3bc: {  	[tilespmem:v2+s28+$0x0] =	vst.idx.add.f32.msk $0xffff, v1  }
0x3bd: {  	v2 =	vld [tilespmem:$0x1B8B0];
	_ =	sdelay $0x7  }
0x3be: {  	[tilespmem:v2+s28+$0x0] =	vst.idx.add.f32.msk $0xffff, v1  }
0x3bf: {  	v2 =	vld [tilespmem:$0x1B8C0];
	_ =	sdelay $0x7  }
0x3c0: {  	[tilespmem:v2+s28+$0x0] =	vst.idx.add.f32.msk $0xffff, v1  }
0x3c1: {  	_ =	swait.ge [sflag:s18], $0x2800  }
0x3c2: {  	[sflag:s18] =	ssyncset.done $0x0  }
0x3c3: {  	s5 =	sadd.s32 $0xFFFF6000, s3;
	[sflag:s18] =	ssyncadd.s32 $0xFFFFD800  }
0x3c4: {  	[tilespmem:s20], [sflag:$0x1] =	stream.linear.gather [hbm4b:s5+s9], $0x2800, $0x38;
	[tilespmem:$0x1E180] =	vst v63  }
0x3c5: {  	s5 =	sadd.s32 $0x780, s4  }
0x3c6: {  	[tilespmem:s21], [sflag:$0x4] =	stream.linear.gather [hbm4b:s5+s9], $0x50, $0x38;
	[tilespmem:$0x1E180] =	vst v63  }
0x3c7: {  	_ =	swait.ge [sflag:s13], $0x2800  }
0x3c8: {  	[sflag:s13] =	ssyncset.done $0x0  }
0x3c9: {  	[sflag:s13] =	ssyncadd.s32 $0xFFFFD800  }
0x3ca: {  	_ =	swait.ge [sflag:s14], $0x50  }
0x3cb: {  	[sflag:s14] =	ssyncset.done $0x0  }
0x3cc: {  	[sflag:s14] =	ssyncadd.s32 $0xFFFFFFB0  }
0x3cd: {  	[spmem:s0] =	stream.indirect.scatter.add.f32 [tilespmem:s17], [sflag:$0x9], $0x80, s29, s26, $0xb8;
	[tilespmem:$0x1E180] =	vst v63  }
0x3ce: {  	v2 =	vld [tilespmem:$0x1B900];
	_ =	sdelay $0x7  }
0x3cf: {  	[tilespmem:v2+s28+$0x0] =	vst.idx.add.f32.msk $0xffff, v1  }
0x3d0: {  	v2 =	vld [tilespmem:$0x1B910];
	_ =	sdelay $0x7  }
0x3d1: {  	[tilespmem:v2+s28+$0x0] =	vst.idx.add.f32.msk $0xffff, v1  }
0x3d2: {  	v2 =	vld [tilespmem:$0x1B920];
	_ =	sdelay $0x7  }
0x3d3: {  	[tilespmem:v2+s28+$0x0] =	vst.idx.add.f32.msk $0xffff, v1  }
0x3d4: {  	v2 =	vld [tilespmem:$0x1B930];
	_ =	sdelay $0x7  }
0x3d5: {  	[tilespmem:v2+s28+$0x0] =	vst.idx.add.f32.msk $0xffff, v1  }
0x3d6: {  	v2 =	vld [tilespmem:$0x1B940];
	_ =	sdelay $0x7  }
0x3d7: {  	[tilespmem:v2+s28+$0x0] =	vst.idx.add.f32.msk $0xffff, v1  }
0x3d8: {  	p0 =	sne.s32 s2, $0x9240;
	_ =	swait.ge [sflag:s19], $0x2800  }
.Ltmp5:
0x3d9: {  	[sflag:s19] =	ssyncset.done $0x0;
	(pc) =	sbr.rel @p0 .LBB2_12-.Ltmp5, $4  }
0x3da: {  	[sflag:s19] =	ssyncadd.s32 $0xFFFFD800  }
0x3db: {  	[tilespmem:s22], [sflag:$0x2] =	stream.linear.gather [hbm4b:s3+s9], $0x2800, $0x38;
	[tilespmem:$0x1E180] =	vst v63  }
0x3dc: {  	s2 =	sadd.s32 $0x3C0, s2;
	s4 =	sadd.s32 $0x8C0, s4;
	s3 =	sadd.s32 $0x1E000, s3  }
0x3dd: {  	[tilespmem:s23], [sflag:$0x5] =	stream.linear.gather [hbm4b:s4+s9], $0x50, $0x38;
	[tilespmem:$0x1E180] =	vst v63  }
0x3de: {  	_ =	swait.ge [sflag:s24], $0x2800  }
0x3df: {  	[sflag:s24] =	ssyncset.done $0x0  }
0x3e0: {  	[sflag:s24] =	ssyncadd.s32 $0xFFFFD800  }
0x3e1: {  	_ =	swait.ge [sflag:s25], $0x50  }
0x3e2: {  	[sflag:s25] =	ssyncset.done $0x0  }
0x3e3: {  	[sflag:s25] =	ssyncadd.s32 $0xFFFFFFB0  }
0x3e4: {  	[spmem:s0] =	stream.indirect.scatter.add.f32 [tilespmem:s20], [sflag:$0x7], $0x80, s21, s26, $0xb8;
	[tilespmem:$0x1E180] =	vst v63  }
0x3e5: {  	v2 =	vld [tilespmem:$0x1B800];
	_ =	sdelay $0x7  }
0x3e6: {  	[tilespmem:v2+s28+$0x0] =	vst.idx.add.f32.msk $0xffff, v1  }
0x3e7: {  	v2 =	vld [tilespmem:$0x1B810];
	_ =	sdelay $0x7  }
0x3e8: {  	[tilespmem:v2+s28+$0x0] =	vst.idx.add.f32.msk $0xffff, v1  }
0x3e9: {  	v2 =	vld [tilespmem:$0x1B820];
	_ =	sdelay $0x7  }
0x3ea: {  	[tilespmem:v2+s28+$0x0] =	vst.idx.add.f32.msk $0xffff, v1  }
0x3eb: {  	v2 =	vld [tilespmem:$0x1B830];
	_ =	sdelay $0x7  }
0x3ec: {  	[tilespmem:v2+s28+$0x0] =	vst.idx.add.f32.msk $0xffff, v1  }
0x3ed: {  	v2 =	vld [tilespmem:$0x1B840];
	_ =	sdelay $0x7  }
0x3ee: {  	[tilespmem:v2+s28+$0x0] =	vst.idx.add.f32.msk $0xffff, v1  }
0x3ef: {  	_ =	swait.ge [sflag:s15], $0x2800  }
0x3f0: {  	[sflag:s15] =	ssyncset.done $0x0  }
0x3f1: {  	[sflag:s15] =	ssyncadd.s32 $0xFFFFD800  }
0x3f2: {  	_ =	swait.ge [sflag:s30], $0x2800  }
0x3f3: {  	[sflag:s30] =	ssyncset.done $0x0  }
0x3f4: {  	[sflag:s30] =	ssyncadd.s32 $0xFFFFD800  }
0x3f5: {  	_ =	swait.ge [sflag:s31], $0x50  }
0x3f6: {  	[sflag:s31] =	ssyncset.done $0x0  }
0x3f7: {  	[sflag:s31] =	ssyncadd.s32 $0xFFFFFFB0  }
0x3f8: {  	[spmem:s0] =	stream.indirect.scatter.add.f32 [tilespmem:s22], [sflag:$0x8], $0x80, s23, s26, $0xb8;
	[tilespmem:$0x1E180] =	vst v63  }
0x3f9: {  	v2 =	vld [tilespmem:$0x1B880];
	_ =	sdelay $0x7  }
0x3fa: {  	[tilespmem:v2+s28+$0x0] =	vst.idx.add.f32.msk $0xffff, v1  }
0x3fb: {  	v2 =	vld [tilespmem:$0x1B890];
	_ =	sdelay $0x7  }
0x3fc: {  	[tilespmem:v2+s28+$0x0] =	vst.idx.add.f32.msk $0xffff, v1  }
0x3fd: {  	v2 =	vld [tilespmem:$0x1B8A0];
	_ =	sdelay $0x7  }
0x3fe: {  	[tilespmem:v2+s28+$0x0] =	vst.idx.add.f32.msk $0xffff, v1  }
0x3ff: {  	v2 =	vld [tilespmem:$0x1B8B0];
	_ =	sdelay $0x7  }
0x400: {  	[tilespmem:v2+s28+$0x0] =	vst.idx.add.f32.msk $0xffff, v1  }
0x401: {  	v2 =	vld [tilespmem:$0x1B8C0];
	_ =	sdelay $0x7  }
0x402: {  	[tilespmem:v2+s28+$0x0] =	vst.idx.add.f32.msk $0xffff, v1  }
0x403: {  	_ =	swait.ge [sflag:s18], $0x2800  }
0x404: {  	[sflag:s18] =	ssyncset.done $0x0  }
0x405: {  	[sflag:s18] =	ssyncadd.s32 $0xFFFFD800  }
0x406: {  	_ =	swait.ge [sflag:s19], $0x2800  }
0x407: {  	[sflag:s19] =	ssyncset.done $0x0  }
0x408: {  	[sflag:s19] =	ssyncadd.s32 $0xFFFFD800  }
0x409: {  	[bflag:$0x0] =	sbarrier.arrive $0xFFFF  }
0x40a: {  	s2 =	sld [smem:$0x7F5];
	_ =	sdelay $0x2  }
0x40b: {  	[tilespmem:s20], [sflag:$0xA] =	stream.linear.gather [spmem:s2], $0x2800, $0x38;
	[tilespmem:$0x1E180] =	vst v63  }
0x40c: {  	_ =	swait.ge [sflag:s16], $0x2800  }
0x40d: {  	[sflag:s16] =	ssyncset.done $0x0;
	s3 =	rddreg [dreg:$0x1e]  }
0x40e: {  	s4 =	sld [smem:$0x7F6];
	[sflag:s16] =	ssyncadd.s32 $0xFFFFD800  }
0x40f: {  	[hbm4b:s3+s9] =	stream.linear.scatter [tilespmem:s20], [sflag:$0x1], $0x2800, $0x38;
	[tilespmem:$0x1E180] =	vst v63  }
0x410: {  	_ = 	snop  }
0x411: {  	[tilespmem:s22], [sflag:$0xA] =	stream.linear.gather [spmem:s4], $0x2800, $0x38;
	[tilespmem:$0x1E180] =	vst v63  }
0x412: {  	_ =	swait.ge [sflag:s16], $0x2800  }
0x413: {  	[sflag:s16] =	ssyncset.done $0x0  }
0x414: {  	s5 =	rddreg [dreg:$0x1f];
	[sflag:s16] =	ssyncadd.s32 $0xFFFFD800  }
0x415: {  	[hbm4b:s5+s9] =	stream.linear.scatter [tilespmem:s22], [sflag:$0x2], $0x2800, $0x38;
	[tilespmem:$0x1E180] =	vst v63  }
0x416: {  	_ =	swait.ge [sflag:s24], $0x2800  }
0x417: {  	s3 =	sld [smem:$0x7F7]  }
0x418: {  	[sflag:s24] =	ssyncset.done $0x0  }
0x419: {  	[sflag:s24] =	ssyncadd.s32 $0xFFFFD800  }
0x41a: {  	[tilespmem:s20], [sflag:$0xA] =	stream.linear.gather [spmem:s3], $0x2800, $0x38;
	[tilespmem:$0x1E180] =	vst v63  }
0x41b: {  	_ =	swait.ge [sflag:s16], $0x2800  }
0x41c: {  	s4 =	sld [smem:$0x7CE]  }
0x41d: {  	[sflag:s16] =	ssyncset.done $0x0  }
0x41e: {  	[sflag:s16] =	ssyncadd.s32 $0xFFFFD800  }
0x41f: {  	[hbm4b:s4+s9] =	stream.linear.scatter [tilespmem:s20], [sflag:$0x1], $0x2800, $0x38;
	[tilespmem:$0x1E180] =	vst v63  }
0x420: {  	_ =	swait.ge [sflag:s30], $0x2800  }
0x421: {  	s4 =	sld [smem:$0x7FC]  }
0x422: {  	[sflag:s30] =	ssyncset.done $0x0  }
0x423: {  	[sflag:s30] =	ssyncadd.s32 $0xFFFFD800  }
0x424: {  	[tilespmem:s22], [sflag:$0xA] =	stream.linear.gather [spmem:s4], $0x2800, $0x38;
	[tilespmem:$0x1E180] =	vst v63  }
0x425: {  	_ =	swait.ge [sflag:s16], $0x2800  }
0x426: {  	s5 =	sld [smem:$0x7CF]  }
0x427: {  	[sflag:s16] =	ssyncset.done $0x0  }
0x428: {  	[sflag:s16] =	ssyncadd.s32 $0xFFFFD800  }
0x429: {  	[hbm4b:s5+s9] =	stream.linear.scatter [tilespmem:s22], [sflag:$0x2], $0x2800, $0x38;
	[tilespmem:$0x1E180] =	vst v63  }
0x42a: {  	_ =	swait.ge [sflag:s24], $0x2800  }
0x42b: {  	s5 =	sld [smem:$0x7FD]  }
0x42c: {  	[sflag:s24] =	ssyncset.done $0x0  }
0x42d: {  	[sflag:s24] =	ssyncadd.s32 $0xFFFFD800  }
0x42e: {  	[tilespmem:s20], [sflag:$0xA] =	stream.linear.gather [spmem:s5], $0x2800, $0x38;
	[tilespmem:$0x1E180] =	vst v63  }
0x42f: {  	_ =	swait.ge [sflag:s16], $0x2800  }
0x430: {  	s3 =	sld [smem:$0x7D0]  }
0x431: {  	[sflag:s16] =	ssyncset.done $0x0  }
0x432: {  	[sflag:s16] =	ssyncadd.s32 $0xFFFFD800  }
0x433: {  	[hbm4b:s3+s9] =	stream.linear.scatter [tilespmem:s20], [sflag:$0x1], $0x2800, $0x38;
	[tilespmem:$0x1E180] =	vst v63  }
0x434: {  	_ =	swait.ge [sflag:s30], $0x2800  }
0x435: {  	[sflag:s30] =	ssyncset.done $0x0  }
0x436: {  	[sflag:s30] =	ssyncadd.s32 $0xFFFFD800  }
0x437: {  	[tilespmem:s22], [sflag:$0xA] =	stream.linear.gather [spmem:s6], $0x2800, $0x38;
	[tilespmem:$0x1E180] =	vst v63  }
0x438: {  	_ =	swait.ge [sflag:s16], $0x2800  }
0x439: {  	s3 =	sld [smem:$0x7D1]  }
0x43a: {  	[sflag:s16] =	ssyncset.done $0x0  }
0x43b: {  	[sflag:s16] =	ssyncadd.s32 $0xFFFFD800  }
0x43c: {  	[hbm4b:s3+s9] =	stream.linear.scatter [tilespmem:s22], [sflag:$0x2], $0x2800, $0x38;
	[tilespmem:$0x1E180] =	vst v63  }
0x43d: {  	_ =	swait.ge [sflag:s24], $0x2800  }
0x43e: {  	[sflag:s24] =	ssyncset.done $0x0  }
0x43f: {  	[sflag:s24] =	ssyncadd.s32 $0xFFFFD800  }
0x440: {  	[tilespmem:s20], [sflag:$0xA] =	stream.linear.gather [spmem:s7], $0x2800, $0x38;
	[tilespmem:$0x1E180] =	vst v63  }
0x441: {  	_ =	swait.ge [sflag:s16], $0x2800  }
0x442: {  	s3 =	sld [smem:$0x7D2]  }
0x443: {  	[sflag:s16] =	ssyncset.done $0x0  }
0x444: {  	[sflag:s16] =	ssyncadd.s32 $0xFFFFD800  }
0x445: {  	[hbm4b:s3+s9] =	stream.linear.scatter [tilespmem:s20], [sflag:$0x1], $0x2800, $0x38;
	[tilespmem:$0x1E180] =	vst v63  }
0x446: {  	_ =	swait.ge [sflag:s30], $0x2800  }
0x447: {  	[sflag:s30] =	ssyncset.done $0x0  }
0x448: {  	[sflag:s30] =	ssyncadd.s32 $0xFFFFD800  }
0x449: {  	[tilespmem:s22], [sflag:$0xA] =	stream.linear.gather [spmem:s8], $0x2800, $0x38;
	[tilespmem:$0x1E180] =	vst v63  }
0x44a: {  	_ =	swait.ge [sflag:s16], $0x2800  }
0x44b: {  	s3 =	sld [smem:$0x7D3]  }
0x44c: {  	[sflag:s16] =	ssyncset.done $0x0  }
0x44d: {  	[sflag:s16] =	ssyncadd.s32 $0xFFFFD800  }
0x44e: {  	[hbm4b:s3+s9] =	stream.linear.scatter [tilespmem:s22], [sflag:$0x2], $0x2800, $0x38;
	[tilespmem:$0x1E180] =	vst v63  }
0x44f: {  	_ =	swait.ge [sflag:s24], $0x2800  }
0x450: {  	[sflag:s24] =	ssyncset.done $0x0  }
0x451: {  	[sflag:s24] =	ssyncadd.s32 $0xFFFFD800  }
0x452: {  	_ =	swait.ge [sflag:s30], $0x2800  }
0x453: {  	s3 =	sld [smem:$0x7E5]  }
0x454: {  	[sflag:s30] =	ssyncset.done $0x0  }
0x455: {  	[sflag:s30] =	ssyncadd.s32 $0xFFFFD800  }
0x456: {  	[hbm4b:s3+s9] =	stream.linear.scatter [tilespmem:s28], [sflag:$0xA], $0x2800, $0x38;
	[tilespmem:$0x1E180] =	vst v63  }
0x457: {  	_ =	swait.ge [sflag:s16], $0x2800  }
0x458: {  	s3 =	sld [smem:$0x7F8];
	_ =	sdelay $0x1  }
0x459: {  	s1 =	sadd.s32 $0x1, s1  }
0x45a: {  	p0 =	sne.s32 s1, s3  }
.Ltmp6:
0x45b: {  	_ = 	snop;
	(pc) =	sbr.rel @p0 .LBB2_1-.Ltmp6, $3  }
0x45c: {  	_ =	sdelay $0x1  }
0x45d: {  	[sflag:s16] =	ssyncset.done $0x0  }
0x45e: {  	[sflag:s16] =	ssyncadd.s32 $0xFFFFD800  }
0x45f: {  	_ =	sfence.sel $0x180000  }
0x460: {  	[bflag:$0x0] =	sbarrier.arrive $0xFFFF  }
0x461: {  	_ =	strace $0x90000047  }
0x462: {  	s0 =	stileid.u32;
	[bflag:$0x2] =	sbarrier.arrive $0xFFFF  }
0x463: {  	p0 =	sne.s32 s0, $0x0;
	s0 =	rddreg [dreg:$0xd]  }
0x464: {  	s0 =	sadd.s32 @!p0 $0x100000, s0  }
0x465: {  	[sflag:s0] =	ssyncadd.tile.s32 @!p0 $0x1;
	_ =	shalt  }
.Lfunc_end2:
_tile_overlayer_lowered:
.L_overlay_start_2:
0x466: {  	(tag) =	ssettag $0x2  }
0x467: {  	s0 =	rddreg [dreg:$0x0];
	s2 =	stileid.u32  }
0x468: {  	s1 =	rddreg [dreg:$0x1];
	p0 =	sne.s32 s2, $0x0  }
0x469: {  	s3 =	rddreg [dreg:$0x2];
	[bflag:$0x3] =	sbarrier.arrive $0xFFFF;
	s2 =	simm.s32 @!p0 $0x1C0A  }
0x46a: {  	[timem:s3], [sflag:s2] =	dma.local @!p0 [hbm:s0], s1  }
0x46b: {  	s0 =	simm.s32 @!p0 $0xA  }
0x46c: {  	_ =	swait.ge @!p0 [sflag:s0], s1  }
0x46d: {  	s1 =	ssub.s32 @!p0 $0x0, s1;
	[sflag:s0] =	ssyncset.done @!p0 $0x0  }
0x46e: {  	[sflag:s0] =	ssyncadd.s32 @!p0 s1  }
0x46f: {  	[bflag:$0x3] =	sbarrier.arrive $0xFFFF  }
0x470: {  	_ =	shalt  }

</sc_bundles>
